<compile_context>
chip_gen: v7x
topology: tpu7x:2x2x1
jax: 0.10.2.dev20260603
libtpu: 0.0.44.dev20260713+nightly
codegen_flags: <defaults>
</compile_context>

<pallas_src>
import functools

import jax
import jax.numpy as jnp
from jax import lax
from jax.experimental import pallas as pl
from jax.experimental.pallas import tpu as pltpu
from jax.experimental.pallas import tpu_sc as plsc

_N = 100000
_E = 3200000
_CH = 128
_GROUP = 8
_NW = 32
_NGROUPS = _E // (_CH * _GROUP)
_NCHUNKS = _E // _CH
_NA = _N + 96
_CW = 6256
_NP = _NA // 8
_BP = 3128
_GRIDP = _NP // _BP


def _sc_agg_body(e3_hbm, h_hbm, z16_hbm, z1_hbm, ssum_out, cnt_out,
                 sidx, didx, rbuf, ones,
                 ssum_sh, cnt_sh,
                 g0, g1, g2, g3, g4, g5, g6, g7,
                 s0, s1, s2, s3, s4, s5, s6, s7, csem, isem):
    cid = lax.axis_index("c")
    sid = lax.axis_index("s")
    wid = cid * 16 + sid
    gsems = (g0, g1, g2, g3, g4, g5, g6, g7)
    ssems = (s0, s1, s2, s3, s4, s5, s6, s7)

    one16 = jnp.ones((16,), jnp.float32)

    def ofill(i, c):
        ones[pl.ds(i * 16, 16)] = one16
        return c
    lax.fori_loop(0, _GROUP * _CH // 16, ofill, 0)

    rbase = sid * _CW
    pltpu.sync_copy(z16_hbm, ssum_sh.at[pl.ds(rbase, _CW)])
    pltpu.sync_copy(z1_hbm, cnt_sh.at[pl.ds(rbase, _CW)])

    plsc.subcore_barrier()

    _GE = _GROUP * _CH

    def fire_idx(b, g):
        pltpu.async_copy(e3_hbm.at[pl.ds(g * _GE, _GE)], sidx.at[b], isem)
        pltpu.async_copy(e3_hbm.at[pl.ds(_E + g * _GE, _GE)], didx.at[b],
                         isem)

    def wait_idx(b):
        pltpu.make_async_copy(e3_hbm.at[pl.ds(0, _GE)], sidx.at[b],
                              isem).wait()
        pltpu.make_async_copy(e3_hbm.at[pl.ds(0, _GE)], didx.at[b],
                              isem).wait()

    def wait_slot(ob, j):
        dj = didx.at[ob, pl.ds(j * _CH, _CH)]
        pltpu.make_async_copy(rbuf.at[pl.ds(j * _CH, _CH)],
                              ssum_sh.at[dj], ssems[j]).wait()

    def drain_cnt(ob):
        for j in range(_GROUP):
            dj = didx.at[ob, pl.ds(j * _CH, _CH)]
            pltpu.make_async_copy(ones.at[pl.ds(0, _CH)], cnt_sh.at[dj],
                                  csem).wait()

    def run_group(b, guard, fire_next):
        wait_idx(b)
        for j in range(_GROUP):
            if guard is None:
                wait_slot(1 - b, j)
            else:
                @pl.when(guard)
                def _(j=j):
                    wait_slot(1 - b, j)
            pltpu.async_copy(h_hbm.at[sidx.at[b, pl.ds(j * _CH, _CH)]],
                             rbuf.at[pl.ds(j * _CH, _CH)], gsems[j])
        if guard is None:
            drain_cnt(1 - b)
        else:
            @pl.when(guard)
            def _():
                drain_cnt(1 - b)
        if fire_next is not None:
            fire_next()
        for j in range(_GROUP):
            dj = didx.at[b, pl.ds(j * _CH, _CH)]
            pltpu.make_async_copy(h_hbm.at[sidx.at[b, pl.ds(j * _CH, _CH)]],
                                  rbuf.at[pl.ds(j * _CH, _CH)],
                                  gsems[j]).wait()
            pltpu.async_copy(rbuf.at[pl.ds(j * _CH, _CH)], ssum_sh.at[dj],
                             ssems[j], add=True)
            pltpu.async_copy(ones.at[pl.ds(0, _CH)], cnt_sh.at[dj], csem,
                             add=True)

    fire_idx(0, wid)

    def pair_body(k2, c):
        k0 = 2 * k2
        run_group(0, k2 > 0,
                  lambda: fire_idx(1, wid + (k0 + 1) * _NW))
        run_group(1, None,
                  lambda: fire_idx(0, wid + (k0 + 2) * _NW))
        return c
    lax.fori_loop(0, 48, pair_body, 0)

    ntail = _NGROUPS - 97 * _NW

    def fire_97():
        @pl.when(wid < ntail)
        def _():
            fire_idx(1, wid + 97 * _NW)
    run_group(0, None, fire_97)

    @pl.when(wid < ntail)
    def _():
        run_group(1, None, None)

    for j in range(_GROUP):
        dj = didx.at[0, pl.ds(j * _CH, _CH)]
        pltpu.make_async_copy(rbuf.at[pl.ds(j * _CH, _CH)],
                              ssum_sh.at[dj], ssems[j]).wait()
        pltpu.make_async_copy(ones.at[pl.ds(0, _CH)], cnt_sh.at[dj],
                              csem).wait()

    plsc.subcore_barrier()

    orow = cid * _NA + rbase
    pltpu.sync_copy(ssum_sh.at[pl.ds(rbase, _CW)],
                    ssum_out.at[pl.ds(orow, _CW)])
    pltpu.sync_copy(cnt_sh.at[pl.ds(rbase, _CW)],
                    cnt_out.at[pl.ds(orow, _CW)])


_sc_agg = functools.partial(
    pl.kernel,
    out_type=(jax.ShapeDtypeStruct((2 * _NA, 16), jnp.float32),
              jax.ShapeDtypeStruct((2 * _NA,), jnp.float32)),
    mesh=plsc.VectorSubcoreMesh(core_axis_name="c", subcore_axis_name="s"),
    compiler_params=pltpu.CompilerParams(use_tc_tiling_on_sc=False),
    scratch_types=[
        pltpu.VMEM((2, _GROUP * _CH), jnp.int32),
        pltpu.VMEM((2, _GROUP * _CH), jnp.int32),
        pltpu.VMEM((_GROUP * _CH, 16), jnp.float32),
        pltpu.VMEM((_GROUP * _CH,), jnp.float32),
        pltpu.VMEM_SHARED((_NA, 16), jnp.float32),
        pltpu.VMEM_SHARED((_NA,), jnp.float32),
    ] + [pltpu.SemaphoreType.DMA] * 18,
)(_sc_agg_body)


def _lin1_body(x_ref, w_ref, b_ref, o_ref):
    o_ref[...] = jnp.maximum(
        jnp.dot(x_ref[...], w_ref[...], preferred_element_type=jnp.float32)
        + b_ref[...], 0.0)


def _final_body(s0, s1, c0, c1, h_ref, wl, bl, wr, w2, b2, o_ref):
    cnt = jnp.maximum(c0[...] + c1[...], 1.0)
    aggr = (s0[...] + s1[...]) / cnt
    h2 = jnp.maximum(
        jnp.dot(aggr, wl[...], preferred_element_type=jnp.float32) + bl[...]
        + jnp.dot(h_ref[...], wr[...], preferred_element_type=jnp.float32),
        0.0)
    o_ref[...] = (jnp.dot(h2, w2[...], preferred_element_type=jnp.float32)
                  + b2[...])


@jax.jit
def kernel(x, edge_index, W1, b1, Wl, bl, Wr, W2, b2):
    eye8 = jnp.eye(8, dtype=jnp.float32)
    w1d = jnp.kron(eye8, W1.T)
    b1p = jnp.tile(b1, 8).reshape(1, 128)
    xp = jnp.pad(x.reshape(_N // 8, 128), ((0, (_NA - _N) // 8), (0, 0)))

    hp = pl.pallas_call(
        _lin1_body,
        grid=(_GRIDP,),
        in_specs=[pl.BlockSpec((_BP, 128), lambda i: (i, 0)),
                  pl.BlockSpec((128, 128), lambda i: (0, 0)),
                  pl.BlockSpec((1, 128), lambda i: (0, 0))],
        out_specs=pl.BlockSpec((_BP, 128), lambda i: (i, 0)),
        out_shape=jax.ShapeDtypeStruct((_NP, 128), jnp.float32),
    )(xp, w1d, b1p)

    h = hp.reshape(_NA, 16)
    e3 = edge_index.reshape(2 * _E)
    z16 = jnp.zeros((_CW, 16), jnp.float32)
    z1 = jnp.zeros((_CW,), jnp.float32)
    ssum_p, cnt_p = _sc_agg(e3, h, z16, z1)

    sp = ssum_p.reshape(2 * _NP, 128)
    cexp = jnp.broadcast_to(cnt_p.reshape(2 * _NA, 1), (2 * _NA, 16))
    cp = cexp.reshape(2 * _NP, 128)

    wld = jnp.kron(eye8, Wl.T)
    wrd = jnp.kron(eye8, Wr.T)
    w2d = jnp.kron(eye8, W2.T)
    blp = jnp.tile(bl, 8).reshape(1, 128)
    b2p = jnp.tile(b2, 8).reshape(1, 256)

    outp = pl.pallas_call(
        _final_body,
        grid=(_GRIDP,),
        in_specs=[pl.BlockSpec((_BP, 128), lambda i: (i, 0)),
                  pl.BlockSpec((_BP, 128), lambda i: (i + _GRIDP, 0)),
                  pl.BlockSpec((_BP, 128), lambda i: (i, 0)),
                  pl.BlockSpec((_BP, 128), lambda i: (i + _GRIDP, 0)),
                  pl.BlockSpec((_BP, 128), lambda i: (i, 0)),
                  pl.BlockSpec((128, 128), lambda i: (0, 0)),
                  pl.BlockSpec((1, 128), lambda i: (0, 0)),
                  pl.BlockSpec((128, 128), lambda i: (0, 0)),
                  pl.BlockSpec((128, 256), lambda i: (0, 0)),
                  pl.BlockSpec((1, 256), lambda i: (0, 0))],
        out_specs=pl.BlockSpec((_BP, 256), lambda i: (i, 0)),
        out_shape=jax.ShapeDtypeStruct((_NP, 256), jnp.float32),
    )(sp, sp, cp, cp, hp, wld, blp, wrd, w2d, b2p)
    return outp[:_N // 8].reshape(_N, 32)

# --- scband reference (transcript-rebuilt; emitter-appended) ---
"""Pipeline reference for scband-net-64484638982411 (READ-ONLY COPY).

The authoritative reference and input builder live on the scoring server;
editing this copy changes nothing except your own understanding.
"""

import jax, jax.numpy as jnp
import numpy as np

N = 100000
E = 3200000

def setup_inputs(seed: int = 0) -> dict:
    key = jax.random.key(seed)
    ks = jax.random.split(key, 10)
    x = jax.random.normal(ks[0], (N, 16), dtype=jnp.float32)
    edge_index = jax.random.randint(ks[1], (2, E), 0, N, dtype=jnp.int32)
    s = 1.0 / np.sqrt(16)
    W1 = jax.random.uniform(ks[2], (16, 16), jnp.float32, -s, s)
    b1 = jax.random.uniform(ks[3], (16,), jnp.float32, -s, s)
    Wl = jax.random.uniform(ks[4], (16, 16), jnp.float32, -s, s)
    bl = jax.random.uniform(ks[5], (16,), jnp.float32, -s, s)
    Wr = jax.random.uniform(ks[6], (16, 16), jnp.float32, -s, s)
    W2 = jax.random.uniform(ks[7], (32, 16), jnp.float32, -s, s)
    b2 = jax.random.uniform(ks[8], (32,), jnp.float32, -s, s)
    return {"x": x, "edge_index": edge_index, "W1": W1, "b1": b1, "Wl": Wl, "bl": bl, "Wr": Wr, "W2": W2, "b2": b2}

def reference(x, edge_index, W1, b1, Wl, bl, Wr, W2, b2):
    # lin1 + relu
    h = jnp.maximum(x @ W1.T + b1, 0.0)
    # SAGEConv(16,16) with mean aggregation: out = lin_l(mean_{j in N(i)} h_j) + lin_r(h_i)
    src = edge_index[0]
    dst = edge_index[1]
    msg = jnp.take(h, src, axis=0)
    ssum = jax.ops.segment_sum(msg, dst, num_segments=N)
    cnt = jax.ops.segment_sum(jnp.ones((msg.shape[0], 1), dtype=h.dtype), dst, num_segments=N)
    aggr = ssum / jnp.maximum(cnt, 1.0)
    h2 = jnp.maximum(aggr @ Wl.T + bl + h @ Wr.T, 0.0)
    # lin2
    out = h2 @ W2.T + b2
    return out

if __name__ == "__main__":
    import jax
    _d = setup_inputs()
    print(jax.jit(kernel)(*tuple(_d.values())))

</pallas_src>

<mosaic_0001>
#map = affine_map<(d0, d1) -> (0)>
#map1 = affine_map<(d0, d1) -> (0, 0)>
module attributes {stable_mosaic.version = 14 : i64} {
  func.func @_sc_agg_body(%arg0: i32, %arg1: i32, %arg2: memref<6400000xi32, #tpu.memory_space<hbm>>, %arg3: memref<100096x16xf32, #tpu.memory_space<hbm>>, %arg4: memref<6256x16xf32, #tpu.memory_space<hbm>>, %arg5: memref<6256xf32, #tpu.memory_space<hbm>>, %arg6: memref<200192x16xf32, #tpu.memory_space<hbm>>, %arg7: memref<200192xf32, #tpu.memory_space<hbm>>, %arg8: memref<2x1024xi32, #tpu.memory_space<vmem>>, %arg9: memref<2x1024xi32, #tpu.memory_space<vmem>>, %arg10: memref<1024x16xf32, #tpu.memory_space<vmem>>, %arg11: memref<1024xf32, #tpu.memory_space<vmem>>, %arg12: memref<100096x16xf32, #tpu.memory_space<vmem_shared>>, %arg13: memref<100096xf32, #tpu.memory_space<vmem_shared>>, %arg14: memref<!tpu.dma_semaphore, #tpu.memory_space<semaphore_mem>>, %arg15: memref<!tpu.dma_semaphore, #tpu.memory_space<semaphore_mem>>, %arg16: memref<!tpu.dma_semaphore, #tpu.memory_space<semaphore_mem>>, %arg17: memref<!tpu.dma_semaphore, #tpu.memory_space<semaphore_mem>>, %arg18: memref<!tpu.dma_semaphore, #tpu.memory_space<semaphore_mem>>, %arg19: memref<!tpu.dma_semaphore, #tpu.memory_space<semaphore_mem>>, %arg20: memref<!tpu.dma_semaphore, #tpu.memory_space<semaphore_mem>>, %arg21: memref<!tpu.dma_semaphore, #tpu.memory_space<semaphore_mem>>, %arg22: memref<!tpu.dma_semaphore, #tpu.memory_space<semaphore_mem>>, %arg23: memref<!tpu.dma_semaphore, #tpu.memory_space<semaphore_mem>>, %arg24: memref<!tpu.dma_semaphore, #tpu.memory_space<semaphore_mem>>, %arg25: memref<!tpu.dma_semaphore, #tpu.memory_space<semaphore_mem>>, %arg26: memref<!tpu.dma_semaphore, #tpu.memory_space<semaphore_mem>>, %arg27: memref<!tpu.dma_semaphore, #tpu.memory_space<semaphore_mem>>, %arg28: memref<!tpu.dma_semaphore, #tpu.memory_space<semaphore_mem>>, %arg29: memref<!tpu.dma_semaphore, #tpu.memory_space<semaphore_mem>>, %arg30: memref<!tpu.dma_semaphore, #tpu.memory_space<semaphore_mem>>, %arg31: memref<!tpu.dma_semaphore, #tpu.memory_space<semaphore_mem>>) attributes {dimension_semantics = [#tpu.dimension_semantics<core_parallel>, #tpu.dimension_semantics<subcore_parallel>], iteration_bounds = array<i64: 2, 16>, scalar_prefetch = 0 : i64, scratch_operands = 24 : i64, tpu.core_type = #tpu.core_type<sc_vector_subcore>, window_params = [{transform_indices = #map}, {transform_indices = #map1}, {transform_indices = #map1}, {transform_indices = #map}, {transform_indices = #map1}, {transform_indices = #map}]} {
    %mul3A = arith.constant 16 : i32
    %mul3A_0 = arith.muli %arg0, %mul3A : i32
    %add3A = arith.addi %mul3A_0, %arg1 : i32
    %broadcast_in_dim3A = arith.constant 1.000000e+00 : f32
    %broadcast_in_dim3A_1 = vector.broadcast %broadcast_in_dim3A : f32 to vector<16xf32>
    %scan3A = arith.constant 0 : i32
    %scan3A_2 = arith.constant 0 : i32
    %scan3A_3 = arith.constant 64 : i32
    %scan3A_4 = arith.addi %scan3A_2, %scan3A_3 : i32
    %scan3A_5 = arith.constant 1 : i32
    scf.for %scan3A_662 = %scan3A_2 to %scan3A_4 step %scan3A_5  : i32 {
      %mul3A_663 = arith.constant 16 : i32
      %mul3A_664 = arith.muli %scan3A_662, %mul3A_663 : i32
      %swap3A = arith.index_cast %mul3A_664 : i32 to index
      %swap3A_665 = tpu.vector_load %arg11[%swap3A] {strides = array<i32>} : memref<1024xf32, #tpu.memory_space<vmem>>, vector<16xf32>,
      %swap3A_666 = vector.shape_cast %swap3A_665 : vector<16xf32> to vector<16xf32>
      %swap3A_667 = vector.shape_cast %broadcast_in_dim3A_1 : vector<16xf32> to vector<16xf32>
      tpu.vector_store %arg11[%swap3A], %swap3A_667 {strides = array<i32>} : memref<1024xf32, #tpu.memory_space<vmem>>, vector<16xf32>,
    }
    %scan3A_6 = arith.constant 64 : i32
    %mul3A_7 = arith.constant 6256 : i32
    %mul3A_8 = arith.muli %arg1, %mul3A_7 : i32
    "tpu.region"() ({
      %run_scoped3A = tpu.sem_alloc : memref<!tpu.dma_semaphore, #tpu.memory_space<semaphore_mem>>
      %dma_start3A_662 = arith.constant 0 : i32
      %dma_start3A_663 = tpu.memref_slice %arg12[%mul3A_8, %dma_start3A_662] : memref<100096x16xf32, #tpu.memory_space<vmem_shared>> -> memref<6256x16xf32, #tpu.memory_space<vmem_shared>>
      tpu.enqueue_dma source(%arg4 : memref<6256x16xf32, #tpu.memory_space<hbm>>) target(%dma_start3A_663 : memref<6256x16xf32, #tpu.memory_space<vmem_shared>>) target_semaphore(%run_scoped3A : memref<!tpu.dma_semaphore, #tpu.memory_space<semaphore_mem>>)
      %dma_wait3A_664 = arith.constant 0 : i32
      %dma_wait3A_665 = tpu.memref_slice %arg12[%mul3A_8, %dma_wait3A_664] : memref<100096x16xf32, #tpu.memory_space<vmem_shared>> -> memref<6256x16xf32, #tpu.memory_space<vmem_shared>>
      tpu.wait_dma2 semaphore(%run_scoped3A : memref<!tpu.dma_semaphore, #tpu.memory_space<semaphore_mem>>) src(%arg4 : memref<6256x16xf32, #tpu.memory_space<hbm>>) dst(%dma_wait3A_665 : memref<6256x16xf32, #tpu.memory_space<vmem_shared>>)
      tpu.yield
    }) : () -> ()
    "tpu.region"() ({
      %run_scoped3A = tpu.sem_alloc : memref<!tpu.dma_semaphore, #tpu.memory_space<semaphore_mem>>
      %dma_start3A_662 = tpu.memref_slice %arg13[%mul3A_8] : memref<100096xf32, #tpu.memory_space<vmem_shared>> -> memref<6256xf32, #tpu.memory_space<vmem_shared>>
      tpu.enqueue_dma source(%arg5 : memref<6256xf32, #tpu.memory_space<hbm>>) target(%dma_start3A_662 : memref<6256xf32, #tpu.memory_space<vmem_shared>>) target_semaphore(%run_scoped3A : memref<!tpu.dma_semaphore, #tpu.memory_space<semaphore_mem>>)
      %dma_wait3A_663 = tpu.memref_slice %arg13[%mul3A_8] : memref<100096xf32, #tpu.memory_space<vmem_shared>> -> memref<6256xf32, #tpu.memory_space<vmem_shared>>
      tpu.wait_dma2 semaphore(%run_scoped3A : memref<!tpu.dma_semaphore, #tpu.memory_space<semaphore_mem>>) src(%arg5 : memref<6256xf32, #tpu.memory_space<hbm>>) dst(%dma_wait3A_663 : memref<6256xf32, #tpu.memory_space<vmem_shared>>)
      tpu.yield
    }) : () -> ()
    %barrier3A = arith.constant 0 : index
    tpu.barrier barrier_id(%barrier3A)
    %mul3A_9 = arith.constant 1024 : i32
    %mul3A_10 = arith.muli %add3A, %mul3A_9 : i32
    %dma_start3A = arith.constant 0 : i32
    %dma_start3A_11 = arith.constant 0 : i32
    %dma_start3A_12 = tpu.memref_slice %arg8[%dma_start3A, %dma_start3A_11] : memref<2x1024xi32, #tpu.memory_space<vmem>> -> memref<1x1024xi32, #tpu.memory_space<vmem>>
    %dma_start3A_13 = tpu.memref_squeeze %dma_start3A_12 : memref<1x1024xi32, #tpu.memory_space<vmem>> -> memref<1024xi32, #tpu.memory_space<vmem>>
    %dma_start3A_14 = tpu.memref_slice %arg2[%mul3A_10] : memref<6400000xi32, #tpu.memory_space<hbm>> -> memref<1024xi32, #tpu.memory_space<hbm>>
    %dma_start3A_15 = arith.constant 0 : i32
    %dma_start3A_16 = tpu.memref_slice %arg8[%dma_start3A, %dma_start3A_15] : memref<2x1024xi32, #tpu.memory_space<vmem>> -> memref<1x1024xi32, #tpu.memory_space<vmem>>
    %dma_start3A_17 = tpu.memref_squeeze %dma_start3A_16 : memref<1x1024xi32, #tpu.memory_space<vmem>> -> memref<1024xi32, #tpu.memory_space<vmem>>
    %dma_start3A_18 = tpu.memref_slice %arg2[%mul3A_10] : memref<6400000xi32, #tpu.memory_space<hbm>> -> memref<1024xi32, #tpu.memory_space<hbm>>
    tpu.enqueue_dma source(%dma_start3A_18 : memref<1024xi32, #tpu.memory_space<hbm>>) target(%dma_start3A_17 : memref<1024xi32, #tpu.memory_space<vmem>>) target_semaphore(%arg31 : memref<!tpu.dma_semaphore, #tpu.memory_space<semaphore_mem>>)
    %mul3A_19 = arith.constant 1024 : i32
    %mul3A_20 = arith.muli %add3A, %mul3A_19 : i32
    %add3A_21 = arith.constant 3200000 : i32
    %add3A_22 = arith.addi %add3A_21, %mul3A_20 : i32
    %dma_start3A_23 = arith.constant 0 : i32
    %dma_start3A_24 = arith.constant 0 : i32
    %dma_start3A_25 = tpu.memref_slice %arg9[%dma_start3A_23, %dma_start3A_24] : memref<2x1024xi32, #tpu.memory_space<vmem>> -> memref<1x1024xi32, #tpu.memory_space<vmem>>
    %dma_start3A_26 = tpu.memref_squeeze %dma_start3A_25 : memref<1x1024xi32, #tpu.memory_space<vmem>> -> memref<1024xi32, #tpu.memory_space<vmem>>
    %dma_start3A_27 = tpu.memref_slice %arg2[%add3A_22] : memref<6400000xi32, #tpu.memory_space<hbm>> -> memref<1024xi32, #tpu.memory_space<hbm>>
    %dma_start3A_28 = arith.constant 0 : i32
    %dma_start3A_29 = tpu.memref_slice %arg9[%dma_start3A_23, %dma_start3A_28] : memref<2x1024xi32, #tpu.memory_space<vmem>> -> memref<1x1024xi32, #tpu.memory_space<vmem>>
    %dma_start3A_30 = tpu.memref_squeeze %dma_start3A_29 : memref<1x1024xi32, #tpu.memory_space<vmem>> -> memref<1024xi32, #tpu.memory_space<vmem>>
    %dma_start3A_31 = tpu.memref_slice %arg2[%add3A_22] : memref<6400000xi32, #tpu.memory_space<hbm>> -> memref<1024xi32, #tpu.memory_space<hbm>>
    tpu.enqueue_dma source(%dma_start3A_31 : memref<1024xi32, #tpu.memory_space<hbm>>) target(%dma_start3A_30 : memref<1024xi32, #tpu.memory_space<vmem>>) target_semaphore(%arg31 : memref<!tpu.dma_semaphore, #tpu.memory_space<semaphore_mem>>)
    %scan3A_32 = arith.constant 0 : i32
    %scan3A_33 = arith.constant 0 : i32
    %scan3A_34 = arith.constant 48 : i32
    %scan3A_35 = arith.addi %scan3A_33, %scan3A_34 : i32
    %scan3A_36 = arith.constant 1 : i32
    scf.for %scan3A_662 = %scan3A_33 to %scan3A_35 step %scan3A_36  : i32 {
      %mul3A_663 = arith.constant 2 : i32
      %mul3A_664 = arith.muli %mul3A_663, %scan3A_662 : i32
      %gt3A = arith.constant 0 : i32
      %gt3A_665 = arith.cmpi sgt, %scan3A_662, %gt3A : i32
      %dma_wait3A_666 = arith.constant 0 : i32
      %dma_wait3A_667 = arith.constant 0 : i32
      %dma_wait3A_668 = tpu.memref_slice %arg8[%dma_wait3A_666, %dma_wait3A_667] : memref<2x1024xi32, #tpu.memory_space<vmem>> -> memref<1x1024xi32, #tpu.memory_space<vmem>>
      %dma_wait3A_669 = tpu.memref_squeeze %dma_wait3A_668 : memref<1x1024xi32, #tpu.memory_space<vmem>> -> memref<1024xi32, #tpu.memory_space<vmem>>
      %dma_wait3A_670 = arith.constant 0 : i32
      %dma_wait3A_671 = tpu.memref_slice %arg2[%dma_wait3A_670] : memref<6400000xi32, #tpu.memory_space<hbm>> -> memref<1024xi32, #tpu.memory_space<hbm>>
      %dma_wait3A_672 = arith.constant 0 : i32
      %dma_wait3A_673 = tpu.memref_slice %arg8[%dma_wait3A_666, %dma_wait3A_672] : memref<2x1024xi32, #tpu.memory_space<vmem>> -> memref<1x1024xi32, #tpu.memory_space<vmem>>
      %dma_wait3A_674 = tpu.memref_squeeze %dma_wait3A_673 : memref<1x1024xi32, #tpu.memory_space<vmem>> -> memref<1024xi32, #tpu.memory_space<vmem>>
      %dma_wait3A_675 = arith.constant 0 : i32
      %dma_wait3A_676 = tpu.memref_slice %arg2[%dma_wait3A_675] : memref<6400000xi32, #tpu.memory_space<hbm>> -> memref<1024xi32, #tpu.memory_space<hbm>>
      tpu.wait_dma2 semaphore(%arg31 : memref<!tpu.dma_semaphore, #tpu.memory_space<semaphore_mem>>) src(%dma_wait3A_676 : memref<1024xi32, #tpu.memory_space<hbm>>) dst(%dma_wait3A_674 : memref<1024xi32, #tpu.memory_space<vmem>>)
      %dma_wait3A_677 = arith.constant 0 : i32
      %dma_wait3A_678 = arith.constant 0 : i32
      %dma_wait3A_679 = tpu.memref_slice %arg9[%dma_wait3A_677, %dma_wait3A_678] : memref<2x1024xi32, #tpu.memory_space<vmem>> -> memref<1x1024xi32, #tpu.memory_space<vmem>>
      %dma_wait3A_680 = tpu.memref_squeeze %dma_wait3A_679 : memref<1x1024xi32, #tpu.memory_space<vmem>> -> memref<1024xi32, #tpu.memory_space<vmem>>
      %dma_wait3A_681 = arith.constant 0 : i32
      %dma_wait3A_682 = tpu.memref_slice %arg2[%dma_wait3A_681] : memref<6400000xi32, #tpu.memory_space<hbm>> -> memref<1024xi32, #tpu.memory_space<hbm>>
      %dma_wait3A_683 = arith.constant 0 : i32
      %dma_wait3A_684 = tpu.memref_slice %arg9[%dma_wait3A_677, %dma_wait3A_683] : memref<2x1024xi32, #tpu.memory_space<vmem>> -> memref<1x1024xi32, #tpu.memory_space<vmem>>
      %dma_wait3A_685 = tpu.memref_squeeze %dma_wait3A_684 : memref<1x1024xi32, #tpu.memory_space<vmem>> -> memref<1024xi32, #tpu.memory_space<vmem>>
      %dma_wait3A_686 = arith.constant 0 : i32
      %dma_wait3A_687 = tpu.memref_slice %arg2[%dma_wait3A_686] : memref<6400000xi32, #tpu.memory_space<hbm>> -> memref<1024xi32, #tpu.memory_space<hbm>>
      tpu.wait_dma2 semaphore(%arg31 : memref<!tpu.dma_semaphore, #tpu.memory_space<semaphore_mem>>) src(%dma_wait3A_687 : memref<1024xi32, #tpu.memory_space<hbm>>) dst(%dma_wait3A_685 : memref<1024xi32, #tpu.memory_space<vmem>>)
      %convert_element_type3A_688 = arith.extui %gt3A_665 : i1 to i32
      %cond3A_689 = arith.constant 0 : i32
      %cond3A_690 = arith.cmpi ne, %convert_element_type3A_688, %cond3A_689 : i32
      scf.if %cond3A_690 {
        %dma_wait3A_1547 = arith.constant 1 : i32
        %dma_wait3A_1548 = arith.constant 0 : i32
        %dma_wait3A_1549 = arith.constant 0 : i32
        %dma_wait3A_1550 = tpu.memref_slice %arg10[%dma_wait3A_1548, %dma_wait3A_1549] : memref<1024x16xf32, #tpu.memory_space<vmem>> -> memref<128x16xf32, #tpu.memory_space<vmem>>
        %dma_wait3A_1551 = arith.constant 0 : i32
        %dma_wait3A_1552 = tpu.memref_slice %arg9[%dma_wait3A_1547, %dma_wait3A_1551] : memref<2x1024xi32, #tpu.memory_space<vmem>> -> memref<1x128xi32, #tpu.memory_space<vmem>>
        %dma_wait3A_1553 = tpu.memref_squeeze %dma_wait3A_1552 : memref<1x128xi32, #tpu.memory_space<vmem>> -> memref<128xi32, #tpu.memory_space<vmem>>
        %dma_wait3A_1554 = arith.constant 0 : i32
        %dma_wait3A_1555 = arith.constant 0 : i32
        %dma_wait3A_1556 = tpu.memref_slice %arg12[%dma_wait3A_1554, %dma_wait3A_1555] : memref<100096x16xf32, #tpu.memory_space<vmem_shared>> -> memref<100096x16xf32, #tpu.memory_space<vmem_shared>>
        tpu.wait_indirect_dma semaphore(%arg22 : memref<!tpu.dma_semaphore, #tpu.memory_space<semaphore_mem>>) src(%dma_wait3A_1550 : memref<128x16xf32, #tpu.memory_space<vmem>>) dst(%dma_wait3A_1556 : memref<100096x16xf32, #tpu.memory_space<vmem_shared>>)
      } else {
      }
      %dma_start3A_691 = arith.constant 0 : i32
      %dma_start3A_692 = arith.constant 0 : i32
      %dma_start3A_693 = arith.constant 0 : i32
      %dma_start3A_694 = tpu.memref_slice %arg10[%dma_start3A_692, %dma_start3A_693] : memref<1024x16xf32, #tpu.memory_space<vmem>> -> memref<128x16xf32, #tpu.memory_space<vmem>>
      %dma_start3A_695 = arith.constant 0 : i32
      %dma_start3A_696 = tpu.memref_slice %arg8[%dma_start3A_691, %dma_start3A_695] : memref<2x1024xi32, #tpu.memory_space<vmem>> -> memref<1x128xi32, #tpu.memory_space<vmem>>
      %dma_start3A_697 = tpu.memref_squeeze %dma_start3A_696 : memref<1x128xi32, #tpu.memory_space<vmem>> -> memref<128xi32, #tpu.memory_space<vmem>>
      %dma_start3A_698 = arith.constant 0 : i32
      %dma_start3A_699 = arith.constant 0 : i32
      %dma_start3A_700 = tpu.memref_slice %arg3[%dma_start3A_698, %dma_start3A_699] : memref<100096x16xf32, #tpu.memory_space<hbm>> -> memref<100096x16xf32, #tpu.memory_space<hbm>>
      tpu.enqueue_indirect_dma source(%dma_start3A_700 : memref<100096x16xf32, #tpu.memory_space<hbm>>) target(%dma_start3A_694 : memref<128x16xf32, #tpu.memory_space<vmem>>) offsets(%dma_start3A_697 : memref<128xi32, #tpu.memory_space<vmem>>) semaphore(%arg14 : memref<!tpu.dma_semaphore, #tpu.memory_space<semaphore_mem>>)
      %convert_element_type3A_701 = arith.extui %gt3A_665 : i1 to i32
      %cond3A_702 = arith.constant 0 : i32
      %cond3A_703 = arith.cmpi ne, %convert_element_type3A_701, %cond3A_702 : i32
      scf.if %cond3A_703 {
        %dma_wait3A_1547 = arith.constant 1 : i32
        %dma_wait3A_1548 = arith.constant 128 : i32
        %dma_wait3A_1549 = arith.constant 0 : i32
        %dma_wait3A_1550 = tpu.memref_slice %arg10[%dma_wait3A_1548, %dma_wait3A_1549] : memref<1024x16xf32, #tpu.memory_space<vmem>> -> memref<128x16xf32, #tpu.memory_space<vmem>>
        %dma_wait3A_1551 = arith.constant 128 : i32
        %dma_wait3A_1552 = tpu.memref_slice %arg9[%dma_wait3A_1547, %dma_wait3A_1551] : memref<2x1024xi32, #tpu.memory_space<vmem>> -> memref<1x128xi32, #tpu.memory_space<vmem>>
        %dma_wait3A_1553 = tpu.memref_squeeze %dma_wait3A_1552 : memref<1x128xi32, #tpu.memory_space<vmem>> -> memref<128xi32, #tpu.memory_space<vmem>>
        %dma_wait3A_1554 = arith.constant 0 : i32
        %dma_wait3A_1555 = arith.constant 0 : i32
        %dma_wait3A_1556 = tpu.memref_slice %arg12[%dma_wait3A_1554, %dma_wait3A_1555] : memref<100096x16xf32, #tpu.memory_space<vmem_shared>> -> memref<100096x16xf32, #tpu.memory_space<vmem_shared>>
        tpu.wait_indirect_dma semaphore(%arg23 : memref<!tpu.dma_semaphore, #tpu.memory_space<semaphore_mem>>) src(%dma_wait3A_1550 : memref<128x16xf32, #tpu.memory_space<vmem>>) dst(%dma_wait3A_1556 : memref<100096x16xf32, #tpu.memory_space<vmem_shared>>)
      } else {
      }
      %dma_start3A_704 = arith.constant 0 : i32
      %dma_start3A_705 = arith.constant 128 : i32
      %dma_start3A_706 = arith.constant 0 : i32
      %dma_start3A_707 = tpu.memref_slice %arg10[%dma_start3A_705, %dma_start3A_706] : memref<1024x16xf32, #tpu.memory_space<vmem>> -> memref<128x16xf32, #tpu.memory_space<vmem>>
      %dma_start3A_708 = arith.constant 128 : i32
      %dma_start3A_709 = tpu.memref_slice %arg8[%dma_start3A_704, %dma_start3A_708] : memref<2x1024xi32, #tpu.memory_space<vmem>> -> memref<1x128xi32, #tpu.memory_space<vmem>>
      %dma_start3A_710 = tpu.memref_squeeze %dma_start3A_709 : memref<1x128xi32, #tpu.memory_space<vmem>> -> memref<128xi32, #tpu.memory_space<vmem>>
      %dma_start3A_711 = arith.constant 0 : i32
      %dma_start3A_712 = arith.constant 0 : i32
      %dma_start3A_713 = tpu.memref_slice %arg3[%dma_start3A_711, %dma_start3A_712] : memref<100096x16xf32, #tpu.memory_space<hbm>> -> memref<100096x16xf32, #tpu.memory_space<hbm>>
      tpu.enqueue_indirect_dma source(%dma_start3A_713 : memref<100096x16xf32, #tpu.memory_space<hbm>>) target(%dma_start3A_707 : memref<128x16xf32, #tpu.memory_space<vmem>>) offsets(%dma_start3A_710 : memref<128xi32, #tpu.memory_space<vmem>>) semaphore(%arg15 : memref<!tpu.dma_semaphore, #tpu.memory_space<semaphore_mem>>)
      %convert_element_type3A_714 = arith.extui %gt3A_665 : i1 to i32
      %cond3A_715 = arith.constant 0 : i32
      %cond3A_716 = arith.cmpi ne, %convert_element_type3A_714, %cond3A_715 : i32
      scf.if %cond3A_716 {
        %dma_wait3A_1547 = arith.constant 1 : i32
        %dma_wait3A_1548 = arith.constant 256 : i32
        %dma_wait3A_1549 = arith.constant 0 : i32
        %dma_wait3A_1550 = tpu.memref_slice %arg10[%dma_wait3A_1548, %dma_wait3A_1549] : memref<1024x16xf32, #tpu.memory_space<vmem>> -> memref<128x16xf32, #tpu.memory_space<vmem>>
        %dma_wait3A_1551 = arith.constant 256 : i32
        %dma_wait3A_1552 = tpu.memref_slice %arg9[%dma_wait3A_1547, %dma_wait3A_1551] : memref<2x1024xi32, #tpu.memory_space<vmem>> -> memref<1x128xi32, #tpu.memory_space<vmem>>
        %dma_wait3A_1553 = tpu.memref_squeeze %dma_wait3A_1552 : memref<1x128xi32, #tpu.memory_space<vmem>> -> memref<128xi32, #tpu.memory_space<vmem>>
        %dma_wait3A_1554 = arith.constant 0 : i32
        %dma_wait3A_1555 = arith.constant 0 : i32
        %dma_wait3A_1556 = tpu.memref_slice %arg12[%dma_wait3A_1554, %dma_wait3A_1555] : memref<100096x16xf32, #tpu.memory_space<vmem_shared>> -> memref<100096x16xf32, #tpu.memory_space<vmem_shared>>
        tpu.wait_indirect_dma semaphore(%arg24 : memref<!tpu.dma_semaphore, #tpu.memory_space<semaphore_mem>>) src(%dma_wait3A_1550 : memref<128x16xf32, #tpu.memory_space<vmem>>) dst(%dma_wait3A_1556 : memref<100096x16xf32, #tpu.memory_space<vmem_shared>>)
      } else {
      }
      %dma_start3A_717 = arith.constant 0 : i32
      %dma_start3A_718 = arith.constant 256 : i32
      %dma_start3A_719 = arith.constant 0 : i32
      %dma_start3A_720 = tpu.memref_slice %arg10[%dma_start3A_718, %dma_start3A_719] : memref<1024x16xf32, #tpu.memory_space<vmem>> -> memref<128x16xf32, #tpu.memory_space<vmem>>
      %dma_start3A_721 = arith.constant 256 : i32
      %dma_start3A_722 = tpu.memref_slice %arg8[%dma_start3A_717, %dma_start3A_721] : memref<2x1024xi32, #tpu.memory_space<vmem>> -> memref<1x128xi32, #tpu.memory_space<vmem>>
      %dma_start3A_723 = tpu.memref_squeeze %dma_start3A_722 : memref<1x128xi32, #tpu.memory_space<vmem>> -> memref<128xi32, #tpu.memory_space<vmem>>
      %dma_start3A_724 = arith.constant 0 : i32
      %dma_start3A_725 = arith.constant 0 : i32
      %dma_start3A_726 = tpu.memref_slice %arg3[%dma_start3A_724, %dma_start3A_725] : memref<100096x16xf32, #tpu.memory_space<hbm>> -> memref<100096x16xf32, #tpu.memory_space<hbm>>
      tpu.enqueue_indirect_dma source(%dma_start3A_726 : memref<100096x16xf32, #tpu.memory_space<hbm>>) target(%dma_start3A_720 : memref<128x16xf32, #tpu.memory_space<vmem>>) offsets(%dma_start3A_723 : memref<128xi32, #tpu.memory_space<vmem>>) semaphore(%arg16 : memref<!tpu.dma_semaphore, #tpu.memory_space<semaphore_mem>>)
      %convert_element_type3A_727 = arith.extui %gt3A_665 : i1 to i32
      %cond3A_728 = arith.constant 0 : i32
      %cond3A_729 = arith.cmpi ne, %convert_element_type3A_727, %cond3A_728 : i32
      scf.if %cond3A_729 {
        %dma_wait3A_1547 = arith.constant 1 : i32
        %dma_wait3A_1548 = arith.constant 384 : i32
        %dma_wait3A_1549 = arith.constant 0 : i32
        %dma_wait3A_1550 = tpu.memref_slice %arg10[%dma_wait3A_1548, %dma_wait3A_1549] : memref<1024x16xf32, #tpu.memory_space<vmem>> -> memref<128x16xf32, #tpu.memory_space<vmem>>
        %dma_wait3A_1551 = arith.constant 384 : i32
        %dma_wait3A_1552 = tpu.memref_slice %arg9[%dma_wait3A_1547, %dma_wait3A_1551] : memref<2x1024xi32, #tpu.memory_space<vmem>> -> memref<1x128xi32, #tpu.memory_space<vmem>>
        %dma_wait3A_1553 = tpu.memref_squeeze %dma_wait3A_1552 : memref<1x128xi32, #tpu.memory_space<vmem>> -> memref<128xi32, #tpu.memory_space<vmem>>
        %dma_wait3A_1554 = arith.constant 0 : i32
        %dma_wait3A_1555 = arith.constant 0 : i32
        %dma_wait3A_1556 = tpu.memref_slice %arg12[%dma_wait3A_1554, %dma_wait3A_1555] : memref<100096x16xf32, #tpu.memory_space<vmem_shared>> -> memref<100096x16xf32, #tpu.memory_space<vmem_shared>>
        tpu.wait_indirect_dma semaphore(%arg25 : memref<!tpu.dma_semaphore, #tpu.memory_space<semaphore_mem>>) src(%dma_wait3A_1550 : memref<128x16xf32, #tpu.memory_space<vmem>>) dst(%dma_wait3A_1556 : memref<100096x16xf32, #tpu.memory_space<vmem_shared>>)
      } else {
      }
      %dma_start3A_730 = arith.constant 0 : i32
      %dma_start3A_731 = arith.constant 384 : i32
      %dma_start3A_732 = arith.constant 0 : i32
      %dma_start3A_733 = tpu.memref_slice %arg10[%dma_start3A_731, %dma_start3A_732] : memref<1024x16xf32, #tpu.memory_space<vmem>> -> memref<128x16xf32, #tpu.memory_space<vmem>>
      %dma_start3A_734 = arith.constant 384 : i32
      %dma_start3A_735 = tpu.memref_slice %arg8[%dma_start3A_730, %dma_start3A_734] : memref<2x1024xi32, #tpu.memory_space<vmem>> -> memref<1x128xi32, #tpu.memory_space<vmem>>
      %dma_start3A_736 = tpu.memref_squeeze %dma_start3A_735 : memref<1x128xi32, #tpu.memory_space<vmem>> -> memref<128xi32, #tpu.memory_space<vmem>>
      %dma_start3A_737 = arith.constant 0 : i32
      %dma_start3A_738 = arith.constant 0 : i32
      %dma_start3A_739 = tpu.memref_slice %arg3[%dma_start3A_737, %dma_start3A_738] : memref<100096x16xf32, #tpu.memory_space<hbm>> -> memref<100096x16xf32, #tpu.memory_space<hbm>>
      tpu.enqueue_indirect_dma source(%dma_start3A_739 : memref<100096x16xf32, #tpu.memory_space<hbm>>) target(%dma_start3A_733 : memref<128x16xf32, #tpu.memory_space<vmem>>) offsets(%dma_start3A_736 : memref<128xi32, #tpu.memory_space<vmem>>) semaphore(%arg17 : memref<!tpu.dma_semaphore, #tpu.memory_space<semaphore_mem>>)
      %convert_element_type3A_740 = arith.extui %gt3A_665 : i1 to i32
      %cond3A_741 = arith.constant 0 : i32
      %cond3A_742 = arith.cmpi ne, %convert_element_type3A_740, %cond3A_741 : i32
      scf.if %cond3A_742 {
        %dma_wait3A_1547 = arith.constant 1 : i32
        %dma_wait3A_1548 = arith.constant 512 : i32
        %dma_wait3A_1549 = arith.constant 0 : i32
        %dma_wait3A_1550 = tpu.memref_slice %arg10[%dma_wait3A_1548, %dma_wait3A_1549] : memref<1024x16xf32, #tpu.memory_space<vmem>> -> memref<128x16xf32, #tpu.memory_space<vmem>>
        %dma_wait3A_1551 = arith.constant 512 : i32
        %dma_wait3A_1552 = tpu.memref_slice %arg9[%dma_wait3A_1547, %dma_wait3A_1551] : memref<2x1024xi32, #tpu.memory_space<vmem>> -> memref<1x128xi32, #tpu.memory_space<vmem>>
        %dma_wait3A_1553 = tpu.memref_squeeze %dma_wait3A_1552 : memref<1x128xi32, #tpu.memory_space<vmem>> -> memref<128xi32, #tpu.memory_space<vmem>>
        %dma_wait3A_1554 = arith.constant 0 : i32
        %dma_wait3A_1555 = arith.constant 0 : i32
        %dma_wait3A_1556 = tpu.memref_slice %arg12[%dma_wait3A_1554, %dma_wait3A_1555] : memref<100096x16xf32, #tpu.memory_space<vmem_shared>> -> memref<100096x16xf32, #tpu.memory_space<vmem_shared>>
        tpu.wait_indirect_dma semaphore(%arg26 : memref<!tpu.dma_semaphore, #tpu.memory_space<semaphore_mem>>) src(%dma_wait3A_1550 : memref<128x16xf32, #tpu.memory_space<vmem>>) dst(%dma_wait3A_1556 : memref<100096x16xf32, #tpu.memory_space<vmem_shared>>)
      } else {
      }
      %dma_start3A_743 = arith.constant 0 : i32
      %dma_start3A_744 = arith.constant 512 : i32
      %dma_start3A_745 = arith.constant 0 : i32
      %dma_start3A_746 = tpu.memref_slice %arg10[%dma_start3A_744, %dma_start3A_745] : memref<1024x16xf32, #tpu.memory_space<vmem>> -> memref<128x16xf32, #tpu.memory_space<vmem>>
      %dma_start3A_747 = arith.constant 512 : i32
      %dma_start3A_748 = tpu.memref_slice %arg8[%dma_start3A_743, %dma_start3A_747] : memref<2x1024xi32, #tpu.memory_space<vmem>> -> memref<1x128xi32, #tpu.memory_space<vmem>>
      %dma_start3A_749 = tpu.memref_squeeze %dma_start3A_748 : memref<1x128xi32, #tpu.memory_space<vmem>> -> memref<128xi32, #tpu.memory_space<vmem>>
      %dma_start3A_750 = arith.constant 0 : i32
      %dma_start3A_751 = arith.constant 0 : i32
      %dma_start3A_752 = tpu.memref_slice %arg3[%dma_start3A_750, %dma_start3A_751] : memref<100096x16xf32, #tpu.memory_space<hbm>> -> memref<100096x16xf32, #tpu.memory_space<hbm>>
      tpu.enqueue_indirect_dma source(%dma_start3A_752 : memref<100096x16xf32, #tpu.memory_space<hbm>>) target(%dma_start3A_746 : memref<128x16xf32, #tpu.memory_space<vmem>>) offsets(%dma_start3A_749 : memref<128xi32, #tpu.memory_space<vmem>>) semaphore(%arg18 : memref<!tpu.dma_semaphore, #tpu.memory_space<semaphore_mem>>)
      %convert_element_type3A_753 = arith.extui %gt3A_665 : i1 to i32
      %cond3A_754 = arith.constant 0 : i32
      %cond3A_755 = arith.cmpi ne, %convert_element_type3A_753, %cond3A_754 : i32
      scf.if %cond3A_755 {
        %dma_wait3A_1547 = arith.constant 1 : i32
        %dma_wait3A_1548 = arith.constant 640 : i32
        %dma_wait3A_1549 = arith.constant 0 : i32
        %dma_wait3A_1550 = tpu.memref_slice %arg10[%dma_wait3A_1548, %dma_wait3A_1549] : memref<1024x16xf32, #tpu.memory_space<vmem>> -> memref<128x16xf32, #tpu.memory_space<vmem>>
        %dma_wait3A_1551 = arith.constant 640 : i32
        %dma_wait3A_1552 = tpu.memref_slice %arg9[%dma_wait3A_1547, %dma_wait3A_1551] : memref<2x1024xi32, #tpu.memory_space<vmem>> -> memref<1x128xi32, #tpu.memory_space<vmem>>
        %dma_wait3A_1553 = tpu.memref_squeeze %dma_wait3A_1552 : memref<1x128xi32, #tpu.memory_space<vmem>> -> memref<128xi32, #tpu.memory_space<vmem>>
        %dma_wait3A_1554 = arith.constant 0 : i32
        %dma_wait3A_1555 = arith.constant 0 : i32
        %dma_wait3A_1556 = tpu.memref_slice %arg12[%dma_wait3A_1554, %dma_wait3A_1555] : memref<100096x16xf32, #tpu.memory_space<vmem_shared>> -> memref<100096x16xf32, #tpu.memory_space<vmem_shared>>
        tpu.wait_indirect_dma semaphore(%arg27 : memref<!tpu.dma_semaphore, #tpu.memory_space<semaphore_mem>>) src(%dma_wait3A_1550 : memref<128x16xf32, #tpu.memory_space<vmem>>) dst(%dma_wait3A_1556 : memref<100096x16xf32, #tpu.memory_space<vmem_shared>>)
      } else {
      }
      %dma_start3A_756 = arith.constant 0 : i32
      %dma_start3A_757 = arith.constant 640 : i32
      %dma_start3A_758 = arith.constant 0 : i32
      %dma_start3A_759 = tpu.memref_slice %arg10[%dma_start3A_757, %dma_start3A_758] : memref<1024x16xf32, #tpu.memory_space<vmem>> -> memref<128x16xf32, #tpu.memory_space<vmem>>
      %dma_start3A_760 = arith.constant 640 : i32
      %dma_start3A_761 = tpu.memref_slice %arg8[%dma_start3A_756, %dma_start3A_760] : memref<2x1024xi32, #tpu.memory_space<vmem>> -> memref<1x128xi32, #tpu.memory_space<vmem>>
      %dma_start3A_762 = tpu.memref_squeeze %dma_start3A_761 : memref<1x128xi32, #tpu.memory_space<vmem>> -> memref<128xi32, #tpu.memory_space<vmem>>
      %dma_start3A_763 = arith.constant 0 : i32
      %dma_start3A_764 = arith.constant 0 : i32
      %dma_start3A_765 = tpu.memref_slice %arg3[%dma_start3A_763, %dma_start3A_764] : memref<100096x16xf32, #tpu.memory_space<hbm>> -> memref<100096x16xf32, #tpu.memory_space<hbm>>
      tpu.enqueue_indirect_dma source(%dma_start3A_765 : memref<100096x16xf32, #tpu.memory_space<hbm>>) target(%dma_start3A_759 : memref<128x16xf32, #tpu.memory_space<vmem>>) offsets(%dma_start3A_762 : memref<128xi32, #tpu.memory_space<vmem>>) semaphore(%arg19 : memref<!tpu.dma_semaphore, #tpu.memory_space<semaphore_mem>>)
      %convert_element_type3A_766 = arith.extui %gt3A_665 : i1 to i32
      %cond3A_767 = arith.constant 0 : i32
      %cond3A_768 = arith.cmpi ne, %convert_element_type3A_766, %cond3A_767 : i32
      scf.if %cond3A_768 {
        %dma_wait3A_1547 = arith.constant 1 : i32
        %dma_wait3A_1548 = arith.constant 768 : i32
        %dma_wait3A_1549 = arith.constant 0 : i32
        %dma_wait3A_1550 = tpu.memref_slice %arg10[%dma_wait3A_1548, %dma_wait3A_1549] : memref<1024x16xf32, #tpu.memory_space<vmem>> -> memref<128x16xf32, #tpu.memory_space<vmem>>
        %dma_wait3A_1551 = arith.constant 768 : i32
        %dma_wait3A_1552 = tpu.memref_slice %arg9[%dma_wait3A_1547, %dma_wait3A_1551] : memref<2x1024xi32, #tpu.memory_space<vmem>> -> memref<1x128xi32, #tpu.memory_space<vmem>>
        %dma_wait3A_1553 = tpu.memref_squeeze %dma_wait3A_1552 : memref<1x128xi32, #tpu.memory_space<vmem>> -> memref<128xi32, #tpu.memory_space<vmem>>
        %dma_wait3A_1554 = arith.constant 0 : i32
        %dma_wait3A_1555 = arith.constant 0 : i32
        %dma_wait3A_1556 = tpu.memref_slice %arg12[%dma_wait3A_1554, %dma_wait3A_1555] : memref<100096x16xf32, #tpu.memory_space<vmem_shared>> -> memref<100096x16xf32, #tpu.memory_space<vmem_shared>>
        tpu.wait_indirect_dma semaphore(%arg28 : memref<!tpu.dma_semaphore, #tpu.memory_space<semaphore_mem>>) src(%dma_wait3A_1550 : memref<128x16xf32, #tpu.memory_space<vmem>>) dst(%dma_wait3A_1556 : memref<100096x16xf32, #tpu.memory_space<vmem_shared>>)
      } else {
      }
      %dma_start3A_769 = arith.constant 0 : i32
      %dma_start3A_770 = arith.constant 768 : i32
      %dma_start3A_771 = arith.constant 0 : i32
      %dma_start3A_772 = tpu.memref_slice %arg10[%dma_start3A_770, %dma_start3A_771] : memref<1024x16xf32, #tpu.memory_space<vmem>> -> memref<128x16xf32, #tpu.memory_space<vmem>>
      %dma_start3A_773 = arith.constant 768 : i32
      %dma_start3A_774 = tpu.memref_slice %arg8[%dma_start3A_769, %dma_start3A_773] : memref<2x1024xi32, #tpu.memory_space<vmem>> -> memref<1x128xi32, #tpu.memory_space<vmem>>
      %dma_start3A_775 = tpu.memref_squeeze %dma_start3A_774 : memref<1x128xi32, #tpu.memory_space<vmem>> -> memref<128xi32, #tpu.memory_space<vmem>>
      %dma_start3A_776 = arith.constant 0 : i32
      %dma_start3A_777 = arith.constant 0 : i32
      %dma_start3A_778 = tpu.memref_slice %arg3[%dma_start3A_776, %dma_start3A_777] : memref<100096x16xf32, #tpu.memory_space<hbm>> -> memref<100096x16xf32, #tpu.memory_space<hbm>>
      tpu.enqueue_indirect_dma source(%dma_start3A_778 : memref<100096x16xf32, #tpu.memory_space<hbm>>) target(%dma_start3A_772 : memref<128x16xf32, #tpu.memory_space<vmem>>) offsets(%dma_start3A_775 : memref<128xi32, #tpu.memory_space<vmem>>) semaphore(%arg20 : memref<!tpu.dma_semaphore, #tpu.memory_space<semaphore_mem>>)
      %convert_element_type3A_779 = arith.extui %gt3A_665 : i1 to i32
      %cond3A_780 = arith.constant 0 : i32
      %cond3A_781 = arith.cmpi ne, %convert_element_type3A_779, %cond3A_780 : i32
      scf.if %cond3A_781 {
        %dma_wait3A_1547 = arith.constant 1 : i32
        %dma_wait3A_1548 = arith.constant 896 : i32
        %dma_wait3A_1549 = arith.constant 0 : i32
        %dma_wait3A_1550 = tpu.memref_slice %arg10[%dma_wait3A_1548, %dma_wait3A_1549] : memref<1024x16xf32, #tpu.memory_space<vmem>> -> memref<128x16xf32, #tpu.memory_space<vmem>>
        %dma_wait3A_1551 = arith.constant 896 : i32
        %dma_wait3A_1552 = tpu.memref_slice %arg9[%dma_wait3A_1547, %dma_wait3A_1551] : memref<2x1024xi32, #tpu.memory_space<vmem>> -> memref<1x128xi32, #tpu.memory_space<vmem>>
        %dma_wait3A_1553 = tpu.memref_squeeze %dma_wait3A_1552 : memref<1x128xi32, #tpu.memory_space<vmem>> -> memref<128xi32, #tpu.memory_space<vmem>>
        %dma_wait3A_1554 = arith.constant 0 : i32
        %dma_wait3A_1555 = arith.constant 0 : i32
        %dma_wait3A_1556 = tpu.memref_slice %arg12[%dma_wait3A_1554, %dma_wait3A_1555] : memref<100096x16xf32, #tpu.memory_space<vmem_shared>> -> memref<100096x16xf32, #tpu.memory_space<vmem_shared>>
        tpu.wait_indirect_dma semaphore(%arg29 : memref<!tpu.dma_semaphore, #tpu.memory_space<semaphore_mem>>) src(%dma_wait3A_1550 : memref<128x16xf32, #tpu.memory_space<vmem>>) dst(%dma_wait3A_1556 : memref<100096x16xf32, #tpu.memory_space<vmem_shared>>)
      } else {
      }
      %dma_start3A_782 = arith.constant 0 : i32
      %dma_start3A_783 = arith.constant 896 : i32
      %dma_start3A_784 = arith.constant 0 : i32
      %dma_start3A_785 = tpu.memref_slice %arg10[%dma_start3A_783, %dma_start3A_784] : memref<1024x16xf32, #tpu.memory_space<vmem>> -> memref<128x16xf32, #tpu.memory_space<vmem>>
      %dma_start3A_786 = arith.constant 896 : i32
      %dma_start3A_787 = tpu.memref_slice %arg8[%dma_start3A_782, %dma_start3A_786] : memref<2x1024xi32, #tpu.memory_space<vmem>> -> memref<1x128xi32, #tpu.memory_space<vmem>>
      %dma_start3A_788 = tpu.memref_squeeze %dma_start3A_787 : memref<1x128xi32, #tpu.memory_space<vmem>> -> memref<128xi32, #tpu.memory_space<vmem>>
      %dma_start3A_789 = arith.constant 0 : i32
      %dma_start3A_790 = arith.constant 0 : i32
      %dma_start3A_791 = tpu.memref_slice %arg3[%dma_start3A_789, %dma_start3A_790] : memref<100096x16xf32, #tpu.memory_space<hbm>> -> memref<100096x16xf32, #tpu.memory_space<hbm>>
      tpu.enqueue_indirect_dma source(%dma_start3A_791 : memref<100096x16xf32, #tpu.memory_space<hbm>>) target(%dma_start3A_785 : memref<128x16xf32, #tpu.memory_space<vmem>>) offsets(%dma_start3A_788 : memref<128xi32, #tpu.memory_space<vmem>>) semaphore(%arg21 : memref<!tpu.dma_semaphore, #tpu.memory_space<semaphore_mem>>)
      %convert_element_type3A_792 = arith.extui %gt3A_665 : i1 to i32
      %cond3A_793 = arith.constant 0 : i32
      %cond3A_794 = arith.cmpi ne, %convert_element_type3A_792, %cond3A_793 : i32
      scf.if %cond3A_794 {
        %dma_wait3A_1547 = arith.constant 1 : i32
        %dma_wait3A_1548 = arith.constant 0 : i32
        %dma_wait3A_1549 = tpu.memref_slice %arg11[%dma_wait3A_1548] : memref<1024xf32, #tpu.memory_space<vmem>> -> memref<128xf32, #tpu.memory_space<vmem>>
        %dma_wait3A_1550 = arith.constant 0 : i32
        %dma_wait3A_1551 = tpu.memref_slice %arg9[%dma_wait3A_1547, %dma_wait3A_1550] : memref<2x1024xi32, #tpu.memory_space<vmem>> -> memref<1x128xi32, #tpu.memory_space<vmem>>
        %dma_wait3A_1552 = tpu.memref_squeeze %dma_wait3A_1551 : memref<1x128xi32, #tpu.memory_space<vmem>> -> memref<128xi32, #tpu.memory_space<vmem>>
        %dma_wait3A_1553 = arith.constant 0 : i32
        %dma_wait3A_1554 = tpu.memref_slice %arg13[%dma_wait3A_1553] : memref<100096xf32, #tpu.memory_space<vmem_shared>> -> memref<100096xf32, #tpu.memory_space<vmem_shared>>
        tpu.wait_indirect_dma semaphore(%arg30 : memref<!tpu.dma_semaphore, #tpu.memory_space<semaphore_mem>>) src(%dma_wait3A_1549 : memref<128xf32, #tpu.memory_space<vmem>>) dst(%dma_wait3A_1554 : memref<100096xf32, #tpu.memory_space<vmem_shared>>)
        %dma_wait3A_1555 = arith.constant 1 : i32
        %dma_wait3A_1556 = arith.constant 0 : i32
        %dma_wait3A_1557 = tpu.memref_slice %arg11[%dma_wait3A_1556] : memref<1024xf32, #tpu.memory_space<vmem>> -> memref<128xf32, #tpu.memory_space<vmem>>
        %dma_wait3A_1558 = arith.constant 128 : i32
        %dma_wait3A_1559 = tpu.memref_slice %arg9[%dma_wait3A_1555, %dma_wait3A_1558] : memref<2x1024xi32, #tpu.memory_space<vmem>> -> memref<1x128xi32, #tpu.memory_space<vmem>>
        %dma_wait3A_1560 = tpu.memref_squeeze %dma_wait3A_1559 : memref<1x128xi32, #tpu.memory_space<vmem>> -> memref<128xi32, #tpu.memory_space<vmem>>
        %dma_wait3A_1561 = arith.constant 0 : i32
        %dma_wait3A_1562 = tpu.memref_slice %arg13[%dma_wait3A_1561] : memref<100096xf32, #tpu.memory_space<vmem_shared>> -> memref<100096xf32, #tpu.memory_space<vmem_shared>>
        tpu.wait_indirect_dma semaphore(%arg30 : memref<!tpu.dma_semaphore, #tpu.memory_space<semaphore_mem>>) src(%dma_wait3A_1557 : memref<128xf32, #tpu.memory_space<vmem>>) dst(%dma_wait3A_1562 : memref<100096xf32, #tpu.memory_space<vmem_shared>>)
        %dma_wait3A_1563 = arith.constant 1 : i32
        %dma_wait3A_1564 = arith.constant 0 : i32
        %dma_wait3A_1565 = tpu.memref_slice %arg11[%dma_wait3A_1564] : memref<1024xf32, #tpu.memory_space<vmem>> -> memref<128xf32, #tpu.memory_space<vmem>>
        %dma_wait3A_1566 = arith.constant 256 : i32
        %dma_wait3A_1567 = tpu.memref_slice %arg9[%dma_wait3A_1563, %dma_wait3A_1566] : memref<2x1024xi32, #tpu.memory_space<vmem>> -> memref<1x128xi32, #tpu.memory_space<vmem>>
        %dma_wait3A_1568 = tpu.memref_squeeze %dma_wait3A_1567 : memref<1x128xi32, #tpu.memory_space<vmem>> -> memref<128xi32, #tpu.memory_space<vmem>>
        %dma_wait3A_1569 = arith.constant 0 : i32
        %dma_wait3A_1570 = tpu.memref_slice %arg13[%dma_wait3A_1569] : memref<100096xf32, #tpu.memory_space<vmem_shared>> -> memref<100096xf32, #tpu.memory_space<vmem_shared>>
        tpu.wait_indirect_dma semaphore(%arg30 : memref<!tpu.dma_semaphore, #tpu.memory_space<semaphore_mem>>) src(%dma_wait3A_1565 : memref<128xf32, #tpu.memory_space<vmem>>) dst(%dma_wait3A_1570 : memref<100096xf32, #tpu.memory_space<vmem_shared>>)
        %dma_wait3A_1571 = arith.constant 1 : i32
        %dma_wait3A_1572 = arith.constant 0 : i32
        %dma_wait3A_1573 = tpu.memref_slice %arg11[%dma_wait3A_1572] : memref<1024xf32, #tpu.memory_space<vmem>> -> memref<128xf32, #tpu.memory_space<vmem>>
        %dma_wait3A_1574 = arith.constant 384 : i32
        %dma_wait3A_1575 = tpu.memref_slice %arg9[%dma_wait3A_1571, %dma_wait3A_1574] : memref<2x1024xi32, #tpu.memory_space<vmem>> -> memref<1x128xi32, #tpu.memory_space<vmem>>
        %dma_wait3A_1576 = tpu.memref_squeeze %dma_wait3A_1575 : memref<1x128xi32, #tpu.memory_space<vmem>> -> memref<128xi32, #tpu.memory_space<vmem>>
        %dma_wait3A_1577 = arith.constant 0 : i32
        %dma_wait3A_1578 = tpu.memref_slice %arg13[%dma_wait3A_1577] : memref<100096xf32, #tpu.memory_space<vmem_shared>> -> memref<100096xf32, #tpu.memory_space<vmem_shared>>
        tpu.wait_indirect_dma semaphore(%arg30 : memref<!tpu.dma_semaphore, #tpu.memory_space<semaphore_mem>>) src(%dma_wait3A_1573 : memref<128xf32, #tpu.memory_space<vmem>>) dst(%dma_wait3A_1578 : memref<100096xf32, #tpu.memory_space<vmem_shared>>)
        %dma_wait3A_1579 = arith.constant 1 : i32
        %dma_wait3A_1580 = arith.constant 0 : i32
        %dma_wait3A_1581 = tpu.memref_slice %arg11[%dma_wait3A_1580] : memref<1024xf32, #tpu.memory_space<vmem>> -> memref<128xf32, #tpu.memory_space<vmem>>
        %dma_wait3A_1582 = arith.constant 512 : i32
        %dma_wait3A_1583 = tpu.memref_slice %arg9[%dma_wait3A_1579, %dma_wait3A_1582] : memref<2x1024xi32, #tpu.memory_space<vmem>> -> memref<1x128xi32, #tpu.memory_space<vmem>>
        %dma_wait3A_1584 = tpu.memref_squeeze %dma_wait3A_1583 : memref<1x128xi32, #tpu.memory_space<vmem>> -> memref<128xi32, #tpu.memory_space<vmem>>
        %dma_wait3A_1585 = arith.constant 0 : i32
        %dma_wait3A_1586 = tpu.memref_slice %arg13[%dma_wait3A_1585] : memref<100096xf32, #tpu.memory_space<vmem_shared>> -> memref<100096xf32, #tpu.memory_space<vmem_shared>>
        tpu.wait_indirect_dma semaphore(%arg30 : memref<!tpu.dma_semaphore, #tpu.memory_space<semaphore_mem>>) src(%dma_wait3A_1581 : memref<128xf32, #tpu.memory_space<vmem>>) dst(%dma_wait3A_1586 : memref<100096xf32, #tpu.memory_space<vmem_shared>>)
        %dma_wait3A_1587 = arith.constant 1 : i32
        %dma_wait3A_1588 = arith.constant 0 : i32
        %dma_wait3A_1589 = tpu.memref_slice %arg11[%dma_wait3A_1588] : memref<1024xf32, #tpu.memory_space<vmem>> -> memref<128xf32, #tpu.memory_space<vmem>>
        %dma_wait3A_1590 = arith.constant 640 : i32
        %dma_wait3A_1591 = tpu.memref_slice %arg9[%dma_wait3A_1587, %dma_wait3A_1590] : memref<2x1024xi32, #tpu.memory_space<vmem>> -> memref<1x128xi32, #tpu.memory_space<vmem>>
        %dma_wait3A_1592 = tpu.memref_squeeze %dma_wait3A_1591 : memref<1x128xi32, #tpu.memory_space<vmem>> -> memref<128xi32, #tpu.memory_space<vmem>>
        %dma_wait3A_1593 = arith.constant 0 : i32
        %dma_wait3A_1594 = tpu.memref_slice %arg13[%dma_wait3A_1593] : memref<100096xf32, #tpu.memory_space<vmem_shared>> -> memref<100096xf32, #tpu.memory_space<vmem_shared>>
        tpu.wait_indirect_dma semaphore(%arg30 : memref<!tpu.dma_semaphore, #tpu.memory_space<semaphore_mem>>) src(%dma_wait3A_1589 : memref<128xf32, #tpu.memory_space<vmem>>) dst(%dma_wait3A_1594 : memref<100096xf32, #tpu.memory_space<vmem_shared>>)
        %dma_wait3A_1595 = arith.constant 1 : i32
        %dma_wait3A_1596 = arith.constant 0 : i32
        %dma_wait3A_1597 = tpu.memref_slice %arg11[%dma_wait3A_1596] : memref<1024xf32, #tpu.memory_space<vmem>> -> memref<128xf32, #tpu.memory_space<vmem>>
        %dma_wait3A_1598 = arith.constant 768 : i32
        %dma_wait3A_1599 = tpu.memref_slice %arg9[%dma_wait3A_1595, %dma_wait3A_1598] : memref<2x1024xi32, #tpu.memory_space<vmem>> -> memref<1x128xi32, #tpu.memory_space<vmem>>
        %dma_wait3A_1600 = tpu.memref_squeeze %dma_wait3A_1599 : memref<1x128xi32, #tpu.memory_space<vmem>> -> memref<128xi32, #tpu.memory_space<vmem>>
        %dma_wait3A_1601 = arith.constant 0 : i32
        %dma_wait3A_1602 = tpu.memref_slice %arg13[%dma_wait3A_1601] : memref<100096xf32, #tpu.memory_space<vmem_shared>> -> memref<100096xf32, #tpu.memory_space<vmem_shared>>
        tpu.wait_indirect_dma semaphore(%arg30 : memref<!tpu.dma_semaphore, #tpu.memory_space<semaphore_mem>>) src(%dma_wait3A_1597 : memref<128xf32, #tpu.memory_space<vmem>>) dst(%dma_wait3A_1602 : memref<100096xf32, #tpu.memory_space<vmem_shared>>)
        %dma_wait3A_1603 = arith.constant 1 : i32
        %dma_wait3A_1604 = arith.constant 0 : i32
        %dma_wait3A_1605 = tpu.memref_slice %arg11[%dma_wait3A_1604] : memref<1024xf32, #tpu.memory_space<vmem>> -> memref<128xf32, #tpu.memory_space<vmem>>
        %dma_wait3A_1606 = arith.constant 896 : i32
        %dma_wait3A_1607 = tpu.memref_slice %arg9[%dma_wait3A_1603, %dma_wait3A_1606] : memref<2x1024xi32, #tpu.memory_space<vmem>> -> memref<1x128xi32, #tpu.memory_space<vmem>>
        %dma_wait3A_1608 = tpu.memref_squeeze %dma_wait3A_1607 : memref<1x128xi32, #tpu.memory_space<vmem>> -> memref<128xi32, #tpu.memory_space<vmem>>
        %dma_wait3A_1609 = arith.constant 0 : i32
        %dma_wait3A_1610 = tpu.memref_slice %arg13[%dma_wait3A_1609] : memref<100096xf32, #tpu.memory_space<vmem_shared>> -> memref<100096xf32, #tpu.memory_space<vmem_shared>>
        tpu.wait_indirect_dma semaphore(%arg30 : memref<!tpu.dma_semaphore, #tpu.memory_space<semaphore_mem>>) src(%dma_wait3A_1605 : memref<128xf32, #tpu.memory_space<vmem>>) dst(%dma_wait3A_1610 : memref<100096xf32, #tpu.memory_space<vmem_shared>>)
      } else {
      }
      %add3A_795 = arith.constant 1 : i32
      %add3A_796 = arith.addi %mul3A_664, %add3A_795 : i32
      %mul3A_797 = arith.constant 32 : i32
      %mul3A_798 = arith.muli %add3A_796, %mul3A_797 : i32
      %add3A_799 = arith.addi %add3A, %mul3A_798 : i32
      %mul3A_800 = arith.constant 1024 : i32
      %mul3A_801 = arith.muli %add3A_799, %mul3A_800 : i32
      %dma_start3A_802 = arith.constant 1 : i32
      %dma_start3A_803 = arith.constant 0 : i32
      %dma_start3A_804 = tpu.memref_slice %arg8[%dma_start3A_802, %dma_start3A_803] : memref<2x1024xi32, #tpu.memory_space<vmem>> -> memref<1x1024xi32, #tpu.memory_space<vmem>>
      %dma_start3A_805 = tpu.memref_squeeze %dma_start3A_804 : memref<1x1024xi32, #tpu.memory_space<vmem>> -> memref<1024xi32, #tpu.memory_space<vmem>>
      %dma_start3A_806 = tpu.memref_slice %arg2[%mul3A_801] : memref<6400000xi32, #tpu.memory_space<hbm>> -> memref<1024xi32, #tpu.memory_space<hbm>>
      %dma_start3A_807 = arith.constant 0 : i32
      %dma_start3A_808 = tpu.memref_slice %arg8[%dma_start3A_802, %dma_start3A_807] : memref<2x1024xi32, #tpu.memory_space<vmem>> -> memref<1x1024xi32, #tpu.memory_space<vmem>>
      %dma_start3A_809 = tpu.memref_squeeze %dma_start3A_808 : memref<1x1024xi32, #tpu.memory_space<vmem>> -> memref<1024xi32, #tpu.memory_space<vmem>>
      %dma_start3A_810 = tpu.memref_slice %arg2[%mul3A_801] : memref<6400000xi32, #tpu.memory_space<hbm>> -> memref<1024xi32, #tpu.memory_space<hbm>>
      tpu.enqueue_dma source(%dma_start3A_810 : memref<1024xi32, #tpu.memory_space<hbm>>) target(%dma_start3A_809 : memref<1024xi32, #tpu.memory_space<vmem>>) target_semaphore(%arg31 : memref<!tpu.dma_semaphore, #tpu.memory_space<semaphore_mem>>)
      %mul3A_811 = arith.constant 1024 : i32
      %mul3A_812 = arith.muli %add3A_799, %mul3A_811 : i32
      %add3A_813 = arith.constant 3200000 : i32
      %add3A_814 = arith.addi %add3A_813, %mul3A_812 : i32
      %dma_start3A_815 = arith.constant 1 : i32
      %dma_start3A_816 = arith.constant 0 : i32
      %dma_start3A_817 = tpu.memref_slice %arg9[%dma_start3A_815, %dma_start3A_816] : memref<2x1024xi32, #tpu.memory_space<vmem>> -> memref<1x1024xi32, #tpu.memory_space<vmem>>
      %dma_start3A_818 = tpu.memref_squeeze %dma_start3A_817 : memref<1x1024xi32, #tpu.memory_space<vmem>> -> memref<1024xi32, #tpu.memory_space<vmem>>
      %dma_start3A_819 = tpu.memref_slice %arg2[%add3A_814] : memref<6400000xi32, #tpu.memory_space<hbm>> -> memref<1024xi32, #tpu.memory_space<hbm>>
      %dma_start3A_820 = arith.constant 0 : i32
      %dma_start3A_821 = tpu.memref_slice %arg9[%dma_start3A_815, %dma_start3A_820] : memref<2x1024xi32, #tpu.memory_space<vmem>> -> memref<1x1024xi32, #tpu.memory_space<vmem>>
      %dma_start3A_822 = tpu.memref_squeeze %dma_start3A_821 : memref<1x1024xi32, #tpu.memory_space<vmem>> -> memref<1024xi32, #tpu.memory_space<vmem>>
      %dma_start3A_823 = tpu.memref_slice %arg2[%add3A_814] : memref<6400000xi32, #tpu.memory_space<hbm>> -> memref<1024xi32, #tpu.memory_space<hbm>>
      tpu.enqueue_dma source(%dma_start3A_823 : memref<1024xi32, #tpu.memory_space<hbm>>) target(%dma_start3A_822 : memref<1024xi32, #tpu.memory_space<vmem>>) target_semaphore(%arg31 : memref<!tpu.dma_semaphore, #tpu.memory_space<semaphore_mem>>)
      %dma_wait3A_824 = arith.constant 0 : i32
      %dma_wait3A_825 = arith.constant 0 : i32
      %dma_wait3A_826 = arith.constant 0 : i32
      %dma_wait3A_827 = tpu.memref_slice %arg10[%dma_wait3A_825, %dma_wait3A_826] : memref<1024x16xf32, #tpu.memory_space<vmem>> -> memref<128x16xf32, #tpu.memory_space<vmem>>
      %dma_wait3A_828 = arith.constant 0 : i32
      %dma_wait3A_829 = tpu.memref_slice %arg8[%dma_wait3A_824, %dma_wait3A_828] : memref<2x1024xi32, #tpu.memory_space<vmem>> -> memref<1x128xi32, #tpu.memory_space<vmem>>
      %dma_wait3A_830 = tpu.memref_squeeze %dma_wait3A_829 : memref<1x128xi32, #tpu.memory_space<vmem>> -> memref<128xi32, #tpu.memory_space<vmem>>
      %dma_wait3A_831 = arith.constant 0 : i32
      %dma_wait3A_832 = arith.constant 0 : i32
      %dma_wait3A_833 = tpu.memref_slice %arg3[%dma_wait3A_831, %dma_wait3A_832] : memref<100096x16xf32, #tpu.memory_space<hbm>> -> memref<100096x16xf32, #tpu.memory_space<hbm>>
      tpu.wait_indirect_dma semaphore(%arg14 : memref<!tpu.dma_semaphore, #tpu.memory_space<semaphore_mem>>) src(%dma_wait3A_833 : memref<100096x16xf32, #tpu.memory_space<hbm>>) dst(%dma_wait3A_827 : memref<128x16xf32, #tpu.memory_space<vmem>>)
      %dma_start3A_834 = arith.constant 0 : i32
      %dma_start3A_835 = arith.constant 0 : i32
      %dma_start3A_836 = arith.constant 0 : i32
      %dma_start3A_837 = tpu.memref_slice %arg10[%dma_start3A_835, %dma_start3A_836] : memref<1024x16xf32, #tpu.memory_space<vmem>> -> memref<128x16xf32, #tpu.memory_space<vmem>>
      %dma_start3A_838 = arith.constant 0 : i32
      %dma_start3A_839 = tpu.memref_slice %arg9[%dma_start3A_834, %dma_start3A_838] : memref<2x1024xi32, #tpu.memory_space<vmem>> -> memref<1x128xi32, #tpu.memory_space<vmem>>
      %dma_start3A_840 = tpu.memref_squeeze %dma_start3A_839 : memref<1x128xi32, #tpu.memory_space<vmem>> -> memref<128xi32, #tpu.memory_space<vmem>>
      %dma_start3A_841 = arith.constant 0 : i32
      %dma_start3A_842 = arith.constant 0 : i32
      %dma_start3A_843 = tpu.memref_slice %arg12[%dma_start3A_841, %dma_start3A_842] : memref<100096x16xf32, #tpu.memory_space<vmem_shared>> -> memref<100096x16xf32, #tpu.memory_space<vmem_shared>>
      tpu.enqueue_indirect_dma source(%dma_start3A_837 : memref<128x16xf32, #tpu.memory_space<vmem>>) target(%dma_start3A_843 : memref<100096x16xf32, #tpu.memory_space<vmem_shared>>) offsets(%dma_start3A_840 : memref<128xi32, #tpu.memory_space<vmem>>) semaphore(%arg22 : memref<!tpu.dma_semaphore, #tpu.memory_space<semaphore_mem>>) {add = true}
      %dma_start3A_844 = arith.constant 0 : i32
      %dma_start3A_845 = arith.constant 0 : i32
      %dma_start3A_846 = tpu.memref_slice %arg11[%dma_start3A_845] : memref<1024xf32, #tpu.memory_space<vmem>> -> memref<128xf32, #tpu.memory_space<vmem>>
      %dma_start3A_847 = arith.constant 0 : i32
      %dma_start3A_848 = tpu.memref_slice %arg9[%dma_start3A_844, %dma_start3A_847] : memref<2x1024xi32, #tpu.memory_space<vmem>> -> memref<1x128xi32, #tpu.memory_space<vmem>>
      %dma_start3A_849 = tpu.memref_squeeze %dma_start3A_848 : memref<1x128xi32, #tpu.memory_space<vmem>> -> memref<128xi32, #tpu.memory_space<vmem>>
      %dma_start3A_850 = arith.constant 0 : i32
      %dma_start3A_851 = tpu.memref_slice %arg13[%dma_start3A_850] : memref<100096xf32, #tpu.memory_space<vmem_shared>> -> memref<100096xf32, #tpu.memory_space<vmem_shared>>
      tpu.enqueue_indirect_dma source(%dma_start3A_846 : memref<128xf32, #tpu.memory_space<vmem>>) target(%dma_start3A_851 : memref<100096xf32, #tpu.memory_space<vmem_shared>>) offsets(%dma_start3A_849 : memref<128xi32, #tpu.memory_space<vmem>>) semaphore(%arg30 : memref<!tpu.dma_semaphore, #tpu.memory_space<semaphore_mem>>) {add = true}
      %dma_wait3A_852 = arith.constant 0 : i32
      %dma_wait3A_853 = arith.constant 128 : i32
      %dma_wait3A_854 = arith.constant 0 : i32
      %dma_wait3A_855 = tpu.memref_slice %arg10[%dma_wait3A_853, %dma_wait3A_854] : memref<1024x16xf32, #tpu.memory_space<vmem>> -> memref<128x16xf32, #tpu.memory_space<vmem>>
      %dma_wait3A_856 = arith.constant 128 : i32
      %dma_wait3A_857 = tpu.memref_slice %arg8[%dma_wait3A_852, %dma_wait3A_856] : memref<2x1024xi32, #tpu.memory_space<vmem>> -> memref<1x128xi32, #tpu.memory_space<vmem>>
      %dma_wait3A_858 = tpu.memref_squeeze %dma_wait3A_857 : memref<1x128xi32, #tpu.memory_space<vmem>> -> memref<128xi32, #tpu.memory_space<vmem>>
      %dma_wait3A_859 = arith.constant 0 : i32
      %dma_wait3A_860 = arith.constant 0 : i32
      %dma_wait3A_861 = tpu.memref_slice %arg3[%dma_wait3A_859, %dma_wait3A_860] : memref<100096x16xf32, #tpu.memory_space<hbm>> -> memref<100096x16xf32, #tpu.memory_space<hbm>>
      tpu.wait_indirect_dma semaphore(%arg15 : memref<!tpu.dma_semaphore, #tpu.memory_space<semaphore_mem>>) src(%dma_wait3A_861 : memref<100096x16xf32, #tpu.memory_space<hbm>>) dst(%dma_wait3A_855 : memref<128x16xf32, #tpu.memory_space<vmem>>)
      %dma_start3A_862 = arith.constant 0 : i32
      %dma_start3A_863 = arith.constant 128 : i32
      %dma_start3A_864 = arith.constant 0 : i32
      %dma_start3A_865 = tpu.memref_slice %arg10[%dma_start3A_863, %dma_start3A_864] : memref<1024x16xf32, #tpu.memory_space<vmem>> -> memref<128x16xf32, #tpu.memory_space<vmem>>
      %dma_start3A_866 = arith.constant 128 : i32
      %dma_start3A_867 = tpu.memref_slice %arg9[%dma_start3A_862, %dma_start3A_866] : memref<2x1024xi32, #tpu.memory_space<vmem>> -> memref<1x128xi32, #tpu.memory_space<vmem>>
      %dma_start3A_868 = tpu.memref_squeeze %dma_start3A_867 : memref<1x128xi32, #tpu.memory_space<vmem>> -> memref<128xi32, #tpu.memory_space<vmem>>
      %dma_start3A_869 = arith.constant 0 : i32
      %dma_start3A_870 = arith.constant 0 : i32
      %dma_start3A_871 = tpu.memref_slice %arg12[%dma_start3A_869, %dma_start3A_870] : memref<100096x16xf32, #tpu.memory_space<vmem_shared>> -> memref<100096x16xf32, #tpu.memory_space<vmem_shared>>
      tpu.enqueue_indirect_dma source(%dma_start3A_865 : memref<128x16xf32, #tpu.memory_space<vmem>>) target(%dma_start3A_871 : memref<100096x16xf32, #tpu.memory_space<vmem_shared>>) offsets(%dma_start3A_868 : memref<128xi32, #tpu.memory_space<vmem>>) semaphore(%arg23 : memref<!tpu.dma_semaphore, #tpu.memory_space<semaphore_mem>>) {add = true}
      %dma_start3A_872 = arith.constant 0 : i32
      %dma_start3A_873 = arith.constant 0 : i32
      %dma_start3A_874 = tpu.memref_slice %arg11[%dma_start3A_873] : memref<1024xf32, #tpu.memory_space<vmem>> -> memref<128xf32, #tpu.memory_space<vmem>>
      %dma_start3A_875 = arith.constant 128 : i32
      %dma_start3A_876 = tpu.memref_slice %arg9[%dma_start3A_872, %dma_start3A_875] : memref<2x1024xi32, #tpu.memory_space<vmem>> -> memref<1x128xi32, #tpu.memory_space<vmem>>
      %dma_start3A_877 = tpu.memref_squeeze %dma_start3A_876 : memref<1x128xi32, #tpu.memory_space<vmem>> -> memref<128xi32, #tpu.memory_space<vmem>>
      %dma_start3A_878 = arith.constant 0 : i32
      %dma_start3A_879 = tpu.memref_slice %arg13[%dma_start3A_878] : memref<100096xf32, #tpu.memory_space<vmem_shared>> -> memref<100096xf32, #tpu.memory_space<vmem_shared>>
      tpu.enqueue_indirect_dma source(%dma_start3A_874 : memref<128xf32, #tpu.memory_space<vmem>>) target(%dma_start3A_879 : memref<100096xf32, #tpu.memory_space<vmem_shared>>) offsets(%dma_start3A_877 : memref<128xi32, #tpu.memory_space<vmem>>) semaphore(%arg30 : memref<!tpu.dma_semaphore, #tpu.memory_space<semaphore_mem>>) {add = true}
      %dma_wait3A_880 = arith.constant 0 : i32
      %dma_wait3A_881 = arith.constant 256 : i32
      %dma_wait3A_882 = arith.constant 0 : i32
      %dma_wait3A_883 = tpu.memref_slice %arg10[%dma_wait3A_881, %dma_wait3A_882] : memref<1024x16xf32, #tpu.memory_space<vmem>> -> memref<128x16xf32, #tpu.memory_space<vmem>>
      %dma_wait3A_884 = arith.constant 256 : i32
      %dma_wait3A_885 = tpu.memref_slice %arg8[%dma_wait3A_880, %dma_wait3A_884] : memref<2x1024xi32, #tpu.memory_space<vmem>> -> memref<1x128xi32, #tpu.memory_space<vmem>>
      %dma_wait3A_886 = tpu.memref_squeeze %dma_wait3A_885 : memref<1x128xi32, #tpu.memory_space<vmem>> -> memref<128xi32, #tpu.memory_space<vmem>>
      %dma_wait3A_887 = arith.constant 0 : i32
      %dma_wait3A_888 = arith.constant 0 : i32
      %dma_wait3A_889 = tpu.memref_slice %arg3[%dma_wait3A_887, %dma_wait3A_888] : memref<100096x16xf32, #tpu.memory_space<hbm>> -> memref<100096x16xf32, #tpu.memory_space<hbm>>
      tpu.wait_indirect_dma semaphore(%arg16 : memref<!tpu.dma_semaphore, #tpu.memory_space<semaphore_mem>>) src(%dma_wait3A_889 : memref<100096x16xf32, #tpu.memory_space<hbm>>) dst(%dma_wait3A_883 : memref<128x16xf32, #tpu.memory_space<vmem>>)
      %dma_start3A_890 = arith.constant 0 : i32
      %dma_start3A_891 = arith.constant 256 : i32
      %dma_start3A_892 = arith.constant 0 : i32
      %dma_start3A_893 = tpu.memref_slice %arg10[%dma_start3A_891, %dma_start3A_892] : memref<1024x16xf32, #tpu.memory_space<vmem>> -> memref<128x16xf32, #tpu.memory_space<vmem>>
      %dma_start3A_894 = arith.constant 256 : i32
      %dma_start3A_895 = tpu.memref_slice %arg9[%dma_start3A_890, %dma_start3A_894] : memref<2x1024xi32, #tpu.memory_space<vmem>> -> memref<1x128xi32, #tpu.memory_space<vmem>>
      %dma_start3A_896 = tpu.memref_squeeze %dma_start3A_895 : memref<1x128xi32, #tpu.memory_space<vmem>> -> memref<128xi32, #tpu.memory_space<vmem>>
      %dma_start3A_897 = arith.constant 0 : i32
      %dma_start3A_898 = arith.constant 0 : i32
      %dma_start3A_899 = tpu.memref_slice %arg12[%dma_start3A_897, %dma_start3A_898] : memref<100096x16xf32, #tpu.memory_space<vmem_shared>> -> memref<100096x16xf32, #tpu.memory_space<vmem_shared>>
      tpu.enqueue_indirect_dma source(%dma_start3A_893 : memref<128x16xf32, #tpu.memory_space<vmem>>) target(%dma_start3A_899 : memref<100096x16xf32, #tpu.memory_space<vmem_shared>>) offsets(%dma_start3A_896 : memref<128xi32, #tpu.memory_space<vmem>>) semaphore(%arg24 : memref<!tpu.dma_semaphore, #tpu.memory_space<semaphore_mem>>) {add = true}
      %dma_start3A_900 = arith.constant 0 : i32
      %dma_start3A_901 = arith.constant 0 : i32
      %dma_start3A_902 = tpu.memref_slice %arg11[%dma_start3A_901] : memref<1024xf32, #tpu.memory_space<vmem>> -> memref<128xf32, #tpu.memory_space<vmem>>
      %dma_start3A_903 = arith.constant 256 : i32
      %dma_start3A_904 = tpu.memref_slice %arg9[%dma_start3A_900, %dma_start3A_903] : memref<2x1024xi32, #tpu.memory_space<vmem>> -> memref<1x128xi32, #tpu.memory_space<vmem>>
      %dma_start3A_905 = tpu.memref_squeeze %dma_start3A_904 : memref<1x128xi32, #tpu.memory_space<vmem>> -> memref<128xi32, #tpu.memory_space<vmem>>
      %dma_start3A_906 = arith.constant 0 : i32
      %dma_start3A_907 = tpu.memref_slice %arg13[%dma_start3A_906] : memref<100096xf32, #tpu.memory_space<vmem_shared>> -> memref<100096xf32, #tpu.memory_space<vmem_shared>>
      tpu.enqueue_indirect_dma source(%dma_start3A_902 : memref<128xf32, #tpu.memory_space<vmem>>) target(%dma_start3A_907 : memref<100096xf32, #tpu.memory_space<vmem_shared>>) offsets(%dma_start3A_905 : memref<128xi32, #tpu.memory_space<vmem>>) semaphore(%arg30 : memref<!tpu.dma_semaphore, #tpu.memory_space<semaphore_mem>>) {add = true}
      %dma_wait3A_908 = arith.constant 0 : i32
      %dma_wait3A_909 = arith.constant 384 : i32
      %dma_wait3A_910 = arith.constant 0 : i32
      %dma_wait3A_911 = tpu.memref_slice %arg10[%dma_wait3A_909, %dma_wait3A_910] : memref<1024x16xf32, #tpu.memory_space<vmem>> -> memref<128x16xf32, #tpu.memory_space<vmem>>
      %dma_wait3A_912 = arith.constant 384 : i32
      %dma_wait3A_913 = tpu.memref_slice %arg8[%dma_wait3A_908, %dma_wait3A_912] : memref<2x1024xi32, #tpu.memory_space<vmem>> -> memref<1x128xi32, #tpu.memory_space<vmem>>
      %dma_wait3A_914 = tpu.memref_squeeze %dma_wait3A_913 : memref<1x128xi32, #tpu.memory_space<vmem>> -> memref<128xi32, #tpu.memory_space<vmem>>
      %dma_wait3A_915 = arith.constant 0 : i32
      %dma_wait3A_916 = arith.constant 0 : i32
      %dma_wait3A_917 = tpu.memref_slice %arg3[%dma_wait3A_915, %dma_wait3A_916] : memref<100096x16xf32, #tpu.memory_space<hbm>> -> memref<100096x16xf32, #tpu.memory_space<hbm>>
      tpu.wait_indirect_dma semaphore(%arg17 : memref<!tpu.dma_semaphore, #tpu.memory_space<semaphore_mem>>) src(%dma_wait3A_917 : memref<100096x16xf32, #tpu.memory_space<hbm>>) dst(%dma_wait3A_911 : memref<128x16xf32, #tpu.memory_space<vmem>>)
      %dma_start3A_918 = arith.constant 0 : i32
      %dma_start3A_919 = arith.constant 384 : i32
      %dma_start3A_920 = arith.constant 0 : i32
      %dma_start3A_921 = tpu.memref_slice %arg10[%dma_start3A_919, %dma_start3A_920] : memref<1024x16xf32, #tpu.memory_space<vmem>> -> memref<128x16xf32, #tpu.memory_space<vmem>>
      %dma_start3A_922 = arith.constant 384 : i32
      %dma_start3A_923 = tpu.memref_slice %arg9[%dma_start3A_918, %dma_start3A_922] : memref<2x1024xi32, #tpu.memory_space<vmem>> -> memref<1x128xi32, #tpu.memory_space<vmem>>
      %dma_start3A_924 = tpu.memref_squeeze %dma_start3A_923 : memref<1x128xi32, #tpu.memory_space<vmem>> -> memref<128xi32, #tpu.memory_space<vmem>>
      %dma_start3A_925 = arith.constant 0 : i32
      %dma_start3A_926 = arith.constant 0 : i32
      %dma_start3A_927 = tpu.memref_slice %arg12[%dma_start3A_925, %dma_start3A_926] : memref<100096x16xf32, #tpu.memory_space<vmem_shared>> -> memref<100096x16xf32, #tpu.memory_space<vmem_shared>>
      tpu.enqueue_indirect_dma source(%dma_start3A_921 : memref<128x16xf32, #tpu.memory_space<vmem>>) target(%dma_start3A_927 : memref<100096x16xf32, #tpu.memory_space<vmem_shared>>) offsets(%dma_start3A_924 : memref<128xi32, #tpu.memory_space<vmem>>) semaphore(%arg25 : memref<!tpu.dma_semaphore, #tpu.memory_space<semaphore_mem>>) {add = true}
      %dma_start3A_928 = arith.constant 0 : i32
      %dma_start3A_929 = arith.constant 0 : i32
      %dma_start3A_930 = tpu.memref_slice %arg11[%dma_start3A_929] : memref<1024xf32, #tpu.memory_space<vmem>> -> memref<128xf32, #tpu.memory_space<vmem>>
      %dma_start3A_931 = arith.constant 384 : i32
      %dma_start3A_932 = tpu.memref_slice %arg9[%dma_start3A_928, %dma_start3A_931] : memref<2x1024xi32, #tpu.memory_space<vmem>> -> memref<1x128xi32, #tpu.memory_space<vmem>>
      %dma_start3A_933 = tpu.memref_squeeze %dma_start3A_932 : memref<1x128xi32, #tpu.memory_space<vmem>> -> memref<128xi32, #tpu.memory_space<vmem>>
      %dma_start3A_934 = arith.constant 0 : i32
      %dma_start3A_935 = tpu.memref_slice %arg13[%dma_start3A_934] : memref<100096xf32, #tpu.memory_space<vmem_shared>> -> memref<100096xf32, #tpu.memory_space<vmem_shared>>
      tpu.enqueue_indirect_dma source(%dma_start3A_930 : memref<128xf32, #tpu.memory_space<vmem>>) target(%dma_start3A_935 : memref<100096xf32, #tpu.memory_space<vmem_shared>>) offsets(%dma_start3A_933 : memref<128xi32, #tpu.memory_space<vmem>>) semaphore(%arg30 : memref<!tpu.dma_semaphore, #tpu.memory_space<semaphore_mem>>) {add = true}
      %dma_wait3A_936 = arith.constant 0 : i32
      %dma_wait3A_937 = arith.constant 512 : i32
      %dma_wait3A_938 = arith.constant 0 : i32
      %dma_wait3A_939 = tpu.memref_slice %arg10[%dma_wait3A_937, %dma_wait3A_938] : memref<1024x16xf32, #tpu.memory_space<vmem>> -> memref<128x16xf32, #tpu.memory_space<vmem>>
      %dma_wait3A_940 = arith.constant 512 : i32
      %dma_wait3A_941 = tpu.memref_slice %arg8[%dma_wait3A_936, %dma_wait3A_940] : memref<2x1024xi32, #tpu.memory_space<vmem>> -> memref<1x128xi32, #tpu.memory_space<vmem>>
      %dma_wait3A_942 = tpu.memref_squeeze %dma_wait3A_941 : memref<1x128xi32, #tpu.memory_space<vmem>> -> memref<128xi32, #tpu.memory_space<vmem>>
      %dma_wait3A_943 = arith.constant 0 : i32
      %dma_wait3A_944 = arith.constant 0 : i32
      %dma_wait3A_945 = tpu.memref_slice %arg3[%dma_wait3A_943, %dma_wait3A_944] : memref<100096x16xf32, #tpu.memory_space<hbm>> -> memref<100096x16xf32, #tpu.memory_space<hbm>>
      tpu.wait_indirect_dma semaphore(%arg18 : memref<!tpu.dma_semaphore, #tpu.memory_space<semaphore_mem>>) src(%dma_wait3A_945 : memref<100096x16xf32, #tpu.memory_space<hbm>>) dst(%dma_wait3A_939 : memref<128x16xf32, #tpu.memory_space<vmem>>)
      %dma_start3A_946 = arith.constant 0 : i32
      %dma_start3A_947 = arith.constant 512 : i32
      %dma_start3A_948 = arith.constant 0 : i32
      %dma_start3A_949 = tpu.memref_slice %arg10[%dma_start3A_947, %dma_start3A_948] : memref<1024x16xf32, #tpu.memory_space<vmem>> -> memref<128x16xf32, #tpu.memory_space<vmem>>
      %dma_start3A_950 = arith.constant 512 : i32
      %dma_start3A_951 = tpu.memref_slice %arg9[%dma_start3A_946, %dma_start3A_950] : memref<2x1024xi32, #tpu.memory_space<vmem>> -> memref<1x128xi32, #tpu.memory_space<vmem>>
      %dma_start3A_952 = tpu.memref_squeeze %dma_start3A_951 : memref<1x128xi32, #tpu.memory_space<vmem>> -> memref<128xi32, #tpu.memory_space<vmem>>
      %dma_start3A_953 = arith.constant 0 : i32
      %dma_start3A_954 = arith.constant 0 : i32
      %dma_start3A_955 = tpu.memref_slice %arg12[%dma_start3A_953, %dma_start3A_954] : memref<100096x16xf32, #tpu.memory_space<vmem_shared>> -> memref<100096x16xf32, #tpu.memory_space<vmem_shared>>
      tpu.enqueue_indirect_dma source(%dma_start3A_949 : memref<128x16xf32, #tpu.memory_space<vmem>>) target(%dma_start3A_955 : memref<100096x16xf32, #tpu.memory_space<vmem_shared>>) offsets(%dma_start3A_952 : memref<128xi32, #tpu.memory_space<vmem>>) semaphore(%arg26 : memref<!tpu.dma_semaphore, #tpu.memory_space<semaphore_mem>>) {add = true}
      %dma_start3A_956 = arith.constant 0 : i32
      %dma_start3A_957 = arith.constant 0 : i32
      %dma_start3A_958 = tpu.memref_slice %arg11[%dma_start3A_957] : memref<1024xf32, #tpu.memory_space<vmem>> -> memref<128xf32, #tpu.memory_space<vmem>>
      %dma_start3A_959 = arith.constant 512 : i32
      %dma_start3A_960 = tpu.memref_slice %arg9[%dma_start3A_956, %dma_start3A_959] : memref<2x1024xi32, #tpu.memory_space<vmem>> -> memref<1x128xi32, #tpu.memory_space<vmem>>
      %dma_start3A_961 = tpu.memref_squeeze %dma_start3A_960 : memref<1x128xi32, #tpu.memory_space<vmem>> -> memref<128xi32, #tpu.memory_space<vmem>>
      %dma_start3A_962 = arith.constant 0 : i32
      %dma_start3A_963 = tpu.memref_slice %arg13[%dma_start3A_962] : memref<100096xf32, #tpu.memory_space<vmem_shared>> -> memref<100096xf32, #tpu.memory_space<vmem_shared>>
      tpu.enqueue_indirect_dma source(%dma_start3A_958 : memref<128xf32, #tpu.memory_space<vmem>>) target(%dma_start3A_963 : memref<100096xf32, #tpu.memory_space<vmem_shared>>) offsets(%dma_start3A_961 : memref<128xi32, #tpu.memory_space<vmem>>) semaphore(%arg30 : memref<!tpu.dma_semaphore, #tpu.memory_space<semaphore_mem>>) {add = true}
      %dma_wait3A_964 = arith.constant 0 : i32
      %dma_wait3A_965 = arith.constant 640 : i32
      %dma_wait3A_966 = arith.constant 0 : i32
      %dma_wait3A_967 = tpu.memref_slice %arg10[%dma_wait3A_965, %dma_wait3A_966] : memref<1024x16xf32, #tpu.memory_space<vmem>> -> memref<128x16xf32, #tpu.memory_space<vmem>>
      %dma_wait3A_968 = arith.constant 640 : i32
      %dma_wait3A_969 = tpu.memref_slice %arg8[%dma_wait3A_964, %dma_wait3A_968] : memref<2x1024xi32, #tpu.memory_space<vmem>> -> memref<1x128xi32, #tpu.memory_space<vmem>>
      %dma_wait3A_970 = tpu.memref_squeeze %dma_wait3A_969 : memref<1x128xi32, #tpu.memory_space<vmem>> -> memref<128xi32, #tpu.memory_space<vmem>>
      %dma_wait3A_971 = arith.constant 0 : i32
      %dma_wait3A_972 = arith.constant 0 : i32
      %dma_wait3A_973 = tpu.memref_slice %arg3[%dma_wait3A_971, %dma_wait3A_972] : memref<100096x16xf32, #tpu.memory_space<hbm>> -> memref<100096x16xf32, #tpu.memory_space<hbm>>
      tpu.wait_indirect_dma semaphore(%arg19 : memref<!tpu.dma_semaphore, #tpu.memory_space<semaphore_mem>>) src(%dma_wait3A_973 : memref<100096x16xf32, #tpu.memory_space<hbm>>) dst(%dma_wait3A_967 : memref<128x16xf32, #tpu.memory_space<vmem>>)
      %dma_start3A_974 = arith.constant 0 : i32
      %dma_start3A_975 = arith.constant 640 : i32
      %dma_start3A_976 = arith.constant 0 : i32
      %dma_start3A_977 = tpu.memref_slice %arg10[%dma_start3A_975, %dma_start3A_976] : memref<1024x16xf32, #tpu.memory_space<vmem>> -> memref<128x16xf32, #tpu.memory_space<vmem>>
      %dma_start3A_978 = arith.constant 640 : i32
      %dma_start3A_979 = tpu.memref_slice %arg9[%dma_start3A_974, %dma_start3A_978] : memref<2x1024xi32, #tpu.memory_space<vmem>> -> memref<1x128xi32, #tpu.memory_space<vmem>>
      %dma_start3A_980 = tpu.memref_squeeze %dma_start3A_979 : memref<1x128xi32, #tpu.memory_space<vmem>> -> memref<128xi32, #tpu.memory_space<vmem>>
      %dma_start3A_981 = arith.constant 0 : i32
      %dma_start3A_982 = arith.constant 0 : i32
      %dma_start3A_983 = tpu.memref_slice %arg12[%dma_start3A_981, %dma_start3A_982] : memref<100096x16xf32, #tpu.memory_space<vmem_shared>> -> memref<100096x16xf32, #tpu.memory_space<vmem_shared>>
      tpu.enqueue_indirect_dma source(%dma_start3A_977 : memref<128x16xf32, #tpu.memory_space<vmem>>) target(%dma_start3A_983 : memref<100096x16xf32, #tpu.memory_space<vmem_shared>>) offsets(%dma_start3A_980 : memref<128xi32, #tpu.memory_space<vmem>>) semaphore(%arg27 : memref<!tpu.dma_semaphore, #tpu.memory_space<semaphore_mem>>) {add = true}
      %dma_start3A_984 = arith.constant 0 : i32
      %dma_start3A_985 = arith.constant 0 : i32
      %dma_start3A_986 = tpu.memref_slice %arg11[%dma_start3A_985] : memref<1024xf32, #tpu.memory_space<vmem>> -> memref<128xf32, #tpu.memory_space<vmem>>
      %dma_start3A_987 = arith.constant 640 : i32
      %dma_start3A_988 = tpu.memref_slice %arg9[%dma_start3A_984, %dma_start3A_987] : memref<2x1024xi32, #tpu.memory_space<vmem>> -> memref<1x128xi32, #tpu.memory_space<vmem>>
      %dma_start3A_989 = tpu.memref_squeeze %dma_start3A_988 : memref<1x128xi32, #tpu.memory_space<vmem>> -> memref<128xi32, #tpu.memory_space<vmem>>
      %dma_start3A_990 = arith.constant 0 : i32
      %dma_start3A_991 = tpu.memref_slice %arg13[%dma_start3A_990] : memref<100096xf32, #tpu.memory_space<vmem_shared>> -> memref<100096xf32, #tpu.memory_space<vmem_shared>>
      tpu.enqueue_indirect_dma source(%dma_start3A_986 : memref<128xf32, #tpu.memory_space<vmem>>) target(%dma_start3A_991 : memref<100096xf32, #tpu.memory_space<vmem_shared>>) offsets(%dma_start3A_989 : memref<128xi32, #tpu.memory_space<vmem>>) semaphore(%arg30 : memref<!tpu.dma_semaphore, #tpu.memory_space<semaphore_mem>>) {add = true}
      %dma_wait3A_992 = arith.constant 0 : i32
      %dma_wait3A_993 = arith.constant 768 : i32
      %dma_wait3A_994 = arith.constant 0 : i32
      %dma_wait3A_995 = tpu.memref_slice %arg10[%dma_wait3A_993, %dma_wait3A_994] : memref<1024x16xf32, #tpu.memory_space<vmem>> -> memref<128x16xf32, #tpu.memory_space<vmem>>
      %dma_wait3A_996 = arith.constant 768 : i32
      %dma_wait3A_997 = tpu.memref_slice %arg8[%dma_wait3A_992, %dma_wait3A_996] : memref<2x1024xi32, #tpu.memory_space<vmem>> -> memref<1x128xi32, #tpu.memory_space<vmem>>
      %dma_wait3A_998 = tpu.memref_squeeze %dma_wait3A_997 : memref<1x128xi32, #tpu.memory_space<vmem>> -> memref<128xi32, #tpu.memory_space<vmem>>
      %dma_wait3A_999 = arith.constant 0 : i32
      %dma_wait3A_1000 = arith.constant 0 : i32
      %dma_wait3A_1001 = tpu.memref_slice %arg3[%dma_wait3A_999, %dma_wait3A_1000] : memref<100096x16xf32, #tpu.memory_space<hbm>> -> memref<100096x16xf32, #tpu.memory_space<hbm>>
      tpu.wait_indirect_dma semaphore(%arg20 : memref<!tpu.dma_semaphore, #tpu.memory_space<semaphore_mem>>) src(%dma_wait3A_1001 : memref<100096x16xf32, #tpu.memory_space<hbm>>) dst(%dma_wait3A_995 : memref<128x16xf32, #tpu.memory_space<vmem>>)
      %dma_start3A_1002 = arith.constant 0 : i32
      %dma_start3A_1003 = arith.constant 768 : i32
      %dma_start3A_1004 = arith.constant 0 : i32
      %dma_start3A_1005 = tpu.memref_slice %arg10[%dma_start3A_1003, %dma_start3A_1004] : memref<1024x16xf32, #tpu.memory_space<vmem>> -> memref<128x16xf32, #tpu.memory_space<vmem>>
      %dma_start3A_1006 = arith.constant 768 : i32
      %dma_start3A_1007 = tpu.memref_slice %arg9[%dma_start3A_1002, %dma_start3A_1006] : memref<2x1024xi32, #tpu.memory_space<vmem>> -> memref<1x128xi32, #tpu.memory_space<vmem>>
      %dma_start3A_1008 = tpu.memref_squeeze %dma_start3A_1007 : memref<1x128xi32, #tpu.memory_space<vmem>> -> memref<128xi32, #tpu.memory_space<vmem>>
      %dma_start3A_1009 = arith.constant 0 : i32
      %dma_start3A_1010 = arith.constant 0 : i32
      %dma_start3A_1011 = tpu.memref_slice %arg12[%dma_start3A_1009, %dma_start3A_1010] : memref<100096x16xf32, #tpu.memory_space<vmem_shared>> -> memref<100096x16xf32, #tpu.memory_space<vmem_shared>>
      tpu.enqueue_indirect_dma source(%dma_start3A_1005 : memref<128x16xf32, #tpu.memory_space<vmem>>) target(%dma_start3A_1011 : memref<100096x16xf32, #tpu.memory_space<vmem_shared>>) offsets(%dma_start3A_1008 : memref<128xi32, #tpu.memory_space<vmem>>) semaphore(%arg28 : memref<!tpu.dma_semaphore, #tpu.memory_space<semaphore_mem>>) {add = true}
      %dma_start3A_1012 = arith.constant 0 : i32
      %dma_start3A_1013 = arith.constant 0 : i32
      %dma_start3A_1014 = tpu.memref_slice %arg11[%dma_start3A_1013] : memref<1024xf32, #tpu.memory_space<vmem>> -> memref<128xf32, #tpu.memory_space<vmem>>
      %dma_start3A_1015 = arith.constant 768 : i32
      %dma_start3A_1016 = tpu.memref_slice %arg9[%dma_start3A_1012, %dma_start3A_1015] : memref<2x1024xi32, #tpu.memory_space<vmem>> -> memref<1x128xi32, #tpu.memory_space<vmem>>
      %dma_start3A_1017 = tpu.memref_squeeze %dma_start3A_1016 : memref<1x128xi32, #tpu.memory_space<vmem>> -> memref<128xi32, #tpu.memory_space<vmem>>
      %dma_start3A_1018 = arith.constant 0 : i32
      %dma_start3A_1019 = tpu.memref_slice %arg13[%dma_start3A_1018] : memref<100096xf32, #tpu.memory_space<vmem_shared>> -> memref<100096xf32, #tpu.memory_space<vmem_shared>>
      tpu.enqueue_indirect_dma source(%dma_start3A_1014 : memref<128xf32, #tpu.memory_space<vmem>>) target(%dma_start3A_1019 : memref<100096xf32, #tpu.memory_space<vmem_shared>>) offsets(%dma_start3A_1017 : memref<128xi32, #tpu.memory_space<vmem>>) semaphore(%arg30 : memref<!tpu.dma_semaphore, #tpu.memory_space<semaphore_mem>>) {add = true}
      %dma_wait3A_1020 = arith.constant 0 : i32
      %dma_wait3A_1021 = arith.constant 896 : i32
      %dma_wait3A_1022 = arith.constant 0 : i32
      %dma_wait3A_1023 = tpu.memref_slice %arg10[%dma_wait3A_1021, %dma_wait3A_1022] : memref<1024x16xf32, #tpu.memory_space<vmem>> -> memref<128x16xf32, #tpu.memory_space<vmem>>
      %dma_wait3A_1024 = arith.constant 896 : i32
      %dma_wait3A_1025 = tpu.memref_slice %arg8[%dma_wait3A_1020, %dma_wait3A_1024] : memref<2x1024xi32, #tpu.memory_space<vmem>> -> memref<1x128xi32, #tpu.memory_space<vmem>>
      %dma_wait3A_1026 = tpu.memref_squeeze %dma_wait3A_1025 : memref<1x128xi32, #tpu.memory_space<vmem>> -> memref<128xi32, #tpu.memory_space<vmem>>
      %dma_wait3A_1027 = arith.constant 0 : i32
      %dma_wait3A_1028 = arith.constant 0 : i32
      %dma_wait3A_1029 = tpu.memref_slice %arg3[%dma_wait3A_1027, %dma_wait3A_1028] : memref<100096x16xf32, #tpu.memory_space<hbm>> -> memref<100096x16xf32, #tpu.memory_space<hbm>>
      tpu.wait_indirect_dma semaphore(%arg21 : memref<!tpu.dma_semaphore, #tpu.memory_space<semaphore_mem>>) src(%dma_wait3A_1029 : memref<100096x16xf32, #tpu.memory_space<hbm>>) dst(%dma_wait3A_1023 : memref<128x16xf32, #tpu.memory_space<vmem>>)
      %dma_start3A_1030 = arith.constant 0 : i32
      %dma_start3A_1031 = arith.constant 896 : i32
      %dma_start3A_1032 = arith.constant 0 : i32
      %dma_start3A_1033 = tpu.memref_slice %arg10[%dma_start3A_1031, %dma_start3A_1032] : memref<1024x16xf32, #tpu.memory_space<vmem>> -> memref<128x16xf32, #tpu.memory_space<vmem>>
      %dma_start3A_1034 = arith.constant 896 : i32
      %dma_start3A_1035 = tpu.memref_slice %arg9[%dma_start3A_1030, %dma_start3A_1034] : memref<2x1024xi32, #tpu.memory_space<vmem>> -> memref<1x128xi32, #tpu.memory_space<vmem>>
      %dma_start3A_1036 = tpu.memref_squeeze %dma_start3A_1035 : memref<1x128xi32, #tpu.memory_space<vmem>> -> memref<128xi32, #tpu.memory_space<vmem>>
      %dma_start3A_1037 = arith.constant 0 : i32
      %dma_start3A_1038 = arith.constant 0 : i32
      %dma_start3A_1039 = tpu.memref_slice %arg12[%dma_start3A_1037, %dma_start3A_1038] : memref<100096x16xf32, #tpu.memory_space<vmem_shared>> -> memref<100096x16xf32, #tpu.memory_space<vmem_shared>>
      tpu.enqueue_indirect_dma source(%dma_start3A_1033 : memref<128x16xf32, #tpu.memory_space<vmem>>) target(%dma_start3A_1039 : memref<100096x16xf32, #tpu.memory_space<vmem_shared>>) offsets(%dma_start3A_1036 : memref<128xi32, #tpu.memory_space<vmem>>) semaphore(%arg29 : memref<!tpu.dma_semaphore, #tpu.memory_space<semaphore_mem>>) {add = true}
      %dma_start3A_1040 = arith.constant 0 : i32
      %dma_start3A_1041 = arith.constant 0 : i32
      %dma_start3A_1042 = tpu.memref_slice %arg11[%dma_start3A_1041] : memref<1024xf32, #tpu.memory_space<vmem>> -> memref<128xf32, #tpu.memory_space<vmem>>
      %dma_start3A_1043 = arith.constant 896 : i32
      %dma_start3A_1044 = tpu.memref_slice %arg9[%dma_start3A_1040, %dma_start3A_1043] : memref<2x1024xi32, #tpu.memory_space<vmem>> -> memref<1x128xi32, #tpu.memory_space<vmem>>
      %dma_start3A_1045 = tpu.memref_squeeze %dma_start3A_1044 : memref<1x128xi32, #tpu.memory_space<vmem>> -> memref<128xi32, #tpu.memory_space<vmem>>
      %dma_start3A_1046 = arith.constant 0 : i32
      %dma_start3A_1047 = tpu.memref_slice %arg13[%dma_start3A_1046] : memref<100096xf32, #tpu.memory_space<vmem_shared>> -> memref<100096xf32, #tpu.memory_space<vmem_shared>>
      tpu.enqueue_indirect_dma source(%dma_start3A_1042 : memref<128xf32, #tpu.memory_space<vmem>>) target(%dma_start3A_1047 : memref<100096xf32, #tpu.memory_space<vmem_shared>>) offsets(%dma_start3A_1045 : memref<128xi32, #tpu.memory_space<vmem>>) semaphore(%arg30 : memref<!tpu.dma_semaphore, #tpu.memory_space<semaphore_mem>>) {add = true}
      %dma_wait3A_1048 = arith.constant 1 : i32
      %dma_wait3A_1049 = arith.constant 0 : i32
      %dma_wait3A_1050 = tpu.memref_slice %arg8[%dma_wait3A_1048, %dma_wait3A_1049] : memref<2x1024xi32, #tpu.memory_space<vmem>> -> memref<1x1024xi32, #tpu.memory_space<vmem>>
      %dma_wait3A_1051 = tpu.memref_squeeze %dma_wait3A_1050 : memref<1x1024xi32, #tpu.memory_space<vmem>> -> memref<1024xi32, #tpu.memory_space<vmem>>
      %dma_wait3A_1052 = arith.constant 0 : i32
      %dma_wait3A_1053 = tpu.memref_slice %arg2[%dma_wait3A_1052] : memref<6400000xi32, #tpu.memory_space<hbm>> -> memref<1024xi32, #tpu.memory_space<hbm>>
      %dma_wait3A_1054 = arith.constant 0 : i32
      %dma_wait3A_1055 = tpu.memref_slice %arg8[%dma_wait3A_1048, %dma_wait3A_1054] : memref<2x1024xi32, #tpu.memory_space<vmem>> -> memref<1x1024xi32, #tpu.memory_space<vmem>>
      %dma_wait3A_1056 = tpu.memref_squeeze %dma_wait3A_1055 : memref<1x1024xi32, #tpu.memory_space<vmem>> -> memref<1024xi32, #tpu.memory_space<vmem>>
      %dma_wait3A_1057 = arith.constant 0 : i32
      %dma_wait3A_1058 = tpu.memref_slice %arg2[%dma_wait3A_1057] : memref<6400000xi32, #tpu.memory_space<hbm>> -> memref<1024xi32, #tpu.memory_space<hbm>>
      tpu.wait_dma2 semaphore(%arg31 : memref<!tpu.dma_semaphore, #tpu.memory_space<semaphore_mem>>) src(%dma_wait3A_1058 : memref<1024xi32, #tpu.memory_space<hbm>>) dst(%dma_wait3A_1056 : memref<1024xi32, #tpu.memory_space<vmem>>)
      %dma_wait3A_1059 = arith.constant 1 : i32
      %dma_wait3A_1060 = arith.constant 0 : i32
      %dma_wait3A_1061 = tpu.memref_slice %arg9[%dma_wait3A_1059, %dma_wait3A_1060] : memref<2x1024xi32, #tpu.memory_space<vmem>> -> memref<1x1024xi32, #tpu.memory_space<vmem>>
      %dma_wait3A_1062 = tpu.memref_squeeze %dma_wait3A_1061 : memref<1x1024xi32, #tpu.memory_space<vmem>> -> memref<1024xi32, #tpu.memory_space<vmem>>
      %dma_wait3A_1063 = arith.constant 0 : i32
      %dma_wait3A_1064 = tpu.memref_slice %arg2[%dma_wait3A_1063] : memref<6400000xi32, #tpu.memory_space<hbm>> -> memref<1024xi32, #tpu.memory_space<hbm>>
      %dma_wait3A_1065 = arith.constant 0 : i32
      %dma_wait3A_1066 = tpu.memref_slice %arg9[%dma_wait3A_1059, %dma_wait3A_1065] : memref<2x1024xi32, #tpu.memory_space<vmem>> -> memref<1x1024xi32, #tpu.memory_space<vmem>>
      %dma_wait3A_1067 = tpu.memref_squeeze %dma_wait3A_1066 : memref<1x1024xi32, #tpu.memory_space<vmem>> -> memref<1024xi32, #tpu.memory_space<vmem>>
      %dma_wait3A_1068 = arith.constant 0 : i32
      %dma_wait3A_1069 = tpu.memref_slice %arg2[%dma_wait3A_1068] : memref<6400000xi32, #tpu.memory_space<hbm>> -> memref<1024xi32, #tpu.memory_space<hbm>>
      tpu.wait_dma2 semaphore(%arg31 : memref<!tpu.dma_semaphore, #tpu.memory_space<semaphore_mem>>) src(%dma_wait3A_1069 : memref<1024xi32, #tpu.memory_space<hbm>>) dst(%dma_wait3A_1067 : memref<1024xi32, #tpu.memory_space<vmem>>)
      %dma_wait3A_1070 = arith.constant 0 : i32
      %dma_wait3A_1071 = arith.constant 0 : i32
      %dma_wait3A_1072 = arith.constant 0 : i32
      %dma_wait3A_1073 = tpu.memref_slice %arg10[%dma_wait3A_1071, %dma_wait3A_1072] : memref<1024x16xf32, #tpu.memory_space<vmem>> -> memref<128x16xf32, #tpu.memory_space<vmem>>
      %dma_wait3A_1074 = arith.constant 0 : i32
      %dma_wait3A_1075 = tpu.memref_slice %arg9[%dma_wait3A_1070, %dma_wait3A_1074] : memref<2x1024xi32, #tpu.memory_space<vmem>> -> memref<1x128xi32, #tpu.memory_space<vmem>>
      %dma_wait3A_1076 = tpu.memref_squeeze %dma_wait3A_1075 : memref<1x128xi32, #tpu.memory_space<vmem>> -> memref<128xi32, #tpu.memory_space<vmem>>
      %dma_wait3A_1077 = arith.constant 0 : i32
      %dma_wait3A_1078 = arith.constant 0 : i32
      %dma_wait3A_1079 = tpu.memref_slice %arg12[%dma_wait3A_1077, %dma_wait3A_1078] : memref<100096x16xf32, #tpu.memory_space<vmem_shared>> -> memref<100096x16xf32, #tpu.memory_space<vmem_shared>>
      tpu.wait_indirect_dma semaphore(%arg22 : memref<!tpu.dma_semaphore, #tpu.memory_space<semaphore_mem>>) src(%dma_wait3A_1073 : memref<128x16xf32, #tpu.memory_space<vmem>>) dst(%dma_wait3A_1079 : memref<100096x16xf32, #tpu.memory_space<vmem_shared>>)
      %dma_start3A_1080 = arith.constant 1 : i32
      %dma_start3A_1081 = arith.constant 0 : i32
      %dma_start3A_1082 = arith.constant 0 : i32
      %dma_start3A_1083 = tpu.memref_slice %arg10[%dma_start3A_1081, %dma_start3A_1082] : memref<1024x16xf32, #tpu.memory_space<vmem>> -> memref<128x16xf32, #tpu.memory_space<vmem>>
      %dma_start3A_1084 = arith.constant 0 : i32
      %dma_start3A_1085 = tpu.memref_slice %arg8[%dma_start3A_1080, %dma_start3A_1084] : memref<2x1024xi32, #tpu.memory_space<vmem>> -> memref<1x128xi32, #tpu.memory_space<vmem>>
      %dma_start3A_1086 = tpu.memref_squeeze %dma_start3A_1085 : memref<1x128xi32, #tpu.memory_space<vmem>> -> memref<128xi32, #tpu.memory_space<vmem>>
      %dma_start3A_1087 = arith.constant 0 : i32
      %dma_start3A_1088 = arith.constant 0 : i32
      %dma_start3A_1089 = tpu.memref_slice %arg3[%dma_start3A_1087, %dma_start3A_1088] : memref<100096x16xf32, #tpu.memory_space<hbm>> -> memref<100096x16xf32, #tpu.memory_space<hbm>>
      tpu.enqueue_indirect_dma source(%dma_start3A_1089 : memref<100096x16xf32, #tpu.memory_space<hbm>>) target(%dma_start3A_1083 : memref<128x16xf32, #tpu.memory_space<vmem>>) offsets(%dma_start3A_1086 : memref<128xi32, #tpu.memory_space<vmem>>) semaphore(%arg14 : memref<!tpu.dma_semaphore, #tpu.memory_space<semaphore_mem>>)
      %dma_wait3A_1090 = arith.constant 0 : i32
      %dma_wait3A_1091 = arith.constant 128 : i32
      %dma_wait3A_1092 = arith.constant 0 : i32
      %dma_wait3A_1093 = tpu.memref_slice %arg10[%dma_wait3A_1091, %dma_wait3A_1092] : memref<1024x16xf32, #tpu.memory_space<vmem>> -> memref<128x16xf32, #tpu.memory_space<vmem>>
      %dma_wait3A_1094 = arith.constant 128 : i32
      %dma_wait3A_1095 = tpu.memref_slice %arg9[%dma_wait3A_1090, %dma_wait3A_1094] : memref<2x1024xi32, #tpu.memory_space<vmem>> -> memref<1x128xi32, #tpu.memory_space<vmem>>
      %dma_wait3A_1096 = tpu.memref_squeeze %dma_wait3A_1095 : memref<1x128xi32, #tpu.memory_space<vmem>> -> memref<128xi32, #tpu.memory_space<vmem>>
      %dma_wait3A_1097 = arith.constant 0 : i32
      %dma_wait3A_1098 = arith.constant 0 : i32
      %dma_wait3A_1099 = tpu.memref_slice %arg12[%dma_wait3A_1097, %dma_wait3A_1098] : memref<100096x16xf32, #tpu.memory_space<vmem_shared>> -> memref<100096x16xf32, #tpu.memory_space<vmem_shared>>
      tpu.wait_indirect_dma semaphore(%arg23 : memref<!tpu.dma_semaphore, #tpu.memory_space<semaphore_mem>>) src(%dma_wait3A_1093 : memref<128x16xf32, #tpu.memory_space<vmem>>) dst(%dma_wait3A_1099 : memref<100096x16xf32, #tpu.memory_space<vmem_shared>>)
      %dma_start3A_1100 = arith.constant 1 : i32
      %dma_start3A_1101 = arith.constant 128 : i32
      %dma_start3A_1102 = arith.constant 0 : i32
      %dma_start3A_1103 = tpu.memref_slice %arg10[%dma_start3A_1101, %dma_start3A_1102] : memref<1024x16xf32, #tpu.memory_space<vmem>> -> memref<128x16xf32, #tpu.memory_space<vmem>>
      %dma_start3A_1104 = arith.constant 128 : i32
      %dma_start3A_1105 = tpu.memref_slice %arg8[%dma_start3A_1100, %dma_start3A_1104] : memref<2x1024xi32, #tpu.memory_space<vmem>> -> memref<1x128xi32, #tpu.memory_space<vmem>>
      %dma_start3A_1106 = tpu.memref_squeeze %dma_start3A_1105 : memref<1x128xi32, #tpu.memory_space<vmem>> -> memref<128xi32, #tpu.memory_space<vmem>>
      %dma_start3A_1107 = arith.constant 0 : i32
      %dma_start3A_1108 = arith.constant 0 : i32
      %dma_start3A_1109 = tpu.memref_slice %arg3[%dma_start3A_1107, %dma_start3A_1108] : memref<100096x16xf32, #tpu.memory_space<hbm>> -> memref<100096x16xf32, #tpu.memory_space<hbm>>
      tpu.enqueue_indirect_dma source(%dma_start3A_1109 : memref<100096x16xf32, #tpu.memory_space<hbm>>) target(%dma_start3A_1103 : memref<128x16xf32, #tpu.memory_space<vmem>>) offsets(%dma_start3A_1106 : memref<128xi32, #tpu.memory_space<vmem>>) semaphore(%arg15 : memref<!tpu.dma_semaphore, #tpu.memory_space<semaphore_mem>>)
      %dma_wait3A_1110 = arith.constant 0 : i32
      %dma_wait3A_1111 = arith.constant 256 : i32
      %dma_wait3A_1112 = arith.constant 0 : i32
      %dma_wait3A_1113 = tpu.memref_slice %arg10[%dma_wait3A_1111, %dma_wait3A_1112] : memref<1024x16xf32, #tpu.memory_space<vmem>> -> memref<128x16xf32, #tpu.memory_space<vmem>>
      %dma_wait3A_1114 = arith.constant 256 : i32
      %dma_wait3A_1115 = tpu.memref_slice %arg9[%dma_wait3A_1110, %dma_wait3A_1114] : memref<2x1024xi32, #tpu.memory_space<vmem>> -> memref<1x128xi32, #tpu.memory_space<vmem>>
      %dma_wait3A_1116 = tpu.memref_squeeze %dma_wait3A_1115 : memref<1x128xi32, #tpu.memory_space<vmem>> -> memref<128xi32, #tpu.memory_space<vmem>>
      %dma_wait3A_1117 = arith.constant 0 : i32
      %dma_wait3A_1118 = arith.constant 0 : i32
      %dma_wait3A_1119 = tpu.memref_slice %arg12[%dma_wait3A_1117, %dma_wait3A_1118] : memref<100096x16xf32, #tpu.memory_space<vmem_shared>> -> memref<100096x16xf32, #tpu.memory_space<vmem_shared>>
      tpu.wait_indirect_dma semaphore(%arg24 : memref<!tpu.dma_semaphore, #tpu.memory_space<semaphore_mem>>) src(%dma_wait3A_1113 : memref<128x16xf32, #tpu.memory_space<vmem>>) dst(%dma_wait3A_1119 : memref<100096x16xf32, #tpu.memory_space<vmem_shared>>)
      %dma_start3A_1120 = arith.constant 1 : i32
      %dma_start3A_1121 = arith.constant 256 : i32
      %dma_start3A_1122 = arith.constant 0 : i32
      %dma_start3A_1123 = tpu.memref_slice %arg10[%dma_start3A_1121, %dma_start3A_1122] : memref<1024x16xf32, #tpu.memory_space<vmem>> -> memref<128x16xf32, #tpu.memory_space<vmem>>
      %dma_start3A_1124 = arith.constant 256 : i32
      %dma_start3A_1125 = tpu.memref_slice %arg8[%dma_start3A_1120, %dma_start3A_1124] : memref<2x1024xi32, #tpu.memory_space<vmem>> -> memref<1x128xi32, #tpu.memory_space<vmem>>
      %dma_start3A_1126 = tpu.memref_squeeze %dma_start3A_1125 : memref<1x128xi32, #tpu.memory_space<vmem>> -> memref<128xi32, #tpu.memory_space<vmem>>
      %dma_start3A_1127 = arith.constant 0 : i32
      %dma_start3A_1128 = arith.constant 0 : i32
      %dma_start3A_1129 = tpu.memref_slice %arg3[%dma_start3A_1127, %dma_start3A_1128] : memref<100096x16xf32, #tpu.memory_space<hbm>> -> memref<100096x16xf32, #tpu.memory_space<hbm>>
      tpu.enqueue_indirect_dma source(%dma_start3A_1129 : memref<100096x16xf32, #tpu.memory_space<hbm>>) target(%dma_start3A_1123 : memref<128x16xf32, #tpu.memory_space<vmem>>) offsets(%dma_start3A_1126 : memref<128xi32, #tpu.memory_space<vmem>>) semaphore(%arg16 : memref<!tpu.dma_semaphore, #tpu.memory_space<semaphore_mem>>)
      %dma_wait3A_1130 = arith.constant 0 : i32
      %dma_wait3A_1131 = arith.constant 384 : i32
      %dma_wait3A_1132 = arith.constant 0 : i32
      %dma_wait3A_1133 = tpu.memref_slice %arg10[%dma_wait3A_1131, %dma_wait3A_1132] : memref<1024x16xf32, #tpu.memory_space<vmem>> -> memref<128x16xf32, #tpu.memory_space<vmem>>
      %dma_wait3A_1134 = arith.constant 384 : i32
      %dma_wait3A_1135 = tpu.memref_slice %arg9[%dma_wait3A_1130, %dma_wait3A_1134] : memref<2x1024xi32, #tpu.memory_space<vmem>> -> memref<1x128xi32, #tpu.memory_space<vmem>>
      %dma_wait3A_1136 = tpu.memref_squeeze %dma_wait3A_1135 : memref<1x128xi32, #tpu.memory_space<vmem>> -> memref<128xi32, #tpu.memory_space<vmem>>
      %dma_wait3A_1137 = arith.constant 0 : i32
      %dma_wait3A_1138 = arith.constant 0 : i32
      %dma_wait3A_1139 = tpu.memref_slice %arg12[%dma_wait3A_1137, %dma_wait3A_1138] : memref<100096x16xf32, #tpu.memory_space<vmem_shared>> -> memref<100096x16xf32, #tpu.memory_space<vmem_shared>>
      tpu.wait_indirect_dma semaphore(%arg25 : memref<!tpu.dma_semaphore, #tpu.memory_space<semaphore_mem>>) src(%dma_wait3A_1133 : memref<128x16xf32, #tpu.memory_space<vmem>>) dst(%dma_wait3A_1139 : memref<100096x16xf32, #tpu.memory_space<vmem_shared>>)
      %dma_start3A_1140 = arith.constant 1 : i32
      %dma_start3A_1141 = arith.constant 384 : i32
      %dma_start3A_1142 = arith.constant 0 : i32
      %dma_start3A_1143 = tpu.memref_slice %arg10[%dma_start3A_1141, %dma_start3A_1142] : memref<1024x16xf32, #tpu.memory_space<vmem>> -> memref<128x16xf32, #tpu.memory_space<vmem>>
      %dma_start3A_1144 = arith.constant 384 : i32
      %dma_start3A_1145 = tpu.memref_slice %arg8[%dma_start3A_1140, %dma_start3A_1144] : memref<2x1024xi32, #tpu.memory_space<vmem>> -> memref<1x128xi32, #tpu.memory_space<vmem>>
      %dma_start3A_1146 = tpu.memref_squeeze %dma_start3A_1145 : memref<1x128xi32, #tpu.memory_space<vmem>> -> memref<128xi32, #tpu.memory_space<vmem>>
      %dma_start3A_1147 = arith.constant 0 : i32
      %dma_start3A_1148 = arith.constant 0 : i32
      %dma_start3A_1149 = tpu.memref_slice %arg3[%dma_start3A_1147, %dma_start3A_1148] : memref<100096x16xf32, #tpu.memory_space<hbm>> -> memref<100096x16xf32, #tpu.memory_space<hbm>>
      tpu.enqueue_indirect_dma source(%dma_start3A_1149 : memref<100096x16xf32, #tpu.memory_space<hbm>>) target(%dma_start3A_1143 : memref<128x16xf32, #tpu.memory_space<vmem>>) offsets(%dma_start3A_1146 : memref<128xi32, #tpu.memory_space<vmem>>) semaphore(%arg17 : memref<!tpu.dma_semaphore, #tpu.memory_space<semaphore_mem>>)
      %dma_wait3A_1150 = arith.constant 0 : i32
      %dma_wait3A_1151 = arith.constant 512 : i32
      %dma_wait3A_1152 = arith.constant 0 : i32
      %dma_wait3A_1153 = tpu.memref_slice %arg10[%dma_wait3A_1151, %dma_wait3A_1152] : memref<1024x16xf32, #tpu.memory_space<vmem>> -> memref<128x16xf32, #tpu.memory_space<vmem>>
      %dma_wait3A_1154 = arith.constant 512 : i32
      %dma_wait3A_1155 = tpu.memref_slice %arg9[%dma_wait3A_1150, %dma_wait3A_1154] : memref<2x1024xi32, #tpu.memory_space<vmem>> -> memref<1x128xi32, #tpu.memory_space<vmem>>
      %dma_wait3A_1156 = tpu.memref_squeeze %dma_wait3A_1155 : memref<1x128xi32, #tpu.memory_space<vmem>> -> memref<128xi32, #tpu.memory_space<vmem>>
      %dma_wait3A_1157 = arith.constant 0 : i32
      %dma_wait3A_1158 = arith.constant 0 : i32
      %dma_wait3A_1159 = tpu.memref_slice %arg12[%dma_wait3A_1157, %dma_wait3A_1158] : memref<100096x16xf32, #tpu.memory_space<vmem_shared>> -> memref<100096x16xf32, #tpu.memory_space<vmem_shared>>
      tpu.wait_indirect_dma semaphore(%arg26 : memref<!tpu.dma_semaphore, #tpu.memory_space<semaphore_mem>>) src(%dma_wait3A_1153 : memref<128x16xf32, #tpu.memory_space<vmem>>) dst(%dma_wait3A_1159 : memref<100096x16xf32, #tpu.memory_space<vmem_shared>>)
      %dma_start3A_1160 = arith.constant 1 : i32
      %dma_start3A_1161 = arith.constant 512 : i32
      %dma_start3A_1162 = arith.constant 0 : i32
      %dma_start3A_1163 = tpu.memref_slice %arg10[%dma_start3A_1161, %dma_start3A_1162] : memref<1024x16xf32, #tpu.memory_space<vmem>> -> memref<128x16xf32, #tpu.memory_space<vmem>>
      %dma_start3A_1164 = arith.constant 512 : i32
      %dma_start3A_1165 = tpu.memref_slice %arg8[%dma_start3A_1160, %dma_start3A_1164] : memref<2x1024xi32, #tpu.memory_space<vmem>> -> memref<1x128xi32, #tpu.memory_space<vmem>>
      %dma_start3A_1166 = tpu.memref_squeeze %dma_start3A_1165 : memref<1x128xi32, #tpu.memory_space<vmem>> -> memref<128xi32, #tpu.memory_space<vmem>>
      %dma_start3A_1167 = arith.constant 0 : i32
      %dma_start3A_1168 = arith.constant 0 : i32
      %dma_start3A_1169 = tpu.memref_slice %arg3[%dma_start3A_1167, %dma_start3A_1168] : memref<100096x16xf32, #tpu.memory_space<hbm>> -> memref<100096x16xf32, #tpu.memory_space<hbm>>
      tpu.enqueue_indirect_dma source(%dma_start3A_1169 : memref<100096x16xf32, #tpu.memory_space<hbm>>) target(%dma_start3A_1163 : memref<128x16xf32, #tpu.memory_space<vmem>>) offsets(%dma_start3A_1166 : memref<128xi32, #tpu.memory_space<vmem>>) semaphore(%arg18 : memref<!tpu.dma_semaphore, #tpu.memory_space<semaphore_mem>>)
      %dma_wait3A_1170 = arith.constant 0 : i32
      %dma_wait3A_1171 = arith.constant 640 : i32
      %dma_wait3A_1172 = arith.constant 0 : i32
      %dma_wait3A_1173 = tpu.memref_slice %arg10[%dma_wait3A_1171, %dma_wait3A_1172] : memref<1024x16xf32, #tpu.memory_space<vmem>> -> memref<128x16xf32, #tpu.memory_space<vmem>>
      %dma_wait3A_1174 = arith.constant 640 : i32
      %dma_wait3A_1175 = tpu.memref_slice %arg9[%dma_wait3A_1170, %dma_wait3A_1174] : memref<2x1024xi32, #tpu.memory_space<vmem>> -> memref<1x128xi32, #tpu.memory_space<vmem>>
      %dma_wait3A_1176 = tpu.memref_squeeze %dma_wait3A_1175 : memref<1x128xi32, #tpu.memory_space<vmem>> -> memref<128xi32, #tpu.memory_space<vmem>>
      %dma_wait3A_1177 = arith.constant 0 : i32
      %dma_wait3A_1178 = arith.constant 0 : i32
      %dma_wait3A_1179 = tpu.memref_slice %arg12[%dma_wait3A_1177, %dma_wait3A_1178] : memref<100096x16xf32, #tpu.memory_space<vmem_shared>> -> memref<100096x16xf32, #tpu.memory_space<vmem_shared>>
      tpu.wait_indirect_dma semaphore(%arg27 : memref<!tpu.dma_semaphore, #tpu.memory_space<semaphore_mem>>) src(%dma_wait3A_1173 : memref<128x16xf32, #tpu.memory_space<vmem>>) dst(%dma_wait3A_1179 : memref<100096x16xf32, #tpu.memory_space<vmem_shared>>)
      %dma_start3A_1180 = arith.constant 1 : i32
      %dma_start3A_1181 = arith.constant 640 : i32
      %dma_start3A_1182 = arith.constant 0 : i32
      %dma_start3A_1183 = tpu.memref_slice %arg10[%dma_start3A_1181, %dma_start3A_1182] : memref<1024x16xf32, #tpu.memory_space<vmem>> -> memref<128x16xf32, #tpu.memory_space<vmem>>
      %dma_start3A_1184 = arith.constant 640 : i32
      %dma_start3A_1185 = tpu.memref_slice %arg8[%dma_start3A_1180, %dma_start3A_1184] : memref<2x1024xi32, #tpu.memory_space<vmem>> -> memref<1x128xi32, #tpu.memory_space<vmem>>
      %dma_start3A_1186 = tpu.memref_squeeze %dma_start3A_1185 : memref<1x128xi32, #tpu.memory_space<vmem>> -> memref<128xi32, #tpu.memory_space<vmem>>
      %dma_start3A_1187 = arith.constant 0 : i32
      %dma_start3A_1188 = arith.constant 0 : i32
      %dma_start3A_1189 = tpu.memref_slice %arg3[%dma_start3A_1187, %dma_start3A_1188] : memref<100096x16xf32, #tpu.memory_space<hbm>> -> memref<100096x16xf32, #tpu.memory_space<hbm>>
      tpu.enqueue_indirect_dma source(%dma_start3A_1189 : memref<100096x16xf32, #tpu.memory_space<hbm>>) target(%dma_start3A_1183 : memref<128x16xf32, #tpu.memory_space<vmem>>) offsets(%dma_start3A_1186 : memref<128xi32, #tpu.memory_space<vmem>>) semaphore(%arg19 : memref<!tpu.dma_semaphore, #tpu.memory_space<semaphore_mem>>)
      %dma_wait3A_1190 = arith.constant 0 : i32
      %dma_wait3A_1191 = arith.constant 768 : i32
      %dma_wait3A_1192 = arith.constant 0 : i32
      %dma_wait3A_1193 = tpu.memref_slice %arg10[%dma_wait3A_1191, %dma_wait3A_1192] : memref<1024x16xf32, #tpu.memory_space<vmem>> -> memref<128x16xf32, #tpu.memory_space<vmem>>
      %dma_wait3A_1194 = arith.constant 768 : i32
      %dma_wait3A_1195 = tpu.memref_slice %arg9[%dma_wait3A_1190, %dma_wait3A_1194] : memref<2x1024xi32, #tpu.memory_space<vmem>> -> memref<1x128xi32, #tpu.memory_space<vmem>>
      %dma_wait3A_1196 = tpu.memref_squeeze %dma_wait3A_1195 : memref<1x128xi32, #tpu.memory_space<vmem>> -> memref<128xi32, #tpu.memory_space<vmem>>
      %dma_wait3A_1197 = arith.constant 0 : i32
      %dma_wait3A_1198 = arith.constant 0 : i32
      %dma_wait3A_1199 = tpu.memref_slice %arg12[%dma_wait3A_1197, %dma_wait3A_1198] : memref<100096x16xf32, #tpu.memory_space<vmem_shared>> -> memref<100096x16xf32, #tpu.memory_space<vmem_shared>>
      tpu.wait_indirect_dma semaphore(%arg28 : memref<!tpu.dma_semaphore, #tpu.memory_space<semaphore_mem>>) src(%dma_wait3A_1193 : memref<128x16xf32, #tpu.memory_space<vmem>>) dst(%dma_wait3A_1199 : memref<100096x16xf32, #tpu.memory_space<vmem_shared>>)
      %dma_start3A_1200 = arith.constant 1 : i32
      %dma_start3A_1201 = arith.constant 768 : i32
      %dma_start3A_1202 = arith.constant 0 : i32
      %dma_start3A_1203 = tpu.memref_slice %arg10[%dma_start3A_1201, %dma_start3A_1202] : memref<1024x16xf32, #tpu.memory_space<vmem>> -> memref<128x16xf32, #tpu.memory_space<vmem>>
      %dma_start3A_1204 = arith.constant 768 : i32
      %dma_start3A_1205 = tpu.memref_slice %arg8[%dma_start3A_1200, %dma_start3A_1204] : memref<2x1024xi32, #tpu.memory_space<vmem>> -> memref<1x128xi32, #tpu.memory_space<vmem>>
      %dma_start3A_1206 = tpu.memref_squeeze %dma_start3A_1205 : memref<1x128xi32, #tpu.memory_space<vmem>> -> memref<128xi32, #tpu.memory_space<vmem>>
      %dma_start3A_1207 = arith.constant 0 : i32
      %dma_start3A_1208 = arith.constant 0 : i32
      %dma_start3A_1209 = tpu.memref_slice %arg3[%dma_start3A_1207, %dma_start3A_1208] : memref<100096x16xf32, #tpu.memory_space<hbm>> -> memref<100096x16xf32, #tpu.memory_space<hbm>>
      tpu.enqueue_indirect_dma source(%dma_start3A_1209 : memref<100096x16xf32, #tpu.memory_space<hbm>>) target(%dma_start3A_1203 : memref<128x16xf32, #tpu.memory_space<vmem>>) offsets(%dma_start3A_1206 : memref<128xi32, #tpu.memory_space<vmem>>) semaphore(%arg20 : memref<!tpu.dma_semaphore, #tpu.memory_space<semaphore_mem>>)
      %dma_wait3A_1210 = arith.constant 0 : i32
      %dma_wait3A_1211 = arith.constant 896 : i32
      %dma_wait3A_1212 = arith.constant 0 : i32
      %dma_wait3A_1213 = tpu.memref_slice %arg10[%dma_wait3A_1211, %dma_wait3A_1212] : memref<1024x16xf32, #tpu.memory_space<vmem>> -> memref<128x16xf32, #tpu.memory_space<vmem>>
      %dma_wait3A_1214 = arith.constant 896 : i32
      %dma_wait3A_1215 = tpu.memref_slice %arg9[%dma_wait3A_1210, %dma_wait3A_1214] : memref<2x1024xi32, #tpu.memory_space<vmem>> -> memref<1x128xi32, #tpu.memory_space<vmem>>
      %dma_wait3A_1216 = tpu.memref_squeeze %dma_wait3A_1215 : memref<1x128xi32, #tpu.memory_space<vmem>> -> memref<128xi32, #tpu.memory_space<vmem>>
      %dma_wait3A_1217 = arith.constant 0 : i32
      %dma_wait3A_1218 = arith.constant 0 : i32
      %dma_wait3A_1219 = tpu.memref_slice %arg12[%dma_wait3A_1217, %dma_wait3A_1218] : memref<100096x16xf32, #tpu.memory_space<vmem_shared>> -> memref<100096x16xf32, #tpu.memory_space<vmem_shared>>
      tpu.wait_indirect_dma semaphore(%arg29 : memref<!tpu.dma_semaphore, #tpu.memory_space<semaphore_mem>>) src(%dma_wait3A_1213 : memref<128x16xf32, #tpu.memory_space<vmem>>) dst(%dma_wait3A_1219 : memref<100096x16xf32, #tpu.memory_space<vmem_shared>>)
      %dma_start3A_1220 = arith.constant 1 : i32
      %dma_start3A_1221 = arith.constant 896 : i32
      %dma_start3A_1222 = arith.constant 0 : i32
      %dma_start3A_1223 = tpu.memref_slice %arg10[%dma_start3A_1221, %dma_start3A_1222] : memref<1024x16xf32, #tpu.memory_space<vmem>> -> memref<128x16xf32, #tpu.memory_space<vmem>>
      %dma_start3A_1224 = arith.constant 896 : i32
      %dma_start3A_1225 = tpu.memref_slice %arg8[%dma_start3A_1220, %dma_start3A_1224] : memref<2x1024xi32, #tpu.memory_space<vmem>> -> memref<1x128xi32, #tpu.memory_space<vmem>>
      %dma_start3A_1226 = tpu.memref_squeeze %dma_start3A_1225 : memref<1x128xi32, #tpu.memory_space<vmem>> -> memref<128xi32, #tpu.memory_space<vmem>>
      %dma_start3A_1227 = arith.constant 0 : i32
      %dma_start3A_1228 = arith.constant 0 : i32
      %dma_start3A_1229 = tpu.memref_slice %arg3[%dma_start3A_1227, %dma_start3A_1228] : memref<100096x16xf32, #tpu.memory_space<hbm>> -> memref<100096x16xf32, #tpu.memory_space<hbm>>
      tpu.enqueue_indirect_dma source(%dma_start3A_1229 : memref<100096x16xf32, #tpu.memory_space<hbm>>) target(%dma_start3A_1223 : memref<128x16xf32, #tpu.memory_space<vmem>>) offsets(%dma_start3A_1226 : memref<128xi32, #tpu.memory_space<vmem>>) semaphore(%arg21 : memref<!tpu.dma_semaphore, #tpu.memory_space<semaphore_mem>>)
      %dma_wait3A_1230 = arith.constant 0 : i32
      %dma_wait3A_1231 = arith.constant 0 : i32
      %dma_wait3A_1232 = tpu.memref_slice %arg11[%dma_wait3A_1231] : memref<1024xf32, #tpu.memory_space<vmem>> -> memref<128xf32, #tpu.memory_space<vmem>>
      %dma_wait3A_1233 = arith.constant 0 : i32
      %dma_wait3A_1234 = tpu.memref_slice %arg9[%dma_wait3A_1230, %dma_wait3A_1233] : memref<2x1024xi32, #tpu.memory_space<vmem>> -> memref<1x128xi32, #tpu.memory_space<vmem>>
      %dma_wait3A_1235 = tpu.memref_squeeze %dma_wait3A_1234 : memref<1x128xi32, #tpu.memory_space<vmem>> -> memref<128xi32, #tpu.memory_space<vmem>>
      %dma_wait3A_1236 = arith.constant 0 : i32
      %dma_wait3A_1237 = tpu.memref_slice %arg13[%dma_wait3A_1236] : memref<100096xf32, #tpu.memory_space<vmem_shared>> -> memref<100096xf32, #tpu.memory_space<vmem_shared>>
      tpu.wait_indirect_dma semaphore(%arg30 : memref<!tpu.dma_semaphore, #tpu.memory_space<semaphore_mem>>) src(%dma_wait3A_1232 : memref<128xf32, #tpu.memory_space<vmem>>) dst(%dma_wait3A_1237 : memref<100096xf32, #tpu.memory_space<vmem_shared>>)
      %dma_wait3A_1238 = arith.constant 0 : i32
      %dma_wait3A_1239 = arith.constant 0 : i32
      %dma_wait3A_1240 = tpu.memref_slice %arg11[%dma_wait3A_1239] : memref<1024xf32, #tpu.memory_space<vmem>> -> memref<128xf32, #tpu.memory_space<vmem>>
      %dma_wait3A_1241 = arith.constant 128 : i32
      %dma_wait3A_1242 = tpu.memref_slice %arg9[%dma_wait3A_1238, %dma_wait3A_1241] : memref<2x1024xi32, #tpu.memory_space<vmem>> -> memref<1x128xi32, #tpu.memory_space<vmem>>
      %dma_wait3A_1243 = tpu.memref_squeeze %dma_wait3A_1242 : memref<1x128xi32, #tpu.memory_space<vmem>> -> memref<128xi32, #tpu.memory_space<vmem>>
      %dma_wait3A_1244 = arith.constant 0 : i32
      %dma_wait3A_1245 = tpu.memref_slice %arg13[%dma_wait3A_1244] : memref<100096xf32, #tpu.memory_space<vmem_shared>> -> memref<100096xf32, #tpu.memory_space<vmem_shared>>
      tpu.wait_indirect_dma semaphore(%arg30 : memref<!tpu.dma_semaphore, #tpu.memory_space<semaphore_mem>>) src(%dma_wait3A_1240 : memref<128xf32, #tpu.memory_space<vmem>>) dst(%dma_wait3A_1245 : memref<100096xf32, #tpu.memory_space<vmem_shared>>)
      %dma_wait3A_1246 = arith.constant 0 : i32
      %dma_wait3A_1247 = arith.constant 0 : i32
      %dma_wait3A_1248 = tpu.memref_slice %arg11[%dma_wait3A_1247] : memref<1024xf32, #tpu.memory_space<vmem>> -> memref<128xf32, #tpu.memory_space<vmem>>
      %dma_wait3A_1249 = arith.constant 256 : i32
      %dma_wait3A_1250 = tpu.memref_slice %arg9[%dma_wait3A_1246, %dma_wait3A_1249] : memref<2x1024xi32, #tpu.memory_space<vmem>> -> memref<1x128xi32, #tpu.memory_space<vmem>>
      %dma_wait3A_1251 = tpu.memref_squeeze %dma_wait3A_1250 : memref<1x128xi32, #tpu.memory_space<vmem>> -> memref<128xi32, #tpu.memory_space<vmem>>
      %dma_wait3A_1252 = arith.constant 0 : i32
      %dma_wait3A_1253 = tpu.memref_slice %arg13[%dma_wait3A_1252] : memref<100096xf32, #tpu.memory_space<vmem_shared>> -> memref<100096xf32, #tpu.memory_space<vmem_shared>>
      tpu.wait_indirect_dma semaphore(%arg30 : memref<!tpu.dma_semaphore, #tpu.memory_space<semaphore_mem>>) src(%dma_wait3A_1248 : memref<128xf32, #tpu.memory_space<vmem>>) dst(%dma_wait3A_1253 : memref<100096xf32, #tpu.memory_space<vmem_shared>>)
      %dma_wait3A_1254 = arith.constant 0 : i32
      %dma_wait3A_1255 = arith.constant 0 : i32
      %dma_wait3A_1256 = tpu.memref_slice %arg11[%dma_wait3A_1255] : memref<1024xf32, #tpu.memory_space<vmem>> -> memref<128xf32, #tpu.memory_space<vmem>>
      %dma_wait3A_1257 = arith.constant 384 : i32
      %dma_wait3A_1258 = tpu.memref_slice %arg9[%dma_wait3A_1254, %dma_wait3A_1257] : memref<2x1024xi32, #tpu.memory_space<vmem>> -> memref<1x128xi32, #tpu.memory_space<vmem>>
      %dma_wait3A_1259 = tpu.memref_squeeze %dma_wait3A_1258 : memref<1x128xi32, #tpu.memory_space<vmem>> -> memref<128xi32, #tpu.memory_space<vmem>>
      %dma_wait3A_1260 = arith.constant 0 : i32
      %dma_wait3A_1261 = tpu.memref_slice %arg13[%dma_wait3A_1260] : memref<100096xf32, #tpu.memory_space<vmem_shared>> -> memref<100096xf32, #tpu.memory_space<vmem_shared>>
      tpu.wait_indirect_dma semaphore(%arg30 : memref<!tpu.dma_semaphore, #tpu.memory_space<semaphore_mem>>) src(%dma_wait3A_1256 : memref<128xf32, #tpu.memory_space<vmem>>) dst(%dma_wait3A_1261 : memref<100096xf32, #tpu.memory_space<vmem_shared>>)
      %dma_wait3A_1262 = arith.constant 0 : i32
      %dma_wait3A_1263 = arith.constant 0 : i32
      %dma_wait3A_1264 = tpu.memref_slice %arg11[%dma_wait3A_1263] : memref<1024xf32, #tpu.memory_space<vmem>> -> memref<128xf32, #tpu.memory_space<vmem>>
      %dma_wait3A_1265 = arith.constant 512 : i32
      %dma_wait3A_1266 = tpu.memref_slice %arg9[%dma_wait3A_1262, %dma_wait3A_1265] : memref<2x1024xi32, #tpu.memory_space<vmem>> -> memref<1x128xi32, #tpu.memory_space<vmem>>
      %dma_wait3A_1267 = tpu.memref_squeeze %dma_wait3A_1266 : memref<1x128xi32, #tpu.memory_space<vmem>> -> memref<128xi32, #tpu.memory_space<vmem>>
      %dma_wait3A_1268 = arith.constant 0 : i32
      %dma_wait3A_1269 = tpu.memref_slice %arg13[%dma_wait3A_1268] : memref<100096xf32, #tpu.memory_space<vmem_shared>> -> memref<100096xf32, #tpu.memory_space<vmem_shared>>
      tpu.wait_indirect_dma semaphore(%arg30 : memref<!tpu.dma_semaphore, #tpu.memory_space<semaphore_mem>>) src(%dma_wait3A_1264 : memref<128xf32, #tpu.memory_space<vmem>>) dst(%dma_wait3A_1269 : memref<100096xf32, #tpu.memory_space<vmem_shared>>)
      %dma_wait3A_1270 = arith.constant 0 : i32
      %dma_wait3A_1271 = arith.constant 0 : i32
      %dma_wait3A_1272 = tpu.memref_slice %arg11[%dma_wait3A_1271] : memref<1024xf32, #tpu.memory_space<vmem>> -> memref<128xf32, #tpu.memory_space<vmem>>
      %dma_wait3A_1273 = arith.constant 640 : i32
      %dma_wait3A_1274 = tpu.memref_slice %arg9[%dma_wait3A_1270, %dma_wait3A_1273] : memref<2x1024xi32, #tpu.memory_space<vmem>> -> memref<1x128xi32, #tpu.memory_space<vmem>>
      %dma_wait3A_1275 = tpu.memref_squeeze %dma_wait3A_1274 : memref<1x128xi32, #tpu.memory_space<vmem>> -> memref<128xi32, #tpu.memory_space<vmem>>
      %dma_wait3A_1276 = arith.constant 0 : i32
      %dma_wait3A_1277 = tpu.memref_slice %arg13[%dma_wait3A_1276] : memref<100096xf32, #tpu.memory_space<vmem_shared>> -> memref<100096xf32, #tpu.memory_space<vmem_shared>>
      tpu.wait_indirect_dma semaphore(%arg30 : memref<!tpu.dma_semaphore, #tpu.memory_space<semaphore_mem>>) src(%dma_wait3A_1272 : memref<128xf32, #tpu.memory_space<vmem>>) dst(%dma_wait3A_1277 : memref<100096xf32, #tpu.memory_space<vmem_shared>>)
      %dma_wait3A_1278 = arith.constant 0 : i32
      %dma_wait3A_1279 = arith.constant 0 : i32
      %dma_wait3A_1280 = tpu.memref_slice %arg11[%dma_wait3A_1279] : memref<1024xf32, #tpu.memory_space<vmem>> -> memref<128xf32, #tpu.memory_space<vmem>>
      %dma_wait3A_1281 = arith.constant 768 : i32
      %dma_wait3A_1282 = tpu.memref_slice %arg9[%dma_wait3A_1278, %dma_wait3A_1281] : memref<2x1024xi32, #tpu.memory_space<vmem>> -> memref<1x128xi32, #tpu.memory_space<vmem>>
      %dma_wait3A_1283 = tpu.memref_squeeze %dma_wait3A_1282 : memref<1x128xi32, #tpu.memory_space<vmem>> -> memref<128xi32, #tpu.memory_space<vmem>>
      %dma_wait3A_1284 = arith.constant 0 : i32
      %dma_wait3A_1285 = tpu.memref_slice %arg13[%dma_wait3A_1284] : memref<100096xf32, #tpu.memory_space<vmem_shared>> -> memref<100096xf32, #tpu.memory_space<vmem_shared>>
      tpu.wait_indirect_dma semaphore(%arg30 : memref<!tpu.dma_semaphore, #tpu.memory_space<semaphore_mem>>) src(%dma_wait3A_1280 : memref<128xf32, #tpu.memory_space<vmem>>) dst(%dma_wait3A_1285 : memref<100096xf32, #tpu.memory_space<vmem_shared>>)
      %dma_wait3A_1286 = arith.constant 0 : i32
      %dma_wait3A_1287 = arith.constant 0 : i32
      %dma_wait3A_1288 = tpu.memref_slice %arg11[%dma_wait3A_1287] : memref<1024xf32, #tpu.memory_space<vmem>> -> memref<128xf32, #tpu.memory_space<vmem>>
      %dma_wait3A_1289 = arith.constant 896 : i32
      %dma_wait3A_1290 = tpu.memref_slice %arg9[%dma_wait3A_1286, %dma_wait3A_1289] : memref<2x1024xi32, #tpu.memory_space<vmem>> -> memref<1x128xi32, #tpu.memory_space<vmem>>
      %dma_wait3A_1291 = tpu.memref_squeeze %dma_wait3A_1290 : memref<1x128xi32, #tpu.memory_space<vmem>> -> memref<128xi32, #tpu.memory_space<vmem>>
      %dma_wait3A_1292 = arith.constant 0 : i32
      %dma_wait3A_1293 = tpu.memref_slice %arg13[%dma_wait3A_1292] : memref<100096xf32, #tpu.memory_space<vmem_shared>> -> memref<100096xf32, #tpu.memory_space<vmem_shared>>
      tpu.wait_indirect_dma semaphore(%arg30 : memref<!tpu.dma_semaphore, #tpu.memory_space<semaphore_mem>>) src(%dma_wait3A_1288 : memref<128xf32, #tpu.memory_space<vmem>>) dst(%dma_wait3A_1293 : memref<100096xf32, #tpu.memory_space<vmem_shared>>)
      %add3A_1294 = arith.constant 2 : i32
      %add3A_1295 = arith.addi %mul3A_664, %add3A_1294 : i32
      %mul3A_1296 = arith.constant 32 : i32
      %mul3A_1297 = arith.muli %add3A_1295, %mul3A_1296 : i32
      %add3A_1298 = arith.addi %add3A, %mul3A_1297 : i32
      %mul3A_1299 = arith.constant 1024 : i32
      %mul3A_1300 = arith.muli %add3A_1298, %mul3A_1299 : i32
      %dma_start3A_1301 = arith.constant 0 : i32
      %dma_start3A_1302 = arith.constant 0 : i32
      %dma_start3A_1303 = tpu.memref_slice %arg8[%dma_start3A_1301, %dma_start3A_1302] : memref<2x1024xi32, #tpu.memory_space<vmem>> -> memref<1x1024xi32, #tpu.memory_space<vmem>>
      %dma_start3A_1304 = tpu.memref_squeeze %dma_start3A_1303 : memref<1x1024xi32, #tpu.memory_space<vmem>> -> memref<1024xi32, #tpu.memory_space<vmem>>
      %dma_start3A_1305 = tpu.memref_slice %arg2[%mul3A_1300] : memref<6400000xi32, #tpu.memory_space<hbm>> -> memref<1024xi32, #tpu.memory_space<hbm>>
      %dma_start3A_1306 = arith.constant 0 : i32
      %dma_start3A_1307 = tpu.memref_slice %arg8[%dma_start3A_1301, %dma_start3A_1306] : memref<2x1024xi32, #tpu.memory_space<vmem>> -> memref<1x1024xi32, #tpu.memory_space<vmem>>
      %dma_start3A_1308 = tpu.memref_squeeze %dma_start3A_1307 : memref<1x1024xi32, #tpu.memory_space<vmem>> -> memref<1024xi32, #tpu.memory_space<vmem>>
      %dma_start3A_1309 = tpu.memref_slice %arg2[%mul3A_1300] : memref<6400000xi32, #tpu.memory_space<hbm>> -> memref<1024xi32, #tpu.memory_space<hbm>>
      tpu.enqueue_dma source(%dma_start3A_1309 : memref<1024xi32, #tpu.memory_space<hbm>>) target(%dma_start3A_1308 : memref<1024xi32, #tpu.memory_space<vmem>>) target_semaphore(%arg31 : memref<!tpu.dma_semaphore, #tpu.memory_space<semaphore_mem>>)
      %mul3A_1310 = arith.constant 1024 : i32
      %mul3A_1311 = arith.muli %add3A_1298, %mul3A_1310 : i32
      %add3A_1312 = arith.constant 3200000 : i32
      %add3A_1313 = arith.addi %add3A_1312, %mul3A_1311 : i32
      %dma_start3A_1314 = arith.constant 0 : i32
      %dma_start3A_1315 = arith.constant 0 : i32
      %dma_start3A_1316 = tpu.memref_slice %arg9[%dma_start3A_1314, %dma_start3A_1315] : memref<2x1024xi32, #tpu.memory_space<vmem>> -> memref<1x1024xi32, #tpu.memory_space<vmem>>
      %dma_start3A_1317 = tpu.memref_squeeze %dma_start3A_1316 : memref<1x1024xi32, #tpu.memory_space<vmem>> -> memref<1024xi32, #tpu.memory_space<vmem>>
      %dma_start3A_1318 = tpu.memref_slice %arg2[%add3A_1313] : memref<6400000xi32, #tpu.memory_space<hbm>> -> memref<1024xi32, #tpu.memory_space<hbm>>
      %dma_start3A_1319 = arith.constant 0 : i32
      %dma_start3A_1320 = tpu.memref_slice %arg9[%dma_start3A_1314, %dma_start3A_1319] : memref<2x1024xi32, #tpu.memory_space<vmem>> -> memref<1x1024xi32, #tpu.memory_space<vmem>>
      %dma_start3A_1321 = tpu.memref_squeeze %dma_start3A_1320 : memref<1x1024xi32, #tpu.memory_space<vmem>> -> memref<1024xi32, #tpu.memory_space<vmem>>
      %dma_start3A_1322 = tpu.memref_slice %arg2[%add3A_1313] : memref<6400000xi32, #tpu.memory_space<hbm>> -> memref<1024xi32, #tpu.memory_space<hbm>>
      tpu.enqueue_dma source(%dma_start3A_1322 : memref<1024xi32, #tpu.memory_space<hbm>>) target(%dma_start3A_1321 : memref<1024xi32, #tpu.memory_space<vmem>>) target_semaphore(%arg31 : memref<!tpu.dma_semaphore, #tpu.memory_space<semaphore_mem>>)
      %dma_wait3A_1323 = arith.constant 1 : i32
      %dma_wait3A_1324 = arith.constant 0 : i32
      %dma_wait3A_1325 = arith.constant 0 : i32
      %dma_wait3A_1326 = tpu.memref_slice %arg10[%dma_wait3A_1324, %dma_wait3A_1325] : memref<1024x16xf32, #tpu.memory_space<vmem>> -> memref<128x16xf32, #tpu.memory_space<vmem>>
      %dma_wait3A_1327 = arith.constant 0 : i32
      %dma_wait3A_1328 = tpu.memref_slice %arg8[%dma_wait3A_1323, %dma_wait3A_1327] : memref<2x1024xi32, #tpu.memory_space<vmem>> -> memref<1x128xi32, #tpu.memory_space<vmem>>
      %dma_wait3A_1329 = tpu.memref_squeeze %dma_wait3A_1328 : memref<1x128xi32, #tpu.memory_space<vmem>> -> memref<128xi32, #tpu.memory_space<vmem>>
      %dma_wait3A_1330 = arith.constant 0 : i32
      %dma_wait3A_1331 = arith.constant 0 : i32
      %dma_wait3A_1332 = tpu.memref_slice %arg3[%dma_wait3A_1330, %dma_wait3A_1331] : memref<100096x16xf32, #tpu.memory_space<hbm>> -> memref<100096x16xf32, #tpu.memory_space<hbm>>
      tpu.wait_indirect_dma semaphore(%arg14 : memref<!tpu.dma_semaphore, #tpu.memory_space<semaphore_mem>>) src(%dma_wait3A_1332 : memref<100096x16xf32, #tpu.memory_space<hbm>>) dst(%dma_wait3A_1326 : memref<128x16xf32, #tpu.memory_space<vmem>>)
      %dma_start3A_1333 = arith.constant 1 : i32
      %dma_start3A_1334 = arith.constant 0 : i32
      %dma_start3A_1335 = arith.constant 0 : i32
      %dma_start3A_1336 = tpu.memref_slice %arg10[%dma_start3A_1334, %dma_start3A_1335] : memref<1024x16xf32, #tpu.memory_space<vmem>> -> memref<128x16xf32, #tpu.memory_space<vmem>>
      %dma_start3A_1337 = arith.constant 0 : i32
      %dma_start3A_1338 = tpu.memref_slice %arg9[%dma_start3A_1333, %dma_start3A_1337] : memref<2x1024xi32, #tpu.memory_space<vmem>> -> memref<1x128xi32, #tpu.memory_space<vmem>>
      %dma_start3A_1339 = tpu.memref_squeeze %dma_start3A_1338 : memref<1x128xi32, #tpu.memory_space<vmem>> -> memref<128xi32, #tpu.memory_space<vmem>>
      %dma_start3A_1340 = arith.constant 0 : i32
      %dma_start3A_1341 = arith.constant 0 : i32
      %dma_start3A_1342 = tpu.memref_slice %arg12[%dma_start3A_1340, %dma_start3A_1341] : memref<100096x16xf32, #tpu.memory_space<vmem_shared>> -> memref<100096x16xf32, #tpu.memory_space<vmem_shared>>
      tpu.enqueue_indirect_dma source(%dma_start3A_1336 : memref<128x16xf32, #tpu.memory_space<vmem>>) target(%dma_start3A_1342 : memref<100096x16xf32, #tpu.memory_space<vmem_shared>>) offsets(%dma_start3A_1339 : memref<128xi32, #tpu.memory_space<vmem>>) semaphore(%arg22 : memref<!tpu.dma_semaphore, #tpu.memory_space<semaphore_mem>>) {add = true}
      %dma_start3A_1343 = arith.constant 1 : i32
      %dma_start3A_1344 = arith.constant 0 : i32
      %dma_start3A_1345 = tpu.memref_slice %arg11[%dma_start3A_1344] : memref<1024xf32, #tpu.memory_space<vmem>> -> memref<128xf32, #tpu.memory_space<vmem>>
      %dma_start3A_1346 = arith.constant 0 : i32
      %dma_start3A_1347 = tpu.memref_slice %arg9[%dma_start3A_1343, %dma_start3A_1346] : memref<2x1024xi32, #tpu.memory_space<vmem>> -> memref<1x128xi32, #tpu.memory_space<vmem>>
      %dma_start3A_1348 = tpu.memref_squeeze %dma_start3A_1347 : memref<1x128xi32, #tpu.memory_space<vmem>> -> memref<128xi32, #tpu.memory_space<vmem>>
      %dma_start3A_1349 = arith.constant 0 : i32
      %dma_start3A_1350 = tpu.memref_slice %arg13[%dma_start3A_1349] : memref<100096xf32, #tpu.memory_space<vmem_shared>> -> memref<100096xf32, #tpu.memory_space<vmem_shared>>
      tpu.enqueue_indirect_dma source(%dma_start3A_1345 : memref<128xf32, #tpu.memory_space<vmem>>) target(%dma_start3A_1350 : memref<100096xf32, #tpu.memory_space<vmem_shared>>) offsets(%dma_start3A_1348 : memref<128xi32, #tpu.memory_space<vmem>>) semaphore(%arg30 : memref<!tpu.dma_semaphore, #tpu.memory_space<semaphore_mem>>) {add = true}
      %dma_wait3A_1351 = arith.constant 1 : i32
      %dma_wait3A_1352 = arith.constant 128 : i32
      %dma_wait3A_1353 = arith.constant 0 : i32
      %dma_wait3A_1354 = tpu.memref_slice %arg10[%dma_wait3A_1352, %dma_wait3A_1353] : memref<1024x16xf32, #tpu.memory_space<vmem>> -> memref<128x16xf32, #tpu.memory_space<vmem>>
      %dma_wait3A_1355 = arith.constant 128 : i32
      %dma_wait3A_1356 = tpu.memref_slice %arg8[%dma_wait3A_1351, %dma_wait3A_1355] : memref<2x1024xi32, #tpu.memory_space<vmem>> -> memref<1x128xi32, #tpu.memory_space<vmem>>
      %dma_wait3A_1357 = tpu.memref_squeeze %dma_wait3A_1356 : memref<1x128xi32, #tpu.memory_space<vmem>> -> memref<128xi32, #tpu.memory_space<vmem>>
      %dma_wait3A_1358 = arith.constant 0 : i32
      %dma_wait3A_1359 = arith.constant 0 : i32
      %dma_wait3A_1360 = tpu.memref_slice %arg3[%dma_wait3A_1358, %dma_wait3A_1359] : memref<100096x16xf32, #tpu.memory_space<hbm>> -> memref<100096x16xf32, #tpu.memory_space<hbm>>
      tpu.wait_indirect_dma semaphore(%arg15 : memref<!tpu.dma_semaphore, #tpu.memory_space<semaphore_mem>>) src(%dma_wait3A_1360 : memref<100096x16xf32, #tpu.memory_space<hbm>>) dst(%dma_wait3A_1354 : memref<128x16xf32, #tpu.memory_space<vmem>>)
      %dma_start3A_1361 = arith.constant 1 : i32
      %dma_start3A_1362 = arith.constant 128 : i32
      %dma_start3A_1363 = arith.constant 0 : i32
      %dma_start3A_1364 = tpu.memref_slice %arg10[%dma_start3A_1362, %dma_start3A_1363] : memref<1024x16xf32, #tpu.memory_space<vmem>> -> memref<128x16xf32, #tpu.memory_space<vmem>>
      %dma_start3A_1365 = arith.constant 128 : i32
      %dma_start3A_1366 = tpu.memref_slice %arg9[%dma_start3A_1361, %dma_start3A_1365] : memref<2x1024xi32, #tpu.memory_space<vmem>> -> memref<1x128xi32, #tpu.memory_space<vmem>>
      %dma_start3A_1367 = tpu.memref_squeeze %dma_start3A_1366 : memref<1x128xi32, #tpu.memory_space<vmem>> -> memref<128xi32, #tpu.memory_space<vmem>>
      %dma_start3A_1368 = arith.constant 0 : i32
      %dma_start3A_1369 = arith.constant 0 : i32
      %dma_start3A_1370 = tpu.memref_slice %arg12[%dma_start3A_1368, %dma_start3A_1369] : memref<100096x16xf32, #tpu.memory_space<vmem_shared>> -> memref<100096x16xf32, #tpu.memory_space<vmem_shared>>
      tpu.enqueue_indirect_dma source(%dma_start3A_1364 : memref<128x16xf32, #tpu.memory_space<vmem>>) target(%dma_start3A_1370 : memref<100096x16xf32, #tpu.memory_space<vmem_shared>>) offsets(%dma_start3A_1367 : memref<128xi32, #tpu.memory_space<vmem>>) semaphore(%arg23 : memref<!tpu.dma_semaphore, #tpu.memory_space<semaphore_mem>>) {add = true}
      %dma_start3A_1371 = arith.constant 1 : i32
      %dma_start3A_1372 = arith.constant 0 : i32
      %dma_start3A_1373 = tpu.memref_slice %arg11[%dma_start3A_1372] : memref<1024xf32, #tpu.memory_space<vmem>> -> memref<128xf32, #tpu.memory_space<vmem>>
      %dma_start3A_1374 = arith.constant 128 : i32
      %dma_start3A_1375 = tpu.memref_slice %arg9[%dma_start3A_1371, %dma_start3A_1374] : memref<2x1024xi32, #tpu.memory_space<vmem>> -> memref<1x128xi32, #tpu.memory_space<vmem>>
      %dma_start3A_1376 = tpu.memref_squeeze %dma_start3A_1375 : memref<1x128xi32, #tpu.memory_space<vmem>> -> memref<128xi32, #tpu.memory_space<vmem>>
      %dma_start3A_1377 = arith.constant 0 : i32
      %dma_start3A_1378 = tpu.memref_slice %arg13[%dma_start3A_1377] : memref<100096xf32, #tpu.memory_space<vmem_shared>> -> memref<100096xf32, #tpu.memory_space<vmem_shared>>
      tpu.enqueue_indirect_dma source(%dma_start3A_1373 : memref<128xf32, #tpu.memory_space<vmem>>) target(%dma_start3A_1378 : memref<100096xf32, #tpu.memory_space<vmem_shared>>) offsets(%dma_start3A_1376 : memref<128xi32, #tpu.memory_space<vmem>>) semaphore(%arg30 : memref<!tpu.dma_semaphore, #tpu.memory_space<semaphore_mem>>) {add = true}
      %dma_wait3A_1379 = arith.constant 1 : i32
      %dma_wait3A_1380 = arith.constant 256 : i32
      %dma_wait3A_1381 = arith.constant 0 : i32
      %dma_wait3A_1382 = tpu.memref_slice %arg10[%dma_wait3A_1380, %dma_wait3A_1381] : memref<1024x16xf32, #tpu.memory_space<vmem>> -> memref<128x16xf32, #tpu.memory_space<vmem>>
      %dma_wait3A_1383 = arith.constant 256 : i32
      %dma_wait3A_1384 = tpu.memref_slice %arg8[%dma_wait3A_1379, %dma_wait3A_1383] : memref<2x1024xi32, #tpu.memory_space<vmem>> -> memref<1x128xi32, #tpu.memory_space<vmem>>
      %dma_wait3A_1385 = tpu.memref_squeeze %dma_wait3A_1384 : memref<1x128xi32, #tpu.memory_space<vmem>> -> memref<128xi32, #tpu.memory_space<vmem>>
      %dma_wait3A_1386 = arith.constant 0 : i32
      %dma_wait3A_1387 = arith.constant 0 : i32
      %dma_wait3A_1388 = tpu.memref_slice %arg3[%dma_wait3A_1386, %dma_wait3A_1387] : memref<100096x16xf32, #tpu.memory_space<hbm>> -> memref<100096x16xf32, #tpu.memory_space<hbm>>
      tpu.wait_indirect_dma semaphore(%arg16 : memref<!tpu.dma_semaphore, #tpu.memory_space<semaphore_mem>>) src(%dma_wait3A_1388 : memref<100096x16xf32, #tpu.memory_space<hbm>>) dst(%dma_wait3A_1382 : memref<128x16xf32, #tpu.memory_space<vmem>>)
      %dma_start3A_1389 = arith.constant 1 : i32
      %dma_start3A_1390 = arith.constant 256 : i32
      %dma_start3A_1391 = arith.constant 0 : i32
      %dma_start3A_1392 = tpu.memref_slice %arg10[%dma_start3A_1390, %dma_start3A_1391] : memref<1024x16xf32, #tpu.memory_space<vmem>> -> memref<128x16xf32, #tpu.memory_space<vmem>>
      %dma_start3A_1393 = arith.constant 256 : i32
      %dma_start3A_1394 = tpu.memref_slice %arg9[%dma_start3A_1389, %dma_start3A_1393] : memref<2x1024xi32, #tpu.memory_space<vmem>> -> memref<1x128xi32, #tpu.memory_space<vmem>>
      %dma_start3A_1395 = tpu.memref_squeeze %dma_start3A_1394 : memref<1x128xi32, #tpu.memory_space<vmem>> -> memref<128xi32, #tpu.memory_space<vmem>>
      %dma_start3A_1396 = arith.constant 0 : i32
      %dma_start3A_1397 = arith.constant 0 : i32
      %dma_start3A_1398 = tpu.memref_slice %arg12[%dma_start3A_1396, %dma_start3A_1397] : memref<100096x16xf32, #tpu.memory_space<vmem_shared>> -> memref<100096x16xf32, #tpu.memory_space<vmem_shared>>
      tpu.enqueue_indirect_dma source(%dma_start3A_1392 : memref<128x16xf32, #tpu.memory_space<vmem>>) target(%dma_start3A_1398 : memref<100096x16xf32, #tpu.memory_space<vmem_shared>>) offsets(%dma_start3A_1395 : memref<128xi32, #tpu.memory_space<vmem>>) semaphore(%arg24 : memref<!tpu.dma_semaphore, #tpu.memory_space<semaphore_mem>>) {add = true}
      %dma_start3A_1399 = arith.constant 1 : i32
      %dma_start3A_1400 = arith.constant 0 : i32
      %dma_start3A_1401 = tpu.memref_slice %arg11[%dma_start3A_1400] : memref<1024xf32, #tpu.memory_space<vmem>> -> memref<128xf32, #tpu.memory_space<vmem>>
      %dma_start3A_1402 = arith.constant 256 : i32
      %dma_start3A_1403 = tpu.memref_slice %arg9[%dma_start3A_1399, %dma_start3A_1402] : memref<2x1024xi32, #tpu.memory_space<vmem>> -> memref<1x128xi32, #tpu.memory_space<vmem>>
      %dma_start3A_1404 = tpu.memref_squeeze %dma_start3A_1403 : memref<1x128xi32, #tpu.memory_space<vmem>> -> memref<128xi32, #tpu.memory_space<vmem>>
      %dma_start3A_1405 = arith.constant 0 : i32
      %dma_start3A_1406 = tpu.memref_slice %arg13[%dma_start3A_1405] : memref<100096xf32, #tpu.memory_space<vmem_shared>> -> memref<100096xf32, #tpu.memory_space<vmem_shared>>
      tpu.enqueue_indirect_dma source(%dma_start3A_1401 : memref<128xf32, #tpu.memory_space<vmem>>) target(%dma_start3A_1406 : memref<100096xf32, #tpu.memory_space<vmem_shared>>) offsets(%dma_start3A_1404 : memref<128xi32, #tpu.memory_space<vmem>>) semaphore(%arg30 : memref<!tpu.dma_semaphore, #tpu.memory_space<semaphore_mem>>) {add = true}
      %dma_wait3A_1407 = arith.constant 1 : i32
      %dma_wait3A_1408 = arith.constant 384 : i32
      %dma_wait3A_1409 = arith.constant 0 : i32
      %dma_wait3A_1410 = tpu.memref_slice %arg10[%dma_wait3A_1408, %dma_wait3A_1409] : memref<1024x16xf32, #tpu.memory_space<vmem>> -> memref<128x16xf32, #tpu.memory_space<vmem>>
      %dma_wait3A_1411 = arith.constant 384 : i32
      %dma_wait3A_1412 = tpu.memref_slice %arg8[%dma_wait3A_1407, %dma_wait3A_1411] : memref<2x1024xi32, #tpu.memory_space<vmem>> -> memref<1x128xi32, #tpu.memory_space<vmem>>
      %dma_wait3A_1413 = tpu.memref_squeeze %dma_wait3A_1412 : memref<1x128xi32, #tpu.memory_space<vmem>> -> memref<128xi32, #tpu.memory_space<vmem>>
      %dma_wait3A_1414 = arith.constant 0 : i32
      %dma_wait3A_1415 = arith.constant 0 : i32
      %dma_wait3A_1416 = tpu.memref_slice %arg3[%dma_wait3A_1414, %dma_wait3A_1415] : memref<100096x16xf32, #tpu.memory_space<hbm>> -> memref<100096x16xf32, #tpu.memory_space<hbm>>
      tpu.wait_indirect_dma semaphore(%arg17 : memref<!tpu.dma_semaphore, #tpu.memory_space<semaphore_mem>>) src(%dma_wait3A_1416 : memref<100096x16xf32, #tpu.memory_space<hbm>>) dst(%dma_wait3A_1410 : memref<128x16xf32, #tpu.memory_space<vmem>>)
      %dma_start3A_1417 = arith.constant 1 : i32
      %dma_start3A_1418 = arith.constant 384 : i32
      %dma_start3A_1419 = arith.constant 0 : i32
      %dma_start3A_1420 = tpu.memref_slice %arg10[%dma_start3A_1418, %dma_start3A_1419] : memref<1024x16xf32, #tpu.memory_space<vmem>> -> memref<128x16xf32, #tpu.memory_space<vmem>>
      %dma_start3A_1421 = arith.constant 384 : i32
      %dma_start3A_1422 = tpu.memref_slice %arg9[%dma_start3A_1417, %dma_start3A_1421] : memref<2x1024xi32, #tpu.memory_space<vmem>> -> memref<1x128xi32, #tpu.memory_space<vmem>>
      %dma_start3A_1423 = tpu.memref_squeeze %dma_start3A_1422 : memref<1x128xi32, #tpu.memory_space<vmem>> -> memref<128xi32, #tpu.memory_space<vmem>>
      %dma_start3A_1424 = arith.constant 0 : i32
      %dma_start3A_1425 = arith.constant 0 : i32
      %dma_start3A_1426 = tpu.memref_slice %arg12[%dma_start3A_1424, %dma_start3A_1425] : memref<100096x16xf32, #tpu.memory_space<vmem_shared>> -> memref<100096x16xf32, #tpu.memory_space<vmem_shared>>
      tpu.enqueue_indirect_dma source(%dma_start3A_1420 : memref<128x16xf32, #tpu.memory_space<vmem>>) target(%dma_start3A_1426 : memref<100096x16xf32, #tpu.memory_space<vmem_shared>>) offsets(%dma_start3A_1423 : memref<128xi32, #tpu.memory_space<vmem>>) semaphore(%arg25 : memref<!tpu.dma_semaphore, #tpu.memory_space<semaphore_mem>>) {add = true}
      %dma_start3A_1427 = arith.constant 1 : i32
      %dma_start3A_1428 = arith.constant 0 : i32
      %dma_start3A_1429 = tpu.memref_slice %arg11[%dma_start3A_1428] : memref<1024xf32, #tpu.memory_space<vmem>> -> memref<128xf32, #tpu.memory_space<vmem>>
      %dma_start3A_1430 = arith.constant 384 : i32
      %dma_start3A_1431 = tpu.memref_slice %arg9[%dma_start3A_1427, %dma_start3A_1430] : memref<2x1024xi32, #tpu.memory_space<vmem>> -> memref<1x128xi32, #tpu.memory_space<vmem>>
      %dma_start3A_1432 = tpu.memref_squeeze %dma_start3A_1431 : memref<1x128xi32, #tpu.memory_space<vmem>> -> memref<128xi32, #tpu.memory_space<vmem>>
      %dma_start3A_1433 = arith.constant 0 : i32
      %dma_start3A_1434 = tpu.memref_slice %arg13[%dma_start3A_1433] : memref<100096xf32, #tpu.memory_space<vmem_shared>> -> memref<100096xf32, #tpu.memory_space<vmem_shared>>
      tpu.enqueue_indirect_dma source(%dma_start3A_1429 : memref<128xf32, #tpu.memory_space<vmem>>) target(%dma_start3A_1434 : memref<100096xf32, #tpu.memory_space<vmem_shared>>) offsets(%dma_start3A_1432 : memref<128xi32, #tpu.memory_space<vmem>>) semaphore(%arg30 : memref<!tpu.dma_semaphore, #tpu.memory_space<semaphore_mem>>) {add = true}
      %dma_wait3A_1435 = arith.constant 1 : i32
      %dma_wait3A_1436 = arith.constant 512 : i32
      %dma_wait3A_1437 = arith.constant 0 : i32
      %dma_wait3A_1438 = tpu.memref_slice %arg10[%dma_wait3A_1436, %dma_wait3A_1437] : memref<1024x16xf32, #tpu.memory_space<vmem>> -> memref<128x16xf32, #tpu.memory_space<vmem>>
      %dma_wait3A_1439 = arith.constant 512 : i32
      %dma_wait3A_1440 = tpu.memref_slice %arg8[%dma_wait3A_1435, %dma_wait3A_1439] : memref<2x1024xi32, #tpu.memory_space<vmem>> -> memref<1x128xi32, #tpu.memory_space<vmem>>
      %dma_wait3A_1441 = tpu.memref_squeeze %dma_wait3A_1440 : memref<1x128xi32, #tpu.memory_space<vmem>> -> memref<128xi32, #tpu.memory_space<vmem>>
      %dma_wait3A_1442 = arith.constant 0 : i32
      %dma_wait3A_1443 = arith.constant 0 : i32
      %dma_wait3A_1444 = tpu.memref_slice %arg3[%dma_wait3A_1442, %dma_wait3A_1443] : memref<100096x16xf32, #tpu.memory_space<hbm>> -> memref<100096x16xf32, #tpu.memory_space<hbm>>
      tpu.wait_indirect_dma semaphore(%arg18 : memref<!tpu.dma_semaphore, #tpu.memory_space<semaphore_mem>>) src(%dma_wait3A_1444 : memref<100096x16xf32, #tpu.memory_space<hbm>>) dst(%dma_wait3A_1438 : memref<128x16xf32, #tpu.memory_space<vmem>>)
      %dma_start3A_1445 = arith.constant 1 : i32
      %dma_start3A_1446 = arith.constant 512 : i32
      %dma_start3A_1447 = arith.constant 0 : i32
      %dma_start3A_1448 = tpu.memref_slice %arg10[%dma_start3A_1446, %dma_start3A_1447] : memref<1024x16xf32, #tpu.memory_space<vmem>> -> memref<128x16xf32, #tpu.memory_space<vmem>>
      %dma_start3A_1449 = arith.constant 512 : i32
      %dma_start3A_1450 = tpu.memref_slice %arg9[%dma_start3A_1445, %dma_start3A_1449] : memref<2x1024xi32, #tpu.memory_space<vmem>> -> memref<1x128xi32, #tpu.memory_space<vmem>>
      %dma_start3A_1451 = tpu.memref_squeeze %dma_start3A_1450 : memref<1x128xi32, #tpu.memory_space<vmem>> -> memref<128xi32, #tpu.memory_space<vmem>>
      %dma_start3A_1452 = arith.constant 0 : i32
      %dma_start3A_1453 = arith.constant 0 : i32
      %dma_start3A_1454 = tpu.memref_slice %arg12[%dma_start3A_1452, %dma_start3A_1453] : memref<100096x16xf32, #tpu.memory_space<vmem_shared>> -> memref<100096x16xf32, #tpu.memory_space<vmem_shared>>
      tpu.enqueue_indirect_dma source(%dma_start3A_1448 : memref<128x16xf32, #tpu.memory_space<vmem>>) target(%dma_start3A_1454 : memref<100096x16xf32, #tpu.memory_space<vmem_shared>>) offsets(%dma_start3A_1451 : memref<128xi32, #tpu.memory_space<vmem>>) semaphore(%arg26 : memref<!tpu.dma_semaphore, #tpu.memory_space<semaphore_mem>>) {add = true}
      %dma_start3A_1455 = arith.constant 1 : i32
      %dma_start3A_1456 = arith.constant 0 : i32
      %dma_start3A_1457 = tpu.memref_slice %arg11[%dma_start3A_1456] : memref<1024xf32, #tpu.memory_space<vmem>> -> memref<128xf32, #tpu.memory_space<vmem>>
      %dma_start3A_1458 = arith.constant 512 : i32
      %dma_start3A_1459 = tpu.memref_slice %arg9[%dma_start3A_1455, %dma_start3A_1458] : memref<2x1024xi32, #tpu.memory_space<vmem>> -> memref<1x128xi32, #tpu.memory_space<vmem>>
      %dma_start3A_1460 = tpu.memref_squeeze %dma_start3A_1459 : memref<1x128xi32, #tpu.memory_space<vmem>> -> memref<128xi32, #tpu.memory_space<vmem>>
      %dma_start3A_1461 = arith.constant 0 : i32
      %dma_start3A_1462 = tpu.memref_slice %arg13[%dma_start3A_1461] : memref<100096xf32, #tpu.memory_space<vmem_shared>> -> memref<100096xf32, #tpu.memory_space<vmem_shared>>
      tpu.enqueue_indirect_dma source(%dma_start3A_1457 : memref<128xf32, #tpu.memory_space<vmem>>) target(%dma_start3A_1462 : memref<100096xf32, #tpu.memory_space<vmem_shared>>) offsets(%dma_start3A_1460 : memref<128xi32, #tpu.memory_space<vmem>>) semaphore(%arg30 : memref<!tpu.dma_semaphore, #tpu.memory_space<semaphore_mem>>) {add = true}
      %dma_wait3A_1463 = arith.constant 1 : i32
      %dma_wait3A_1464 = arith.constant 640 : i32
      %dma_wait3A_1465 = arith.constant 0 : i32
      %dma_wait3A_1466 = tpu.memref_slice %arg10[%dma_wait3A_1464, %dma_wait3A_1465] : memref<1024x16xf32, #tpu.memory_space<vmem>> -> memref<128x16xf32, #tpu.memory_space<vmem>>
      %dma_wait3A_1467 = arith.constant 640 : i32
      %dma_wait3A_1468 = tpu.memref_slice %arg8[%dma_wait3A_1463, %dma_wait3A_1467] : memref<2x1024xi32, #tpu.memory_space<vmem>> -> memref<1x128xi32, #tpu.memory_space<vmem>>
      %dma_wait3A_1469 = tpu.memref_squeeze %dma_wait3A_1468 : memref<1x128xi32, #tpu.memory_space<vmem>> -> memref<128xi32, #tpu.memory_space<vmem>>
      %dma_wait3A_1470 = arith.constant 0 : i32
      %dma_wait3A_1471 = arith.constant 0 : i32
      %dma_wait3A_1472 = tpu.memref_slice %arg3[%dma_wait3A_1470, %dma_wait3A_1471] : memref<100096x16xf32, #tpu.memory_space<hbm>> -> memref<100096x16xf32, #tpu.memory_space<hbm>>
      tpu.wait_indirect_dma semaphore(%arg19 : memref<!tpu.dma_semaphore, #tpu.memory_space<semaphore_mem>>) src(%dma_wait3A_1472 : memref<100096x16xf32, #tpu.memory_space<hbm>>) dst(%dma_wait3A_1466 : memref<128x16xf32, #tpu.memory_space<vmem>>)
      %dma_start3A_1473 = arith.constant 1 : i32
      %dma_start3A_1474 = arith.constant 640 : i32
      %dma_start3A_1475 = arith.constant 0 : i32
      %dma_start3A_1476 = tpu.memref_slice %arg10[%dma_start3A_1474, %dma_start3A_1475] : memref<1024x16xf32, #tpu.memory_space<vmem>> -> memref<128x16xf32, #tpu.memory_space<vmem>>
      %dma_start3A_1477 = arith.constant 640 : i32
      %dma_start3A_1478 = tpu.memref_slice %arg9[%dma_start3A_1473, %dma_start3A_1477] : memref<2x1024xi32, #tpu.memory_space<vmem>> -> memref<1x128xi32, #tpu.memory_space<vmem>>
      %dma_start3A_1479 = tpu.memref_squeeze %dma_start3A_1478 : memref<1x128xi32, #tpu.memory_space<vmem>> -> memref<128xi32, #tpu.memory_space<vmem>>
      %dma_start3A_1480 = arith.constant 0 : i32
      %dma_start3A_1481 = arith.constant 0 : i32
      %dma_start3A_1482 = tpu.memref_slice %arg12[%dma_start3A_1480, %dma_start3A_1481] : memref<100096x16xf32, #tpu.memory_space<vmem_shared>> -> memref<100096x16xf32, #tpu.memory_space<vmem_shared>>
      tpu.enqueue_indirect_dma source(%dma_start3A_1476 : memref<128x16xf32, #tpu.memory_space<vmem>>) target(%dma_start3A_1482 : memref<100096x16xf32, #tpu.memory_space<vmem_shared>>) offsets(%dma_start3A_1479 : memref<128xi32, #tpu.memory_space<vmem>>) semaphore(%arg27 : memref<!tpu.dma_semaphore, #tpu.memory_space<semaphore_mem>>) {add = true}
      %dma_start3A_1483 = arith.constant 1 : i32
      %dma_start3A_1484 = arith.constant 0 : i32
      %dma_start3A_1485 = tpu.memref_slice %arg11[%dma_start3A_1484] : memref<1024xf32, #tpu.memory_space<vmem>> -> memref<128xf32, #tpu.memory_space<vmem>>
      %dma_start3A_1486 = arith.constant 640 : i32
      %dma_start3A_1487 = tpu.memref_slice %arg9[%dma_start3A_1483, %dma_start3A_1486] : memref<2x1024xi32, #tpu.memory_space<vmem>> -> memref<1x128xi32, #tpu.memory_space<vmem>>
      %dma_start3A_1488 = tpu.memref_squeeze %dma_start3A_1487 : memref<1x128xi32, #tpu.memory_space<vmem>> -> memref<128xi32, #tpu.memory_space<vmem>>
      %dma_start3A_1489 = arith.constant 0 : i32
      %dma_start3A_1490 = tpu.memref_slice %arg13[%dma_start3A_1489] : memref<100096xf32, #tpu.memory_space<vmem_shared>> -> memref<100096xf32, #tpu.memory_space<vmem_shared>>
      tpu.enqueue_indirect_dma source(%dma_start3A_1485 : memref<128xf32, #tpu.memory_space<vmem>>) target(%dma_start3A_1490 : memref<100096xf32, #tpu.memory_space<vmem_shared>>) offsets(%dma_start3A_1488 : memref<128xi32, #tpu.memory_space<vmem>>) semaphore(%arg30 : memref<!tpu.dma_semaphore, #tpu.memory_space<semaphore_mem>>) {add = true}
      %dma_wait3A_1491 = arith.constant 1 : i32
      %dma_wait3A_1492 = arith.constant 768 : i32
      %dma_wait3A_1493 = arith.constant 0 : i32
      %dma_wait3A_1494 = tpu.memref_slice %arg10[%dma_wait3A_1492, %dma_wait3A_1493] : memref<1024x16xf32, #tpu.memory_space<vmem>> -> memref<128x16xf32, #tpu.memory_space<vmem>>
      %dma_wait3A_1495 = arith.constant 768 : i32
      %dma_wait3A_1496 = tpu.memref_slice %arg8[%dma_wait3A_1491, %dma_wait3A_1495] : memref<2x1024xi32, #tpu.memory_space<vmem>> -> memref<1x128xi32, #tpu.memory_space<vmem>>
      %dma_wait3A_1497 = tpu.memref_squeeze %dma_wait3A_1496 : memref<1x128xi32, #tpu.memory_space<vmem>> -> memref<128xi32, #tpu.memory_space<vmem>>
      %dma_wait3A_1498 = arith.constant 0 : i32
      %dma_wait3A_1499 = arith.constant 0 : i32
      %dma_wait3A_1500 = tpu.memref_slice %arg3[%dma_wait3A_1498, %dma_wait3A_1499] : memref<100096x16xf32, #tpu.memory_space<hbm>> -> memref<100096x16xf32, #tpu.memory_space<hbm>>
      tpu.wait_indirect_dma semaphore(%arg20 : memref<!tpu.dma_semaphore, #tpu.memory_space<semaphore_mem>>) src(%dma_wait3A_1500 : memref<100096x16xf32, #tpu.memory_space<hbm>>) dst(%dma_wait3A_1494 : memref<128x16xf32, #tpu.memory_space<vmem>>)
      %dma_start3A_1501 = arith.constant 1 : i32
      %dma_start3A_1502 = arith.constant 768 : i32
      %dma_start3A_1503 = arith.constant 0 : i32
      %dma_start3A_1504 = tpu.memref_slice %arg10[%dma_start3A_1502, %dma_start3A_1503] : memref<1024x16xf32, #tpu.memory_space<vmem>> -> memref<128x16xf32, #tpu.memory_space<vmem>>
      %dma_start3A_1505 = arith.constant 768 : i32
      %dma_start3A_1506 = tpu.memref_slice %arg9[%dma_start3A_1501, %dma_start3A_1505] : memref<2x1024xi32, #tpu.memory_space<vmem>> -> memref<1x128xi32, #tpu.memory_space<vmem>>
      %dma_start3A_1507 = tpu.memref_squeeze %dma_start3A_1506 : memref<1x128xi32, #tpu.memory_space<vmem>> -> memref<128xi32, #tpu.memory_space<vmem>>
      %dma_start3A_1508 = arith.constant 0 : i32
      %dma_start3A_1509 = arith.constant 0 : i32
      %dma_start3A_1510 = tpu.memref_slice %arg12[%dma_start3A_1508, %dma_start3A_1509] : memref<100096x16xf32, #tpu.memory_space<vmem_shared>> -> memref<100096x16xf32, #tpu.memory_space<vmem_shared>>
      tpu.enqueue_indirect_dma source(%dma_start3A_1504 : memref<128x16xf32, #tpu.memory_space<vmem>>) target(%dma_start3A_1510 : memref<100096x16xf32, #tpu.memory_space<vmem_shared>>) offsets(%dma_start3A_1507 : memref<128xi32, #tpu.memory_space<vmem>>) semaphore(%arg28 : memref<!tpu.dma_semaphore, #tpu.memory_space<semaphore_mem>>) {add = true}
      %dma_start3A_1511 = arith.constant 1 : i32
      %dma_start3A_1512 = arith.constant 0 : i32
      %dma_start3A_1513 = tpu.memref_slice %arg11[%dma_start3A_1512] : memref<1024xf32, #tpu.memory_space<vmem>> -> memref<128xf32, #tpu.memory_space<vmem>>
      %dma_start3A_1514 = arith.constant 768 : i32
      %dma_start3A_1515 = tpu.memref_slice %arg9[%dma_start3A_1511, %dma_start3A_1514] : memref<2x1024xi32, #tpu.memory_space<vmem>> -> memref<1x128xi32, #tpu.memory_space<vmem>>
      %dma_start3A_1516 = tpu.memref_squeeze %dma_start3A_1515 : memref<1x128xi32, #tpu.memory_space<vmem>> -> memref<128xi32, #tpu.memory_space<vmem>>
      %dma_start3A_1517 = arith.constant 0 : i32
      %dma_start3A_1518 = tpu.memref_slice %arg13[%dma_start3A_1517] : memref<100096xf32, #tpu.memory_space<vmem_shared>> -> memref<100096xf32, #tpu.memory_space<vmem_shared>>
      tpu.enqueue_indirect_dma source(%dma_start3A_1513 : memref<128xf32, #tpu.memory_space<vmem>>) target(%dma_start3A_1518 : memref<100096xf32, #tpu.memory_space<vmem_shared>>) offsets(%dma_start3A_1516 : memref<128xi32, #tpu.memory_space<vmem>>) semaphore(%arg30 : memref<!tpu.dma_semaphore, #tpu.memory_space<semaphore_mem>>) {add = true}
      %dma_wait3A_1519 = arith.constant 1 : i32
      %dma_wait3A_1520 = arith.constant 896 : i32
      %dma_wait3A_1521 = arith.constant 0 : i32
      %dma_wait3A_1522 = tpu.memref_slice %arg10[%dma_wait3A_1520, %dma_wait3A_1521] : memref<1024x16xf32, #tpu.memory_space<vmem>> -> memref<128x16xf32, #tpu.memory_space<vmem>>
      %dma_wait3A_1523 = arith.constant 896 : i32
      %dma_wait3A_1524 = tpu.memref_slice %arg8[%dma_wait3A_1519, %dma_wait3A_1523] : memref<2x1024xi32, #tpu.memory_space<vmem>> -> memref<1x128xi32, #tpu.memory_space<vmem>>
      %dma_wait3A_1525 = tpu.memref_squeeze %dma_wait3A_1524 : memref<1x128xi32, #tpu.memory_space<vmem>> -> memref<128xi32, #tpu.memory_space<vmem>>
      %dma_wait3A_1526 = arith.constant 0 : i32
      %dma_wait3A_1527 = arith.constant 0 : i32
      %dma_wait3A_1528 = tpu.memref_slice %arg3[%dma_wait3A_1526, %dma_wait3A_1527] : memref<100096x16xf32, #tpu.memory_space<hbm>> -> memref<100096x16xf32, #tpu.memory_space<hbm>>
      tpu.wait_indirect_dma semaphore(%arg21 : memref<!tpu.dma_semaphore, #tpu.memory_space<semaphore_mem>>) src(%dma_wait3A_1528 : memref<100096x16xf32, #tpu.memory_space<hbm>>) dst(%dma_wait3A_1522 : memref<128x16xf32, #tpu.memory_space<vmem>>)
      %dma_start3A_1529 = arith.constant 1 : i32
      %dma_start3A_1530 = arith.constant 896 : i32
      %dma_start3A_1531 = arith.constant 0 : i32
      %dma_start3A_1532 = tpu.memref_slice %arg10[%dma_start3A_1530, %dma_start3A_1531] : memref<1024x16xf32, #tpu.memory_space<vmem>> -> memref<128x16xf32, #tpu.memory_space<vmem>>
      %dma_start3A_1533 = arith.constant 896 : i32
      %dma_start3A_1534 = tpu.memref_slice %arg9[%dma_start3A_1529, %dma_start3A_1533] : memref<2x1024xi32, #tpu.memory_space<vmem>> -> memref<1x128xi32, #tpu.memory_space<vmem>>
      %dma_start3A_1535 = tpu.memref_squeeze %dma_start3A_1534 : memref<1x128xi32, #tpu.memory_space<vmem>> -> memref<128xi32, #tpu.memory_space<vmem>>
      %dma_start3A_1536 = arith.constant 0 : i32
      %dma_start3A_1537 = arith.constant 0 : i32
      %dma_start3A_1538 = tpu.memref_slice %arg12[%dma_start3A_1536, %dma_start3A_1537] : memref<100096x16xf32, #tpu.memory_space<vmem_shared>> -> memref<100096x16xf32, #tpu.memory_space<vmem_shared>>
      tpu.enqueue_indirect_dma source(%dma_start3A_1532 : memref<128x16xf32, #tpu.memory_space<vmem>>) target(%dma_start3A_1538 : memref<100096x16xf32, #tpu.memory_space<vmem_shared>>) offsets(%dma_start3A_1535 : memref<128xi32, #tpu.memory_space<vmem>>) semaphore(%arg29 : memref<!tpu.dma_semaphore, #tpu.memory_space<semaphore_mem>>) {add = true}
      %dma_start3A_1539 = arith.constant 1 : i32
      %dma_start3A_1540 = arith.constant 0 : i32
      %dma_start3A_1541 = tpu.memref_slice %arg11[%dma_start3A_1540] : memref<1024xf32, #tpu.memory_space<vmem>> -> memref<128xf32, #tpu.memory_space<vmem>>
      %dma_start3A_1542 = arith.constant 896 : i32
      %dma_start3A_1543 = tpu.memref_slice %arg9[%dma_start3A_1539, %dma_start3A_1542] : memref<2x1024xi32, #tpu.memory_space<vmem>> -> memref<1x128xi32, #tpu.memory_space<vmem>>
      %dma_start3A_1544 = tpu.memref_squeeze %dma_start3A_1543 : memref<1x128xi32, #tpu.memory_space<vmem>> -> memref<128xi32, #tpu.memory_space<vmem>>
      %dma_start3A_1545 = arith.constant 0 : i32
      %dma_start3A_1546 = tpu.memref_slice %arg13[%dma_start3A_1545] : memref<100096xf32, #tpu.memory_space<vmem_shared>> -> memref<100096xf32, #tpu.memory_space<vmem_shared>>
      tpu.enqueue_indirect_dma source(%dma_start3A_1541 : memref<128xf32, #tpu.memory_space<vmem>>) target(%dma_start3A_1546 : memref<100096xf32, #tpu.memory_space<vmem_shared>>) offsets(%dma_start3A_1544 : memref<128xi32, #tpu.memory_space<vmem>>) semaphore(%arg30 : memref<!tpu.dma_semaphore, #tpu.memory_space<semaphore_mem>>) {add = true}
    }
    %scan3A_37 = arith.constant 48 : i32
    %dma_wait3A = arith.constant 0 : i32
    %dma_wait3A_38 = arith.constant 0 : i32
    %dma_wait3A_39 = tpu.memref_slice %arg8[%dma_wait3A, %dma_wait3A_38] : memref<2x1024xi32, #tpu.memory_space<vmem>> -> memref<1x1024xi32, #tpu.memory_space<vmem>>
    %dma_wait3A_40 = tpu.memref_squeeze %dma_wait3A_39 : memref<1x1024xi32, #tpu.memory_space<vmem>> -> memref<1024xi32, #tpu.memory_space<vmem>>
    %dma_wait3A_41 = arith.constant 0 : i32
    %dma_wait3A_42 = tpu.memref_slice %arg2[%dma_wait3A_41] : memref<6400000xi32, #tpu.memory_space<hbm>> -> memref<1024xi32, #tpu.memory_space<hbm>>
    %dma_wait3A_43 = arith.constant 0 : i32
    %dma_wait3A_44 = tpu.memref_slice %arg8[%dma_wait3A, %dma_wait3A_43] : memref<2x1024xi32, #tpu.memory_space<vmem>> -> memref<1x1024xi32, #tpu.memory_space<vmem>>
    %dma_wait3A_45 = tpu.memref_squeeze %dma_wait3A_44 : memref<1x1024xi32, #tpu.memory_space<vmem>> -> memref<1024xi32, #tpu.memory_space<vmem>>
    %dma_wait3A_46 = arith.constant 0 : i32
    %dma_wait3A_47 = tpu.memref_slice %arg2[%dma_wait3A_46] : memref<6400000xi32, #tpu.memory_space<hbm>> -> memref<1024xi32, #tpu.memory_space<hbm>>
    tpu.wait_dma2 semaphore(%arg31 : memref<!tpu.dma_semaphore, #tpu.memory_space<semaphore_mem>>) src(%dma_wait3A_47 : memref<1024xi32, #tpu.memory_space<hbm>>) dst(%dma_wait3A_45 : memref<1024xi32, #tpu.memory_space<vmem>>)
    %dma_wait3A_48 = arith.constant 0 : i32
    %dma_wait3A_49 = arith.constant 0 : i32
    %dma_wait3A_50 = tpu.memref_slice %arg9[%dma_wait3A_48, %dma_wait3A_49] : memref<2x1024xi32, #tpu.memory_space<vmem>> -> memref<1x1024xi32, #tpu.memory_space<vmem>>
    %dma_wait3A_51 = tpu.memref_squeeze %dma_wait3A_50 : memref<1x1024xi32, #tpu.memory_space<vmem>> -> memref<1024xi32, #tpu.memory_space<vmem>>
    %dma_wait3A_52 = arith.constant 0 : i32
    %dma_wait3A_53 = tpu.memref_slice %arg2[%dma_wait3A_52] : memref<6400000xi32, #tpu.memory_space<hbm>> -> memref<1024xi32, #tpu.memory_space<hbm>>
    %dma_wait3A_54 = arith.constant 0 : i32
    %dma_wait3A_55 = tpu.memref_slice %arg9[%dma_wait3A_48, %dma_wait3A_54] : memref<2x1024xi32, #tpu.memory_space<vmem>> -> memref<1x1024xi32, #tpu.memory_space<vmem>>
    %dma_wait3A_56 = tpu.memref_squeeze %dma_wait3A_55 : memref<1x1024xi32, #tpu.memory_space<vmem>> -> memref<1024xi32, #tpu.memory_space<vmem>>
    %dma_wait3A_57 = arith.constant 0 : i32
    %dma_wait3A_58 = tpu.memref_slice %arg2[%dma_wait3A_57] : memref<6400000xi32, #tpu.memory_space<hbm>> -> memref<1024xi32, #tpu.memory_space<hbm>>
    tpu.wait_dma2 semaphore(%arg31 : memref<!tpu.dma_semaphore, #tpu.memory_space<semaphore_mem>>) src(%dma_wait3A_58 : memref<1024xi32, #tpu.memory_space<hbm>>) dst(%dma_wait3A_56 : memref<1024xi32, #tpu.memory_space<vmem>>)
    %dma_wait3A_59 = arith.constant 1 : i32
    %dma_wait3A_60 = arith.constant 0 : i32
    %dma_wait3A_61 = arith.constant 0 : i32
    %dma_wait3A_62 = tpu.memref_slice %arg10[%dma_wait3A_60, %dma_wait3A_61] : memref<1024x16xf32, #tpu.memory_space<vmem>> -> memref<128x16xf32, #tpu.memory_space<vmem>>
    %dma_wait3A_63 = arith.constant 0 : i32
    %dma_wait3A_64 = tpu.memref_slice %arg9[%dma_wait3A_59, %dma_wait3A_63] : memref<2x1024xi32, #tpu.memory_space<vmem>> -> memref<1x128xi32, #tpu.memory_space<vmem>>
    %dma_wait3A_65 = tpu.memref_squeeze %dma_wait3A_64 : memref<1x128xi32, #tpu.memory_space<vmem>> -> memref<128xi32, #tpu.memory_space<vmem>>
    %dma_wait3A_66 = arith.constant 0 : i32
    %dma_wait3A_67 = arith.constant 0 : i32
    %dma_wait3A_68 = tpu.memref_slice %arg12[%dma_wait3A_66, %dma_wait3A_67] : memref<100096x16xf32, #tpu.memory_space<vmem_shared>> -> memref<100096x16xf32, #tpu.memory_space<vmem_shared>>
    tpu.wait_indirect_dma semaphore(%arg22 : memref<!tpu.dma_semaphore, #tpu.memory_space<semaphore_mem>>) src(%dma_wait3A_62 : memref<128x16xf32, #tpu.memory_space<vmem>>) dst(%dma_wait3A_68 : memref<100096x16xf32, #tpu.memory_space<vmem_shared>>)
    %dma_start3A_69 = arith.constant 0 : i32
    %dma_start3A_70 = arith.constant 0 : i32
    %dma_start3A_71 = arith.constant 0 : i32
    %dma_start3A_72 = tpu.memref_slice %arg10[%dma_start3A_70, %dma_start3A_71] : memref<1024x16xf32, #tpu.memory_space<vmem>> -> memref<128x16xf32, #tpu.memory_space<vmem>>
    %dma_start3A_73 = arith.constant 0 : i32
    %dma_start3A_74 = tpu.memref_slice %arg8[%dma_start3A_69, %dma_start3A_73] : memref<2x1024xi32, #tpu.memory_space<vmem>> -> memref<1x128xi32, #tpu.memory_space<vmem>>
    %dma_start3A_75 = tpu.memref_squeeze %dma_start3A_74 : memref<1x128xi32, #tpu.memory_space<vmem>> -> memref<128xi32, #tpu.memory_space<vmem>>
    %dma_start3A_76 = arith.constant 0 : i32
    %dma_start3A_77 = arith.constant 0 : i32
    %dma_start3A_78 = tpu.memref_slice %arg3[%dma_start3A_76, %dma_start3A_77] : memref<100096x16xf32, #tpu.memory_space<hbm>> -> memref<100096x16xf32, #tpu.memory_space<hbm>>
    tpu.enqueue_indirect_dma source(%dma_start3A_78 : memref<100096x16xf32, #tpu.memory_space<hbm>>) target(%dma_start3A_72 : memref<128x16xf32, #tpu.memory_space<vmem>>) offsets(%dma_start3A_75 : memref<128xi32, #tpu.memory_space<vmem>>) semaphore(%arg14 : memref<!tpu.dma_semaphore, #tpu.memory_space<semaphore_mem>>)
    %dma_wait3A_79 = arith.constant 1 : i32
    %dma_wait3A_80 = arith.constant 128 : i32
    %dma_wait3A_81 = arith.constant 0 : i32
    %dma_wait3A_82 = tpu.memref_slice %arg10[%dma_wait3A_80, %dma_wait3A_81] : memref<1024x16xf32, #tpu.memory_space<vmem>> -> memref<128x16xf32, #tpu.memory_space<vmem>>
    %dma_wait3A_83 = arith.constant 128 : i32
    %dma_wait3A_84 = tpu.memref_slice %arg9[%dma_wait3A_79, %dma_wait3A_83] : memref<2x1024xi32, #tpu.memory_space<vmem>> -> memref<1x128xi32, #tpu.memory_space<vmem>>
    %dma_wait3A_85 = tpu.memref_squeeze %dma_wait3A_84 : memref<1x128xi32, #tpu.memory_space<vmem>> -> memref<128xi32, #tpu.memory_space<vmem>>
    %dma_wait3A_86 = arith.constant 0 : i32
    %dma_wait3A_87 = arith.constant 0 : i32
    %dma_wait3A_88 = tpu.memref_slice %arg12[%dma_wait3A_86, %dma_wait3A_87] : memref<100096x16xf32, #tpu.memory_space<vmem_shared>> -> memref<100096x16xf32, #tpu.memory_space<vmem_shared>>
    tpu.wait_indirect_dma semaphore(%arg23 : memref<!tpu.dma_semaphore, #tpu.memory_space<semaphore_mem>>) src(%dma_wait3A_82 : memref<128x16xf32, #tpu.memory_space<vmem>>) dst(%dma_wait3A_88 : memref<100096x16xf32, #tpu.memory_space<vmem_shared>>)
    %dma_start3A_89 = arith.constant 0 : i32
    %dma_start3A_90 = arith.constant 128 : i32
    %dma_start3A_91 = arith.constant 0 : i32
    %dma_start3A_92 = tpu.memref_slice %arg10[%dma_start3A_90, %dma_start3A_91] : memref<1024x16xf32, #tpu.memory_space<vmem>> -> memref<128x16xf32, #tpu.memory_space<vmem>>
    %dma_start3A_93 = arith.constant 128 : i32
    %dma_start3A_94 = tpu.memref_slice %arg8[%dma_start3A_89, %dma_start3A_93] : memref<2x1024xi32, #tpu.memory_space<vmem>> -> memref<1x128xi32, #tpu.memory_space<vmem>>
    %dma_start3A_95 = tpu.memref_squeeze %dma_start3A_94 : memref<1x128xi32, #tpu.memory_space<vmem>> -> memref<128xi32, #tpu.memory_space<vmem>>
    %dma_start3A_96 = arith.constant 0 : i32
    %dma_start3A_97 = arith.constant 0 : i32
    %dma_start3A_98 = tpu.memref_slice %arg3[%dma_start3A_96, %dma_start3A_97] : memref<100096x16xf32, #tpu.memory_space<hbm>> -> memref<100096x16xf32, #tpu.memory_space<hbm>>
    tpu.enqueue_indirect_dma source(%dma_start3A_98 : memref<100096x16xf32, #tpu.memory_space<hbm>>) target(%dma_start3A_92 : memref<128x16xf32, #tpu.memory_space<vmem>>) offsets(%dma_start3A_95 : memref<128xi32, #tpu.memory_space<vmem>>) semaphore(%arg15 : memref<!tpu.dma_semaphore, #tpu.memory_space<semaphore_mem>>)
    %dma_wait3A_99 = arith.constant 1 : i32
    %dma_wait3A_100 = arith.constant 256 : i32
    %dma_wait3A_101 = arith.constant 0 : i32
    %dma_wait3A_102 = tpu.memref_slice %arg10[%dma_wait3A_100, %dma_wait3A_101] : memref<1024x16xf32, #tpu.memory_space<vmem>> -> memref<128x16xf32, #tpu.memory_space<vmem>>
    %dma_wait3A_103 = arith.constant 256 : i32
    %dma_wait3A_104 = tpu.memref_slice %arg9[%dma_wait3A_99, %dma_wait3A_103] : memref<2x1024xi32, #tpu.memory_space<vmem>> -> memref<1x128xi32, #tpu.memory_space<vmem>>
    %dma_wait3A_105 = tpu.memref_squeeze %dma_wait3A_104 : memref<1x128xi32, #tpu.memory_space<vmem>> -> memref<128xi32, #tpu.memory_space<vmem>>
    %dma_wait3A_106 = arith.constant 0 : i32
    %dma_wait3A_107 = arith.constant 0 : i32
    %dma_wait3A_108 = tpu.memref_slice %arg12[%dma_wait3A_106, %dma_wait3A_107] : memref<100096x16xf32, #tpu.memory_space<vmem_shared>> -> memref<100096x16xf32, #tpu.memory_space<vmem_shared>>
    tpu.wait_indirect_dma semaphore(%arg24 : memref<!tpu.dma_semaphore, #tpu.memory_space<semaphore_mem>>) src(%dma_wait3A_102 : memref<128x16xf32, #tpu.memory_space<vmem>>) dst(%dma_wait3A_108 : memref<100096x16xf32, #tpu.memory_space<vmem_shared>>)
    %dma_start3A_109 = arith.constant 0 : i32
    %dma_start3A_110 = arith.constant 256 : i32
    %dma_start3A_111 = arith.constant 0 : i32
    %dma_start3A_112 = tpu.memref_slice %arg10[%dma_start3A_110, %dma_start3A_111] : memref<1024x16xf32, #tpu.memory_space<vmem>> -> memref<128x16xf32, #tpu.memory_space<vmem>>
    %dma_start3A_113 = arith.constant 256 : i32
    %dma_start3A_114 = tpu.memref_slice %arg8[%dma_start3A_109, %dma_start3A_113] : memref<2x1024xi32, #tpu.memory_space<vmem>> -> memref<1x128xi32, #tpu.memory_space<vmem>>
    %dma_start3A_115 = tpu.memref_squeeze %dma_start3A_114 : memref<1x128xi32, #tpu.memory_space<vmem>> -> memref<128xi32, #tpu.memory_space<vmem>>
    %dma_start3A_116 = arith.constant 0 : i32
    %dma_start3A_117 = arith.constant 0 : i32
    %dma_start3A_118 = tpu.memref_slice %arg3[%dma_start3A_116, %dma_start3A_117] : memref<100096x16xf32, #tpu.memory_space<hbm>> -> memref<100096x16xf32, #tpu.memory_space<hbm>>
    tpu.enqueue_indirect_dma source(%dma_start3A_118 : memref<100096x16xf32, #tpu.memory_space<hbm>>) target(%dma_start3A_112 : memref<128x16xf32, #tpu.memory_space<vmem>>) offsets(%dma_start3A_115 : memref<128xi32, #tpu.memory_space<vmem>>) semaphore(%arg16 : memref<!tpu.dma_semaphore, #tpu.memory_space<semaphore_mem>>)
    %dma_wait3A_119 = arith.constant 1 : i32
    %dma_wait3A_120 = arith.constant 384 : i32
    %dma_wait3A_121 = arith.constant 0 : i32
    %dma_wait3A_122 = tpu.memref_slice %arg10[%dma_wait3A_120, %dma_wait3A_121] : memref<1024x16xf32, #tpu.memory_space<vmem>> -> memref<128x16xf32, #tpu.memory_space<vmem>>
    %dma_wait3A_123 = arith.constant 384 : i32
    %dma_wait3A_124 = tpu.memref_slice %arg9[%dma_wait3A_119, %dma_wait3A_123] : memref<2x1024xi32, #tpu.memory_space<vmem>> -> memref<1x128xi32, #tpu.memory_space<vmem>>
    %dma_wait3A_125 = tpu.memref_squeeze %dma_wait3A_124 : memref<1x128xi32, #tpu.memory_space<vmem>> -> memref<128xi32, #tpu.memory_space<vmem>>
    %dma_wait3A_126 = arith.constant 0 : i32
    %dma_wait3A_127 = arith.constant 0 : i32
    %dma_wait3A_128 = tpu.memref_slice %arg12[%dma_wait3A_126, %dma_wait3A_127] : memref<100096x16xf32, #tpu.memory_space<vmem_shared>> -> memref<100096x16xf32, #tpu.memory_space<vmem_shared>>
    tpu.wait_indirect_dma semaphore(%arg25 : memref<!tpu.dma_semaphore, #tpu.memory_space<semaphore_mem>>) src(%dma_wait3A_122 : memref<128x16xf32, #tpu.memory_space<vmem>>) dst(%dma_wait3A_128 : memref<100096x16xf32, #tpu.memory_space<vmem_shared>>)
    %dma_start3A_129 = arith.constant 0 : i32
    %dma_start3A_130 = arith.constant 384 : i32
    %dma_start3A_131 = arith.constant 0 : i32
    %dma_start3A_132 = tpu.memref_slice %arg10[%dma_start3A_130, %dma_start3A_131] : memref<1024x16xf32, #tpu.memory_space<vmem>> -> memref<128x16xf32, #tpu.memory_space<vmem>>
    %dma_start3A_133 = arith.constant 384 : i32
    %dma_start3A_134 = tpu.memref_slice %arg8[%dma_start3A_129, %dma_start3A_133] : memref<2x1024xi32, #tpu.memory_space<vmem>> -> memref<1x128xi32, #tpu.memory_space<vmem>>
    %dma_start3A_135 = tpu.memref_squeeze %dma_start3A_134 : memref<1x128xi32, #tpu.memory_space<vmem>> -> memref<128xi32, #tpu.memory_space<vmem>>
    %dma_start3A_136 = arith.constant 0 : i32
    %dma_start3A_137 = arith.constant 0 : i32
    %dma_start3A_138 = tpu.memref_slice %arg3[%dma_start3A_136, %dma_start3A_137] : memref<100096x16xf32, #tpu.memory_space<hbm>> -> memref<100096x16xf32, #tpu.memory_space<hbm>>
    tpu.enqueue_indirect_dma source(%dma_start3A_138 : memref<100096x16xf32, #tpu.memory_space<hbm>>) target(%dma_start3A_132 : memref<128x16xf32, #tpu.memory_space<vmem>>) offsets(%dma_start3A_135 : memref<128xi32, #tpu.memory_space<vmem>>) semaphore(%arg17 : memref<!tpu.dma_semaphore, #tpu.memory_space<semaphore_mem>>)
    %dma_wait3A_139 = arith.constant 1 : i32
    %dma_wait3A_140 = arith.constant 512 : i32
    %dma_wait3A_141 = arith.constant 0 : i32
    %dma_wait3A_142 = tpu.memref_slice %arg10[%dma_wait3A_140, %dma_wait3A_141] : memref<1024x16xf32, #tpu.memory_space<vmem>> -> memref<128x16xf32, #tpu.memory_space<vmem>>
    %dma_wait3A_143 = arith.constant 512 : i32
    %dma_wait3A_144 = tpu.memref_slice %arg9[%dma_wait3A_139, %dma_wait3A_143] : memref<2x1024xi32, #tpu.memory_space<vmem>> -> memref<1x128xi32, #tpu.memory_space<vmem>>
    %dma_wait3A_145 = tpu.memref_squeeze %dma_wait3A_144 : memref<1x128xi32, #tpu.memory_space<vmem>> -> memref<128xi32, #tpu.memory_space<vmem>>
    %dma_wait3A_146 = arith.constant 0 : i32
    %dma_wait3A_147 = arith.constant 0 : i32
    %dma_wait3A_148 = tpu.memref_slice %arg12[%dma_wait3A_146, %dma_wait3A_147] : memref<100096x16xf32, #tpu.memory_space<vmem_shared>> -> memref<100096x16xf32, #tpu.memory_space<vmem_shared>>
    tpu.wait_indirect_dma semaphore(%arg26 : memref<!tpu.dma_semaphore, #tpu.memory_space<semaphore_mem>>) src(%dma_wait3A_142 : memref<128x16xf32, #tpu.memory_space<vmem>>) dst(%dma_wait3A_148 : memref<100096x16xf32, #tpu.memory_space<vmem_shared>>)
    %dma_start3A_149 = arith.constant 0 : i32
    %dma_start3A_150 = arith.constant 512 : i32
    %dma_start3A_151 = arith.constant 0 : i32
    %dma_start3A_152 = tpu.memref_slice %arg10[%dma_start3A_150, %dma_start3A_151] : memref<1024x16xf32, #tpu.memory_space<vmem>> -> memref<128x16xf32, #tpu.memory_space<vmem>>
    %dma_start3A_153 = arith.constant 512 : i32
    %dma_start3A_154 = tpu.memref_slice %arg8[%dma_start3A_149, %dma_start3A_153] : memref<2x1024xi32, #tpu.memory_space<vmem>> -> memref<1x128xi32, #tpu.memory_space<vmem>>
    %dma_start3A_155 = tpu.memref_squeeze %dma_start3A_154 : memref<1x128xi32, #tpu.memory_space<vmem>> -> memref<128xi32, #tpu.memory_space<vmem>>
    %dma_start3A_156 = arith.constant 0 : i32
    %dma_start3A_157 = arith.constant 0 : i32
    %dma_start3A_158 = tpu.memref_slice %arg3[%dma_start3A_156, %dma_start3A_157] : memref<100096x16xf32, #tpu.memory_space<hbm>> -> memref<100096x16xf32, #tpu.memory_space<hbm>>
    tpu.enqueue_indirect_dma source(%dma_start3A_158 : memref<100096x16xf32, #tpu.memory_space<hbm>>) target(%dma_start3A_152 : memref<128x16xf32, #tpu.memory_space<vmem>>) offsets(%dma_start3A_155 : memref<128xi32, #tpu.memory_space<vmem>>) semaphore(%arg18 : memref<!tpu.dma_semaphore, #tpu.memory_space<semaphore_mem>>)
    %dma_wait3A_159 = arith.constant 1 : i32
    %dma_wait3A_160 = arith.constant 640 : i32
    %dma_wait3A_161 = arith.constant 0 : i32
    %dma_wait3A_162 = tpu.memref_slice %arg10[%dma_wait3A_160, %dma_wait3A_161] : memref<1024x16xf32, #tpu.memory_space<vmem>> -> memref<128x16xf32, #tpu.memory_space<vmem>>
    %dma_wait3A_163 = arith.constant 640 : i32
    %dma_wait3A_164 = tpu.memref_slice %arg9[%dma_wait3A_159, %dma_wait3A_163] : memref<2x1024xi32, #tpu.memory_space<vmem>> -> memref<1x128xi32, #tpu.memory_space<vmem>>
    %dma_wait3A_165 = tpu.memref_squeeze %dma_wait3A_164 : memref<1x128xi32, #tpu.memory_space<vmem>> -> memref<128xi32, #tpu.memory_space<vmem>>
    %dma_wait3A_166 = arith.constant 0 : i32
    %dma_wait3A_167 = arith.constant 0 : i32
    %dma_wait3A_168 = tpu.memref_slice %arg12[%dma_wait3A_166, %dma_wait3A_167] : memref<100096x16xf32, #tpu.memory_space<vmem_shared>> -> memref<100096x16xf32, #tpu.memory_space<vmem_shared>>
    tpu.wait_indirect_dma semaphore(%arg27 : memref<!tpu.dma_semaphore, #tpu.memory_space<semaphore_mem>>) src(%dma_wait3A_162 : memref<128x16xf32, #tpu.memory_space<vmem>>) dst(%dma_wait3A_168 : memref<100096x16xf32, #tpu.memory_space<vmem_shared>>)
    %dma_start3A_169 = arith.constant 0 : i32
    %dma_start3A_170 = arith.constant 640 : i32
    %dma_start3A_171 = arith.constant 0 : i32
    %dma_start3A_172 = tpu.memref_slice %arg10[%dma_start3A_170, %dma_start3A_171] : memref<1024x16xf32, #tpu.memory_space<vmem>> -> memref<128x16xf32, #tpu.memory_space<vmem>>
    %dma_start3A_173 = arith.constant 640 : i32
    %dma_start3A_174 = tpu.memref_slice %arg8[%dma_start3A_169, %dma_start3A_173] : memref<2x1024xi32, #tpu.memory_space<vmem>> -> memref<1x128xi32, #tpu.memory_space<vmem>>
    %dma_start3A_175 = tpu.memref_squeeze %dma_start3A_174 : memref<1x128xi32, #tpu.memory_space<vmem>> -> memref<128xi32, #tpu.memory_space<vmem>>
    %dma_start3A_176 = arith.constant 0 : i32
    %dma_start3A_177 = arith.constant 0 : i32
    %dma_start3A_178 = tpu.memref_slice %arg3[%dma_start3A_176, %dma_start3A_177] : memref<100096x16xf32, #tpu.memory_space<hbm>> -> memref<100096x16xf32, #tpu.memory_space<hbm>>
    tpu.enqueue_indirect_dma source(%dma_start3A_178 : memref<100096x16xf32, #tpu.memory_space<hbm>>) target(%dma_start3A_172 : memref<128x16xf32, #tpu.memory_space<vmem>>) offsets(%dma_start3A_175 : memref<128xi32, #tpu.memory_space<vmem>>) semaphore(%arg19 : memref<!tpu.dma_semaphore, #tpu.memory_space<semaphore_mem>>)
    %dma_wait3A_179 = arith.constant 1 : i32
    %dma_wait3A_180 = arith.constant 768 : i32
    %dma_wait3A_181 = arith.constant 0 : i32
    %dma_wait3A_182 = tpu.memref_slice %arg10[%dma_wait3A_180, %dma_wait3A_181] : memref<1024x16xf32, #tpu.memory_space<vmem>> -> memref<128x16xf32, #tpu.memory_space<vmem>>
    %dma_wait3A_183 = arith.constant 768 : i32
    %dma_wait3A_184 = tpu.memref_slice %arg9[%dma_wait3A_179, %dma_wait3A_183] : memref<2x1024xi32, #tpu.memory_space<vmem>> -> memref<1x128xi32, #tpu.memory_space<vmem>>
    %dma_wait3A_185 = tpu.memref_squeeze %dma_wait3A_184 : memref<1x128xi32, #tpu.memory_space<vmem>> -> memref<128xi32, #tpu.memory_space<vmem>>
    %dma_wait3A_186 = arith.constant 0 : i32
    %dma_wait3A_187 = arith.constant 0 : i32
    %dma_wait3A_188 = tpu.memref_slice %arg12[%dma_wait3A_186, %dma_wait3A_187] : memref<100096x16xf32, #tpu.memory_space<vmem_shared>> -> memref<100096x16xf32, #tpu.memory_space<vmem_shared>>
    tpu.wait_indirect_dma semaphore(%arg28 : memref<!tpu.dma_semaphore, #tpu.memory_space<semaphore_mem>>) src(%dma_wait3A_182 : memref<128x16xf32, #tpu.memory_space<vmem>>) dst(%dma_wait3A_188 : memref<100096x16xf32, #tpu.memory_space<vmem_shared>>)
    %dma_start3A_189 = arith.constant 0 : i32
    %dma_start3A_190 = arith.constant 768 : i32
    %dma_start3A_191 = arith.constant 0 : i32
    %dma_start3A_192 = tpu.memref_slice %arg10[%dma_start3A_190, %dma_start3A_191] : memref<1024x16xf32, #tpu.memory_space<vmem>> -> memref<128x16xf32, #tpu.memory_space<vmem>>
    %dma_start3A_193 = arith.constant 768 : i32
    %dma_start3A_194 = tpu.memref_slice %arg8[%dma_start3A_189, %dma_start3A_193] : memref<2x1024xi32, #tpu.memory_space<vmem>> -> memref<1x128xi32, #tpu.memory_space<vmem>>
    %dma_start3A_195 = tpu.memref_squeeze %dma_start3A_194 : memref<1x128xi32, #tpu.memory_space<vmem>> -> memref<128xi32, #tpu.memory_space<vmem>>
    %dma_start3A_196 = arith.constant 0 : i32
    %dma_start3A_197 = arith.constant 0 : i32
    %dma_start3A_198 = tpu.memref_slice %arg3[%dma_start3A_196, %dma_start3A_197] : memref<100096x16xf32, #tpu.memory_space<hbm>> -> memref<100096x16xf32, #tpu.memory_space<hbm>>
    tpu.enqueue_indirect_dma source(%dma_start3A_198 : memref<100096x16xf32, #tpu.memory_space<hbm>>) target(%dma_start3A_192 : memref<128x16xf32, #tpu.memory_space<vmem>>) offsets(%dma_start3A_195 : memref<128xi32, #tpu.memory_space<vmem>>) semaphore(%arg20 : memref<!tpu.dma_semaphore, #tpu.memory_space<semaphore_mem>>)
    %dma_wait3A_199 = arith.constant 1 : i32
    %dma_wait3A_200 = arith.constant 896 : i32
    %dma_wait3A_201 = arith.constant 0 : i32
    %dma_wait3A_202 = tpu.memref_slice %arg10[%dma_wait3A_200, %dma_wait3A_201] : memref<1024x16xf32, #tpu.memory_space<vmem>> -> memref<128x16xf32, #tpu.memory_space<vmem>>
    %dma_wait3A_203 = arith.constant 896 : i32
    %dma_wait3A_204 = tpu.memref_slice %arg9[%dma_wait3A_199, %dma_wait3A_203] : memref<2x1024xi32, #tpu.memory_space<vmem>> -> memref<1x128xi32, #tpu.memory_space<vmem>>
    %dma_wait3A_205 = tpu.memref_squeeze %dma_wait3A_204 : memref<1x128xi32, #tpu.memory_space<vmem>> -> memref<128xi32, #tpu.memory_space<vmem>>
    %dma_wait3A_206 = arith.constant 0 : i32
    %dma_wait3A_207 = arith.constant 0 : i32
    %dma_wait3A_208 = tpu.memref_slice %arg12[%dma_wait3A_206, %dma_wait3A_207] : memref<100096x16xf32, #tpu.memory_space<vmem_shared>> -> memref<100096x16xf32, #tpu.memory_space<vmem_shared>>
    tpu.wait_indirect_dma semaphore(%arg29 : memref<!tpu.dma_semaphore, #tpu.memory_space<semaphore_mem>>) src(%dma_wait3A_202 : memref<128x16xf32, #tpu.memory_space<vmem>>) dst(%dma_wait3A_208 : memref<100096x16xf32, #tpu.memory_space<vmem_shared>>)
    %dma_start3A_209 = arith.constant 0 : i32
    %dma_start3A_210 = arith.constant 896 : i32
    %dma_start3A_211 = arith.constant 0 : i32
    %dma_start3A_212 = tpu.memref_slice %arg10[%dma_start3A_210, %dma_start3A_211] : memref<1024x16xf32, #tpu.memory_space<vmem>> -> memref<128x16xf32, #tpu.memory_space<vmem>>
    %dma_start3A_213 = arith.constant 896 : i32
    %dma_start3A_214 = tpu.memref_slice %arg8[%dma_start3A_209, %dma_start3A_213] : memref<2x1024xi32, #tpu.memory_space<vmem>> -> memref<1x128xi32, #tpu.memory_space<vmem>>
    %dma_start3A_215 = tpu.memref_squeeze %dma_start3A_214 : memref<1x128xi32, #tpu.memory_space<vmem>> -> memref<128xi32, #tpu.memory_space<vmem>>
    %dma_start3A_216 = arith.constant 0 : i32
    %dma_start3A_217 = arith.constant 0 : i32
    %dma_start3A_218 = tpu.memref_slice %arg3[%dma_start3A_216, %dma_start3A_217] : memref<100096x16xf32, #tpu.memory_space<hbm>> -> memref<100096x16xf32, #tpu.memory_space<hbm>>
    tpu.enqueue_indirect_dma source(%dma_start3A_218 : memref<100096x16xf32, #tpu.memory_space<hbm>>) target(%dma_start3A_212 : memref<128x16xf32, #tpu.memory_space<vmem>>) offsets(%dma_start3A_215 : memref<128xi32, #tpu.memory_space<vmem>>) semaphore(%arg21 : memref<!tpu.dma_semaphore, #tpu.memory_space<semaphore_mem>>)
    %dma_wait3A_219 = arith.constant 1 : i32
    %dma_wait3A_220 = arith.constant 0 : i32
    %dma_wait3A_221 = tpu.memref_slice %arg11[%dma_wait3A_220] : memref<1024xf32, #tpu.memory_space<vmem>> -> memref<128xf32, #tpu.memory_space<vmem>>
    %dma_wait3A_222 = arith.constant 0 : i32
    %dma_wait3A_223 = tpu.memref_slice %arg9[%dma_wait3A_219, %dma_wait3A_222] : memref<2x1024xi32, #tpu.memory_space<vmem>> -> memref<1x128xi32, #tpu.memory_space<vmem>>
    %dma_wait3A_224 = tpu.memref_squeeze %dma_wait3A_223 : memref<1x128xi32, #tpu.memory_space<vmem>> -> memref<128xi32, #tpu.memory_space<vmem>>
    %dma_wait3A_225 = arith.constant 0 : i32
    %dma_wait3A_226 = tpu.memref_slice %arg13[%dma_wait3A_225] : memref<100096xf32, #tpu.memory_space<vmem_shared>> -> memref<100096xf32, #tpu.memory_space<vmem_shared>>
    tpu.wait_indirect_dma semaphore(%arg30 : memref<!tpu.dma_semaphore, #tpu.memory_space<semaphore_mem>>) src(%dma_wait3A_221 : memref<128xf32, #tpu.memory_space<vmem>>) dst(%dma_wait3A_226 : memref<100096xf32, #tpu.memory_space<vmem_shared>>)
    %dma_wait3A_227 = arith.constant 1 : i32
    %dma_wait3A_228 = arith.constant 0 : i32
    %dma_wait3A_229 = tpu.memref_slice %arg11[%dma_wait3A_228] : memref<1024xf32, #tpu.memory_space<vmem>> -> memref<128xf32, #tpu.memory_space<vmem>>
    %dma_wait3A_230 = arith.constant 128 : i32
    %dma_wait3A_231 = tpu.memref_slice %arg9[%dma_wait3A_227, %dma_wait3A_230] : memref<2x1024xi32, #tpu.memory_space<vmem>> -> memref<1x128xi32, #tpu.memory_space<vmem>>
    %dma_wait3A_232 = tpu.memref_squeeze %dma_wait3A_231 : memref<1x128xi32, #tpu.memory_space<vmem>> -> memref<128xi32, #tpu.memory_space<vmem>>
    %dma_wait3A_233 = arith.constant 0 : i32
    %dma_wait3A_234 = tpu.memref_slice %arg13[%dma_wait3A_233] : memref<100096xf32, #tpu.memory_space<vmem_shared>> -> memref<100096xf32, #tpu.memory_space<vmem_shared>>
    tpu.wait_indirect_dma semaphore(%arg30 : memref<!tpu.dma_semaphore, #tpu.memory_space<semaphore_mem>>) src(%dma_wait3A_229 : memref<128xf32, #tpu.memory_space<vmem>>) dst(%dma_wait3A_234 : memref<100096xf32, #tpu.memory_space<vmem_shared>>)
    %dma_wait3A_235 = arith.constant 1 : i32
    %dma_wait3A_236 = arith.constant 0 : i32
    %dma_wait3A_237 = tpu.memref_slice %arg11[%dma_wait3A_236] : memref<1024xf32, #tpu.memory_space<vmem>> -> memref<128xf32, #tpu.memory_space<vmem>>
    %dma_wait3A_238 = arith.constant 256 : i32
    %dma_wait3A_239 = tpu.memref_slice %arg9[%dma_wait3A_235, %dma_wait3A_238] : memref<2x1024xi32, #tpu.memory_space<vmem>> -> memref<1x128xi32, #tpu.memory_space<vmem>>
    %dma_wait3A_240 = tpu.memref_squeeze %dma_wait3A_239 : memref<1x128xi32, #tpu.memory_space<vmem>> -> memref<128xi32, #tpu.memory_space<vmem>>
    %dma_wait3A_241 = arith.constant 0 : i32
    %dma_wait3A_242 = tpu.memref_slice %arg13[%dma_wait3A_241] : memref<100096xf32, #tpu.memory_space<vmem_shared>> -> memref<100096xf32, #tpu.memory_space<vmem_shared>>
    tpu.wait_indirect_dma semaphore(%arg30 : memref<!tpu.dma_semaphore, #tpu.memory_space<semaphore_mem>>) src(%dma_wait3A_237 : memref<128xf32, #tpu.memory_space<vmem>>) dst(%dma_wait3A_242 : memref<100096xf32, #tpu.memory_space<vmem_shared>>)
    %dma_wait3A_243 = arith.constant 1 : i32
    %dma_wait3A_244 = arith.constant 0 : i32
    %dma_wait3A_245 = tpu.memref_slice %arg11[%dma_wait3A_244] : memref<1024xf32, #tpu.memory_space<vmem>> -> memref<128xf32, #tpu.memory_space<vmem>>
    %dma_wait3A_246 = arith.constant 384 : i32
    %dma_wait3A_247 = tpu.memref_slice %arg9[%dma_wait3A_243, %dma_wait3A_246] : memref<2x1024xi32, #tpu.memory_space<vmem>> -> memref<1x128xi32, #tpu.memory_space<vmem>>
    %dma_wait3A_248 = tpu.memref_squeeze %dma_wait3A_247 : memref<1x128xi32, #tpu.memory_space<vmem>> -> memref<128xi32, #tpu.memory_space<vmem>>
    %dma_wait3A_249 = arith.constant 0 : i32
    %dma_wait3A_250 = tpu.memref_slice %arg13[%dma_wait3A_249] : memref<100096xf32, #tpu.memory_space<vmem_shared>> -> memref<100096xf32, #tpu.memory_space<vmem_shared>>
    tpu.wait_indirect_dma semaphore(%arg30 : memref<!tpu.dma_semaphore, #tpu.memory_space<semaphore_mem>>) src(%dma_wait3A_245 : memref<128xf32, #tpu.memory_space<vmem>>) dst(%dma_wait3A_250 : memref<100096xf32, #tpu.memory_space<vmem_shared>>)
    %dma_wait3A_251 = arith.constant 1 : i32
    %dma_wait3A_252 = arith.constant 0 : i32
    %dma_wait3A_253 = tpu.memref_slice %arg11[%dma_wait3A_252] : memref<1024xf32, #tpu.memory_space<vmem>> -> memref<128xf32, #tpu.memory_space<vmem>>
    %dma_wait3A_254 = arith.constant 512 : i32
    %dma_wait3A_255 = tpu.memref_slice %arg9[%dma_wait3A_251, %dma_wait3A_254] : memref<2x1024xi32, #tpu.memory_space<vmem>> -> memref<1x128xi32, #tpu.memory_space<vmem>>
    %dma_wait3A_256 = tpu.memref_squeeze %dma_wait3A_255 : memref<1x128xi32, #tpu.memory_space<vmem>> -> memref<128xi32, #tpu.memory_space<vmem>>
    %dma_wait3A_257 = arith.constant 0 : i32
    %dma_wait3A_258 = tpu.memref_slice %arg13[%dma_wait3A_257] : memref<100096xf32, #tpu.memory_space<vmem_shared>> -> memref<100096xf32, #tpu.memory_space<vmem_shared>>
    tpu.wait_indirect_dma semaphore(%arg30 : memref<!tpu.dma_semaphore, #tpu.memory_space<semaphore_mem>>) src(%dma_wait3A_253 : memref<128xf32, #tpu.memory_space<vmem>>) dst(%dma_wait3A_258 : memref<100096xf32, #tpu.memory_space<vmem_shared>>)
    %dma_wait3A_259 = arith.constant 1 : i32
    %dma_wait3A_260 = arith.constant 0 : i32
    %dma_wait3A_261 = tpu.memref_slice %arg11[%dma_wait3A_260] : memref<1024xf32, #tpu.memory_space<vmem>> -> memref<128xf32, #tpu.memory_space<vmem>>
    %dma_wait3A_262 = arith.constant 640 : i32
    %dma_wait3A_263 = tpu.memref_slice %arg9[%dma_wait3A_259, %dma_wait3A_262] : memref<2x1024xi32, #tpu.memory_space<vmem>> -> memref<1x128xi32, #tpu.memory_space<vmem>>
    %dma_wait3A_264 = tpu.memref_squeeze %dma_wait3A_263 : memref<1x128xi32, #tpu.memory_space<vmem>> -> memref<128xi32, #tpu.memory_space<vmem>>
    %dma_wait3A_265 = arith.constant 0 : i32
    %dma_wait3A_266 = tpu.memref_slice %arg13[%dma_wait3A_265] : memref<100096xf32, #tpu.memory_space<vmem_shared>> -> memref<100096xf32, #tpu.memory_space<vmem_shared>>
    tpu.wait_indirect_dma semaphore(%arg30 : memref<!tpu.dma_semaphore, #tpu.memory_space<semaphore_mem>>) src(%dma_wait3A_261 : memref<128xf32, #tpu.memory_space<vmem>>) dst(%dma_wait3A_266 : memref<100096xf32, #tpu.memory_space<vmem_shared>>)
    %dma_wait3A_267 = arith.constant 1 : i32
    %dma_wait3A_268 = arith.constant 0 : i32
    %dma_wait3A_269 = tpu.memref_slice %arg11[%dma_wait3A_268] : memref<1024xf32, #tpu.memory_space<vmem>> -> memref<128xf32, #tpu.memory_space<vmem>>
    %dma_wait3A_270 = arith.constant 768 : i32
    %dma_wait3A_271 = tpu.memref_slice %arg9[%dma_wait3A_267, %dma_wait3A_270] : memref<2x1024xi32, #tpu.memory_space<vmem>> -> memref<1x128xi32, #tpu.memory_space<vmem>>
    %dma_wait3A_272 = tpu.memref_squeeze %dma_wait3A_271 : memref<1x128xi32, #tpu.memory_space<vmem>> -> memref<128xi32, #tpu.memory_space<vmem>>
    %dma_wait3A_273 = arith.constant 0 : i32
    %dma_wait3A_274 = tpu.memref_slice %arg13[%dma_wait3A_273] : memref<100096xf32, #tpu.memory_space<vmem_shared>> -> memref<100096xf32, #tpu.memory_space<vmem_shared>>
    tpu.wait_indirect_dma semaphore(%arg30 : memref<!tpu.dma_semaphore, #tpu.memory_space<semaphore_mem>>) src(%dma_wait3A_269 : memref<128xf32, #tpu.memory_space<vmem>>) dst(%dma_wait3A_274 : memref<100096xf32, #tpu.memory_space<vmem_shared>>)
    %dma_wait3A_275 = arith.constant 1 : i32
    %dma_wait3A_276 = arith.constant 0 : i32
    %dma_wait3A_277 = tpu.memref_slice %arg11[%dma_wait3A_276] : memref<1024xf32, #tpu.memory_space<vmem>> -> memref<128xf32, #tpu.memory_space<vmem>>
    %dma_wait3A_278 = arith.constant 896 : i32
    %dma_wait3A_279 = tpu.memref_slice %arg9[%dma_wait3A_275, %dma_wait3A_278] : memref<2x1024xi32, #tpu.memory_space<vmem>> -> memref<1x128xi32, #tpu.memory_space<vmem>>
    %dma_wait3A_280 = tpu.memref_squeeze %dma_wait3A_279 : memref<1x128xi32, #tpu.memory_space<vmem>> -> memref<128xi32, #tpu.memory_space<vmem>>
    %dma_wait3A_281 = arith.constant 0 : i32
    %dma_wait3A_282 = tpu.memref_slice %arg13[%dma_wait3A_281] : memref<100096xf32, #tpu.memory_space<vmem_shared>> -> memref<100096xf32, #tpu.memory_space<vmem_shared>>
    tpu.wait_indirect_dma semaphore(%arg30 : memref<!tpu.dma_semaphore, #tpu.memory_space<semaphore_mem>>) src(%dma_wait3A_277 : memref<128xf32, #tpu.memory_space<vmem>>) dst(%dma_wait3A_282 : memref<100096xf32, #tpu.memory_space<vmem_shared>>)
    %lt3A = arith.constant 21 : i32
    %lt3A_283 = arith.cmpi slt, %add3A, %lt3A : i32
    %convert_element_type3A = arith.extui %lt3A_283 : i1 to i32
    %cond3A = arith.constant 0 : i32
    %cond3A_284 = arith.cmpi ne, %convert_element_type3A, %cond3A : i32
    scf.if %cond3A_284 {
      %add3A_662 = arith.constant 3104 : i32
      %add3A_663 = arith.addi %add3A, %add3A_662 : i32
      %mul3A_664 = arith.constant 1024 : i32
      %mul3A_665 = arith.muli %add3A_663, %mul3A_664 : i32
      %dma_start3A_666 = arith.constant 1 : i32
      %dma_start3A_667 = arith.constant 0 : i32
      %dma_start3A_668 = tpu.memref_slice %arg8[%dma_start3A_666, %dma_start3A_667] : memref<2x1024xi32, #tpu.memory_space<vmem>> -> memref<1x1024xi32, #tpu.memory_space<vmem>>
      %dma_start3A_669 = tpu.memref_squeeze %dma_start3A_668 : memref<1x1024xi32, #tpu.memory_space<vmem>> -> memref<1024xi32, #tpu.memory_space<vmem>>
      %dma_start3A_670 = tpu.memref_slice %arg2[%mul3A_665] : memref<6400000xi32, #tpu.memory_space<hbm>> -> memref<1024xi32, #tpu.memory_space<hbm>>
      %dma_start3A_671 = arith.constant 0 : i32
      %dma_start3A_672 = tpu.memref_slice %arg8[%dma_start3A_666, %dma_start3A_671] : memref<2x1024xi32, #tpu.memory_space<vmem>> -> memref<1x1024xi32, #tpu.memory_space<vmem>>
      %dma_start3A_673 = tpu.memref_squeeze %dma_start3A_672 : memref<1x1024xi32, #tpu.memory_space<vmem>> -> memref<1024xi32, #tpu.memory_space<vmem>>
      %dma_start3A_674 = tpu.memref_slice %arg2[%mul3A_665] : memref<6400000xi32, #tpu.memory_space<hbm>> -> memref<1024xi32, #tpu.memory_space<hbm>>
      tpu.enqueue_dma source(%dma_start3A_674 : memref<1024xi32, #tpu.memory_space<hbm>>) target(%dma_start3A_673 : memref<1024xi32, #tpu.memory_space<vmem>>) target_semaphore(%arg31 : memref<!tpu.dma_semaphore, #tpu.memory_space<semaphore_mem>>)
      %mul3A_675 = arith.constant 1024 : i32
      %mul3A_676 = arith.muli %add3A_663, %mul3A_675 : i32
      %add3A_677 = arith.constant 3200000 : i32
      %add3A_678 = arith.addi %add3A_677, %mul3A_676 : i32
      %dma_start3A_679 = arith.constant 1 : i32
      %dma_start3A_680 = arith.constant 0 : i32
      %dma_start3A_681 = tpu.memref_slice %arg9[%dma_start3A_679, %dma_start3A_680] : memref<2x1024xi32, #tpu.memory_space<vmem>> -> memref<1x1024xi32, #tpu.memory_space<vmem>>
      %dma_start3A_682 = tpu.memref_squeeze %dma_start3A_681 : memref<1x1024xi32, #tpu.memory_space<vmem>> -> memref<1024xi32, #tpu.memory_space<vmem>>
      %dma_start3A_683 = tpu.memref_slice %arg2[%add3A_678] : memref<6400000xi32, #tpu.memory_space<hbm>> -> memref<1024xi32, #tpu.memory_space<hbm>>
      %dma_start3A_684 = arith.constant 0 : i32
      %dma_start3A_685 = tpu.memref_slice %arg9[%dma_start3A_679, %dma_start3A_684] : memref<2x1024xi32, #tpu.memory_space<vmem>> -> memref<1x1024xi32, #tpu.memory_space<vmem>>
      %dma_start3A_686 = tpu.memref_squeeze %dma_start3A_685 : memref<1x1024xi32, #tpu.memory_space<vmem>> -> memref<1024xi32, #tpu.memory_space<vmem>>
      %dma_start3A_687 = tpu.memref_slice %arg2[%add3A_678] : memref<6400000xi32, #tpu.memory_space<hbm>> -> memref<1024xi32, #tpu.memory_space<hbm>>
      tpu.enqueue_dma source(%dma_start3A_687 : memref<1024xi32, #tpu.memory_space<hbm>>) target(%dma_start3A_686 : memref<1024xi32, #tpu.memory_space<vmem>>) target_semaphore(%arg31 : memref<!tpu.dma_semaphore, #tpu.memory_space<semaphore_mem>>)
    } else {
    }
    %dma_wait3A_285 = arith.constant 0 : i32
    %dma_wait3A_286 = arith.constant 0 : i32
    %dma_wait3A_287 = arith.constant 0 : i32
    %dma_wait3A_288 = tpu.memref_slice %arg10[%dma_wait3A_286, %dma_wait3A_287] : memref<1024x16xf32, #tpu.memory_space<vmem>> -> memref<128x16xf32, #tpu.memory_space<vmem>>
    %dma_wait3A_289 = arith.constant 0 : i32
    %dma_wait3A_290 = tpu.memref_slice %arg8[%dma_wait3A_285, %dma_wait3A_289] : memref<2x1024xi32, #tpu.memory_space<vmem>> -> memref<1x128xi32, #tpu.memory_space<vmem>>
    %dma_wait3A_291 = tpu.memref_squeeze %dma_wait3A_290 : memref<1x128xi32, #tpu.memory_space<vmem>> -> memref<128xi32, #tpu.memory_space<vmem>>
    %dma_wait3A_292 = arith.constant 0 : i32
    %dma_wait3A_293 = arith.constant 0 : i32
    %dma_wait3A_294 = tpu.memref_slice %arg3[%dma_wait3A_292, %dma_wait3A_293] : memref<100096x16xf32, #tpu.memory_space<hbm>> -> memref<100096x16xf32, #tpu.memory_space<hbm>>
    tpu.wait_indirect_dma semaphore(%arg14 : memref<!tpu.dma_semaphore, #tpu.memory_space<semaphore_mem>>) src(%dma_wait3A_294 : memref<100096x16xf32, #tpu.memory_space<hbm>>) dst(%dma_wait3A_288 : memref<128x16xf32, #tpu.memory_space<vmem>>)
    %dma_start3A_295 = arith.constant 0 : i32
    %dma_start3A_296 = arith.constant 0 : i32
    %dma_start3A_297 = arith.constant 0 : i32
    %dma_start3A_298 = tpu.memref_slice %arg10[%dma_start3A_296, %dma_start3A_297] : memref<1024x16xf32, #tpu.memory_space<vmem>> -> memref<128x16xf32, #tpu.memory_space<vmem>>
    %dma_start3A_299 = arith.constant 0 : i32
    %dma_start3A_300 = tpu.memref_slice %arg9[%dma_start3A_295, %dma_start3A_299] : memref<2x1024xi32, #tpu.memory_space<vmem>> -> memref<1x128xi32, #tpu.memory_space<vmem>>
    %dma_start3A_301 = tpu.memref_squeeze %dma_start3A_300 : memref<1x128xi32, #tpu.memory_space<vmem>> -> memref<128xi32, #tpu.memory_space<vmem>>
    %dma_start3A_302 = arith.constant 0 : i32
    %dma_start3A_303 = arith.constant 0 : i32
    %dma_start3A_304 = tpu.memref_slice %arg12[%dma_start3A_302, %dma_start3A_303] : memref<100096x16xf32, #tpu.memory_space<vmem_shared>> -> memref<100096x16xf32, #tpu.memory_space<vmem_shared>>
    tpu.enqueue_indirect_dma source(%dma_start3A_298 : memref<128x16xf32, #tpu.memory_space<vmem>>) target(%dma_start3A_304 : memref<100096x16xf32, #tpu.memory_space<vmem_shared>>) offsets(%dma_start3A_301 : memref<128xi32, #tpu.memory_space<vmem>>) semaphore(%arg22 : memref<!tpu.dma_semaphore, #tpu.memory_space<semaphore_mem>>) {add = true}
    %dma_start3A_305 = arith.constant 0 : i32
    %dma_start3A_306 = arith.constant 0 : i32
    %dma_start3A_307 = tpu.memref_slice %arg11[%dma_start3A_306] : memref<1024xf32, #tpu.memory_space<vmem>> -> memref<128xf32, #tpu.memory_space<vmem>>
    %dma_start3A_308 = arith.constant 0 : i32
    %dma_start3A_309 = tpu.memref_slice %arg9[%dma_start3A_305, %dma_start3A_308] : memref<2x1024xi32, #tpu.memory_space<vmem>> -> memref<1x128xi32, #tpu.memory_space<vmem>>
    %dma_start3A_310 = tpu.memref_squeeze %dma_start3A_309 : memref<1x128xi32, #tpu.memory_space<vmem>> -> memref<128xi32, #tpu.memory_space<vmem>>
    %dma_start3A_311 = arith.constant 0 : i32
    %dma_start3A_312 = tpu.memref_slice %arg13[%dma_start3A_311] : memref<100096xf32, #tpu.memory_space<vmem_shared>> -> memref<100096xf32, #tpu.memory_space<vmem_shared>>
    tpu.enqueue_indirect_dma source(%dma_start3A_307 : memref<128xf32, #tpu.memory_space<vmem>>) target(%dma_start3A_312 : memref<100096xf32, #tpu.memory_space<vmem_shared>>) offsets(%dma_start3A_310 : memref<128xi32, #tpu.memory_space<vmem>>) semaphore(%arg30 : memref<!tpu.dma_semaphore, #tpu.memory_space<semaphore_mem>>) {add = true}
    %dma_wait3A_313 = arith.constant 0 : i32
    %dma_wait3A_314 = arith.constant 128 : i32
    %dma_wait3A_315 = arith.constant 0 : i32
    %dma_wait3A_316 = tpu.memref_slice %arg10[%dma_wait3A_314, %dma_wait3A_315] : memref<1024x16xf32, #tpu.memory_space<vmem>> -> memref<128x16xf32, #tpu.memory_space<vmem>>
    %dma_wait3A_317 = arith.constant 128 : i32
    %dma_wait3A_318 = tpu.memref_slice %arg8[%dma_wait3A_313, %dma_wait3A_317] : memref<2x1024xi32, #tpu.memory_space<vmem>> -> memref<1x128xi32, #tpu.memory_space<vmem>>
    %dma_wait3A_319 = tpu.memref_squeeze %dma_wait3A_318 : memref<1x128xi32, #tpu.memory_space<vmem>> -> memref<128xi32, #tpu.memory_space<vmem>>
    %dma_wait3A_320 = arith.constant 0 : i32
    %dma_wait3A_321 = arith.constant 0 : i32
    %dma_wait3A_322 = tpu.memref_slice %arg3[%dma_wait3A_320, %dma_wait3A_321] : memref<100096x16xf32, #tpu.memory_space<hbm>> -> memref<100096x16xf32, #tpu.memory_space<hbm>>
    tpu.wait_indirect_dma semaphore(%arg15 : memref<!tpu.dma_semaphore, #tpu.memory_space<semaphore_mem>>) src(%dma_wait3A_322 : memref<100096x16xf32, #tpu.memory_space<hbm>>) dst(%dma_wait3A_316 : memref<128x16xf32, #tpu.memory_space<vmem>>)
    %dma_start3A_323 = arith.constant 0 : i32
    %dma_start3A_324 = arith.constant 128 : i32
    %dma_start3A_325 = arith.constant 0 : i32
    %dma_start3A_326 = tpu.memref_slice %arg10[%dma_start3A_324, %dma_start3A_325] : memref<1024x16xf32, #tpu.memory_space<vmem>> -> memref<128x16xf32, #tpu.memory_space<vmem>>
    %dma_start3A_327 = arith.constant 128 : i32
    %dma_start3A_328 = tpu.memref_slice %arg9[%dma_start3A_323, %dma_start3A_327] : memref<2x1024xi32, #tpu.memory_space<vmem>> -> memref<1x128xi32, #tpu.memory_space<vmem>>
    %dma_start3A_329 = tpu.memref_squeeze %dma_start3A_328 : memref<1x128xi32, #tpu.memory_space<vmem>> -> memref<128xi32, #tpu.memory_space<vmem>>
    %dma_start3A_330 = arith.constant 0 : i32
    %dma_start3A_331 = arith.constant 0 : i32
    %dma_start3A_332 = tpu.memref_slice %arg12[%dma_start3A_330, %dma_start3A_331] : memref<100096x16xf32, #tpu.memory_space<vmem_shared>> -> memref<100096x16xf32, #tpu.memory_space<vmem_shared>>
    tpu.enqueue_indirect_dma source(%dma_start3A_326 : memref<128x16xf32, #tpu.memory_space<vmem>>) target(%dma_start3A_332 : memref<100096x16xf32, #tpu.memory_space<vmem_shared>>) offsets(%dma_start3A_329 : memref<128xi32, #tpu.memory_space<vmem>>) semaphore(%arg23 : memref<!tpu.dma_semaphore, #tpu.memory_space<semaphore_mem>>) {add = true}
    %dma_start3A_333 = arith.constant 0 : i32
    %dma_start3A_334 = arith.constant 0 : i32
    %dma_start3A_335 = tpu.memref_slice %arg11[%dma_start3A_334] : memref<1024xf32, #tpu.memory_space<vmem>> -> memref<128xf32, #tpu.memory_space<vmem>>
    %dma_start3A_336 = arith.constant 128 : i32
    %dma_start3A_337 = tpu.memref_slice %arg9[%dma_start3A_333, %dma_start3A_336] : memref<2x1024xi32, #tpu.memory_space<vmem>> -> memref<1x128xi32, #tpu.memory_space<vmem>>
    %dma_start3A_338 = tpu.memref_squeeze %dma_start3A_337 : memref<1x128xi32, #tpu.memory_space<vmem>> -> memref<128xi32, #tpu.memory_space<vmem>>
    %dma_start3A_339 = arith.constant 0 : i32
    %dma_start3A_340 = tpu.memref_slice %arg13[%dma_start3A_339] : memref<100096xf32, #tpu.memory_space<vmem_shared>> -> memref<100096xf32, #tpu.memory_space<vmem_shared>>
    tpu.enqueue_indirect_dma source(%dma_start3A_335 : memref<128xf32, #tpu.memory_space<vmem>>) target(%dma_start3A_340 : memref<100096xf32, #tpu.memory_space<vmem_shared>>) offsets(%dma_start3A_338 : memref<128xi32, #tpu.memory_space<vmem>>) semaphore(%arg30 : memref<!tpu.dma_semaphore, #tpu.memory_space<semaphore_mem>>) {add = true}
    %dma_wait3A_341 = arith.constant 0 : i32
    %dma_wait3A_342 = arith.constant 256 : i32
    %dma_wait3A_343 = arith.constant 0 : i32
    %dma_wait3A_344 = tpu.memref_slice %arg10[%dma_wait3A_342, %dma_wait3A_343] : memref<1024x16xf32, #tpu.memory_space<vmem>> -> memref<128x16xf32, #tpu.memory_space<vmem>>
    %dma_wait3A_345 = arith.constant 256 : i32
    %dma_wait3A_346 = tpu.memref_slice %arg8[%dma_wait3A_341, %dma_wait3A_345] : memref<2x1024xi32, #tpu.memory_space<vmem>> -> memref<1x128xi32, #tpu.memory_space<vmem>>
    %dma_wait3A_347 = tpu.memref_squeeze %dma_wait3A_346 : memref<1x128xi32, #tpu.memory_space<vmem>> -> memref<128xi32, #tpu.memory_space<vmem>>
    %dma_wait3A_348 = arith.constant 0 : i32
    %dma_wait3A_349 = arith.constant 0 : i32
    %dma_wait3A_350 = tpu.memref_slice %arg3[%dma_wait3A_348, %dma_wait3A_349] : memref<100096x16xf32, #tpu.memory_space<hbm>> -> memref<100096x16xf32, #tpu.memory_space<hbm>>
    tpu.wait_indirect_dma semaphore(%arg16 : memref<!tpu.dma_semaphore, #tpu.memory_space<semaphore_mem>>) src(%dma_wait3A_350 : memref<100096x16xf32, #tpu.memory_space<hbm>>) dst(%dma_wait3A_344 : memref<128x16xf32, #tpu.memory_space<vmem>>)
    %dma_start3A_351 = arith.constant 0 : i32
    %dma_start3A_352 = arith.constant 256 : i32
    %dma_start3A_353 = arith.constant 0 : i32
    %dma_start3A_354 = tpu.memref_slice %arg10[%dma_start3A_352, %dma_start3A_353] : memref<1024x16xf32, #tpu.memory_space<vmem>> -> memref<128x16xf32, #tpu.memory_space<vmem>>
    %dma_start3A_355 = arith.constant 256 : i32
    %dma_start3A_356 = tpu.memref_slice %arg9[%dma_start3A_351, %dma_start3A_355] : memref<2x1024xi32, #tpu.memory_space<vmem>> -> memref<1x128xi32, #tpu.memory_space<vmem>>
    %dma_start3A_357 = tpu.memref_squeeze %dma_start3A_356 : memref<1x128xi32, #tpu.memory_space<vmem>> -> memref<128xi32, #tpu.memory_space<vmem>>
    %dma_start3A_358 = arith.constant 0 : i32
    %dma_start3A_359 = arith.constant 0 : i32
    %dma_start3A_360 = tpu.memref_slice %arg12[%dma_start3A_358, %dma_start3A_359] : memref<100096x16xf32, #tpu.memory_space<vmem_shared>> -> memref<100096x16xf32, #tpu.memory_space<vmem_shared>>
    tpu.enqueue_indirect_dma source(%dma_start3A_354 : memref<128x16xf32, #tpu.memory_space<vmem>>) target(%dma_start3A_360 : memref<100096x16xf32, #tpu.memory_space<vmem_shared>>) offsets(%dma_start3A_357 : memref<128xi32, #tpu.memory_space<vmem>>) semaphore(%arg24 : memref<!tpu.dma_semaphore, #tpu.memory_space<semaphore_mem>>) {add = true}
    %dma_start3A_361 = arith.constant 0 : i32
    %dma_start3A_362 = arith.constant 0 : i32
    %dma_start3A_363 = tpu.memref_slice %arg11[%dma_start3A_362] : memref<1024xf32, #tpu.memory_space<vmem>> -> memref<128xf32, #tpu.memory_space<vmem>>
    %dma_start3A_364 = arith.constant 256 : i32
    %dma_start3A_365 = tpu.memref_slice %arg9[%dma_start3A_361, %dma_start3A_364] : memref<2x1024xi32, #tpu.memory_space<vmem>> -> memref<1x128xi32, #tpu.memory_space<vmem>>
    %dma_start3A_366 = tpu.memref_squeeze %dma_start3A_365 : memref<1x128xi32, #tpu.memory_space<vmem>> -> memref<128xi32, #tpu.memory_space<vmem>>
    %dma_start3A_367 = arith.constant 0 : i32
    %dma_start3A_368 = tpu.memref_slice %arg13[%dma_start3A_367] : memref<100096xf32, #tpu.memory_space<vmem_shared>> -> memref<100096xf32, #tpu.memory_space<vmem_shared>>
    tpu.enqueue_indirect_dma source(%dma_start3A_363 : memref<128xf32, #tpu.memory_space<vmem>>) target(%dma_start3A_368 : memref<100096xf32, #tpu.memory_space<vmem_shared>>) offsets(%dma_start3A_366 : memref<128xi32, #tpu.memory_space<vmem>>) semaphore(%arg30 : memref<!tpu.dma_semaphore, #tpu.memory_space<semaphore_mem>>) {add = true}
    %dma_wait3A_369 = arith.constant 0 : i32
    %dma_wait3A_370 = arith.constant 384 : i32
    %dma_wait3A_371 = arith.constant 0 : i32
    %dma_wait3A_372 = tpu.memref_slice %arg10[%dma_wait3A_370, %dma_wait3A_371] : memref<1024x16xf32, #tpu.memory_space<vmem>> -> memref<128x16xf32, #tpu.memory_space<vmem>>
    %dma_wait3A_373 = arith.constant 384 : i32
    %dma_wait3A_374 = tpu.memref_slice %arg8[%dma_wait3A_369, %dma_wait3A_373] : memref<2x1024xi32, #tpu.memory_space<vmem>> -> memref<1x128xi32, #tpu.memory_space<vmem>>
    %dma_wait3A_375 = tpu.memref_squeeze %dma_wait3A_374 : memref<1x128xi32, #tpu.memory_space<vmem>> -> memref<128xi32, #tpu.memory_space<vmem>>
    %dma_wait3A_376 = arith.constant 0 : i32
    %dma_wait3A_377 = arith.constant 0 : i32
    %dma_wait3A_378 = tpu.memref_slice %arg3[%dma_wait3A_376, %dma_wait3A_377] : memref<100096x16xf32, #tpu.memory_space<hbm>> -> memref<100096x16xf32, #tpu.memory_space<hbm>>
    tpu.wait_indirect_dma semaphore(%arg17 : memref<!tpu.dma_semaphore, #tpu.memory_space<semaphore_mem>>) src(%dma_wait3A_378 : memref<100096x16xf32, #tpu.memory_space<hbm>>) dst(%dma_wait3A_372 : memref<128x16xf32, #tpu.memory_space<vmem>>)
    %dma_start3A_379 = arith.constant 0 : i32
    %dma_start3A_380 = arith.constant 384 : i32
    %dma_start3A_381 = arith.constant 0 : i32
    %dma_start3A_382 = tpu.memref_slice %arg10[%dma_start3A_380, %dma_start3A_381] : memref<1024x16xf32, #tpu.memory_space<vmem>> -> memref<128x16xf32, #tpu.memory_space<vmem>>
    %dma_start3A_383 = arith.constant 384 : i32
    %dma_start3A_384 = tpu.memref_slice %arg9[%dma_start3A_379, %dma_start3A_383] : memref<2x1024xi32, #tpu.memory_space<vmem>> -> memref<1x128xi32, #tpu.memory_space<vmem>>
    %dma_start3A_385 = tpu.memref_squeeze %dma_start3A_384 : memref<1x128xi32, #tpu.memory_space<vmem>> -> memref<128xi32, #tpu.memory_space<vmem>>
    %dma_start3A_386 = arith.constant 0 : i32
    %dma_start3A_387 = arith.constant 0 : i32
    %dma_start3A_388 = tpu.memref_slice %arg12[%dma_start3A_386, %dma_start3A_387] : memref<100096x16xf32, #tpu.memory_space<vmem_shared>> -> memref<100096x16xf32, #tpu.memory_space<vmem_shared>>
    tpu.enqueue_indirect_dma source(%dma_start3A_382 : memref<128x16xf32, #tpu.memory_space<vmem>>) target(%dma_start3A_388 : memref<100096x16xf32, #tpu.memory_space<vmem_shared>>) offsets(%dma_start3A_385 : memref<128xi32, #tpu.memory_space<vmem>>) semaphore(%arg25 : memref<!tpu.dma_semaphore, #tpu.memory_space<semaphore_mem>>) {add = true}
    %dma_start3A_389 = arith.constant 0 : i32
    %dma_start3A_390 = arith.constant 0 : i32
    %dma_start3A_391 = tpu.memref_slice %arg11[%dma_start3A_390] : memref<1024xf32, #tpu.memory_space<vmem>> -> memref<128xf32, #tpu.memory_space<vmem>>
    %dma_start3A_392 = arith.constant 384 : i32
    %dma_start3A_393 = tpu.memref_slice %arg9[%dma_start3A_389, %dma_start3A_392] : memref<2x1024xi32, #tpu.memory_space<vmem>> -> memref<1x128xi32, #tpu.memory_space<vmem>>
    %dma_start3A_394 = tpu.memref_squeeze %dma_start3A_393 : memref<1x128xi32, #tpu.memory_space<vmem>> -> memref<128xi32, #tpu.memory_space<vmem>>
    %dma_start3A_395 = arith.constant 0 : i32
    %dma_start3A_396 = tpu.memref_slice %arg13[%dma_start3A_395] : memref<100096xf32, #tpu.memory_space<vmem_shared>> -> memref<100096xf32, #tpu.memory_space<vmem_shared>>
    tpu.enqueue_indirect_dma source(%dma_start3A_391 : memref<128xf32, #tpu.memory_space<vmem>>) target(%dma_start3A_396 : memref<100096xf32, #tpu.memory_space<vmem_shared>>) offsets(%dma_start3A_394 : memref<128xi32, #tpu.memory_space<vmem>>) semaphore(%arg30 : memref<!tpu.dma_semaphore, #tpu.memory_space<semaphore_mem>>) {add = true}
    %dma_wait3A_397 = arith.constant 0 : i32
    %dma_wait3A_398 = arith.constant 512 : i32
    %dma_wait3A_399 = arith.constant 0 : i32
    %dma_wait3A_400 = tpu.memref_slice %arg10[%dma_wait3A_398, %dma_wait3A_399] : memref<1024x16xf32, #tpu.memory_space<vmem>> -> memref<128x16xf32, #tpu.memory_space<vmem>>
    %dma_wait3A_401 = arith.constant 512 : i32
    %dma_wait3A_402 = tpu.memref_slice %arg8[%dma_wait3A_397, %dma_wait3A_401] : memref<2x1024xi32, #tpu.memory_space<vmem>> -> memref<1x128xi32, #tpu.memory_space<vmem>>
    %dma_wait3A_403 = tpu.memref_squeeze %dma_wait3A_402 : memref<1x128xi32, #tpu.memory_space<vmem>> -> memref<128xi32, #tpu.memory_space<vmem>>
    %dma_wait3A_404 = arith.constant 0 : i32
    %dma_wait3A_405 = arith.constant 0 : i32
    %dma_wait3A_406 = tpu.memref_slice %arg3[%dma_wait3A_404, %dma_wait3A_405] : memref<100096x16xf32, #tpu.memory_space<hbm>> -> memref<100096x16xf32, #tpu.memory_space<hbm>>
    tpu.wait_indirect_dma semaphore(%arg18 : memref<!tpu.dma_semaphore, #tpu.memory_space<semaphore_mem>>) src(%dma_wait3A_406 : memref<100096x16xf32, #tpu.memory_space<hbm>>) dst(%dma_wait3A_400 : memref<128x16xf32, #tpu.memory_space<vmem>>)
    %dma_start3A_407 = arith.constant 0 : i32
    %dma_start3A_408 = arith.constant 512 : i32
    %dma_start3A_409 = arith.constant 0 : i32
    %dma_start3A_410 = tpu.memref_slice %arg10[%dma_start3A_408, %dma_start3A_409] : memref<1024x16xf32, #tpu.memory_space<vmem>> -> memref<128x16xf32, #tpu.memory_space<vmem>>
    %dma_start3A_411 = arith.constant 512 : i32
    %dma_start3A_412 = tpu.memref_slice %arg9[%dma_start3A_407, %dma_start3A_411] : memref<2x1024xi32, #tpu.memory_space<vmem>> -> memref<1x128xi32, #tpu.memory_space<vmem>>
    %dma_start3A_413 = tpu.memref_squeeze %dma_start3A_412 : memref<1x128xi32, #tpu.memory_space<vmem>> -> memref<128xi32, #tpu.memory_space<vmem>>
    %dma_start3A_414 = arith.constant 0 : i32
    %dma_start3A_415 = arith.constant 0 : i32
    %dma_start3A_416 = tpu.memref_slice %arg12[%dma_start3A_414, %dma_start3A_415] : memref<100096x16xf32, #tpu.memory_space<vmem_shared>> -> memref<100096x16xf32, #tpu.memory_space<vmem_shared>>
    tpu.enqueue_indirect_dma source(%dma_start3A_410 : memref<128x16xf32, #tpu.memory_space<vmem>>) target(%dma_start3A_416 : memref<100096x16xf32, #tpu.memory_space<vmem_shared>>) offsets(%dma_start3A_413 : memref<128xi32, #tpu.memory_space<vmem>>) semaphore(%arg26 : memref<!tpu.dma_semaphore, #tpu.memory_space<semaphore_mem>>) {add = true}
    %dma_start3A_417 = arith.constant 0 : i32
    %dma_start3A_418 = arith.constant 0 : i32
    %dma_start3A_419 = tpu.memref_slice %arg11[%dma_start3A_418] : memref<1024xf32, #tpu.memory_space<vmem>> -> memref<128xf32, #tpu.memory_space<vmem>>
    %dma_start3A_420 = arith.constant 512 : i32
    %dma_start3A_421 = tpu.memref_slice %arg9[%dma_start3A_417, %dma_start3A_420] : memref<2x1024xi32, #tpu.memory_space<vmem>> -> memref<1x128xi32, #tpu.memory_space<vmem>>
    %dma_start3A_422 = tpu.memref_squeeze %dma_start3A_421 : memref<1x128xi32, #tpu.memory_space<vmem>> -> memref<128xi32, #tpu.memory_space<vmem>>
    %dma_start3A_423 = arith.constant 0 : i32
    %dma_start3A_424 = tpu.memref_slice %arg13[%dma_start3A_423] : memref<100096xf32, #tpu.memory_space<vmem_shared>> -> memref<100096xf32, #tpu.memory_space<vmem_shared>>
    tpu.enqueue_indirect_dma source(%dma_start3A_419 : memref<128xf32, #tpu.memory_space<vmem>>) target(%dma_start3A_424 : memref<100096xf32, #tpu.memory_space<vmem_shared>>) offsets(%dma_start3A_422 : memref<128xi32, #tpu.memory_space<vmem>>) semaphore(%arg30 : memref<!tpu.dma_semaphore, #tpu.memory_space<semaphore_mem>>) {add = true}
    %dma_wait3A_425 = arith.constant 0 : i32
    %dma_wait3A_426 = arith.constant 640 : i32
    %dma_wait3A_427 = arith.constant 0 : i32
    %dma_wait3A_428 = tpu.memref_slice %arg10[%dma_wait3A_426, %dma_wait3A_427] : memref<1024x16xf32, #tpu.memory_space<vmem>> -> memref<128x16xf32, #tpu.memory_space<vmem>>
    %dma_wait3A_429 = arith.constant 640 : i32
    %dma_wait3A_430 = tpu.memref_slice %arg8[%dma_wait3A_425, %dma_wait3A_429] : memref<2x1024xi32, #tpu.memory_space<vmem>> -> memref<1x128xi32, #tpu.memory_space<vmem>>
    %dma_wait3A_431 = tpu.memref_squeeze %dma_wait3A_430 : memref<1x128xi32, #tpu.memory_space<vmem>> -> memref<128xi32, #tpu.memory_space<vmem>>
    %dma_wait3A_432 = arith.constant 0 : i32
    %dma_wait3A_433 = arith.constant 0 : i32
    %dma_wait3A_434 = tpu.memref_slice %arg3[%dma_wait3A_432, %dma_wait3A_433] : memref<100096x16xf32, #tpu.memory_space<hbm>> -> memref<100096x16xf32, #tpu.memory_space<hbm>>
    tpu.wait_indirect_dma semaphore(%arg19 : memref<!tpu.dma_semaphore, #tpu.memory_space<semaphore_mem>>) src(%dma_wait3A_434 : memref<100096x16xf32, #tpu.memory_space<hbm>>) dst(%dma_wait3A_428 : memref<128x16xf32, #tpu.memory_space<vmem>>)
    %dma_start3A_435 = arith.constant 0 : i32
    %dma_start3A_436 = arith.constant 640 : i32
    %dma_start3A_437 = arith.constant 0 : i32
    %dma_start3A_438 = tpu.memref_slice %arg10[%dma_start3A_436, %dma_start3A_437] : memref<1024x16xf32, #tpu.memory_space<vmem>> -> memref<128x16xf32, #tpu.memory_space<vmem>>
    %dma_start3A_439 = arith.constant 640 : i32
    %dma_start3A_440 = tpu.memref_slice %arg9[%dma_start3A_435, %dma_start3A_439] : memref<2x1024xi32, #tpu.memory_space<vmem>> -> memref<1x128xi32, #tpu.memory_space<vmem>>
    %dma_start3A_441 = tpu.memref_squeeze %dma_start3A_440 : memref<1x128xi32, #tpu.memory_space<vmem>> -> memref<128xi32, #tpu.memory_space<vmem>>
    %dma_start3A_442 = arith.constant 0 : i32
    %dma_start3A_443 = arith.constant 0 : i32
    %dma_start3A_444 = tpu.memref_slice %arg12[%dma_start3A_442, %dma_start3A_443] : memref<100096x16xf32, #tpu.memory_space<vmem_shared>> -> memref<100096x16xf32, #tpu.memory_space<vmem_shared>>
    tpu.enqueue_indirect_dma source(%dma_start3A_438 : memref<128x16xf32, #tpu.memory_space<vmem>>) target(%dma_start3A_444 : memref<100096x16xf32, #tpu.memory_space<vmem_shared>>) offsets(%dma_start3A_441 : memref<128xi32, #tpu.memory_space<vmem>>) semaphore(%arg27 : memref<!tpu.dma_semaphore, #tpu.memory_space<semaphore_mem>>) {add = true}
    %dma_start3A_445 = arith.constant 0 : i32
    %dma_start3A_446 = arith.constant 0 : i32
    %dma_start3A_447 = tpu.memref_slice %arg11[%dma_start3A_446] : memref<1024xf32, #tpu.memory_space<vmem>> -> memref<128xf32, #tpu.memory_space<vmem>>
    %dma_start3A_448 = arith.constant 640 : i32
    %dma_start3A_449 = tpu.memref_slice %arg9[%dma_start3A_445, %dma_start3A_448] : memref<2x1024xi32, #tpu.memory_space<vmem>> -> memref<1x128xi32, #tpu.memory_space<vmem>>
    %dma_start3A_450 = tpu.memref_squeeze %dma_start3A_449 : memref<1x128xi32, #tpu.memory_space<vmem>> -> memref<128xi32, #tpu.memory_space<vmem>>
    %dma_start3A_451 = arith.constant 0 : i32
    %dma_start3A_452 = tpu.memref_slice %arg13[%dma_start3A_451] : memref<100096xf32, #tpu.memory_space<vmem_shared>> -> memref<100096xf32, #tpu.memory_space<vmem_shared>>
    tpu.enqueue_indirect_dma source(%dma_start3A_447 : memref<128xf32, #tpu.memory_space<vmem>>) target(%dma_start3A_452 : memref<100096xf32, #tpu.memory_space<vmem_shared>>) offsets(%dma_start3A_450 : memref<128xi32, #tpu.memory_space<vmem>>) semaphore(%arg30 : memref<!tpu.dma_semaphore, #tpu.memory_space<semaphore_mem>>) {add = true}
    %dma_wait3A_453 = arith.constant 0 : i32
    %dma_wait3A_454 = arith.constant 768 : i32
    %dma_wait3A_455 = arith.constant 0 : i32
    %dma_wait3A_456 = tpu.memref_slice %arg10[%dma_wait3A_454, %dma_wait3A_455] : memref<1024x16xf32, #tpu.memory_space<vmem>> -> memref<128x16xf32, #tpu.memory_space<vmem>>
    %dma_wait3A_457 = arith.constant 768 : i32
    %dma_wait3A_458 = tpu.memref_slice %arg8[%dma_wait3A_453, %dma_wait3A_457] : memref<2x1024xi32, #tpu.memory_space<vmem>> -> memref<1x128xi32, #tpu.memory_space<vmem>>
    %dma_wait3A_459 = tpu.memref_squeeze %dma_wait3A_458 : memref<1x128xi32, #tpu.memory_space<vmem>> -> memref<128xi32, #tpu.memory_space<vmem>>
    %dma_wait3A_460 = arith.constant 0 : i32
    %dma_wait3A_461 = arith.constant 0 : i32
    %dma_wait3A_462 = tpu.memref_slice %arg3[%dma_wait3A_460, %dma_wait3A_461] : memref<100096x16xf32, #tpu.memory_space<hbm>> -> memref<100096x16xf32, #tpu.memory_space<hbm>>
    tpu.wait_indirect_dma semaphore(%arg20 : memref<!tpu.dma_semaphore, #tpu.memory_space<semaphore_mem>>) src(%dma_wait3A_462 : memref<100096x16xf32, #tpu.memory_space<hbm>>) dst(%dma_wait3A_456 : memref<128x16xf32, #tpu.memory_space<vmem>>)
    %dma_start3A_463 = arith.constant 0 : i32
    %dma_start3A_464 = arith.constant 768 : i32
    %dma_start3A_465 = arith.constant 0 : i32
    %dma_start3A_466 = tpu.memref_slice %arg10[%dma_start3A_464, %dma_start3A_465] : memref<1024x16xf32, #tpu.memory_space<vmem>> -> memref<128x16xf32, #tpu.memory_space<vmem>>
    %dma_start3A_467 = arith.constant 768 : i32
    %dma_start3A_468 = tpu.memref_slice %arg9[%dma_start3A_463, %dma_start3A_467] : memref<2x1024xi32, #tpu.memory_space<vmem>> -> memref<1x128xi32, #tpu.memory_space<vmem>>
    %dma_start3A_469 = tpu.memref_squeeze %dma_start3A_468 : memref<1x128xi32, #tpu.memory_space<vmem>> -> memref<128xi32, #tpu.memory_space<vmem>>
    %dma_start3A_470 = arith.constant 0 : i32
    %dma_start3A_471 = arith.constant 0 : i32
    %dma_start3A_472 = tpu.memref_slice %arg12[%dma_start3A_470, %dma_start3A_471] : memref<100096x16xf32, #tpu.memory_space<vmem_shared>> -> memref<100096x16xf32, #tpu.memory_space<vmem_shared>>
    tpu.enqueue_indirect_dma source(%dma_start3A_466 : memref<128x16xf32, #tpu.memory_space<vmem>>) target(%dma_start3A_472 : memref<100096x16xf32, #tpu.memory_space<vmem_shared>>) offsets(%dma_start3A_469 : memref<128xi32, #tpu.memory_space<vmem>>) semaphore(%arg28 : memref<!tpu.dma_semaphore, #tpu.memory_space<semaphore_mem>>) {add = true}
    %dma_start3A_473 = arith.constant 0 : i32
    %dma_start3A_474 = arith.constant 0 : i32
    %dma_start3A_475 = tpu.memref_slice %arg11[%dma_start3A_474] : memref<1024xf32, #tpu.memory_space<vmem>> -> memref<128xf32, #tpu.memory_space<vmem>>
    %dma_start3A_476 = arith.constant 768 : i32
    %dma_start3A_477 = tpu.memref_slice %arg9[%dma_start3A_473, %dma_start3A_476] : memref<2x1024xi32, #tpu.memory_space<vmem>> -> memref<1x128xi32, #tpu.memory_space<vmem>>
    %dma_start3A_478 = tpu.memref_squeeze %dma_start3A_477 : memref<1x128xi32, #tpu.memory_space<vmem>> -> memref<128xi32, #tpu.memory_space<vmem>>
    %dma_start3A_479 = arith.constant 0 : i32
    %dma_start3A_480 = tpu.memref_slice %arg13[%dma_start3A_479] : memref<100096xf32, #tpu.memory_space<vmem_shared>> -> memref<100096xf32, #tpu.memory_space<vmem_shared>>
    tpu.enqueue_indirect_dma source(%dma_start3A_475 : memref<128xf32, #tpu.memory_space<vmem>>) target(%dma_start3A_480 : memref<100096xf32, #tpu.memory_space<vmem_shared>>) offsets(%dma_start3A_478 : memref<128xi32, #tpu.memory_space<vmem>>) semaphore(%arg30 : memref<!tpu.dma_semaphore, #tpu.memory_space<semaphore_mem>>) {add = true}
    %dma_wait3A_481 = arith.constant 0 : i32
    %dma_wait3A_482 = arith.constant 896 : i32
    %dma_wait3A_483 = arith.constant 0 : i32
    %dma_wait3A_484 = tpu.memref_slice %arg10[%dma_wait3A_482, %dma_wait3A_483] : memref<1024x16xf32, #tpu.memory_space<vmem>> -> memref<128x16xf32, #tpu.memory_space<vmem>>
    %dma_wait3A_485 = arith.constant 896 : i32
    %dma_wait3A_486 = tpu.memref_slice %arg8[%dma_wait3A_481, %dma_wait3A_485] : memref<2x1024xi32, #tpu.memory_space<vmem>> -> memref<1x128xi32, #tpu.memory_space<vmem>>
    %dma_wait3A_487 = tpu.memref_squeeze %dma_wait3A_486 : memref<1x128xi32, #tpu.memory_space<vmem>> -> memref<128xi32, #tpu.memory_space<vmem>>
    %dma_wait3A_488 = arith.constant 0 : i32
    %dma_wait3A_489 = arith.constant 0 : i32
    %dma_wait3A_490 = tpu.memref_slice %arg3[%dma_wait3A_488, %dma_wait3A_489] : memref<100096x16xf32, #tpu.memory_space<hbm>> -> memref<100096x16xf32, #tpu.memory_space<hbm>>
    tpu.wait_indirect_dma semaphore(%arg21 : memref<!tpu.dma_semaphore, #tpu.memory_space<semaphore_mem>>) src(%dma_wait3A_490 : memref<100096x16xf32, #tpu.memory_space<hbm>>) dst(%dma_wait3A_484 : memref<128x16xf32, #tpu.memory_space<vmem>>)
    %dma_start3A_491 = arith.constant 0 : i32
    %dma_start3A_492 = arith.constant 896 : i32
    %dma_start3A_493 = arith.constant 0 : i32
    %dma_start3A_494 = tpu.memref_slice %arg10[%dma_start3A_492, %dma_start3A_493] : memref<1024x16xf32, #tpu.memory_space<vmem>> -> memref<128x16xf32, #tpu.memory_space<vmem>>
    %dma_start3A_495 = arith.constant 896 : i32
    %dma_start3A_496 = tpu.memref_slice %arg9[%dma_start3A_491, %dma_start3A_495] : memref<2x1024xi32, #tpu.memory_space<vmem>> -> memref<1x128xi32, #tpu.memory_space<vmem>>
    %dma_start3A_497 = tpu.memref_squeeze %dma_start3A_496 : memref<1x128xi32, #tpu.memory_space<vmem>> -> memref<128xi32, #tpu.memory_space<vmem>>
    %dma_start3A_498 = arith.constant 0 : i32
    %dma_start3A_499 = arith.constant 0 : i32
    %dma_start3A_500 = tpu.memref_slice %arg12[%dma_start3A_498, %dma_start3A_499] : memref<100096x16xf32, #tpu.memory_space<vmem_shared>> -> memref<100096x16xf32, #tpu.memory_space<vmem_shared>>
    tpu.enqueue_indirect_dma source(%dma_start3A_494 : memref<128x16xf32, #tpu.memory_space<vmem>>) target(%dma_start3A_500 : memref<100096x16xf32, #tpu.memory_space<vmem_shared>>) offsets(%dma_start3A_497 : memref<128xi32, #tpu.memory_space<vmem>>) semaphore(%arg29 : memref<!tpu.dma_semaphore, #tpu.memory_space<semaphore_mem>>) {add = true}
    %dma_start3A_501 = arith.constant 0 : i32
    %dma_start3A_502 = arith.constant 0 : i32
    %dma_start3A_503 = tpu.memref_slice %arg11[%dma_start3A_502] : memref<1024xf32, #tpu.memory_space<vmem>> -> memref<128xf32, #tpu.memory_space<vmem>>
    %dma_start3A_504 = arith.constant 896 : i32
    %dma_start3A_505 = tpu.memref_slice %arg9[%dma_start3A_501, %dma_start3A_504] : memref<2x1024xi32, #tpu.memory_space<vmem>> -> memref<1x128xi32, #tpu.memory_space<vmem>>
    %dma_start3A_506 = tpu.memref_squeeze %dma_start3A_505 : memref<1x128xi32, #tpu.memory_space<vmem>> -> memref<128xi32, #tpu.memory_space<vmem>>
    %dma_start3A_507 = arith.constant 0 : i32
    %dma_start3A_508 = tpu.memref_slice %arg13[%dma_start3A_507] : memref<100096xf32, #tpu.memory_space<vmem_shared>> -> memref<100096xf32, #tpu.memory_space<vmem_shared>>
    tpu.enqueue_indirect_dma source(%dma_start3A_503 : memref<128xf32, #tpu.memory_space<vmem>>) target(%dma_start3A_508 : memref<100096xf32, #tpu.memory_space<vmem_shared>>) offsets(%dma_start3A_506 : memref<128xi32, #tpu.memory_space<vmem>>) semaphore(%arg30 : memref<!tpu.dma_semaphore, #tpu.memory_space<semaphore_mem>>) {add = true}
    %lt3A_509 = arith.constant 21 : i32
    %lt3A_510 = arith.cmpi slt, %add3A, %lt3A_509 : i32
    %convert_element_type3A_511 = arith.extui %lt3A_510 : i1 to i32
    %cond3A_512 = arith.constant 0 : i32
    %cond3A_513 = arith.cmpi ne, %convert_element_type3A_511, %cond3A_512 : i32
    scf.if %cond3A_513 {
      %dma_wait3A_662 = arith.constant 1 : i32
      %dma_wait3A_663 = arith.constant 0 : i32
      %dma_wait3A_664 = tpu.memref_slice %arg8[%dma_wait3A_662, %dma_wait3A_663] : memref<2x1024xi32, #tpu.memory_space<vmem>> -> memref<1x1024xi32, #tpu.memory_space<vmem>>
      %dma_wait3A_665 = tpu.memref_squeeze %dma_wait3A_664 : memref<1x1024xi32, #tpu.memory_space<vmem>> -> memref<1024xi32, #tpu.memory_space<vmem>>
      %dma_wait3A_666 = arith.constant 0 : i32
      %dma_wait3A_667 = tpu.memref_slice %arg2[%dma_wait3A_666] : memref<6400000xi32, #tpu.memory_space<hbm>> -> memref<1024xi32, #tpu.memory_space<hbm>>
      %dma_wait3A_668 = arith.constant 0 : i32
      %dma_wait3A_669 = tpu.memref_slice %arg8[%dma_wait3A_662, %dma_wait3A_668] : memref<2x1024xi32, #tpu.memory_space<vmem>> -> memref<1x1024xi32, #tpu.memory_space<vmem>>
      %dma_wait3A_670 = tpu.memref_squeeze %dma_wait3A_669 : memref<1x1024xi32, #tpu.memory_space<vmem>> -> memref<1024xi32, #tpu.memory_space<vmem>>
      %dma_wait3A_671 = arith.constant 0 : i32
      %dma_wait3A_672 = tpu.memref_slice %arg2[%dma_wait3A_671] : memref<6400000xi32, #tpu.memory_space<hbm>> -> memref<1024xi32, #tpu.memory_space<hbm>>
      tpu.wait_dma2 semaphore(%arg31 : memref<!tpu.dma_semaphore, #tpu.memory_space<semaphore_mem>>) src(%dma_wait3A_672 : memref<1024xi32, #tpu.memory_space<hbm>>) dst(%dma_wait3A_670 : memref<1024xi32, #tpu.memory_space<vmem>>)
      %dma_wait3A_673 = arith.constant 1 : i32
      %dma_wait3A_674 = arith.constant 0 : i32
      %dma_wait3A_675 = tpu.memref_slice %arg9[%dma_wait3A_673, %dma_wait3A_674] : memref<2x1024xi32, #tpu.memory_space<vmem>> -> memref<1x1024xi32, #tpu.memory_space<vmem>>
      %dma_wait3A_676 = tpu.memref_squeeze %dma_wait3A_675 : memref<1x1024xi32, #tpu.memory_space<vmem>> -> memref<1024xi32, #tpu.memory_space<vmem>>
      %dma_wait3A_677 = arith.constant 0 : i32
      %dma_wait3A_678 = tpu.memref_slice %arg2[%dma_wait3A_677] : memref<6400000xi32, #tpu.memory_space<hbm>> -> memref<1024xi32, #tpu.memory_space<hbm>>
      %dma_wait3A_679 = arith.constant 0 : i32
      %dma_wait3A_680 = tpu.memref_slice %arg9[%dma_wait3A_673, %dma_wait3A_679] : memref<2x1024xi32, #tpu.memory_space<vmem>> -> memref<1x1024xi32, #tpu.memory_space<vmem>>
      %dma_wait3A_681 = tpu.memref_squeeze %dma_wait3A_680 : memref<1x1024xi32, #tpu.memory_space<vmem>> -> memref<1024xi32, #tpu.memory_space<vmem>>
      %dma_wait3A_682 = arith.constant 0 : i32
      %dma_wait3A_683 = tpu.memref_slice %arg2[%dma_wait3A_682] : memref<6400000xi32, #tpu.memory_space<hbm>> -> memref<1024xi32, #tpu.memory_space<hbm>>
      tpu.wait_dma2 semaphore(%arg31 : memref<!tpu.dma_semaphore, #tpu.memory_space<semaphore_mem>>) src(%dma_wait3A_683 : memref<1024xi32, #tpu.memory_space<hbm>>) dst(%dma_wait3A_681 : memref<1024xi32, #tpu.memory_space<vmem>>)
      %dma_wait3A_684 = arith.constant 0 : i32
      %dma_wait3A_685 = arith.constant 0 : i32
      %dma_wait3A_686 = arith.constant 0 : i32
      %dma_wait3A_687 = tpu.memref_slice %arg10[%dma_wait3A_685, %dma_wait3A_686] : memref<1024x16xf32, #tpu.memory_space<vmem>> -> memref<128x16xf32, #tpu.memory_space<vmem>>
      %dma_wait3A_688 = arith.constant 0 : i32
      %dma_wait3A_689 = tpu.memref_slice %arg9[%dma_wait3A_684, %dma_wait3A_688] : memref<2x1024xi32, #tpu.memory_space<vmem>> -> memref<1x128xi32, #tpu.memory_space<vmem>>
      %dma_wait3A_690 = tpu.memref_squeeze %dma_wait3A_689 : memref<1x128xi32, #tpu.memory_space<vmem>> -> memref<128xi32, #tpu.memory_space<vmem>>
      %dma_wait3A_691 = arith.constant 0 : i32
      %dma_wait3A_692 = arith.constant 0 : i32
      %dma_wait3A_693 = tpu.memref_slice %arg12[%dma_wait3A_691, %dma_wait3A_692] : memref<100096x16xf32, #tpu.memory_space<vmem_shared>> -> memref<100096x16xf32, #tpu.memory_space<vmem_shared>>
      tpu.wait_indirect_dma semaphore(%arg22 : memref<!tpu.dma_semaphore, #tpu.memory_space<semaphore_mem>>) src(%dma_wait3A_687 : memref<128x16xf32, #tpu.memory_space<vmem>>) dst(%dma_wait3A_693 : memref<100096x16xf32, #tpu.memory_space<vmem_shared>>)
      %dma_start3A_694 = arith.constant 1 : i32
      %dma_start3A_695 = arith.constant 0 : i32
      %dma_start3A_696 = arith.constant 0 : i32
      %dma_start3A_697 = tpu.memref_slice %arg10[%dma_start3A_695, %dma_start3A_696] : memref<1024x16xf32, #tpu.memory_space<vmem>> -> memref<128x16xf32, #tpu.memory_space<vmem>>
      %dma_start3A_698 = arith.constant 0 : i32
      %dma_start3A_699 = tpu.memref_slice %arg8[%dma_start3A_694, %dma_start3A_698] : memref<2x1024xi32, #tpu.memory_space<vmem>> -> memref<1x128xi32, #tpu.memory_space<vmem>>
      %dma_start3A_700 = tpu.memref_squeeze %dma_start3A_699 : memref<1x128xi32, #tpu.memory_space<vmem>> -> memref<128xi32, #tpu.memory_space<vmem>>
      %dma_start3A_701 = arith.constant 0 : i32
      %dma_start3A_702 = arith.constant 0 : i32
      %dma_start3A_703 = tpu.memref_slice %arg3[%dma_start3A_701, %dma_start3A_702] : memref<100096x16xf32, #tpu.memory_space<hbm>> -> memref<100096x16xf32, #tpu.memory_space<hbm>>
      tpu.enqueue_indirect_dma source(%dma_start3A_703 : memref<100096x16xf32, #tpu.memory_space<hbm>>) target(%dma_start3A_697 : memref<128x16xf32, #tpu.memory_space<vmem>>) offsets(%dma_start3A_700 : memref<128xi32, #tpu.memory_space<vmem>>) semaphore(%arg14 : memref<!tpu.dma_semaphore, #tpu.memory_space<semaphore_mem>>)
      %dma_wait3A_704 = arith.constant 0 : i32
      %dma_wait3A_705 = arith.constant 128 : i32
      %dma_wait3A_706 = arith.constant 0 : i32
      %dma_wait3A_707 = tpu.memref_slice %arg10[%dma_wait3A_705, %dma_wait3A_706] : memref<1024x16xf32, #tpu.memory_space<vmem>> -> memref<128x16xf32, #tpu.memory_space<vmem>>
      %dma_wait3A_708 = arith.constant 128 : i32
      %dma_wait3A_709 = tpu.memref_slice %arg9[%dma_wait3A_704, %dma_wait3A_708] : memref<2x1024xi32, #tpu.memory_space<vmem>> -> memref<1x128xi32, #tpu.memory_space<vmem>>
      %dma_wait3A_710 = tpu.memref_squeeze %dma_wait3A_709 : memref<1x128xi32, #tpu.memory_space<vmem>> -> memref<128xi32, #tpu.memory_space<vmem>>
      %dma_wait3A_711 = arith.constant 0 : i32
      %dma_wait3A_712 = arith.constant 0 : i32
      %dma_wait3A_713 = tpu.memref_slice %arg12[%dma_wait3A_711, %dma_wait3A_712] : memref<100096x16xf32, #tpu.memory_space<vmem_shared>> -> memref<100096x16xf32, #tpu.memory_space<vmem_shared>>
      tpu.wait_indirect_dma semaphore(%arg23 : memref<!tpu.dma_semaphore, #tpu.memory_space<semaphore_mem>>) src(%dma_wait3A_707 : memref<128x16xf32, #tpu.memory_space<vmem>>) dst(%dma_wait3A_713 : memref<100096x16xf32, #tpu.memory_space<vmem_shared>>)
      %dma_start3A_714 = arith.constant 1 : i32
      %dma_start3A_715 = arith.constant 128 : i32
      %dma_start3A_716 = arith.constant 0 : i32
      %dma_start3A_717 = tpu.memref_slice %arg10[%dma_start3A_715, %dma_start3A_716] : memref<1024x16xf32, #tpu.memory_space<vmem>> -> memref<128x16xf32, #tpu.memory_space<vmem>>
      %dma_start3A_718 = arith.constant 128 : i32
      %dma_start3A_719 = tpu.memref_slice %arg8[%dma_start3A_714, %dma_start3A_718] : memref<2x1024xi32, #tpu.memory_space<vmem>> -> memref<1x128xi32, #tpu.memory_space<vmem>>
      %dma_start3A_720 = tpu.memref_squeeze %dma_start3A_719 : memref<1x128xi32, #tpu.memory_space<vmem>> -> memref<128xi32, #tpu.memory_space<vmem>>
      %dma_start3A_721 = arith.constant 0 : i32
      %dma_start3A_722 = arith.constant 0 : i32
      %dma_start3A_723 = tpu.memref_slice %arg3[%dma_start3A_721, %dma_start3A_722] : memref<100096x16xf32, #tpu.memory_space<hbm>> -> memref<100096x16xf32, #tpu.memory_space<hbm>>
      tpu.enqueue_indirect_dma source(%dma_start3A_723 : memref<100096x16xf32, #tpu.memory_space<hbm>>) target(%dma_start3A_717 : memref<128x16xf32, #tpu.memory_space<vmem>>) offsets(%dma_start3A_720 : memref<128xi32, #tpu.memory_space<vmem>>) semaphore(%arg15 : memref<!tpu.dma_semaphore, #tpu.memory_space<semaphore_mem>>)
      %dma_wait3A_724 = arith.constant 0 : i32
      %dma_wait3A_725 = arith.constant 256 : i32
      %dma_wait3A_726 = arith.constant 0 : i32
      %dma_wait3A_727 = tpu.memref_slice %arg10[%dma_wait3A_725, %dma_wait3A_726] : memref<1024x16xf32, #tpu.memory_space<vmem>> -> memref<128x16xf32, #tpu.memory_space<vmem>>
      %dma_wait3A_728 = arith.constant 256 : i32
      %dma_wait3A_729 = tpu.memref_slice %arg9[%dma_wait3A_724, %dma_wait3A_728] : memref<2x1024xi32, #tpu.memory_space<vmem>> -> memref<1x128xi32, #tpu.memory_space<vmem>>
      %dma_wait3A_730 = tpu.memref_squeeze %dma_wait3A_729 : memref<1x128xi32, #tpu.memory_space<vmem>> -> memref<128xi32, #tpu.memory_space<vmem>>
      %dma_wait3A_731 = arith.constant 0 : i32
      %dma_wait3A_732 = arith.constant 0 : i32
      %dma_wait3A_733 = tpu.memref_slice %arg12[%dma_wait3A_731, %dma_wait3A_732] : memref<100096x16xf32, #tpu.memory_space<vmem_shared>> -> memref<100096x16xf32, #tpu.memory_space<vmem_shared>>
      tpu.wait_indirect_dma semaphore(%arg24 : memref<!tpu.dma_semaphore, #tpu.memory_space<semaphore_mem>>) src(%dma_wait3A_727 : memref<128x16xf32, #tpu.memory_space<vmem>>) dst(%dma_wait3A_733 : memref<100096x16xf32, #tpu.memory_space<vmem_shared>>)
      %dma_start3A_734 = arith.constant 1 : i32
      %dma_start3A_735 = arith.constant 256 : i32
      %dma_start3A_736 = arith.constant 0 : i32
      %dma_start3A_737 = tpu.memref_slice %arg10[%dma_start3A_735, %dma_start3A_736] : memref<1024x16xf32, #tpu.memory_space<vmem>> -> memref<128x16xf32, #tpu.memory_space<vmem>>
      %dma_start3A_738 = arith.constant 256 : i32
      %dma_start3A_739 = tpu.memref_slice %arg8[%dma_start3A_734, %dma_start3A_738] : memref<2x1024xi32, #tpu.memory_space<vmem>> -> memref<1x128xi32, #tpu.memory_space<vmem>>
      %dma_start3A_740 = tpu.memref_squeeze %dma_start3A_739 : memref<1x128xi32, #tpu.memory_space<vmem>> -> memref<128xi32, #tpu.memory_space<vmem>>
      %dma_start3A_741 = arith.constant 0 : i32
      %dma_start3A_742 = arith.constant 0 : i32
      %dma_start3A_743 = tpu.memref_slice %arg3[%dma_start3A_741, %dma_start3A_742] : memref<100096x16xf32, #tpu.memory_space<hbm>> -> memref<100096x16xf32, #tpu.memory_space<hbm>>
      tpu.enqueue_indirect_dma source(%dma_start3A_743 : memref<100096x16xf32, #tpu.memory_space<hbm>>) target(%dma_start3A_737 : memref<128x16xf32, #tpu.memory_space<vmem>>) offsets(%dma_start3A_740 : memref<128xi32, #tpu.memory_space<vmem>>) semaphore(%arg16 : memref<!tpu.dma_semaphore, #tpu.memory_space<semaphore_mem>>)
      %dma_wait3A_744 = arith.constant 0 : i32
      %dma_wait3A_745 = arith.constant 384 : i32
      %dma_wait3A_746 = arith.constant 0 : i32
      %dma_wait3A_747 = tpu.memref_slice %arg10[%dma_wait3A_745, %dma_wait3A_746] : memref<1024x16xf32, #tpu.memory_space<vmem>> -> memref<128x16xf32, #tpu.memory_space<vmem>>
      %dma_wait3A_748 = arith.constant 384 : i32
      %dma_wait3A_749 = tpu.memref_slice %arg9[%dma_wait3A_744, %dma_wait3A_748] : memref<2x1024xi32, #tpu.memory_space<vmem>> -> memref<1x128xi32, #tpu.memory_space<vmem>>
      %dma_wait3A_750 = tpu.memref_squeeze %dma_wait3A_749 : memref<1x128xi32, #tpu.memory_space<vmem>> -> memref<128xi32, #tpu.memory_space<vmem>>
      %dma_wait3A_751 = arith.constant 0 : i32
      %dma_wait3A_752 = arith.constant 0 : i32
      %dma_wait3A_753 = tpu.memref_slice %arg12[%dma_wait3A_751, %dma_wait3A_752] : memref<100096x16xf32, #tpu.memory_space<vmem_shared>> -> memref<100096x16xf32, #tpu.memory_space<vmem_shared>>
      tpu.wait_indirect_dma semaphore(%arg25 : memref<!tpu.dma_semaphore, #tpu.memory_space<semaphore_mem>>) src(%dma_wait3A_747 : memref<128x16xf32, #tpu.memory_space<vmem>>) dst(%dma_wait3A_753 : memref<100096x16xf32, #tpu.memory_space<vmem_shared>>)
      %dma_start3A_754 = arith.constant 1 : i32
      %dma_start3A_755 = arith.constant 384 : i32
      %dma_start3A_756 = arith.constant 0 : i32
      %dma_start3A_757 = tpu.memref_slice %arg10[%dma_start3A_755, %dma_start3A_756] : memref<1024x16xf32, #tpu.memory_space<vmem>> -> memref<128x16xf32, #tpu.memory_space<vmem>>
      %dma_start3A_758 = arith.constant 384 : i32
      %dma_start3A_759 = tpu.memref_slice %arg8[%dma_start3A_754, %dma_start3A_758] : memref<2x1024xi32, #tpu.memory_space<vmem>> -> memref<1x128xi32, #tpu.memory_space<vmem>>
      %dma_start3A_760 = tpu.memref_squeeze %dma_start3A_759 : memref<1x128xi32, #tpu.memory_space<vmem>> -> memref<128xi32, #tpu.memory_space<vmem>>
      %dma_start3A_761 = arith.constant 0 : i32
      %dma_start3A_762 = arith.constant 0 : i32
      %dma_start3A_763 = tpu.memref_slice %arg3[%dma_start3A_761, %dma_start3A_762] : memref<100096x16xf32, #tpu.memory_space<hbm>> -> memref<100096x16xf32, #tpu.memory_space<hbm>>
      tpu.enqueue_indirect_dma source(%dma_start3A_763 : memref<100096x16xf32, #tpu.memory_space<hbm>>) target(%dma_start3A_757 : memref<128x16xf32, #tpu.memory_space<vmem>>) offsets(%dma_start3A_760 : memref<128xi32, #tpu.memory_space<vmem>>) semaphore(%arg17 : memref<!tpu.dma_semaphore, #tpu.memory_space<semaphore_mem>>)
      %dma_wait3A_764 = arith.constant 0 : i32
      %dma_wait3A_765 = arith.constant 512 : i32
      %dma_wait3A_766 = arith.constant 0 : i32
      %dma_wait3A_767 = tpu.memref_slice %arg10[%dma_wait3A_765, %dma_wait3A_766] : memref<1024x16xf32, #tpu.memory_space<vmem>> -> memref<128x16xf32, #tpu.memory_space<vmem>>
      %dma_wait3A_768 = arith.constant 512 : i32
      %dma_wait3A_769 = tpu.memref_slice %arg9[%dma_wait3A_764, %dma_wait3A_768] : memref<2x1024xi32, #tpu.memory_space<vmem>> -> memref<1x128xi32, #tpu.memory_space<vmem>>
      %dma_wait3A_770 = tpu.memref_squeeze %dma_wait3A_769 : memref<1x128xi32, #tpu.memory_space<vmem>> -> memref<128xi32, #tpu.memory_space<vmem>>
      %dma_wait3A_771 = arith.constant 0 : i32
      %dma_wait3A_772 = arith.constant 0 : i32
      %dma_wait3A_773 = tpu.memref_slice %arg12[%dma_wait3A_771, %dma_wait3A_772] : memref<100096x16xf32, #tpu.memory_space<vmem_shared>> -> memref<100096x16xf32, #tpu.memory_space<vmem_shared>>
      tpu.wait_indirect_dma semaphore(%arg26 : memref<!tpu.dma_semaphore, #tpu.memory_space<semaphore_mem>>) src(%dma_wait3A_767 : memref<128x16xf32, #tpu.memory_space<vmem>>) dst(%dma_wait3A_773 : memref<100096x16xf32, #tpu.memory_space<vmem_shared>>)
      %dma_start3A_774 = arith.constant 1 : i32
      %dma_start3A_775 = arith.constant 512 : i32
      %dma_start3A_776 = arith.constant 0 : i32
      %dma_start3A_777 = tpu.memref_slice %arg10[%dma_start3A_775, %dma_start3A_776] : memref<1024x16xf32, #tpu.memory_space<vmem>> -> memref<128x16xf32, #tpu.memory_space<vmem>>
      %dma_start3A_778 = arith.constant 512 : i32
      %dma_start3A_779 = tpu.memref_slice %arg8[%dma_start3A_774, %dma_start3A_778] : memref<2x1024xi32, #tpu.memory_space<vmem>> -> memref<1x128xi32, #tpu.memory_space<vmem>>
      %dma_start3A_780 = tpu.memref_squeeze %dma_start3A_779 : memref<1x128xi32, #tpu.memory_space<vmem>> -> memref<128xi32, #tpu.memory_space<vmem>>
      %dma_start3A_781 = arith.constant 0 : i32
      %dma_start3A_782 = arith.constant 0 : i32
      %dma_start3A_783 = tpu.memref_slice %arg3[%dma_start3A_781, %dma_start3A_782] : memref<100096x16xf32, #tpu.memory_space<hbm>> -> memref<100096x16xf32, #tpu.memory_space<hbm>>
      tpu.enqueue_indirect_dma source(%dma_start3A_783 : memref<100096x16xf32, #tpu.memory_space<hbm>>) target(%dma_start3A_777 : memref<128x16xf32, #tpu.memory_space<vmem>>) offsets(%dma_start3A_780 : memref<128xi32, #tpu.memory_space<vmem>>) semaphore(%arg18 : memref<!tpu.dma_semaphore, #tpu.memory_space<semaphore_mem>>)
      %dma_wait3A_784 = arith.constant 0 : i32
      %dma_wait3A_785 = arith.constant 640 : i32
      %dma_wait3A_786 = arith.constant 0 : i32
      %dma_wait3A_787 = tpu.memref_slice %arg10[%dma_wait3A_785, %dma_wait3A_786] : memref<1024x16xf32, #tpu.memory_space<vmem>> -> memref<128x16xf32, #tpu.memory_space<vmem>>
      %dma_wait3A_788 = arith.constant 640 : i32
      %dma_wait3A_789 = tpu.memref_slice %arg9[%dma_wait3A_784, %dma_wait3A_788] : memref<2x1024xi32, #tpu.memory_space<vmem>> -> memref<1x128xi32, #tpu.memory_space<vmem>>
      %dma_wait3A_790 = tpu.memref_squeeze %dma_wait3A_789 : memref<1x128xi32, #tpu.memory_space<vmem>> -> memref<128xi32, #tpu.memory_space<vmem>>
      %dma_wait3A_791 = arith.constant 0 : i32
      %dma_wait3A_792 = arith.constant 0 : i32
      %dma_wait3A_793 = tpu.memref_slice %arg12[%dma_wait3A_791, %dma_wait3A_792] : memref<100096x16xf32, #tpu.memory_space<vmem_shared>> -> memref<100096x16xf32, #tpu.memory_space<vmem_shared>>
      tpu.wait_indirect_dma semaphore(%arg27 : memref<!tpu.dma_semaphore, #tpu.memory_space<semaphore_mem>>) src(%dma_wait3A_787 : memref<128x16xf32, #tpu.memory_space<vmem>>) dst(%dma_wait3A_793 : memref<100096x16xf32, #tpu.memory_space<vmem_shared>>)
      %dma_start3A_794 = arith.constant 1 : i32
      %dma_start3A_795 = arith.constant 640 : i32
      %dma_start3A_796 = arith.constant 0 : i32
      %dma_start3A_797 = tpu.memref_slice %arg10[%dma_start3A_795, %dma_start3A_796] : memref<1024x16xf32, #tpu.memory_space<vmem>> -> memref<128x16xf32, #tpu.memory_space<vmem>>
      %dma_start3A_798 = arith.constant 640 : i32
      %dma_start3A_799 = tpu.memref_slice %arg8[%dma_start3A_794, %dma_start3A_798] : memref<2x1024xi32, #tpu.memory_space<vmem>> -> memref<1x128xi32, #tpu.memory_space<vmem>>
      %dma_start3A_800 = tpu.memref_squeeze %dma_start3A_799 : memref<1x128xi32, #tpu.memory_space<vmem>> -> memref<128xi32, #tpu.memory_space<vmem>>
      %dma_start3A_801 = arith.constant 0 : i32
      %dma_start3A_802 = arith.constant 0 : i32
      %dma_start3A_803 = tpu.memref_slice %arg3[%dma_start3A_801, %dma_start3A_802] : memref<100096x16xf32, #tpu.memory_space<hbm>> -> memref<100096x16xf32, #tpu.memory_space<hbm>>
      tpu.enqueue_indirect_dma source(%dma_start3A_803 : memref<100096x16xf32, #tpu.memory_space<hbm>>) target(%dma_start3A_797 : memref<128x16xf32, #tpu.memory_space<vmem>>) offsets(%dma_start3A_800 : memref<128xi32, #tpu.memory_space<vmem>>) semaphore(%arg19 : memref<!tpu.dma_semaphore, #tpu.memory_space<semaphore_mem>>)
      %dma_wait3A_804 = arith.constant 0 : i32
      %dma_wait3A_805 = arith.constant 768 : i32
      %dma_wait3A_806 = arith.constant 0 : i32
      %dma_wait3A_807 = tpu.memref_slice %arg10[%dma_wait3A_805, %dma_wait3A_806] : memref<1024x16xf32, #tpu.memory_space<vmem>> -> memref<128x16xf32, #tpu.memory_space<vmem>>
      %dma_wait3A_808 = arith.constant 768 : i32
      %dma_wait3A_809 = tpu.memref_slice %arg9[%dma_wait3A_804, %dma_wait3A_808] : memref<2x1024xi32, #tpu.memory_space<vmem>> -> memref<1x128xi32, #tpu.memory_space<vmem>>
      %dma_wait3A_810 = tpu.memref_squeeze %dma_wait3A_809 : memref<1x128xi32, #tpu.memory_space<vmem>> -> memref<128xi32, #tpu.memory_space<vmem>>
      %dma_wait3A_811 = arith.constant 0 : i32
      %dma_wait3A_812 = arith.constant 0 : i32
      %dma_wait3A_813 = tpu.memref_slice %arg12[%dma_wait3A_811, %dma_wait3A_812] : memref<100096x16xf32, #tpu.memory_space<vmem_shared>> -> memref<100096x16xf32, #tpu.memory_space<vmem_shared>>
      tpu.wait_indirect_dma semaphore(%arg28 : memref<!tpu.dma_semaphore, #tpu.memory_space<semaphore_mem>>) src(%dma_wait3A_807 : memref<128x16xf32, #tpu.memory_space<vmem>>) dst(%dma_wait3A_813 : memref<100096x16xf32, #tpu.memory_space<vmem_shared>>)
      %dma_start3A_814 = arith.constant 1 : i32
      %dma_start3A_815 = arith.constant 768 : i32
      %dma_start3A_816 = arith.constant 0 : i32
      %dma_start3A_817 = tpu.memref_slice %arg10[%dma_start3A_815, %dma_start3A_816] : memref<1024x16xf32, #tpu.memory_space<vmem>> -> memref<128x16xf32, #tpu.memory_space<vmem>>
      %dma_start3A_818 = arith.constant 768 : i32
      %dma_start3A_819 = tpu.memref_slice %arg8[%dma_start3A_814, %dma_start3A_818] : memref<2x1024xi32, #tpu.memory_space<vmem>> -> memref<1x128xi32, #tpu.memory_space<vmem>>
      %dma_start3A_820 = tpu.memref_squeeze %dma_start3A_819 : memref<1x128xi32, #tpu.memory_space<vmem>> -> memref<128xi32, #tpu.memory_space<vmem>>
      %dma_start3A_821 = arith.constant 0 : i32
      %dma_start3A_822 = arith.constant 0 : i32
      %dma_start3A_823 = tpu.memref_slice %arg3[%dma_start3A_821, %dma_start3A_822] : memref<100096x16xf32, #tpu.memory_space<hbm>> -> memref<100096x16xf32, #tpu.memory_space<hbm>>
      tpu.enqueue_indirect_dma source(%dma_start3A_823 : memref<100096x16xf32, #tpu.memory_space<hbm>>) target(%dma_start3A_817 : memref<128x16xf32, #tpu.memory_space<vmem>>) offsets(%dma_start3A_820 : memref<128xi32, #tpu.memory_space<vmem>>) semaphore(%arg20 : memref<!tpu.dma_semaphore, #tpu.memory_space<semaphore_mem>>)
      %dma_wait3A_824 = arith.constant 0 : i32
      %dma_wait3A_825 = arith.constant 896 : i32
      %dma_wait3A_826 = arith.constant 0 : i32
      %dma_wait3A_827 = tpu.memref_slice %arg10[%dma_wait3A_825, %dma_wait3A_826] : memref<1024x16xf32, #tpu.memory_space<vmem>> -> memref<128x16xf32, #tpu.memory_space<vmem>>
      %dma_wait3A_828 = arith.constant 896 : i32
      %dma_wait3A_829 = tpu.memref_slice %arg9[%dma_wait3A_824, %dma_wait3A_828] : memref<2x1024xi32, #tpu.memory_space<vmem>> -> memref<1x128xi32, #tpu.memory_space<vmem>>
      %dma_wait3A_830 = tpu.memref_squeeze %dma_wait3A_829 : memref<1x128xi32, #tpu.memory_space<vmem>> -> memref<128xi32, #tpu.memory_space<vmem>>
      %dma_wait3A_831 = arith.constant 0 : i32
      %dma_wait3A_832 = arith.constant 0 : i32
      %dma_wait3A_833 = tpu.memref_slice %arg12[%dma_wait3A_831, %dma_wait3A_832] : memref<100096x16xf32, #tpu.memory_space<vmem_shared>> -> memref<100096x16xf32, #tpu.memory_space<vmem_shared>>
      tpu.wait_indirect_dma semaphore(%arg29 : memref<!tpu.dma_semaphore, #tpu.memory_space<semaphore_mem>>) src(%dma_wait3A_827 : memref<128x16xf32, #tpu.memory_space<vmem>>) dst(%dma_wait3A_833 : memref<100096x16xf32, #tpu.memory_space<vmem_shared>>)
      %dma_start3A_834 = arith.constant 1 : i32
      %dma_start3A_835 = arith.constant 896 : i32
      %dma_start3A_836 = arith.constant 0 : i32
      %dma_start3A_837 = tpu.memref_slice %arg10[%dma_start3A_835, %dma_start3A_836] : memref<1024x16xf32, #tpu.memory_space<vmem>> -> memref<128x16xf32, #tpu.memory_space<vmem>>
      %dma_start3A_838 = arith.constant 896 : i32
      %dma_start3A_839 = tpu.memref_slice %arg8[%dma_start3A_834, %dma_start3A_838] : memref<2x1024xi32, #tpu.memory_space<vmem>> -> memref<1x128xi32, #tpu.memory_space<vmem>>
      %dma_start3A_840 = tpu.memref_squeeze %dma_start3A_839 : memref<1x128xi32, #tpu.memory_space<vmem>> -> memref<128xi32, #tpu.memory_space<vmem>>
      %dma_start3A_841 = arith.constant 0 : i32
      %dma_start3A_842 = arith.constant 0 : i32
      %dma_start3A_843 = tpu.memref_slice %arg3[%dma_start3A_841, %dma_start3A_842] : memref<100096x16xf32, #tpu.memory_space<hbm>> -> memref<100096x16xf32, #tpu.memory_space<hbm>>
      tpu.enqueue_indirect_dma source(%dma_start3A_843 : memref<100096x16xf32, #tpu.memory_space<hbm>>) target(%dma_start3A_837 : memref<128x16xf32, #tpu.memory_space<vmem>>) offsets(%dma_start3A_840 : memref<128xi32, #tpu.memory_space<vmem>>) semaphore(%arg21 : memref<!tpu.dma_semaphore, #tpu.memory_space<semaphore_mem>>)
      %dma_wait3A_844 = arith.constant 0 : i32
      %dma_wait3A_845 = arith.constant 0 : i32
      %dma_wait3A_846 = tpu.memref_slice %arg11[%dma_wait3A_845] : memref<1024xf32, #tpu.memory_space<vmem>> -> memref<128xf32, #tpu.memory_space<vmem>>
      %dma_wait3A_847 = arith.constant 0 : i32
      %dma_wait3A_848 = tpu.memref_slice %arg9[%dma_wait3A_844, %dma_wait3A_847] : memref<2x1024xi32, #tpu.memory_space<vmem>> -> memref<1x128xi32, #tpu.memory_space<vmem>>
      %dma_wait3A_849 = tpu.memref_squeeze %dma_wait3A_848 : memref<1x128xi32, #tpu.memory_space<vmem>> -> memref<128xi32, #tpu.memory_space<vmem>>
      %dma_wait3A_850 = arith.constant 0 : i32
      %dma_wait3A_851 = tpu.memref_slice %arg13[%dma_wait3A_850] : memref<100096xf32, #tpu.memory_space<vmem_shared>> -> memref<100096xf32, #tpu.memory_space<vmem_shared>>
      tpu.wait_indirect_dma semaphore(%arg30 : memref<!tpu.dma_semaphore, #tpu.memory_space<semaphore_mem>>) src(%dma_wait3A_846 : memref<128xf32, #tpu.memory_space<vmem>>) dst(%dma_wait3A_851 : memref<100096xf32, #tpu.memory_space<vmem_shared>>)
      %dma_wait3A_852 = arith.constant 0 : i32
      %dma_wait3A_853 = arith.constant 0 : i32
      %dma_wait3A_854 = tpu.memref_slice %arg11[%dma_wait3A_853] : memref<1024xf32, #tpu.memory_space<vmem>> -> memref<128xf32, #tpu.memory_space<vmem>>
      %dma_wait3A_855 = arith.constant 128 : i32
      %dma_wait3A_856 = tpu.memref_slice %arg9[%dma_wait3A_852, %dma_wait3A_855] : memref<2x1024xi32, #tpu.memory_space<vmem>> -> memref<1x128xi32, #tpu.memory_space<vmem>>
      %dma_wait3A_857 = tpu.memref_squeeze %dma_wait3A_856 : memref<1x128xi32, #tpu.memory_space<vmem>> -> memref<128xi32, #tpu.memory_space<vmem>>
      %dma_wait3A_858 = arith.constant 0 : i32
      %dma_wait3A_859 = tpu.memref_slice %arg13[%dma_wait3A_858] : memref<100096xf32, #tpu.memory_space<vmem_shared>> -> memref<100096xf32, #tpu.memory_space<vmem_shared>>
      tpu.wait_indirect_dma semaphore(%arg30 : memref<!tpu.dma_semaphore, #tpu.memory_space<semaphore_mem>>) src(%dma_wait3A_854 : memref<128xf32, #tpu.memory_space<vmem>>) dst(%dma_wait3A_859 : memref<100096xf32, #tpu.memory_space<vmem_shared>>)
      %dma_wait3A_860 = arith.constant 0 : i32
      %dma_wait3A_861 = arith.constant 0 : i32
      %dma_wait3A_862 = tpu.memref_slice %arg11[%dma_wait3A_861] : memref<1024xf32, #tpu.memory_space<vmem>> -> memref<128xf32, #tpu.memory_space<vmem>>
      %dma_wait3A_863 = arith.constant 256 : i32
      %dma_wait3A_864 = tpu.memref_slice %arg9[%dma_wait3A_860, %dma_wait3A_863] : memref<2x1024xi32, #tpu.memory_space<vmem>> -> memref<1x128xi32, #tpu.memory_space<vmem>>
      %dma_wait3A_865 = tpu.memref_squeeze %dma_wait3A_864 : memref<1x128xi32, #tpu.memory_space<vmem>> -> memref<128xi32, #tpu.memory_space<vmem>>
      %dma_wait3A_866 = arith.constant 0 : i32
      %dma_wait3A_867 = tpu.memref_slice %arg13[%dma_wait3A_866] : memref<100096xf32, #tpu.memory_space<vmem_shared>> -> memref<100096xf32, #tpu.memory_space<vmem_shared>>
      tpu.wait_indirect_dma semaphore(%arg30 : memref<!tpu.dma_semaphore, #tpu.memory_space<semaphore_mem>>) src(%dma_wait3A_862 : memref<128xf32, #tpu.memory_space<vmem>>) dst(%dma_wait3A_867 : memref<100096xf32, #tpu.memory_space<vmem_shared>>)
      %dma_wait3A_868 = arith.constant 0 : i32
      %dma_wait3A_869 = arith.constant 0 : i32
      %dma_wait3A_870 = tpu.memref_slice %arg11[%dma_wait3A_869] : memref<1024xf32, #tpu.memory_space<vmem>> -> memref<128xf32, #tpu.memory_space<vmem>>
      %dma_wait3A_871 = arith.constant 384 : i32
      %dma_wait3A_872 = tpu.memref_slice %arg9[%dma_wait3A_868, %dma_wait3A_871] : memref<2x1024xi32, #tpu.memory_space<vmem>> -> memref<1x128xi32, #tpu.memory_space<vmem>>
      %dma_wait3A_873 = tpu.memref_squeeze %dma_wait3A_872 : memref<1x128xi32, #tpu.memory_space<vmem>> -> memref<128xi32, #tpu.memory_space<vmem>>
      %dma_wait3A_874 = arith.constant 0 : i32
      %dma_wait3A_875 = tpu.memref_slice %arg13[%dma_wait3A_874] : memref<100096xf32, #tpu.memory_space<vmem_shared>> -> memref<100096xf32, #tpu.memory_space<vmem_shared>>
      tpu.wait_indirect_dma semaphore(%arg30 : memref<!tpu.dma_semaphore, #tpu.memory_space<semaphore_mem>>) src(%dma_wait3A_870 : memref<128xf32, #tpu.memory_space<vmem>>) dst(%dma_wait3A_875 : memref<100096xf32, #tpu.memory_space<vmem_shared>>)
      %dma_wait3A_876 = arith.constant 0 : i32
      %dma_wait3A_877 = arith.constant 0 : i32
      %dma_wait3A_878 = tpu.memref_slice %arg11[%dma_wait3A_877] : memref<1024xf32, #tpu.memory_space<vmem>> -> memref<128xf32, #tpu.memory_space<vmem>>
      %dma_wait3A_879 = arith.constant 512 : i32
      %dma_wait3A_880 = tpu.memref_slice %arg9[%dma_wait3A_876, %dma_wait3A_879] : memref<2x1024xi32, #tpu.memory_space<vmem>> -> memref<1x128xi32, #tpu.memory_space<vmem>>
      %dma_wait3A_881 = tpu.memref_squeeze %dma_wait3A_880 : memref<1x128xi32, #tpu.memory_space<vmem>> -> memref<128xi32, #tpu.memory_space<vmem>>
      %dma_wait3A_882 = arith.constant 0 : i32
      %dma_wait3A_883 = tpu.memref_slice %arg13[%dma_wait3A_882] : memref<100096xf32, #tpu.memory_space<vmem_shared>> -> memref<100096xf32, #tpu.memory_space<vmem_shared>>
      tpu.wait_indirect_dma semaphore(%arg30 : memref<!tpu.dma_semaphore, #tpu.memory_space<semaphore_mem>>) src(%dma_wait3A_878 : memref<128xf32, #tpu.memory_space<vmem>>) dst(%dma_wait3A_883 : memref<100096xf32, #tpu.memory_space<vmem_shared>>)
      %dma_wait3A_884 = arith.constant 0 : i32
      %dma_wait3A_885 = arith.constant 0 : i32
      %dma_wait3A_886 = tpu.memref_slice %arg11[%dma_wait3A_885] : memref<1024xf32, #tpu.memory_space<vmem>> -> memref<128xf32, #tpu.memory_space<vmem>>
      %dma_wait3A_887 = arith.constant 640 : i32
      %dma_wait3A_888 = tpu.memref_slice %arg9[%dma_wait3A_884, %dma_wait3A_887] : memref<2x1024xi32, #tpu.memory_space<vmem>> -> memref<1x128xi32, #tpu.memory_space<vmem>>
      %dma_wait3A_889 = tpu.memref_squeeze %dma_wait3A_888 : memref<1x128xi32, #tpu.memory_space<vmem>> -> memref<128xi32, #tpu.memory_space<vmem>>
      %dma_wait3A_890 = arith.constant 0 : i32
      %dma_wait3A_891 = tpu.memref_slice %arg13[%dma_wait3A_890] : memref<100096xf32, #tpu.memory_space<vmem_shared>> -> memref<100096xf32, #tpu.memory_space<vmem_shared>>
      tpu.wait_indirect_dma semaphore(%arg30 : memref<!tpu.dma_semaphore, #tpu.memory_space<semaphore_mem>>) src(%dma_wait3A_886 : memref<128xf32, #tpu.memory_space<vmem>>) dst(%dma_wait3A_891 : memref<100096xf32, #tpu.memory_space<vmem_shared>>)
      %dma_wait3A_892 = arith.constant 0 : i32
      %dma_wait3A_893 = arith.constant 0 : i32
      %dma_wait3A_894 = tpu.memref_slice %arg11[%dma_wait3A_893] : memref<1024xf32, #tpu.memory_space<vmem>> -> memref<128xf32, #tpu.memory_space<vmem>>
      %dma_wait3A_895 = arith.constant 768 : i32
      %dma_wait3A_896 = tpu.memref_slice %arg9[%dma_wait3A_892, %dma_wait3A_895] : memref<2x1024xi32, #tpu.memory_space<vmem>> -> memref<1x128xi32, #tpu.memory_space<vmem>>
      %dma_wait3A_897 = tpu.memref_squeeze %dma_wait3A_896 : memref<1x128xi32, #tpu.memory_space<vmem>> -> memref<128xi32, #tpu.memory_space<vmem>>
      %dma_wait3A_898 = arith.constant 0 : i32
      %dma_wait3A_899 = tpu.memref_slice %arg13[%dma_wait3A_898] : memref<100096xf32, #tpu.memory_space<vmem_shared>> -> memref<100096xf32, #tpu.memory_space<vmem_shared>>
      tpu.wait_indirect_dma semaphore(%arg30 : memref<!tpu.dma_semaphore, #tpu.memory_space<semaphore_mem>>) src(%dma_wait3A_894 : memref<128xf32, #tpu.memory_space<vmem>>) dst(%dma_wait3A_899 : memref<100096xf32, #tpu.memory_space<vmem_shared>>)
      %dma_wait3A_900 = arith.constant 0 : i32
      %dma_wait3A_901 = arith.constant 0 : i32
      %dma_wait3A_902 = tpu.memref_slice %arg11[%dma_wait3A_901] : memref<1024xf32, #tpu.memory_space<vmem>> -> memref<128xf32, #tpu.memory_space<vmem>>
      %dma_wait3A_903 = arith.constant 896 : i32
      %dma_wait3A_904 = tpu.memref_slice %arg9[%dma_wait3A_900, %dma_wait3A_903] : memref<2x1024xi32, #tpu.memory_space<vmem>> -> memref<1x128xi32, #tpu.memory_space<vmem>>
      %dma_wait3A_905 = tpu.memref_squeeze %dma_wait3A_904 : memref<1x128xi32, #tpu.memory_space<vmem>> -> memref<128xi32, #tpu.memory_space<vmem>>
      %dma_wait3A_906 = arith.constant 0 : i32
      %dma_wait3A_907 = tpu.memref_slice %arg13[%dma_wait3A_906] : memref<100096xf32, #tpu.memory_space<vmem_shared>> -> memref<100096xf32, #tpu.memory_space<vmem_shared>>
      tpu.wait_indirect_dma semaphore(%arg30 : memref<!tpu.dma_semaphore, #tpu.memory_space<semaphore_mem>>) src(%dma_wait3A_902 : memref<128xf32, #tpu.memory_space<vmem>>) dst(%dma_wait3A_907 : memref<100096xf32, #tpu.memory_space<vmem_shared>>)
      %dma_wait3A_908 = arith.constant 1 : i32
      %dma_wait3A_909 = arith.constant 0 : i32
      %dma_wait3A_910 = arith.constant 0 : i32
      %dma_wait3A_911 = tpu.memref_slice %arg10[%dma_wait3A_909, %dma_wait3A_910] : memref<1024x16xf32, #tpu.memory_space<vmem>> -> memref<128x16xf32, #tpu.memory_space<vmem>>
      %dma_wait3A_912 = arith.constant 0 : i32
      %dma_wait3A_913 = tpu.memref_slice %arg8[%dma_wait3A_908, %dma_wait3A_912] : memref<2x1024xi32, #tpu.memory_space<vmem>> -> memref<1x128xi32, #tpu.memory_space<vmem>>
      %dma_wait3A_914 = tpu.memref_squeeze %dma_wait3A_913 : memref<1x128xi32, #tpu.memory_space<vmem>> -> memref<128xi32, #tpu.memory_space<vmem>>
      %dma_wait3A_915 = arith.constant 0 : i32
      %dma_wait3A_916 = arith.constant 0 : i32
      %dma_wait3A_917 = tpu.memref_slice %arg3[%dma_wait3A_915, %dma_wait3A_916] : memref<100096x16xf32, #tpu.memory_space<hbm>> -> memref<100096x16xf32, #tpu.memory_space<hbm>>
      tpu.wait_indirect_dma semaphore(%arg14 : memref<!tpu.dma_semaphore, #tpu.memory_space<semaphore_mem>>) src(%dma_wait3A_917 : memref<100096x16xf32, #tpu.memory_space<hbm>>) dst(%dma_wait3A_911 : memref<128x16xf32, #tpu.memory_space<vmem>>)
      %dma_start3A_918 = arith.constant 1 : i32
      %dma_start3A_919 = arith.constant 0 : i32
      %dma_start3A_920 = arith.constant 0 : i32
      %dma_start3A_921 = tpu.memref_slice %arg10[%dma_start3A_919, %dma_start3A_920] : memref<1024x16xf32, #tpu.memory_space<vmem>> -> memref<128x16xf32, #tpu.memory_space<vmem>>
      %dma_start3A_922 = arith.constant 0 : i32
      %dma_start3A_923 = tpu.memref_slice %arg9[%dma_start3A_918, %dma_start3A_922] : memref<2x1024xi32, #tpu.memory_space<vmem>> -> memref<1x128xi32, #tpu.memory_space<vmem>>
      %dma_start3A_924 = tpu.memref_squeeze %dma_start3A_923 : memref<1x128xi32, #tpu.memory_space<vmem>> -> memref<128xi32, #tpu.memory_space<vmem>>
      %dma_start3A_925 = arith.constant 0 : i32
      %dma_start3A_926 = arith.constant 0 : i32
      %dma_start3A_927 = tpu.memref_slice %arg12[%dma_start3A_925, %dma_start3A_926] : memref<100096x16xf32, #tpu.memory_space<vmem_shared>> -> memref<100096x16xf32, #tpu.memory_space<vmem_shared>>
      tpu.enqueue_indirect_dma source(%dma_start3A_921 : memref<128x16xf32, #tpu.memory_space<vmem>>) target(%dma_start3A_927 : memref<100096x16xf32, #tpu.memory_space<vmem_shared>>) offsets(%dma_start3A_924 : memref<128xi32, #tpu.memory_space<vmem>>) semaphore(%arg22 : memref<!tpu.dma_semaphore, #tpu.memory_space<semaphore_mem>>) {add = true}
      %dma_start3A_928 = arith.constant 1 : i32
      %dma_start3A_929 = arith.constant 0 : i32
      %dma_start3A_930 = tpu.memref_slice %arg11[%dma_start3A_929] : memref<1024xf32, #tpu.memory_space<vmem>> -> memref<128xf32, #tpu.memory_space<vmem>>
      %dma_start3A_931 = arith.constant 0 : i32
      %dma_start3A_932 = tpu.memref_slice %arg9[%dma_start3A_928, %dma_start3A_931] : memref<2x1024xi32, #tpu.memory_space<vmem>> -> memref<1x128xi32, #tpu.memory_space<vmem>>
      %dma_start3A_933 = tpu.memref_squeeze %dma_start3A_932 : memref<1x128xi32, #tpu.memory_space<vmem>> -> memref<128xi32, #tpu.memory_space<vmem>>
      %dma_start3A_934 = arith.constant 0 : i32
      %dma_start3A_935 = tpu.memref_slice %arg13[%dma_start3A_934] : memref<100096xf32, #tpu.memory_space<vmem_shared>> -> memref<100096xf32, #tpu.memory_space<vmem_shared>>
      tpu.enqueue_indirect_dma source(%dma_start3A_930 : memref<128xf32, #tpu.memory_space<vmem>>) target(%dma_start3A_935 : memref<100096xf32, #tpu.memory_space<vmem_shared>>) offsets(%dma_start3A_933 : memref<128xi32, #tpu.memory_space<vmem>>) semaphore(%arg30 : memref<!tpu.dma_semaphore, #tpu.memory_space<semaphore_mem>>) {add = true}
      %dma_wait3A_936 = arith.constant 1 : i32
      %dma_wait3A_937 = arith.constant 128 : i32
      %dma_wait3A_938 = arith.constant 0 : i32
      %dma_wait3A_939 = tpu.memref_slice %arg10[%dma_wait3A_937, %dma_wait3A_938] : memref<1024x16xf32, #tpu.memory_space<vmem>> -> memref<128x16xf32, #tpu.memory_space<vmem>>
      %dma_wait3A_940 = arith.constant 128 : i32
      %dma_wait3A_941 = tpu.memref_slice %arg8[%dma_wait3A_936, %dma_wait3A_940] : memref<2x1024xi32, #tpu.memory_space<vmem>> -> memref<1x128xi32, #tpu.memory_space<vmem>>
      %dma_wait3A_942 = tpu.memref_squeeze %dma_wait3A_941 : memref<1x128xi32, #tpu.memory_space<vmem>> -> memref<128xi32, #tpu.memory_space<vmem>>
      %dma_wait3A_943 = arith.constant 0 : i32
      %dma_wait3A_944 = arith.constant 0 : i32
      %dma_wait3A_945 = tpu.memref_slice %arg3[%dma_wait3A_943, %dma_wait3A_944] : memref<100096x16xf32, #tpu.memory_space<hbm>> -> memref<100096x16xf32, #tpu.memory_space<hbm>>
      tpu.wait_indirect_dma semaphore(%arg15 : memref<!tpu.dma_semaphore, #tpu.memory_space<semaphore_mem>>) src(%dma_wait3A_945 : memref<100096x16xf32, #tpu.memory_space<hbm>>) dst(%dma_wait3A_939 : memref<128x16xf32, #tpu.memory_space<vmem>>)
      %dma_start3A_946 = arith.constant 1 : i32
      %dma_start3A_947 = arith.constant 128 : i32
      %dma_start3A_948 = arith.constant 0 : i32
      %dma_start3A_949 = tpu.memref_slice %arg10[%dma_start3A_947, %dma_start3A_948] : memref<1024x16xf32, #tpu.memory_space<vmem>> -> memref<128x16xf32, #tpu.memory_space<vmem>>
      %dma_start3A_950 = arith.constant 128 : i32
      %dma_start3A_951 = tpu.memref_slice %arg9[%dma_start3A_946, %dma_start3A_950] : memref<2x1024xi32, #tpu.memory_space<vmem>> -> memref<1x128xi32, #tpu.memory_space<vmem>>
      %dma_start3A_952 = tpu.memref_squeeze %dma_start3A_951 : memref<1x128xi32, #tpu.memory_space<vmem>> -> memref<128xi32, #tpu.memory_space<vmem>>
      %dma_start3A_953 = arith.constant 0 : i32
      %dma_start3A_954 = arith.constant 0 : i32
      %dma_start3A_955 = tpu.memref_slice %arg12[%dma_start3A_953, %dma_start3A_954] : memref<100096x16xf32, #tpu.memory_space<vmem_shared>> -> memref<100096x16xf32, #tpu.memory_space<vmem_shared>>
      tpu.enqueue_indirect_dma source(%dma_start3A_949 : memref<128x16xf32, #tpu.memory_space<vmem>>) target(%dma_start3A_955 : memref<100096x16xf32, #tpu.memory_space<vmem_shared>>) offsets(%dma_start3A_952 : memref<128xi32, #tpu.memory_space<vmem>>) semaphore(%arg23 : memref<!tpu.dma_semaphore, #tpu.memory_space<semaphore_mem>>) {add = true}
      %dma_start3A_956 = arith.constant 1 : i32
      %dma_start3A_957 = arith.constant 0 : i32
      %dma_start3A_958 = tpu.memref_slice %arg11[%dma_start3A_957] : memref<1024xf32, #tpu.memory_space<vmem>> -> memref<128xf32, #tpu.memory_space<vmem>>
      %dma_start3A_959 = arith.constant 128 : i32
      %dma_start3A_960 = tpu.memref_slice %arg9[%dma_start3A_956, %dma_start3A_959] : memref<2x1024xi32, #tpu.memory_space<vmem>> -> memref<1x128xi32, #tpu.memory_space<vmem>>
      %dma_start3A_961 = tpu.memref_squeeze %dma_start3A_960 : memref<1x128xi32, #tpu.memory_space<vmem>> -> memref<128xi32, #tpu.memory_space<vmem>>
      %dma_start3A_962 = arith.constant 0 : i32
      %dma_start3A_963 = tpu.memref_slice %arg13[%dma_start3A_962] : memref<100096xf32, #tpu.memory_space<vmem_shared>> -> memref<100096xf32, #tpu.memory_space<vmem_shared>>
      tpu.enqueue_indirect_dma source(%dma_start3A_958 : memref<128xf32, #tpu.memory_space<vmem>>) target(%dma_start3A_963 : memref<100096xf32, #tpu.memory_space<vmem_shared>>) offsets(%dma_start3A_961 : memref<128xi32, #tpu.memory_space<vmem>>) semaphore(%arg30 : memref<!tpu.dma_semaphore, #tpu.memory_space<semaphore_mem>>) {add = true}
      %dma_wait3A_964 = arith.constant 1 : i32
      %dma_wait3A_965 = arith.constant 256 : i32
      %dma_wait3A_966 = arith.constant 0 : i32
      %dma_wait3A_967 = tpu.memref_slice %arg10[%dma_wait3A_965, %dma_wait3A_966] : memref<1024x16xf32, #tpu.memory_space<vmem>> -> memref<128x16xf32, #tpu.memory_space<vmem>>
      %dma_wait3A_968 = arith.constant 256 : i32
      %dma_wait3A_969 = tpu.memref_slice %arg8[%dma_wait3A_964, %dma_wait3A_968] : memref<2x1024xi32, #tpu.memory_space<vmem>> -> memref<1x128xi32, #tpu.memory_space<vmem>>
      %dma_wait3A_970 = tpu.memref_squeeze %dma_wait3A_969 : memref<1x128xi32, #tpu.memory_space<vmem>> -> memref<128xi32, #tpu.memory_space<vmem>>
      %dma_wait3A_971 = arith.constant 0 : i32
      %dma_wait3A_972 = arith.constant 0 : i32
      %dma_wait3A_973 = tpu.memref_slice %arg3[%dma_wait3A_971, %dma_wait3A_972] : memref<100096x16xf32, #tpu.memory_space<hbm>> -> memref<100096x16xf32, #tpu.memory_space<hbm>>
      tpu.wait_indirect_dma semaphore(%arg16 : memref<!tpu.dma_semaphore, #tpu.memory_space<semaphore_mem>>) src(%dma_wait3A_973 : memref<100096x16xf32, #tpu.memory_space<hbm>>) dst(%dma_wait3A_967 : memref<128x16xf32, #tpu.memory_space<vmem>>)
      %dma_start3A_974 = arith.constant 1 : i32
      %dma_start3A_975 = arith.constant 256 : i32
      %dma_start3A_976 = arith.constant 0 : i32
      %dma_start3A_977 = tpu.memref_slice %arg10[%dma_start3A_975, %dma_start3A_976] : memref<1024x16xf32, #tpu.memory_space<vmem>> -> memref<128x16xf32, #tpu.memory_space<vmem>>
      %dma_start3A_978 = arith.constant 256 : i32
      %dma_start3A_979 = tpu.memref_slice %arg9[%dma_start3A_974, %dma_start3A_978] : memref<2x1024xi32, #tpu.memory_space<vmem>> -> memref<1x128xi32, #tpu.memory_space<vmem>>
      %dma_start3A_980 = tpu.memref_squeeze %dma_start3A_979 : memref<1x128xi32, #tpu.memory_space<vmem>> -> memref<128xi32, #tpu.memory_space<vmem>>
      %dma_start3A_981 = arith.constant 0 : i32
      %dma_start3A_982 = arith.constant 0 : i32
      %dma_start3A_983 = tpu.memref_slice %arg12[%dma_start3A_981, %dma_start3A_982] : memref<100096x16xf32, #tpu.memory_space<vmem_shared>> -> memref<100096x16xf32, #tpu.memory_space<vmem_shared>>
      tpu.enqueue_indirect_dma source(%dma_start3A_977 : memref<128x16xf32, #tpu.memory_space<vmem>>) target(%dma_start3A_983 : memref<100096x16xf32, #tpu.memory_space<vmem_shared>>) offsets(%dma_start3A_980 : memref<128xi32, #tpu.memory_space<vmem>>) semaphore(%arg24 : memref<!tpu.dma_semaphore, #tpu.memory_space<semaphore_mem>>) {add = true}
      %dma_start3A_984 = arith.constant 1 : i32
      %dma_start3A_985 = arith.constant 0 : i32
      %dma_start3A_986 = tpu.memref_slice %arg11[%dma_start3A_985] : memref<1024xf32, #tpu.memory_space<vmem>> -> memref<128xf32, #tpu.memory_space<vmem>>
      %dma_start3A_987 = arith.constant 256 : i32
      %dma_start3A_988 = tpu.memref_slice %arg9[%dma_start3A_984, %dma_start3A_987] : memref<2x1024xi32, #tpu.memory_space<vmem>> -> memref<1x128xi32, #tpu.memory_space<vmem>>
      %dma_start3A_989 = tpu.memref_squeeze %dma_start3A_988 : memref<1x128xi32, #tpu.memory_space<vmem>> -> memref<128xi32, #tpu.memory_space<vmem>>
      %dma_start3A_990 = arith.constant 0 : i32
      %dma_start3A_991 = tpu.memref_slice %arg13[%dma_start3A_990] : memref<100096xf32, #tpu.memory_space<vmem_shared>> -> memref<100096xf32, #tpu.memory_space<vmem_shared>>
      tpu.enqueue_indirect_dma source(%dma_start3A_986 : memref<128xf32, #tpu.memory_space<vmem>>) target(%dma_start3A_991 : memref<100096xf32, #tpu.memory_space<vmem_shared>>) offsets(%dma_start3A_989 : memref<128xi32, #tpu.memory_space<vmem>>) semaphore(%arg30 : memref<!tpu.dma_semaphore, #tpu.memory_space<semaphore_mem>>) {add = true}
      %dma_wait3A_992 = arith.constant 1 : i32
      %dma_wait3A_993 = arith.constant 384 : i32
      %dma_wait3A_994 = arith.constant 0 : i32
      %dma_wait3A_995 = tpu.memref_slice %arg10[%dma_wait3A_993, %dma_wait3A_994] : memref<1024x16xf32, #tpu.memory_space<vmem>> -> memref<128x16xf32, #tpu.memory_space<vmem>>
      %dma_wait3A_996 = arith.constant 384 : i32
      %dma_wait3A_997 = tpu.memref_slice %arg8[%dma_wait3A_992, %dma_wait3A_996] : memref<2x1024xi32, #tpu.memory_space<vmem>> -> memref<1x128xi32, #tpu.memory_space<vmem>>
      %dma_wait3A_998 = tpu.memref_squeeze %dma_wait3A_997 : memref<1x128xi32, #tpu.memory_space<vmem>> -> memref<128xi32, #tpu.memory_space<vmem>>
      %dma_wait3A_999 = arith.constant 0 : i32
      %dma_wait3A_1000 = arith.constant 0 : i32
      %dma_wait3A_1001 = tpu.memref_slice %arg3[%dma_wait3A_999, %dma_wait3A_1000] : memref<100096x16xf32, #tpu.memory_space<hbm>> -> memref<100096x16xf32, #tpu.memory_space<hbm>>
      tpu.wait_indirect_dma semaphore(%arg17 : memref<!tpu.dma_semaphore, #tpu.memory_space<semaphore_mem>>) src(%dma_wait3A_1001 : memref<100096x16xf32, #tpu.memory_space<hbm>>) dst(%dma_wait3A_995 : memref<128x16xf32, #tpu.memory_space<vmem>>)
      %dma_start3A_1002 = arith.constant 1 : i32
      %dma_start3A_1003 = arith.constant 384 : i32
      %dma_start3A_1004 = arith.constant 0 : i32
      %dma_start3A_1005 = tpu.memref_slice %arg10[%dma_start3A_1003, %dma_start3A_1004] : memref<1024x16xf32, #tpu.memory_space<vmem>> -> memref<128x16xf32, #tpu.memory_space<vmem>>
      %dma_start3A_1006 = arith.constant 384 : i32
      %dma_start3A_1007 = tpu.memref_slice %arg9[%dma_start3A_1002, %dma_start3A_1006] : memref<2x1024xi32, #tpu.memory_space<vmem>> -> memref<1x128xi32, #tpu.memory_space<vmem>>
      %dma_start3A_1008 = tpu.memref_squeeze %dma_start3A_1007 : memref<1x128xi32, #tpu.memory_space<vmem>> -> memref<128xi32, #tpu.memory_space<vmem>>
      %dma_start3A_1009 = arith.constant 0 : i32
      %dma_start3A_1010 = arith.constant 0 : i32
      %dma_start3A_1011 = tpu.memref_slice %arg12[%dma_start3A_1009, %dma_start3A_1010] : memref<100096x16xf32, #tpu.memory_space<vmem_shared>> -> memref<100096x16xf32, #tpu.memory_space<vmem_shared>>
      tpu.enqueue_indirect_dma source(%dma_start3A_1005 : memref<128x16xf32, #tpu.memory_space<vmem>>) target(%dma_start3A_1011 : memref<100096x16xf32, #tpu.memory_space<vmem_shared>>) offsets(%dma_start3A_1008 : memref<128xi32, #tpu.memory_space<vmem>>) semaphore(%arg25 : memref<!tpu.dma_semaphore, #tpu.memory_space<semaphore_mem>>) {add = true}
      %dma_start3A_1012 = arith.constant 1 : i32
      %dma_start3A_1013 = arith.constant 0 : i32
      %dma_start3A_1014 = tpu.memref_slice %arg11[%dma_start3A_1013] : memref<1024xf32, #tpu.memory_space<vmem>> -> memref<128xf32, #tpu.memory_space<vmem>>
      %dma_start3A_1015 = arith.constant 384 : i32
      %dma_start3A_1016 = tpu.memref_slice %arg9[%dma_start3A_1012, %dma_start3A_1015] : memref<2x1024xi32, #tpu.memory_space<vmem>> -> memref<1x128xi32, #tpu.memory_space<vmem>>
      %dma_start3A_1017 = tpu.memref_squeeze %dma_start3A_1016 : memref<1x128xi32, #tpu.memory_space<vmem>> -> memref<128xi32, #tpu.memory_space<vmem>>
      %dma_start3A_1018 = arith.constant 0 : i32
      %dma_start3A_1019 = tpu.memref_slice %arg13[%dma_start3A_1018] : memref<100096xf32, #tpu.memory_space<vmem_shared>> -> memref<100096xf32, #tpu.memory_space<vmem_shared>>
      tpu.enqueue_indirect_dma source(%dma_start3A_1014 : memref<128xf32, #tpu.memory_space<vmem>>) target(%dma_start3A_1019 : memref<100096xf32, #tpu.memory_space<vmem_shared>>) offsets(%dma_start3A_1017 : memref<128xi32, #tpu.memory_space<vmem>>) semaphore(%arg30 : memref<!tpu.dma_semaphore, #tpu.memory_space<semaphore_mem>>) {add = true}
      %dma_wait3A_1020 = arith.constant 1 : i32
      %dma_wait3A_1021 = arith.constant 512 : i32
      %dma_wait3A_1022 = arith.constant 0 : i32
      %dma_wait3A_1023 = tpu.memref_slice %arg10[%dma_wait3A_1021, %dma_wait3A_1022] : memref<1024x16xf32, #tpu.memory_space<vmem>> -> memref<128x16xf32, #tpu.memory_space<vmem>>
      %dma_wait3A_1024 = arith.constant 512 : i32
      %dma_wait3A_1025 = tpu.memref_slice %arg8[%dma_wait3A_1020, %dma_wait3A_1024] : memref<2x1024xi32, #tpu.memory_space<vmem>> -> memref<1x128xi32, #tpu.memory_space<vmem>>
      %dma_wait3A_1026 = tpu.memref_squeeze %dma_wait3A_1025 : memref<1x128xi32, #tpu.memory_space<vmem>> -> memref<128xi32, #tpu.memory_space<vmem>>
      %dma_wait3A_1027 = arith.constant 0 : i32
      %dma_wait3A_1028 = arith.constant 0 : i32
      %dma_wait3A_1029 = tpu.memref_slice %arg3[%dma_wait3A_1027, %dma_wait3A_1028] : memref<100096x16xf32, #tpu.memory_space<hbm>> -> memref<100096x16xf32, #tpu.memory_space<hbm>>
      tpu.wait_indirect_dma semaphore(%arg18 : memref<!tpu.dma_semaphore, #tpu.memory_space<semaphore_mem>>) src(%dma_wait3A_1029 : memref<100096x16xf32, #tpu.memory_space<hbm>>) dst(%dma_wait3A_1023 : memref<128x16xf32, #tpu.memory_space<vmem>>)
      %dma_start3A_1030 = arith.constant 1 : i32
      %dma_start3A_1031 = arith.constant 512 : i32
      %dma_start3A_1032 = arith.constant 0 : i32
      %dma_start3A_1033 = tpu.memref_slice %arg10[%dma_start3A_1031, %dma_start3A_1032] : memref<1024x16xf32, #tpu.memory_space<vmem>> -> memref<128x16xf32, #tpu.memory_space<vmem>>
      %dma_start3A_1034 = arith.constant 512 : i32
      %dma_start3A_1035 = tpu.memref_slice %arg9[%dma_start3A_1030, %dma_start3A_1034] : memref<2x1024xi32, #tpu.memory_space<vmem>> -> memref<1x128xi32, #tpu.memory_space<vmem>>
      %dma_start3A_1036 = tpu.memref_squeeze %dma_start3A_1035 : memref<1x128xi32, #tpu.memory_space<vmem>> -> memref<128xi32, #tpu.memory_space<vmem>>
      %dma_start3A_1037 = arith.constant 0 : i32
      %dma_start3A_1038 = arith.constant 0 : i32
      %dma_start3A_1039 = tpu.memref_slice %arg12[%dma_start3A_1037, %dma_start3A_1038] : memref<100096x16xf32, #tpu.memory_space<vmem_shared>> -> memref<100096x16xf32, #tpu.memory_space<vmem_shared>>
      tpu.enqueue_indirect_dma source(%dma_start3A_1033 : memref<128x16xf32, #tpu.memory_space<vmem>>) target(%dma_start3A_1039 : memref<100096x16xf32, #tpu.memory_space<vmem_shared>>) offsets(%dma_start3A_1036 : memref<128xi32, #tpu.memory_space<vmem>>) semaphore(%arg26 : memref<!tpu.dma_semaphore, #tpu.memory_space<semaphore_mem>>) {add = true}
      %dma_start3A_1040 = arith.constant 1 : i32
      %dma_start3A_1041 = arith.constant 0 : i32
      %dma_start3A_1042 = tpu.memref_slice %arg11[%dma_start3A_1041] : memref<1024xf32, #tpu.memory_space<vmem>> -> memref<128xf32, #tpu.memory_space<vmem>>
      %dma_start3A_1043 = arith.constant 512 : i32
      %dma_start3A_1044 = tpu.memref_slice %arg9[%dma_start3A_1040, %dma_start3A_1043] : memref<2x1024xi32, #tpu.memory_space<vmem>> -> memref<1x128xi32, #tpu.memory_space<vmem>>
      %dma_start3A_1045 = tpu.memref_squeeze %dma_start3A_1044 : memref<1x128xi32, #tpu.memory_space<vmem>> -> memref<128xi32, #tpu.memory_space<vmem>>
      %dma_start3A_1046 = arith.constant 0 : i32
      %dma_start3A_1047 = tpu.memref_slice %arg13[%dma_start3A_1046] : memref<100096xf32, #tpu.memory_space<vmem_shared>> -> memref<100096xf32, #tpu.memory_space<vmem_shared>>
      tpu.enqueue_indirect_dma source(%dma_start3A_1042 : memref<128xf32, #tpu.memory_space<vmem>>) target(%dma_start3A_1047 : memref<100096xf32, #tpu.memory_space<vmem_shared>>) offsets(%dma_start3A_1045 : memref<128xi32, #tpu.memory_space<vmem>>) semaphore(%arg30 : memref<!tpu.dma_semaphore, #tpu.memory_space<semaphore_mem>>) {add = true}
      %dma_wait3A_1048 = arith.constant 1 : i32
      %dma_wait3A_1049 = arith.constant 640 : i32
      %dma_wait3A_1050 = arith.constant 0 : i32
      %dma_wait3A_1051 = tpu.memref_slice %arg10[%dma_wait3A_1049, %dma_wait3A_1050] : memref<1024x16xf32, #tpu.memory_space<vmem>> -> memref<128x16xf32, #tpu.memory_space<vmem>>
      %dma_wait3A_1052 = arith.constant 640 : i32
      %dma_wait3A_1053 = tpu.memref_slice %arg8[%dma_wait3A_1048, %dma_wait3A_1052] : memref<2x1024xi32, #tpu.memory_space<vmem>> -> memref<1x128xi32, #tpu.memory_space<vmem>>
      %dma_wait3A_1054 = tpu.memref_squeeze %dma_wait3A_1053 : memref<1x128xi32, #tpu.memory_space<vmem>> -> memref<128xi32, #tpu.memory_space<vmem>>
      %dma_wait3A_1055 = arith.constant 0 : i32
      %dma_wait3A_1056 = arith.constant 0 : i32
      %dma_wait3A_1057 = tpu.memref_slice %arg3[%dma_wait3A_1055, %dma_wait3A_1056] : memref<100096x16xf32, #tpu.memory_space<hbm>> -> memref<100096x16xf32, #tpu.memory_space<hbm>>
      tpu.wait_indirect_dma semaphore(%arg19 : memref<!tpu.dma_semaphore, #tpu.memory_space<semaphore_mem>>) src(%dma_wait3A_1057 : memref<100096x16xf32, #tpu.memory_space<hbm>>) dst(%dma_wait3A_1051 : memref<128x16xf32, #tpu.memory_space<vmem>>)
      %dma_start3A_1058 = arith.constant 1 : i32
      %dma_start3A_1059 = arith.constant 640 : i32
      %dma_start3A_1060 = arith.constant 0 : i32
      %dma_start3A_1061 = tpu.memref_slice %arg10[%dma_start3A_1059, %dma_start3A_1060] : memref<1024x16xf32, #tpu.memory_space<vmem>> -> memref<128x16xf32, #tpu.memory_space<vmem>>
      %dma_start3A_1062 = arith.constant 640 : i32
      %dma_start3A_1063 = tpu.memref_slice %arg9[%dma_start3A_1058, %dma_start3A_1062] : memref<2x1024xi32, #tpu.memory_space<vmem>> -> memref<1x128xi32, #tpu.memory_space<vmem>>
      %dma_start3A_1064 = tpu.memref_squeeze %dma_start3A_1063 : memref<1x128xi32, #tpu.memory_space<vmem>> -> memref<128xi32, #tpu.memory_space<vmem>>
      %dma_start3A_1065 = arith.constant 0 : i32
      %dma_start3A_1066 = arith.constant 0 : i32
      %dma_start3A_1067 = tpu.memref_slice %arg12[%dma_start3A_1065, %dma_start3A_1066] : memref<100096x16xf32, #tpu.memory_space<vmem_shared>> -> memref<100096x16xf32, #tpu.memory_space<vmem_shared>>
      tpu.enqueue_indirect_dma source(%dma_start3A_1061 : memref<128x16xf32, #tpu.memory_space<vmem>>) target(%dma_start3A_1067 : memref<100096x16xf32, #tpu.memory_space<vmem_shared>>) offsets(%dma_start3A_1064 : memref<128xi32, #tpu.memory_space<vmem>>) semaphore(%arg27 : memref<!tpu.dma_semaphore, #tpu.memory_space<semaphore_mem>>) {add = true}
      %dma_start3A_1068 = arith.constant 1 : i32
      %dma_start3A_1069 = arith.constant 0 : i32
      %dma_start3A_1070 = tpu.memref_slice %arg11[%dma_start3A_1069] : memref<1024xf32, #tpu.memory_space<vmem>> -> memref<128xf32, #tpu.memory_space<vmem>>
      %dma_start3A_1071 = arith.constant 640 : i32
      %dma_start3A_1072 = tpu.memref_slice %arg9[%dma_start3A_1068, %dma_start3A_1071] : memref<2x1024xi32, #tpu.memory_space<vmem>> -> memref<1x128xi32, #tpu.memory_space<vmem>>
      %dma_start3A_1073 = tpu.memref_squeeze %dma_start3A_1072 : memref<1x128xi32, #tpu.memory_space<vmem>> -> memref<128xi32, #tpu.memory_space<vmem>>
      %dma_start3A_1074 = arith.constant 0 : i32
      %dma_start3A_1075 = tpu.memref_slice %arg13[%dma_start3A_1074] : memref<100096xf32, #tpu.memory_space<vmem_shared>> -> memref<100096xf32, #tpu.memory_space<vmem_shared>>
      tpu.enqueue_indirect_dma source(%dma_start3A_1070 : memref<128xf32, #tpu.memory_space<vmem>>) target(%dma_start3A_1075 : memref<100096xf32, #tpu.memory_space<vmem_shared>>) offsets(%dma_start3A_1073 : memref<128xi32, #tpu.memory_space<vmem>>) semaphore(%arg30 : memref<!tpu.dma_semaphore, #tpu.memory_space<semaphore_mem>>) {add = true}
      %dma_wait3A_1076 = arith.constant 1 : i32
      %dma_wait3A_1077 = arith.constant 768 : i32
      %dma_wait3A_1078 = arith.constant 0 : i32
      %dma_wait3A_1079 = tpu.memref_slice %arg10[%dma_wait3A_1077, %dma_wait3A_1078] : memref<1024x16xf32, #tpu.memory_space<vmem>> -> memref<128x16xf32, #tpu.memory_space<vmem>>
      %dma_wait3A_1080 = arith.constant 768 : i32
      %dma_wait3A_1081 = tpu.memref_slice %arg8[%dma_wait3A_1076, %dma_wait3A_1080] : memref<2x1024xi32, #tpu.memory_space<vmem>> -> memref<1x128xi32, #tpu.memory_space<vmem>>
      %dma_wait3A_1082 = tpu.memref_squeeze %dma_wait3A_1081 : memref<1x128xi32, #tpu.memory_space<vmem>> -> memref<128xi32, #tpu.memory_space<vmem>>
      %dma_wait3A_1083 = arith.constant 0 : i32
      %dma_wait3A_1084 = arith.constant 0 : i32
      %dma_wait3A_1085 = tpu.memref_slice %arg3[%dma_wait3A_1083, %dma_wait3A_1084] : memref<100096x16xf32, #tpu.memory_space<hbm>> -> memref<100096x16xf32, #tpu.memory_space<hbm>>
      tpu.wait_indirect_dma semaphore(%arg20 : memref<!tpu.dma_semaphore, #tpu.memory_space<semaphore_mem>>) src(%dma_wait3A_1085 : memref<100096x16xf32, #tpu.memory_space<hbm>>) dst(%dma_wait3A_1079 : memref<128x16xf32, #tpu.memory_space<vmem>>)
      %dma_start3A_1086 = arith.constant 1 : i32
      %dma_start3A_1087 = arith.constant 768 : i32
      %dma_start3A_1088 = arith.constant 0 : i32
      %dma_start3A_1089 = tpu.memref_slice %arg10[%dma_start3A_1087, %dma_start3A_1088] : memref<1024x16xf32, #tpu.memory_space<vmem>> -> memref<128x16xf32, #tpu.memory_space<vmem>>
      %dma_start3A_1090 = arith.constant 768 : i32
      %dma_start3A_1091 = tpu.memref_slice %arg9[%dma_start3A_1086, %dma_start3A_1090] : memref<2x1024xi32, #tpu.memory_space<vmem>> -> memref<1x128xi32, #tpu.memory_space<vmem>>
      %dma_start3A_1092 = tpu.memref_squeeze %dma_start3A_1091 : memref<1x128xi32, #tpu.memory_space<vmem>> -> memref<128xi32, #tpu.memory_space<vmem>>
      %dma_start3A_1093 = arith.constant 0 : i32
      %dma_start3A_1094 = arith.constant 0 : i32
      %dma_start3A_1095 = tpu.memref_slice %arg12[%dma_start3A_1093, %dma_start3A_1094] : memref<100096x16xf32, #tpu.memory_space<vmem_shared>> -> memref<100096x16xf32, #tpu.memory_space<vmem_shared>>
      tpu.enqueue_indirect_dma source(%dma_start3A_1089 : memref<128x16xf32, #tpu.memory_space<vmem>>) target(%dma_start3A_1095 : memref<100096x16xf32, #tpu.memory_space<vmem_shared>>) offsets(%dma_start3A_1092 : memref<128xi32, #tpu.memory_space<vmem>>) semaphore(%arg28 : memref<!tpu.dma_semaphore, #tpu.memory_space<semaphore_mem>>) {add = true}
      %dma_start3A_1096 = arith.constant 1 : i32
      %dma_start3A_1097 = arith.constant 0 : i32
      %dma_start3A_1098 = tpu.memref_slice %arg11[%dma_start3A_1097] : memref<1024xf32, #tpu.memory_space<vmem>> -> memref<128xf32, #tpu.memory_space<vmem>>
      %dma_start3A_1099 = arith.constant 768 : i32
      %dma_start3A_1100 = tpu.memref_slice %arg9[%dma_start3A_1096, %dma_start3A_1099] : memref<2x1024xi32, #tpu.memory_space<vmem>> -> memref<1x128xi32, #tpu.memory_space<vmem>>
      %dma_start3A_1101 = tpu.memref_squeeze %dma_start3A_1100 : memref<1x128xi32, #tpu.memory_space<vmem>> -> memref<128xi32, #tpu.memory_space<vmem>>
      %dma_start3A_1102 = arith.constant 0 : i32
      %dma_start3A_1103 = tpu.memref_slice %arg13[%dma_start3A_1102] : memref<100096xf32, #tpu.memory_space<vmem_shared>> -> memref<100096xf32, #tpu.memory_space<vmem_shared>>
      tpu.enqueue_indirect_dma source(%dma_start3A_1098 : memref<128xf32, #tpu.memory_space<vmem>>) target(%dma_start3A_1103 : memref<100096xf32, #tpu.memory_space<vmem_shared>>) offsets(%dma_start3A_1101 : memref<128xi32, #tpu.memory_space<vmem>>) semaphore(%arg30 : memref<!tpu.dma_semaphore, #tpu.memory_space<semaphore_mem>>) {add = true}
      %dma_wait3A_1104 = arith.constant 1 : i32
      %dma_wait3A_1105 = arith.constant 896 : i32
      %dma_wait3A_1106 = arith.constant 0 : i32
      %dma_wait3A_1107 = tpu.memref_slice %arg10[%dma_wait3A_1105, %dma_wait3A_1106] : memref<1024x16xf32, #tpu.memory_space<vmem>> -> memref<128x16xf32, #tpu.memory_space<vmem>>
      %dma_wait3A_1108 = arith.constant 896 : i32
      %dma_wait3A_1109 = tpu.memref_slice %arg8[%dma_wait3A_1104, %dma_wait3A_1108] : memref<2x1024xi32, #tpu.memory_space<vmem>> -> memref<1x128xi32, #tpu.memory_space<vmem>>
      %dma_wait3A_1110 = tpu.memref_squeeze %dma_wait3A_1109 : memref<1x128xi32, #tpu.memory_space<vmem>> -> memref<128xi32, #tpu.memory_space<vmem>>
      %dma_wait3A_1111 = arith.constant 0 : i32
      %dma_wait3A_1112 = arith.constant 0 : i32
      %dma_wait3A_1113 = tpu.memref_slice %arg3[%dma_wait3A_1111, %dma_wait3A_1112] : memref<100096x16xf32, #tpu.memory_space<hbm>> -> memref<100096x16xf32, #tpu.memory_space<hbm>>
      tpu.wait_indirect_dma semaphore(%arg21 : memref<!tpu.dma_semaphore, #tpu.memory_space<semaphore_mem>>) src(%dma_wait3A_1113 : memref<100096x16xf32, #tpu.memory_space<hbm>>) dst(%dma_wait3A_1107 : memref<128x16xf32, #tpu.memory_space<vmem>>)
      %dma_start3A_1114 = arith.constant 1 : i32
      %dma_start3A_1115 = arith.constant 896 : i32
      %dma_start3A_1116 = arith.constant 0 : i32
      %dma_start3A_1117 = tpu.memref_slice %arg10[%dma_start3A_1115, %dma_start3A_1116] : memref<1024x16xf32, #tpu.memory_space<vmem>> -> memref<128x16xf32, #tpu.memory_space<vmem>>
      %dma_start3A_1118 = arith.constant 896 : i32
      %dma_start3A_1119 = tpu.memref_slice %arg9[%dma_start3A_1114, %dma_start3A_1118] : memref<2x1024xi32, #tpu.memory_space<vmem>> -> memref<1x128xi32, #tpu.memory_space<vmem>>
      %dma_start3A_1120 = tpu.memref_squeeze %dma_start3A_1119 : memref<1x128xi32, #tpu.memory_space<vmem>> -> memref<128xi32, #tpu.memory_space<vmem>>
      %dma_start3A_1121 = arith.constant 0 : i32
      %dma_start3A_1122 = arith.constant 0 : i32
      %dma_start3A_1123 = tpu.memref_slice %arg12[%dma_start3A_1121, %dma_start3A_1122] : memref<100096x16xf32, #tpu.memory_space<vmem_shared>> -> memref<100096x16xf32, #tpu.memory_space<vmem_shared>>
      tpu.enqueue_indirect_dma source(%dma_start3A_1117 : memref<128x16xf32, #tpu.memory_space<vmem>>) target(%dma_start3A_1123 : memref<100096x16xf32, #tpu.memory_space<vmem_shared>>) offsets(%dma_start3A_1120 : memref<128xi32, #tpu.memory_space<vmem>>) semaphore(%arg29 : memref<!tpu.dma_semaphore, #tpu.memory_space<semaphore_mem>>) {add = true}
      %dma_start3A_1124 = arith.constant 1 : i32
      %dma_start3A_1125 = arith.constant 0 : i32
      %dma_start3A_1126 = tpu.memref_slice %arg11[%dma_start3A_1125] : memref<1024xf32, #tpu.memory_space<vmem>> -> memref<128xf32, #tpu.memory_space<vmem>>
      %dma_start3A_1127 = arith.constant 896 : i32
      %dma_start3A_1128 = tpu.memref_slice %arg9[%dma_start3A_1124, %dma_start3A_1127] : memref<2x1024xi32, #tpu.memory_space<vmem>> -> memref<1x128xi32, #tpu.memory_space<vmem>>
      %dma_start3A_1129 = tpu.memref_squeeze %dma_start3A_1128 : memref<1x128xi32, #tpu.memory_space<vmem>> -> memref<128xi32, #tpu.memory_space<vmem>>
      %dma_start3A_1130 = arith.constant 0 : i32
      %dma_start3A_1131 = tpu.memref_slice %arg13[%dma_start3A_1130] : memref<100096xf32, #tpu.memory_space<vmem_shared>> -> memref<100096xf32, #tpu.memory_space<vmem_shared>>
      tpu.enqueue_indirect_dma source(%dma_start3A_1126 : memref<128xf32, #tpu.memory_space<vmem>>) target(%dma_start3A_1131 : memref<100096xf32, #tpu.memory_space<vmem_shared>>) offsets(%dma_start3A_1129 : memref<128xi32, #tpu.memory_space<vmem>>) semaphore(%arg30 : memref<!tpu.dma_semaphore, #tpu.memory_space<semaphore_mem>>) {add = true}
    } else {
    }
    %dma_wait3A_514 = arith.constant 0 : i32
    %dma_wait3A_515 = arith.constant 0 : i32
    %dma_wait3A_516 = arith.constant 0 : i32
    %dma_wait3A_517 = tpu.memref_slice %arg10[%dma_wait3A_515, %dma_wait3A_516] : memref<1024x16xf32, #tpu.memory_space<vmem>> -> memref<128x16xf32, #tpu.memory_space<vmem>>
    %dma_wait3A_518 = arith.constant 0 : i32
    %dma_wait3A_519 = tpu.memref_slice %arg9[%dma_wait3A_514, %dma_wait3A_518] : memref<2x1024xi32, #tpu.memory_space<vmem>> -> memref<1x128xi32, #tpu.memory_space<vmem>>
    %dma_wait3A_520 = tpu.memref_squeeze %dma_wait3A_519 : memref<1x128xi32, #tpu.memory_space<vmem>> -> memref<128xi32, #tpu.memory_space<vmem>>
    %dma_wait3A_521 = arith.constant 0 : i32
    %dma_wait3A_522 = arith.constant 0 : i32
    %dma_wait3A_523 = tpu.memref_slice %arg12[%dma_wait3A_521, %dma_wait3A_522] : memref<100096x16xf32, #tpu.memory_space<vmem_shared>> -> memref<100096x16xf32, #tpu.memory_space<vmem_shared>>
    tpu.wait_indirect_dma semaphore(%arg22 : memref<!tpu.dma_semaphore, #tpu.memory_space<semaphore_mem>>) src(%dma_wait3A_517 : memref<128x16xf32, #tpu.memory_space<vmem>>) dst(%dma_wait3A_523 : memref<100096x16xf32, #tpu.memory_space<vmem_shared>>)
    %dma_wait3A_524 = arith.constant 0 : i32
    %dma_wait3A_525 = arith.constant 0 : i32
    %dma_wait3A_526 = tpu.memref_slice %arg11[%dma_wait3A_525] : memref<1024xf32, #tpu.memory_space<vmem>> -> memref<128xf32, #tpu.memory_space<vmem>>
    %dma_wait3A_527 = arith.constant 0 : i32
    %dma_wait3A_528 = tpu.memref_slice %arg9[%dma_wait3A_524, %dma_wait3A_527] : memref<2x1024xi32, #tpu.memory_space<vmem>> -> memref<1x128xi32, #tpu.memory_space<vmem>>
    %dma_wait3A_529 = tpu.memref_squeeze %dma_wait3A_528 : memref<1x128xi32, #tpu.memory_space<vmem>> -> memref<128xi32, #tpu.memory_space<vmem>>
    %dma_wait3A_530 = arith.constant 0 : i32
    %dma_wait3A_531 = tpu.memref_slice %arg13[%dma_wait3A_530] : memref<100096xf32, #tpu.memory_space<vmem_shared>> -> memref<100096xf32, #tpu.memory_space<vmem_shared>>
    tpu.wait_indirect_dma semaphore(%arg30 : memref<!tpu.dma_semaphore, #tpu.memory_space<semaphore_mem>>) src(%dma_wait3A_526 : memref<128xf32, #tpu.memory_space<vmem>>) dst(%dma_wait3A_531 : memref<100096xf32, #tpu.memory_space<vmem_shared>>)
    %dma_wait3A_532 = arith.constant 0 : i32
    %dma_wait3A_533 = arith.constant 128 : i32
    %dma_wait3A_534 = arith.constant 0 : i32
    %dma_wait3A_535 = tpu.memref_slice %arg10[%dma_wait3A_533, %dma_wait3A_534] : memref<1024x16xf32, #tpu.memory_space<vmem>> -> memref<128x16xf32, #tpu.memory_space<vmem>>
    %dma_wait3A_536 = arith.constant 128 : i32
    %dma_wait3A_537 = tpu.memref_slice %arg9[%dma_wait3A_532, %dma_wait3A_536] : memref<2x1024xi32, #tpu.memory_space<vmem>> -> memref<1x128xi32, #tpu.memory_space<vmem>>
    %dma_wait3A_538 = tpu.memref_squeeze %dma_wait3A_537 : memref<1x128xi32, #tpu.memory_space<vmem>> -> memref<128xi32, #tpu.memory_space<vmem>>
    %dma_wait3A_539 = arith.constant 0 : i32
    %dma_wait3A_540 = arith.constant 0 : i32
    %dma_wait3A_541 = tpu.memref_slice %arg12[%dma_wait3A_539, %dma_wait3A_540] : memref<100096x16xf32, #tpu.memory_space<vmem_shared>> -> memref<100096x16xf32, #tpu.memory_space<vmem_shared>>
    tpu.wait_indirect_dma semaphore(%arg23 : memref<!tpu.dma_semaphore, #tpu.memory_space<semaphore_mem>>) src(%dma_wait3A_535 : memref<128x16xf32, #tpu.memory_space<vmem>>) dst(%dma_wait3A_541 : memref<100096x16xf32, #tpu.memory_space<vmem_shared>>)
    %dma_wait3A_542 = arith.constant 0 : i32
    %dma_wait3A_543 = arith.constant 0 : i32
    %dma_wait3A_544 = tpu.memref_slice %arg11[%dma_wait3A_543] : memref<1024xf32, #tpu.memory_space<vmem>> -> memref<128xf32, #tpu.memory_space<vmem>>
    %dma_wait3A_545 = arith.constant 128 : i32
    %dma_wait3A_546 = tpu.memref_slice %arg9[%dma_wait3A_542, %dma_wait3A_545] : memref<2x1024xi32, #tpu.memory_space<vmem>> -> memref<1x128xi32, #tpu.memory_space<vmem>>
    %dma_wait3A_547 = tpu.memref_squeeze %dma_wait3A_546 : memref<1x128xi32, #tpu.memory_space<vmem>> -> memref<128xi32, #tpu.memory_space<vmem>>
    %dma_wait3A_548 = arith.constant 0 : i32
    %dma_wait3A_549 = tpu.memref_slice %arg13[%dma_wait3A_548] : memref<100096xf32, #tpu.memory_space<vmem_shared>> -> memref<100096xf32, #tpu.memory_space<vmem_shared>>
    tpu.wait_indirect_dma semaphore(%arg30 : memref<!tpu.dma_semaphore, #tpu.memory_space<semaphore_mem>>) src(%dma_wait3A_544 : memref<128xf32, #tpu.memory_space<vmem>>) dst(%dma_wait3A_549 : memref<100096xf32, #tpu.memory_space<vmem_shared>>)
    %dma_wait3A_550 = arith.constant 0 : i32
    %dma_wait3A_551 = arith.constant 256 : i32
    %dma_wait3A_552 = arith.constant 0 : i32
    %dma_wait3A_553 = tpu.memref_slice %arg10[%dma_wait3A_551, %dma_wait3A_552] : memref<1024x16xf32, #tpu.memory_space<vmem>> -> memref<128x16xf32, #tpu.memory_space<vmem>>
    %dma_wait3A_554 = arith.constant 256 : i32
    %dma_wait3A_555 = tpu.memref_slice %arg9[%dma_wait3A_550, %dma_wait3A_554] : memref<2x1024xi32, #tpu.memory_space<vmem>> -> memref<1x128xi32, #tpu.memory_space<vmem>>
    %dma_wait3A_556 = tpu.memref_squeeze %dma_wait3A_555 : memref<1x128xi32, #tpu.memory_space<vmem>> -> memref<128xi32, #tpu.memory_space<vmem>>
    %dma_wait3A_557 = arith.constant 0 : i32
    %dma_wait3A_558 = arith.constant 0 : i32
    %dma_wait3A_559 = tpu.memref_slice %arg12[%dma_wait3A_557, %dma_wait3A_558] : memref<100096x16xf32, #tpu.memory_space<vmem_shared>> -> memref<100096x16xf32, #tpu.memory_space<vmem_shared>>
    tpu.wait_indirect_dma semaphore(%arg24 : memref<!tpu.dma_semaphore, #tpu.memory_space<semaphore_mem>>) src(%dma_wait3A_553 : memref<128x16xf32, #tpu.memory_space<vmem>>) dst(%dma_wait3A_559 : memref<100096x16xf32, #tpu.memory_space<vmem_shared>>)
    %dma_wait3A_560 = arith.constant 0 : i32
    %dma_wait3A_561 = arith.constant 0 : i32
    %dma_wait3A_562 = tpu.memref_slice %arg11[%dma_wait3A_561] : memref<1024xf32, #tpu.memory_space<vmem>> -> memref<128xf32, #tpu.memory_space<vmem>>
    %dma_wait3A_563 = arith.constant 256 : i32
    %dma_wait3A_564 = tpu.memref_slice %arg9[%dma_wait3A_560, %dma_wait3A_563] : memref<2x1024xi32, #tpu.memory_space<vmem>> -> memref<1x128xi32, #tpu.memory_space<vmem>>
    %dma_wait3A_565 = tpu.memref_squeeze %dma_wait3A_564 : memref<1x128xi32, #tpu.memory_space<vmem>> -> memref<128xi32, #tpu.memory_space<vmem>>
    %dma_wait3A_566 = arith.constant 0 : i32
    %dma_wait3A_567 = tpu.memref_slice %arg13[%dma_wait3A_566] : memref<100096xf32, #tpu.memory_space<vmem_shared>> -> memref<100096xf32, #tpu.memory_space<vmem_shared>>
    tpu.wait_indirect_dma semaphore(%arg30 : memref<!tpu.dma_semaphore, #tpu.memory_space<semaphore_mem>>) src(%dma_wait3A_562 : memref<128xf32, #tpu.memory_space<vmem>>) dst(%dma_wait3A_567 : memref<100096xf32, #tpu.memory_space<vmem_shared>>)
    %dma_wait3A_568 = arith.constant 0 : i32
    %dma_wait3A_569 = arith.constant 384 : i32
    %dma_wait3A_570 = arith.constant 0 : i32
    %dma_wait3A_571 = tpu.memref_slice %arg10[%dma_wait3A_569, %dma_wait3A_570] : memref<1024x16xf32, #tpu.memory_space<vmem>> -> memref<128x16xf32, #tpu.memory_space<vmem>>
    %dma_wait3A_572 = arith.constant 384 : i32
    %dma_wait3A_573 = tpu.memref_slice %arg9[%dma_wait3A_568, %dma_wait3A_572] : memref<2x1024xi32, #tpu.memory_space<vmem>> -> memref<1x128xi32, #tpu.memory_space<vmem>>
    %dma_wait3A_574 = tpu.memref_squeeze %dma_wait3A_573 : memref<1x128xi32, #tpu.memory_space<vmem>> -> memref<128xi32, #tpu.memory_space<vmem>>
    %dma_wait3A_575 = arith.constant 0 : i32
    %dma_wait3A_576 = arith.constant 0 : i32
    %dma_wait3A_577 = tpu.memref_slice %arg12[%dma_wait3A_575, %dma_wait3A_576] : memref<100096x16xf32, #tpu.memory_space<vmem_shared>> -> memref<100096x16xf32, #tpu.memory_space<vmem_shared>>
    tpu.wait_indirect_dma semaphore(%arg25 : memref<!tpu.dma_semaphore, #tpu.memory_space<semaphore_mem>>) src(%dma_wait3A_571 : memref<128x16xf32, #tpu.memory_space<vmem>>) dst(%dma_wait3A_577 : memref<100096x16xf32, #tpu.memory_space<vmem_shared>>)
    %dma_wait3A_578 = arith.constant 0 : i32
    %dma_wait3A_579 = arith.constant 0 : i32
    %dma_wait3A_580 = tpu.memref_slice %arg11[%dma_wait3A_579] : memref<1024xf32, #tpu.memory_space<vmem>> -> memref<128xf32, #tpu.memory_space<vmem>>
    %dma_wait3A_581 = arith.constant 384 : i32
    %dma_wait3A_582 = tpu.memref_slice %arg9[%dma_wait3A_578, %dma_wait3A_581] : memref<2x1024xi32, #tpu.memory_space<vmem>> -> memref<1x128xi32, #tpu.memory_space<vmem>>
    %dma_wait3A_583 = tpu.memref_squeeze %dma_wait3A_582 : memref<1x128xi32, #tpu.memory_space<vmem>> -> memref<128xi32, #tpu.memory_space<vmem>>
    %dma_wait3A_584 = arith.constant 0 : i32
    %dma_wait3A_585 = tpu.memref_slice %arg13[%dma_wait3A_584] : memref<100096xf32, #tpu.memory_space<vmem_shared>> -> memref<100096xf32, #tpu.memory_space<vmem_shared>>
    tpu.wait_indirect_dma semaphore(%arg30 : memref<!tpu.dma_semaphore, #tpu.memory_space<semaphore_mem>>) src(%dma_wait3A_580 : memref<128xf32, #tpu.memory_space<vmem>>) dst(%dma_wait3A_585 : memref<100096xf32, #tpu.memory_space<vmem_shared>>)
    %dma_wait3A_586 = arith.constant 0 : i32
    %dma_wait3A_587 = arith.constant 512 : i32
    %dma_wait3A_588 = arith.constant 0 : i32
    %dma_wait3A_589 = tpu.memref_slice %arg10[%dma_wait3A_587, %dma_wait3A_588] : memref<1024x16xf32, #tpu.memory_space<vmem>> -> memref<128x16xf32, #tpu.memory_space<vmem>>
    %dma_wait3A_590 = arith.constant 512 : i32
    %dma_wait3A_591 = tpu.memref_slice %arg9[%dma_wait3A_586, %dma_wait3A_590] : memref<2x1024xi32, #tpu.memory_space<vmem>> -> memref<1x128xi32, #tpu.memory_space<vmem>>
    %dma_wait3A_592 = tpu.memref_squeeze %dma_wait3A_591 : memref<1x128xi32, #tpu.memory_space<vmem>> -> memref<128xi32, #tpu.memory_space<vmem>>
    %dma_wait3A_593 = arith.constant 0 : i32
    %dma_wait3A_594 = arith.constant 0 : i32
    %dma_wait3A_595 = tpu.memref_slice %arg12[%dma_wait3A_593, %dma_wait3A_594] : memref<100096x16xf32, #tpu.memory_space<vmem_shared>> -> memref<100096x16xf32, #tpu.memory_space<vmem_shared>>
    tpu.wait_indirect_dma semaphore(%arg26 : memref<!tpu.dma_semaphore, #tpu.memory_space<semaphore_mem>>) src(%dma_wait3A_589 : memref<128x16xf32, #tpu.memory_space<vmem>>) dst(%dma_wait3A_595 : memref<100096x16xf32, #tpu.memory_space<vmem_shared>>)
    %dma_wait3A_596 = arith.constant 0 : i32
    %dma_wait3A_597 = arith.constant 0 : i32
    %dma_wait3A_598 = tpu.memref_slice %arg11[%dma_wait3A_597] : memref<1024xf32, #tpu.memory_space<vmem>> -> memref<128xf32, #tpu.memory_space<vmem>>
    %dma_wait3A_599 = arith.constant 512 : i32
    %dma_wait3A_600 = tpu.memref_slice %arg9[%dma_wait3A_596, %dma_wait3A_599] : memref<2x1024xi32, #tpu.memory_space<vmem>> -> memref<1x128xi32, #tpu.memory_space<vmem>>
    %dma_wait3A_601 = tpu.memref_squeeze %dma_wait3A_600 : memref<1x128xi32, #tpu.memory_space<vmem>> -> memref<128xi32, #tpu.memory_space<vmem>>
    %dma_wait3A_602 = arith.constant 0 : i32
    %dma_wait3A_603 = tpu.memref_slice %arg13[%dma_wait3A_602] : memref<100096xf32, #tpu.memory_space<vmem_shared>> -> memref<100096xf32, #tpu.memory_space<vmem_shared>>
    tpu.wait_indirect_dma semaphore(%arg30 : memref<!tpu.dma_semaphore, #tpu.memory_space<semaphore_mem>>) src(%dma_wait3A_598 : memref<128xf32, #tpu.memory_space<vmem>>) dst(%dma_wait3A_603 : memref<100096xf32, #tpu.memory_space<vmem_shared>>)
    %dma_wait3A_604 = arith.constant 0 : i32
    %dma_wait3A_605 = arith.constant 640 : i32
    %dma_wait3A_606 = arith.constant 0 : i32
    %dma_wait3A_607 = tpu.memref_slice %arg10[%dma_wait3A_605, %dma_wait3A_606] : memref<1024x16xf32, #tpu.memory_space<vmem>> -> memref<128x16xf32, #tpu.memory_space<vmem>>
    %dma_wait3A_608 = arith.constant 640 : i32
    %dma_wait3A_609 = tpu.memref_slice %arg9[%dma_wait3A_604, %dma_wait3A_608] : memref<2x1024xi32, #tpu.memory_space<vmem>> -> memref<1x128xi32, #tpu.memory_space<vmem>>
    %dma_wait3A_610 = tpu.memref_squeeze %dma_wait3A_609 : memref<1x128xi32, #tpu.memory_space<vmem>> -> memref<128xi32, #tpu.memory_space<vmem>>
    %dma_wait3A_611 = arith.constant 0 : i32
    %dma_wait3A_612 = arith.constant 0 : i32
    %dma_wait3A_613 = tpu.memref_slice %arg12[%dma_wait3A_611, %dma_wait3A_612] : memref<100096x16xf32, #tpu.memory_space<vmem_shared>> -> memref<100096x16xf32, #tpu.memory_space<vmem_shared>>
    tpu.wait_indirect_dma semaphore(%arg27 : memref<!tpu.dma_semaphore, #tpu.memory_space<semaphore_mem>>) src(%dma_wait3A_607 : memref<128x16xf32, #tpu.memory_space<vmem>>) dst(%dma_wait3A_613 : memref<100096x16xf32, #tpu.memory_space<vmem_shared>>)
    %dma_wait3A_614 = arith.constant 0 : i32
    %dma_wait3A_615 = arith.constant 0 : i32
    %dma_wait3A_616 = tpu.memref_slice %arg11[%dma_wait3A_615] : memref<1024xf32, #tpu.memory_space<vmem>> -> memref<128xf32, #tpu.memory_space<vmem>>
    %dma_wait3A_617 = arith.constant 640 : i32
    %dma_wait3A_618 = tpu.memref_slice %arg9[%dma_wait3A_614, %dma_wait3A_617] : memref<2x1024xi32, #tpu.memory_space<vmem>> -> memref<1x128xi32, #tpu.memory_space<vmem>>
    %dma_wait3A_619 = tpu.memref_squeeze %dma_wait3A_618 : memref<1x128xi32, #tpu.memory_space<vmem>> -> memref<128xi32, #tpu.memory_space<vmem>>
    %dma_wait3A_620 = arith.constant 0 : i32
    %dma_wait3A_621 = tpu.memref_slice %arg13[%dma_wait3A_620] : memref<100096xf32, #tpu.memory_space<vmem_shared>> -> memref<100096xf32, #tpu.memory_space<vmem_shared>>
    tpu.wait_indirect_dma semaphore(%arg30 : memref<!tpu.dma_semaphore, #tpu.memory_space<semaphore_mem>>) src(%dma_wait3A_616 : memref<128xf32, #tpu.memory_space<vmem>>) dst(%dma_wait3A_621 : memref<100096xf32, #tpu.memory_space<vmem_shared>>)
    %dma_wait3A_622 = arith.constant 0 : i32
    %dma_wait3A_623 = arith.constant 768 : i32
    %dma_wait3A_624 = arith.constant 0 : i32
    %dma_wait3A_625 = tpu.memref_slice %arg10[%dma_wait3A_623, %dma_wait3A_624] : memref<1024x16xf32, #tpu.memory_space<vmem>> -> memref<128x16xf32, #tpu.memory_space<vmem>>
    %dma_wait3A_626 = arith.constant 768 : i32
    %dma_wait3A_627 = tpu.memref_slice %arg9[%dma_wait3A_622, %dma_wait3A_626] : memref<2x1024xi32, #tpu.memory_space<vmem>> -> memref<1x128xi32, #tpu.memory_space<vmem>>
    %dma_wait3A_628 = tpu.memref_squeeze %dma_wait3A_627 : memref<1x128xi32, #tpu.memory_space<vmem>> -> memref<128xi32, #tpu.memory_space<vmem>>
    %dma_wait3A_629 = arith.constant 0 : i32
    %dma_wait3A_630 = arith.constant 0 : i32
    %dma_wait3A_631 = tpu.memref_slice %arg12[%dma_wait3A_629, %dma_wait3A_630] : memref<100096x16xf32, #tpu.memory_space<vmem_shared>> -> memref<100096x16xf32, #tpu.memory_space<vmem_shared>>
    tpu.wait_indirect_dma semaphore(%arg28 : memref<!tpu.dma_semaphore, #tpu.memory_space<semaphore_mem>>) src(%dma_wait3A_625 : memref<128x16xf32, #tpu.memory_space<vmem>>) dst(%dma_wait3A_631 : memref<100096x16xf32, #tpu.memory_space<vmem_shared>>)
    %dma_wait3A_632 = arith.constant 0 : i32
    %dma_wait3A_633 = arith.constant 0 : i32
    %dma_wait3A_634 = tpu.memref_slice %arg11[%dma_wait3A_633] : memref<1024xf32, #tpu.memory_space<vmem>> -> memref<128xf32, #tpu.memory_space<vmem>>
    %dma_wait3A_635 = arith.constant 768 : i32
    %dma_wait3A_636 = tpu.memref_slice %arg9[%dma_wait3A_632, %dma_wait3A_635] : memref<2x1024xi32, #tpu.memory_space<vmem>> -> memref<1x128xi32, #tpu.memory_space<vmem>>
    %dma_wait3A_637 = tpu.memref_squeeze %dma_wait3A_636 : memref<1x128xi32, #tpu.memory_space<vmem>> -> memref<128xi32, #tpu.memory_space<vmem>>
    %dma_wait3A_638 = arith.constant 0 : i32
    %dma_wait3A_639 = tpu.memref_slice %arg13[%dma_wait3A_638] : memref<100096xf32, #tpu.memory_space<vmem_shared>> -> memref<100096xf32, #tpu.memory_space<vmem_shared>>
    tpu.wait_indirect_dma semaphore(%arg30 : memref<!tpu.dma_semaphore, #tpu.memory_space<semaphore_mem>>) src(%dma_wait3A_634 : memref<128xf32, #tpu.memory_space<vmem>>) dst(%dma_wait3A_639 : memref<100096xf32, #tpu.memory_space<vmem_shared>>)
    %dma_wait3A_640 = arith.constant 0 : i32
    %dma_wait3A_641 = arith.constant 896 : i32
    %dma_wait3A_642 = arith.constant 0 : i32
    %dma_wait3A_643 = tpu.memref_slice %arg10[%dma_wait3A_641, %dma_wait3A_642] : memref<1024x16xf32, #tpu.memory_space<vmem>> -> memref<128x16xf32, #tpu.memory_space<vmem>>
    %dma_wait3A_644 = arith.constant 896 : i32
    %dma_wait3A_645 = tpu.memref_slice %arg9[%dma_wait3A_640, %dma_wait3A_644] : memref<2x1024xi32, #tpu.memory_space<vmem>> -> memref<1x128xi32, #tpu.memory_space<vmem>>
    %dma_wait3A_646 = tpu.memref_squeeze %dma_wait3A_645 : memref<1x128xi32, #tpu.memory_space<vmem>> -> memref<128xi32, #tpu.memory_space<vmem>>
    %dma_wait3A_647 = arith.constant 0 : i32
    %dma_wait3A_648 = arith.constant 0 : i32
    %dma_wait3A_649 = tpu.memref_slice %arg12[%dma_wait3A_647, %dma_wait3A_648] : memref<100096x16xf32, #tpu.memory_space<vmem_shared>> -> memref<100096x16xf32, #tpu.memory_space<vmem_shared>>
    tpu.wait_indirect_dma semaphore(%arg29 : memref<!tpu.dma_semaphore, #tpu.memory_space<semaphore_mem>>) src(%dma_wait3A_643 : memref<128x16xf32, #tpu.memory_space<vmem>>) dst(%dma_wait3A_649 : memref<100096x16xf32, #tpu.memory_space<vmem_shared>>)
    %dma_wait3A_650 = arith.constant 0 : i32
    %dma_wait3A_651 = arith.constant 0 : i32
    %dma_wait3A_652 = tpu.memref_slice %arg11[%dma_wait3A_651] : memref<1024xf32, #tpu.memory_space<vmem>> -> memref<128xf32, #tpu.memory_space<vmem>>
    %dma_wait3A_653 = arith.constant 896 : i32
    %dma_wait3A_654 = tpu.memref_slice %arg9[%dma_wait3A_650, %dma_wait3A_653] : memref<2x1024xi32, #tpu.memory_space<vmem>> -> memref<1x128xi32, #tpu.memory_space<vmem>>
    %dma_wait3A_655 = tpu.memref_squeeze %dma_wait3A_654 : memref<1x128xi32, #tpu.memory_space<vmem>> -> memref<128xi32, #tpu.memory_space<vmem>>
    %dma_wait3A_656 = arith.constant 0 : i32
    %dma_wait3A_657 = tpu.memref_slice %arg13[%dma_wait3A_656] : memref<100096xf32, #tpu.memory_space<vmem_shared>> -> memref<100096xf32, #tpu.memory_space<vmem_shared>>
    tpu.wait_indirect_dma semaphore(%arg30 : memref<!tpu.dma_semaphore, #tpu.memory_space<semaphore_mem>>) src(%dma_wait3A_652 : memref<128xf32, #tpu.memory_space<vmem>>) dst(%dma_wait3A_657 : memref<100096xf32, #tpu.memory_space<vmem_shared>>)
    %barrier3A_658 = arith.constant 0 : index
    tpu.barrier barrier_id(%barrier3A_658)
    %mul3A_659 = arith.constant 100096 : i32
    %mul3A_660 = arith.muli %arg0, %mul3A_659 : i32
    %add3A_661 = arith.addi %mul3A_660, %mul3A_8 : i32
    "tpu.region"() ({
      %run_scoped3A = tpu.sem_alloc : memref<!tpu.dma_semaphore, #tpu.memory_space<semaphore_mem>>
      %dma_start3A_662 = arith.constant 0 : i32
      %dma_start3A_663 = tpu.memref_slice %arg6[%add3A_661, %dma_start3A_662] : memref<200192x16xf32, #tpu.memory_space<hbm>> -> memref<6256x16xf32, #tpu.memory_space<hbm>>
      %dma_start3A_664 = arith.constant 0 : i32
      %dma_start3A_665 = tpu.memref_slice %arg12[%mul3A_8, %dma_start3A_664] : memref<100096x16xf32, #tpu.memory_space<vmem_shared>> -> memref<6256x16xf32, #tpu.memory_space<vmem_shared>>
      tpu.enqueue_dma source(%dma_start3A_665 : memref<6256x16xf32, #tpu.memory_space<vmem_shared>>) target(%dma_start3A_663 : memref<6256x16xf32, #tpu.memory_space<hbm>>) target_semaphore(%run_scoped3A : memref<!tpu.dma_semaphore, #tpu.memory_space<semaphore_mem>>)
      %dma_wait3A_666 = arith.constant 0 : i32
      %dma_wait3A_667 = tpu.memref_slice %arg6[%add3A_661, %dma_wait3A_666] : memref<200192x16xf32, #tpu.memory_space<hbm>> -> memref<6256x16xf32, #tpu.memory_space<hbm>>
      %dma_wait3A_668 = arith.constant 0 : i32
      %dma_wait3A_669 = tpu.memref_slice %arg12[%mul3A_8, %dma_wait3A_668] : memref<100096x16xf32, #tpu.memory_space<vmem_shared>> -> memref<6256x16xf32, #tpu.memory_space<vmem_shared>>
      tpu.wait_dma2 semaphore(%run_scoped3A : memref<!tpu.dma_semaphore, #tpu.memory_space<semaphore_mem>>) src(%dma_wait3A_669 : memref<6256x16xf32, #tpu.memory_space<vmem_shared>>) dst(%dma_wait3A_667 : memref<6256x16xf32, #tpu.memory_space<hbm>>)
      tpu.yield
    }) : () -> ()
    "tpu.region"() ({
      %run_scoped3A = tpu.sem_alloc : memref<!tpu.dma_semaphore, #tpu.memory_space<semaphore_mem>>
      %dma_start3A_662 = tpu.memref_slice %arg7[%add3A_661] : memref<200192xf32, #tpu.memory_space<hbm>> -> memref<6256xf32, #tpu.memory_space<hbm>>
      %dma_start3A_663 = tpu.memref_slice %arg13[%mul3A_8] : memref<100096xf32, #tpu.memory_space<vmem_shared>> -> memref<6256xf32, #tpu.memory_space<vmem_shared>>
      tpu.enqueue_dma source(%dma_start3A_663 : memref<6256xf32, #tpu.memory_space<vmem_shared>>) target(%dma_start3A_662 : memref<6256xf32, #tpu.memory_space<hbm>>) target_semaphore(%run_scoped3A : memref<!tpu.dma_semaphore, #tpu.memory_space<semaphore_mem>>)
      %dma_wait3A_664 = tpu.memref_slice %arg7[%add3A_661] : memref<200192xf32, #tpu.memory_space<hbm>> -> memref<6256xf32, #tpu.memory_space<hbm>>
      %dma_wait3A_665 = tpu.memref_slice %arg13[%mul3A_8] : memref<100096xf32, #tpu.memory_space<vmem_shared>> -> memref<6256xf32, #tpu.memory_space<vmem_shared>>
      tpu.wait_dma2 semaphore(%run_scoped3A : memref<!tpu.dma_semaphore, #tpu.memory_space<semaphore_mem>>) src(%dma_wait3A_665 : memref<6256xf32, #tpu.memory_space<vmem_shared>>) dst(%dma_wait3A_664 : memref<6256xf32, #tpu.memory_space<hbm>>)
      tpu.yield
    }) : () -> ()
    return
  }
}

module attributes {stable_mosaic.version = 14 : i64} {
  func.func @_lin1_body(%arg0: i32, %arg1: memref<3128x128xf32, #tpu.memory_space<vmem>>, %arg2: memref<128x128xf32, #tpu.memory_space<vmem>>, %arg3: memref<1x128xf32, #tpu.memory_space<vmem>>, %arg4: memref<3128x128xf32, #tpu.memory_space<vmem>>) attributes {dimension_semantics = [#tpu.dimension_semantics<arbitrary>], iteration_bounds = array<i64: 4>, scalar_prefetch = 0 : i64, scratch_operands = 0 : i64, tpu.core_type = #tpu.core_type<tc>, window_params = [{transform_indices = @transform_0, window_bounds = array<i64: 3128, 128>}, {pipeline_mode = #tpu.pipeline_mode<synchronous>, transform_indices = @transform_1, window_bounds = array<i64: 128, 128>}, {pipeline_mode = #tpu.pipeline_mode<synchronous>, transform_indices = @transform_2, window_bounds = array<i64: 1, 128>}, {transform_indices = @transform_3, window_bounds = array<i64: 3128, 128>}]} {
    %get3A = arith.constant 0 : index
    %get3A_0 = arith.constant 0 : index
    %get3A_1 = vector.load %arg1[%get3A, %get3A_0] : memref<3128x128xf32, #tpu.memory_space<vmem>>, vector<3128x128xf32>
    %get3A_2 = arith.constant 0 : index
    %get3A_3 = arith.constant 0 : index
    %get3A_4 = vector.load %arg2[%get3A_2, %get3A_3] : memref<128x128xf32, #tpu.memory_space<vmem>>, vector<128x128xf32>
    %dot_general3A = arith.constant dense<0.000000e+00> : vector<3128x128xf32>
    %dot_general3A_5 = tpu.matmul %get3A_1, %get3A_4, %dot_general3A {dimension_numbers = #tpu.dot_dimension_numbers<[1], [0], [0], [1], [0, 0, 1, 1], [], []>, transpose_lhs_hint = false} : vector<3128x128xf32>, vector<128x128xf32>, vector<3128x128xf32> -> vector<3128x128xf32>
    %get3A_6 = arith.constant 0 : index
    %get3A_7 = arith.constant 0 : index
    %get3A_8 = vector.load %arg3[%get3A_6, %get3A_7] : memref<1x128xf32, #tpu.memory_space<vmem>>, vector<1x128xf32>
    %add3A = vector.broadcast %get3A_8 : vector<1x128xf32> to vector<3128x128xf32>
    %add3A_9 = arith.addf %dot_general3A_5, %add3A : vector<3128x128xf32>
    %max3A = arith.constant 0.000000e+00 : f32
    %max3A_10 = vector.broadcast %max3A : f32 to vector<3128x128xf32>
    %max3A_11 = arith.maximumf %add3A_9, %max3A_10 : vector<3128x128xf32>
    %swap3A = arith.constant 0 : index
    %swap3A_12 = arith.constant 0 : index
    %swap3A_13 = vector.load %arg4[%swap3A, %swap3A_12] : memref<3128x128xf32, #tpu.memory_space<vmem>>, vector<3128x128xf32>
    tpu.vector_store %arg4[%swap3A, %swap3A_12], %max3A_11 {strides = array<i32>} : memref<3128x128xf32, #tpu.memory_space<vmem>>, vector<3128x128xf32>,
    return
  }
  func.func @transform_0(%arg0: i32) -> (i32, i32) {
    %c0_i32 = arith.constant 0 : i32
    %c0_i32_0 = arith.constant 0 : i32
    return %arg0, %c0_i32 : i32, i32
  }
  func.func @transform_1(%arg0: i32) -> (i32, i32) {
    %c0_i32 = arith.constant 0 : i32
    %c0_i32_0 = arith.constant 0 : i32
    %c0_i32_1 = arith.constant 0 : i32
    return %c0_i32, %c0_i32_0 : i32, i32
  }
  func.func @transform_2(%arg0: i32) -> (i32, i32) {
    %c0_i32 = arith.constant 0 : i32
    %c0_i32_0 = arith.constant 0 : i32
    %c0_i32_1 = arith.constant 0 : i32
    return %c0_i32, %c0_i32_0 : i32, i32
  }
  func.func @transform_3(%arg0: i32) -> (i32, i32) {
    %c0_i32 = arith.constant 0 : i32
    %c0_i32_0 = arith.constant 0 : i32
    return %arg0, %c0_i32 : i32, i32
  }
}

module attributes {stable_mosaic.version = 14 : i64} {
  func.func @_final_body(%arg0: i32, %arg1: memref<3128x128xf32, #tpu.memory_space<vmem>>, %arg2: memref<3128x128xf32, #tpu.memory_space<vmem>>, %arg3: memref<3128x128xf32, #tpu.memory_space<vmem>>, %arg4: memref<3128x128xf32, #tpu.memory_space<vmem>>, %arg5: memref<3128x128xf32, #tpu.memory_space<vmem>>, %arg6: memref<128x128xf32, #tpu.memory_space<vmem>>, %arg7: memref<1x128xf32, #tpu.memory_space<vmem>>, %arg8: memref<128x128xf32, #tpu.memory_space<vmem>>, %arg9: memref<128x256xf32, #tpu.memory_space<vmem>>, %arg10: memref<1x256xf32, #tpu.memory_space<vmem>>, %arg11: memref<3128x256xf32, #tpu.memory_space<vmem>>) attributes {dimension_semantics = [#tpu.dimension_semantics<arbitrary>], iteration_bounds = array<i64: 4>, scalar_prefetch = 0 : i64, scratch_operands = 0 : i64, tpu.core_type = #tpu.core_type<tc>, window_params = [{transform_indices = @transform_0, window_bounds = array<i64: 3128, 128>}, {transform_indices = @transform_1, window_bounds = array<i64: 3128, 128>}, {transform_indices = @transform_2, window_bounds = array<i64: 3128, 128>}, {transform_indices = @transform_3, window_bounds = array<i64: 3128, 128>}, {transform_indices = @transform_4, window_bounds = array<i64: 3128, 128>}, {pipeline_mode = #tpu.pipeline_mode<synchronous>, transform_indices = @transform_5, window_bounds = array<i64: 128, 128>}, {pipeline_mode = #tpu.pipeline_mode<synchronous>, transform_indices = @transform_6, window_bounds = array<i64: 1, 128>}, {pipeline_mode = #tpu.pipeline_mode<synchronous>, transform_indices = @transform_7, window_bounds = array<i64: 128, 128>}, {pipeline_mode = #tpu.pipeline_mode<synchronous>, transform_indices = @transform_8, window_bounds = array<i64: 128, 256>}, {pipeline_mode = #tpu.pipeline_mode<synchronous>, transform_indices = @transform_9, window_bounds = array<i64: 1, 256>}, {transform_indices = @transform_10, window_bounds = array<i64: 3128, 256>}]} {
    %get3A = arith.constant 0 : index
    %get3A_0 = arith.constant 0 : index
    %get3A_1 = vector.load %arg3[%get3A, %get3A_0] : memref<3128x128xf32, #tpu.memory_space<vmem>>, vector<3128x128xf32>
    %get3A_2 = arith.constant 0 : index
    %get3A_3 = arith.constant 0 : index
    %get3A_4 = vector.load %arg4[%get3A_2, %get3A_3] : memref<3128x128xf32, #tpu.memory_space<vmem>>, vector<3128x128xf32>
    %add3A = arith.addf %get3A_1, %get3A_4 : vector<3128x128xf32>
    %max3A = arith.constant 1.000000e+00 : f32
    %max3A_5 = vector.broadcast %max3A : f32 to vector<3128x128xf32>
    %max3A_6 = arith.maximumf %add3A, %max3A_5 : vector<3128x128xf32>
    %get3A_7 = arith.constant 0 : index
    %get3A_8 = arith.constant 0 : index
    %get3A_9 = vector.load %arg1[%get3A_7, %get3A_8] : memref<3128x128xf32, #tpu.memory_space<vmem>>, vector<3128x128xf32>
    %get3A_10 = arith.constant 0 : index
    %get3A_11 = arith.constant 0 : index
    %get3A_12 = vector.load %arg2[%get3A_10, %get3A_11] : memref<3128x128xf32, #tpu.memory_space<vmem>>, vector<3128x128xf32>
    %add3A_13 = arith.addf %get3A_9, %get3A_12 : vector<3128x128xf32>
    %div3A = arith.divf %add3A_13, %max3A_6 : vector<3128x128xf32>
    %get3A_14 = arith.constant 0 : index
    %get3A_15 = arith.constant 0 : index
    %get3A_16 = vector.load %arg6[%get3A_14, %get3A_15] : memref<128x128xf32, #tpu.memory_space<vmem>>, vector<128x128xf32>
    %dot_general3A = arith.constant dense<0.000000e+00> : vector<3128x128xf32>
    %dot_general3A_17 = tpu.matmul %div3A, %get3A_16, %dot_general3A {dimension_numbers = #tpu.dot_dimension_numbers<[1], [0], [0], [1], [0, 0, 1, 1], [], []>, transpose_lhs_hint = false} : vector<3128x128xf32>, vector<128x128xf32>, vector<3128x128xf32> -> vector<3128x128xf32>
    %get3A_18 = arith.constant 0 : index
    %get3A_19 = arith.constant 0 : index
    %get3A_20 = vector.load %arg7[%get3A_18, %get3A_19] : memref<1x128xf32, #tpu.memory_space<vmem>>, vector<1x128xf32>
    %add3A_21 = vector.broadcast %get3A_20 : vector<1x128xf32> to vector<3128x128xf32>
    %add3A_22 = arith.addf %dot_general3A_17, %add3A_21 : vector<3128x128xf32>
    %get3A_23 = arith.constant 0 : index
    %get3A_24 = arith.constant 0 : index
    %get3A_25 = vector.load %arg5[%get3A_23, %get3A_24] : memref<3128x128xf32, #tpu.memory_space<vmem>>, vector<3128x128xf32>
    %get3A_26 = arith.constant 0 : index
    %get3A_27 = arith.constant 0 : index
    %get3A_28 = vector.load %arg8[%get3A_26, %get3A_27] : memref<128x128xf32, #tpu.memory_space<vmem>>, vector<128x128xf32>
    %dot_general3A_29 = arith.constant dense<0.000000e+00> : vector<3128x128xf32>
    %dot_general3A_30 = tpu.matmul %get3A_25, %get3A_28, %dot_general3A_29 {dimension_numbers = #tpu.dot_dimension_numbers<[1], [0], [0], [1], [0, 0, 1, 1], [], []>, transpose_lhs_hint = false} : vector<3128x128xf32>, vector<128x128xf32>, vector<3128x128xf32> -> vector<3128x128xf32>
    %add3A_31 = arith.addf %add3A_22, %dot_general3A_30 : vector<3128x128xf32>
    %max3A_32 = arith.constant 0.000000e+00 : f32
    %max3A_33 = vector.broadcast %max3A_32 : f32 to vector<3128x128xf32>
    %max3A_34 = arith.maximumf %add3A_31, %max3A_33 : vector<3128x128xf32>
    %get3A_35 = arith.constant 0 : index
    %get3A_36 = arith.constant 0 : index
    %get3A_37 = vector.load %arg9[%get3A_35, %get3A_36] : memref<128x256xf32, #tpu.memory_space<vmem>>, vector<128x256xf32>
    %dot_general3A_38 = arith.constant dense<0.000000e+00> : vector<3128x256xf32>
    %dot_general3A_39 = tpu.matmul %max3A_34, %get3A_37, %dot_general3A_38 {dimension_numbers = #tpu.dot_dimension_numbers<[1], [0], [0], [1], [0, 0, 1, 1], [], []>, transpose_lhs_hint = false} : vector<3128x128xf32>, vector<128x256xf32>, vector<3128x256xf32> -> vector<3128x256xf32>
    %get3A_40 = arith.constant 0 : index
    %get3A_41 = arith.constant 0 : index
    %get3A_42 = vector.load %arg10[%get3A_40, %get3A_41] : memref<1x256xf32, #tpu.memory_space<vmem>>, vector<1x256xf32>
    %add3A_43 = vector.broadcast %get3A_42 : vector<1x256xf32> to vector<3128x256xf32>
    %add3A_44 = arith.addf %dot_general3A_39, %add3A_43 : vector<3128x256xf32>
    %swap3A = arith.constant 0 : index
    %swap3A_45 = arith.constant 0 : index
    %swap3A_46 = vector.load %arg11[%swap3A, %swap3A_45] : memref<3128x256xf32, #tpu.memory_space<vmem>>, vector<3128x256xf32>
    tpu.vector_store %arg11[%swap3A, %swap3A_45], %add3A_44 {strides = array<i32>} : memref<3128x256xf32, #tpu.memory_space<vmem>>, vector<3128x256xf32>,
    return
  }
  func.func @transform_0(%arg0: i32) -> (i32, i32) {
    %c0_i32 = arith.constant 0 : i32
    %c0_i32_0 = arith.constant 0 : i32
    return %arg0, %c0_i32 : i32, i32
  }
  func.func @transform_1(%arg0: i32) -> (i32, i32) {
    %add3A = arith.constant 4 : i32
    %add3A_0 = arith.addi %arg0, %add3A : i32
    %c0_i32 = arith.constant 0 : i32
    %c0_i32_1 = arith.constant 0 : i32
    return %add3A_0, %c0_i32 : i32, i32
  }
  func.func @transform_2(%arg0: i32) -> (i32, i32) {
    %c0_i32 = arith.constant 0 : i32
    %c0_i32_0 = arith.constant 0 : i32
    return %arg0, %c0_i32 : i32, i32
  }
  func.func @transform_3(%arg0: i32) -> (i32, i32) {
    %add3A = arith.constant 4 : i32
    %add3A_0 = arith.addi %arg0, %add3A : i32
    %c0_i32 = arith.constant 0 : i32
    %c0_i32_1 = arith.constant 0 : i32
    return %add3A_0, %c0_i32 : i32, i32
  }
  func.func @transform_4(%arg0: i32) -> (i32, i32) {
    %c0_i32 = arith.constant 0 : i32
    %c0_i32_0 = arith.constant 0 : i32
    return %arg0, %c0_i32 : i32, i32
  }
  func.func @transform_5(%arg0: i32) -> (i32, i32) {
    %c0_i32 = arith.constant 0 : i32
    %c0_i32_0 = arith.constant 0 : i32
    %c0_i32_1 = arith.constant 0 : i32
    return %c0_i32, %c0_i32_0 : i32, i32
  }
  func.func @transform_6(%arg0: i32) -> (i32, i32) {
    %c0_i32 = arith.constant 0 : i32
    %c0_i32_0 = arith.constant 0 : i32
    %c0_i32_1 = arith.constant 0 : i32
    return %c0_i32, %c0_i32_0 : i32, i32
  }
  func.func @transform_7(%arg0: i32) -> (i32, i32) {
    %c0_i32 = arith.constant 0 : i32
    %c0_i32_0 = arith.constant 0 : i32
    %c0_i32_1 = arith.constant 0 : i32
    return %c0_i32, %c0_i32_0 : i32, i32
  }
  func.func @transform_8(%arg0: i32) -> (i32, i32) {
    %c0_i32 = arith.constant 0 : i32
    %c0_i32_0 = arith.constant 0 : i32
    %c0_i32_1 = arith.constant 0 : i32
    return %c0_i32, %c0_i32_0 : i32, i32
  }
  func.func @transform_9(%arg0: i32) -> (i32, i32) {
    %c0_i32 = arith.constant 0 : i32
    %c0_i32_0 = arith.constant 0 : i32
    %c0_i32_1 = arith.constant 0 : i32
    return %c0_i32, %c0_i32_0 : i32, i32
  }
  func.func @transform_10(%arg0: i32) -> (i32, i32) {
    %c0_i32 = arith.constant 0 : i32
    %c0_i32_0 = arith.constant 0 : i32
    return %arg0, %c0_i32 : i32, i32
  }
}

</mosaic_0001>

<sc_bundles>
// kernel: kernel.5.cloned.1.call-start
scs
__scs_entry_jumppad:
0x0: {  	(pc) =	sbr.rel $0x88, $3  }
0x1: {  	(tag) =	ssettag $0x0;
	lr =	simm.s32 $0x1  }
0x2: {  	[smem:$0x3F98] =	sst lr;
	_ =	strace $0xD0000000  }
0x3: {  	_ = 	snop  }
0x4: {  	_ = 	snop  }
0x5: {  	_ = 	snop  }
0x6: {  	_ = 	snop  }
0x7: {  	_ = 	snop  }
__scs_overlays_trampoline_lowered:
0x8: {  	[smem:$0x3FA7] =	sst s0  }
0x9: {  	[smem:$0x3FA8] =	sst s1  }
0xa: {  	[smem:$0x3FA9] =	sst s2  }
0xb: {  	[smem:$0x3FAA] =	sst s3  }
0xc: {  	[smem:$0x3FAB] =	sst s4  }
0xd: {  	[smem:$0x3FAC] =	sst s5  }
0xe: {  	[smem:$0x3FAD] =	sst s6  }
0xf: {  	[smem:$0x3FAE] =	sst s7  }
0x10: {  	[smem:$0x3FAF] =	sst s8  }
0x11: {  	[smem:$0x3FB0] =	sst s9;
	s0 =	simm.s32 @!p0 $0x0  }
0x12: {  	s1 =	sld [smem:$0x3F96];
	s0 =	simm.s32 @p0 $0x1  }
0x13: {  	[smem:$0x3FB1] =	sst s0;
	s0 =	simm.s32 @!p1 $0x0  }
0x14: {  	s2 =	sld [smem:$0x3F95];
	s0 =	simm.s32 @p1 $0x1  }
0x15: {  	[smem:$0x3FB2] =	sst s0;
	s0 =	simm.s32 @!p2 $0x0  }
0x16: {  	s3 =	sld [smem:$0x3FDB];
	s0 =	simm.s32 @p2 $0x1  }
0x17: {  	s4 =	simm.s32 $0x1BF5;
	[smem:$0x3FB4] =	sst s0  }
0x18: {  	s0 =	sld [smem:$0x3F97];
	_ =	swait.ge [sflag:s4], $0x0  }
0x19: {  	s7 =	sld [smem:$0x3F98]  }
0x1a: {  	s8 =	sadd.s32 $0xFFFFE003, lr  }
0x1b: {  	s9 =	sadd.s32 $0xFFFFFEF7, lr;
	s5 =	simm.s32 $0xFFFFFFFF;
	p2 =	slt.u32 s8, $0xFFFFF086  }
0x1c: {  	p1 =	slt.u32 s9, $0xF7A;
	s5 =	simm.s32 @!p2 $0x0  }
0x1d: {  	s5 =	simm.s32 @p1 $0x1;
	p0 =	seq.s32 s7, s2  }
0x1e: {  	s7 =	smul.u32 @!p0 $0xF7A, s2;
	p2 =	seq.s32 @!p0 s5, $0x0  }
0x1f: {  	s9 =	smul.u32 $0xF7A, s1;
	s8 =	simm.s32 @!p0 $0x1BF5;
	p2 =	por !p2, p0  }
0x20: {  	[sflag:s8] =	ssyncset.s32 @!p0 $0xFFFFF086;
	s6 =	sadd.s32 @!p0 s3, s7;
	s7 =	simm.s32 @!p0 $0x108  }
0x21: {  	s3 =	sadd.s32 s3, s9;
	s6 =	sadd.s32 @!p0 $0x88, s6;
	s7 =	simm.s32 @p2 $0x1082  }
0x22: {  	[simem:s7], [sflag:s8] =	dma.local @!p0 [hbm:s6], $0xF7A  }
0x23: {  	s9 =	sor.u32 $0xD0000000, s2;
	s6 =	simm.s32 $0x108;
	_ =	swait.ge @!p0 [sflag:s8], $0x0  }
0x24: {  	s3 =	sadd.s32 $0x88, s3;
	s6 =	simm.s32 @!p1 $0x1082;
	[sflag:s4] =	ssyncset.s32 $0xFFFFF086  }
0x25: {  	[simem:s6], [sflag:s4] =	dma.local [hbm:s3], $0xF7A  }
0x26: {  	[smem:$0x3F98] =	sst s1;
	(tag) =	ssettag s2;
	_ =	strace s9  }
0x27: {  	s1 =	sld [smem:$0x3FA8]  }
0x28: {  	s2 =	sld [smem:$0x3FA9]  }
0x29: {  	s4 =	sld [smem:$0x3FAB]  }
0x2a: {  	p0 =	seq.s32 s5, $0x0;
	s5 =	sld [smem:$0x3FAC]  }
0x2b: {  	s6 =	sld [smem:$0x3FAD]  }
0x2c: {  	s7 =	sld [smem:$0x3FAE]  }
0x2d: {  	s3 =	simm.s32 $0x108;
	s8 =	sld [smem:$0x3FAF]  }
0x2e: {  	s3 =	simm.s32 @!p0 $0x1082;
	s9 =	sld [smem:$0x3FB0]  }
0x2f: {  	lr =	sadd.s32 s0, s3;
	s0 =	sld [smem:$0x3FA7]  }
0x30: {  	s3 =	sld [smem:$0x3FAA]  }
0x31: {  	[smem:$0x3FB3] =	sst s10  }
0x32: {  	s10 =	sld [smem:$0x3FB1];
	_ =	sdelay $0x3  }
0x33: {  	p0 =	seq.s32 s10, $0x1;
	s10 =	sld [smem:$0x3FB3];
	_ =	sdelay $0x3  }
0x34: {  	[smem:$0x3FB3] =	sst s10  }
0x35: {  	s10 =	sld [smem:$0x3FB2];
	_ =	sdelay $0x3  }
0x36: {  	p1 =	seq.s32 s10, $0x1;
	s10 =	sld [smem:$0x3FB3];
	_ =	sdelay $0x3  }
0x37: {  	[smem:$0x3FB3] =	sst s10  }
0x38: {  	s10 =	sld [smem:$0x3FB4]  }
0x39: {  	_ = 	snop;
	(pc) =	sbr.ind lr, $3  }
0x3a: {  	_ = 	snop  }
0x3b: {  	_ = 	snop  }
0x3c: {  	p2 =	seq.s32 s10, $0x1;
	s10 =	sld [smem:$0x3FB3]  }
0x3d: {  	_ =	shalt  }
0x3e: {  	_ =	shalt  }
0x3f: {  	_ =	shalt  }
0x40: {  	_ =	shalt  }
0x41: {  	_ =	shalt  }
0x42: {  	_ =	shalt  }
0x43: {  	_ =	shalt  }
0x44: {  	_ =	shalt  }
0x45: {  	_ =	shalt  }
0x46: {  	_ =	shalt  }
0x47: {  	_ =	shalt  }
0x48: {  	_ =	shalt  }
0x49: {  	_ =	shalt  }
0x4a: {  	_ =	shalt  }
0x4b: {  	_ =	shalt  }
0x4c: {  	_ =	shalt  }
0x4d: {  	_ =	shalt  }
0x4e: {  	_ =	shalt  }
0x4f: {  	_ =	shalt  }
0x50: {  	_ =	shalt  }
0x51: {  	_ =	shalt  }
0x52: {  	_ =	shalt  }
0x53: {  	_ =	shalt  }
0x54: {  	_ =	shalt  }
0x55: {  	_ =	shalt  }
0x56: {  	_ =	shalt  }
0x57: {  	_ =	shalt  }
0x58: {  	_ =	shalt  }
0x59: {  	_ =	shalt  }
0x5a: {  	_ =	shalt  }
0x5b: {  	_ =	shalt  }
0x5c: {  	_ =	shalt  }
0x5d: {  	_ =	shalt  }
0x5e: {  	_ =	shalt  }
0x5f: {  	_ =	shalt  }
0x60: {  	_ =	shalt  }
0x61: {  	_ =	shalt  }
0x62: {  	_ =	shalt  }
0x63: {  	_ =	shalt  }
0x64: {  	_ =	shalt  }
0x65: {  	_ =	shalt  }
0x66: {  	_ =	shalt  }
0x67: {  	_ =	shalt  }
0x68: {  	_ =	shalt  }
0x69: {  	_ =	shalt  }
0x6a: {  	_ =	shalt  }
0x6b: {  	_ =	shalt  }
0x6c: {  	_ =	shalt  }
0x6d: {  	_ =	shalt  }
0x6e: {  	_ =	shalt  }
0x6f: {  	_ =	shalt  }
0x70: {  	_ =	shalt  }
0x71: {  	_ =	shalt  }
0x72: {  	_ =	shalt  }
0x73: {  	_ =	shalt  }
0x74: {  	_ =	shalt  }
0x75: {  	_ =	shalt  }
0x76: {  	_ =	shalt  }
0x77: {  	_ =	shalt  }
0x78: {  	_ =	shalt  }
0x79: {  	_ =	shalt  }
0x7a: {  	_ =	shalt  }
0x7b: {  	_ =	shalt  }
0x7c: {  	_ =	shalt  }
0x7d: {  	_ =	shalt  }
0x7e: {  	_ =	shalt  }
0x7f: {  	_ =	shalt  }
0x80: {  	_ =	shalt  }
0x81: {  	_ =	shalt  }
0x82: {  	_ =	shalt  }
0x83: {  	_ =	shalt  }
0x84: {  	_ =	shalt  }
0x85: {  	_ =	shalt  }
0x86: {  	_ =	shalt  }
0x87: {  	_ =	shalt  }
.Lfunc_end0:
.L_simem_size_0:
called_computation_lowered:
.L_overlay_start_0:
0x88: {  	s2 =	sld [smem:$0x3FD9]  }
0x89: {  	s3 =	sld [smem:$0x3FFE];
	_ =	sdelay $0x1  }
0x8a: {  	s1 =	srdreg.scid  }
0x8b: {  	s0 =	sand.u32 $0x1, s1  }
0x8c: {  	s17 =	sshll.u32 s0, $0xA;
	s2 =	sadd.s32 s3, s2  }
0x8d: {  	s2 =	sadd.s32 s2, s17  }
0x8e: {  	[smem:$0x3FBF] =	sst s2  }
0x8f: {  	_ = 	snop  }
0x90: {  	s2 =	sld [smem:$0x3FD0];
	(tm) =	ssettm $0x1  }
0x91: {  	s18 =	sld [smem:$0x3FFB];
	_ =	sdelay $0x3  }
0x92: {  	_ =	strace s18  }
0x93: {  	s3 =	sld [smem:$0x3FFC];
	_ =	sdelay $0x3  }
0x94: {  	_ =	strace s3  }
0x95: {  	s3 =	sld [smem:$0x3FFD];
	_ =	sdelay $0x3  }
0x96: {  	_ =	strace s3  }
0x97: {  	_ =	strace $0x8FFFFFFF  }
0x98: {  	s19 =	sld [smem:$0x3FDB];
	_ =	sdelay $0x1  }
0x99: {  	s4 =	simm.s32 $_scs_section_size  }
0x9a: {  	s5 =	simm.s32 $_size__tile_overlayer_lowered;
	s6 =	simm.s32 $_tile_overlayer_lowered  }
0x9b: {  	s22 =	simm.s32 $0x1BFF;
	s21 =	sshll.u32 s6, $0x1;
	s3 =	sadd.s32 s4, s19  }
0x9c: {  	s7 =	simm.s32 $0x0;
	s20 =	sshll.u32 s5, $0x1;
	s5 =	sadd.s32 s21, s3  }
0x9d: {  	[timem:s7], [sflag:s22] =	dma.local [hbm:s5], s20  }
0x9e: {  	_ =	swait.ge [sflag:s22], s20  }
0x9f: {  	s4 =	ssub.s32 $0x0, s20;
	[sflag:s22] =	ssyncset.done $0x0  }
0xa0: {  	[sflag:s22] =	ssyncadd.s32 s4;
	_ =	sdelay $0x1  }
0xa1: {  	s23 =	simm.s32 $0x1B8B  }
0xa2: {  	_ =	swait.ge [sflag:s23], $0x1  }
0xa3: {  	[sflag:s23] =	ssyncset.done $0x0  }
0xa4: {  	s25 =	simm.s32 $0x1B8E;
	s24 =	sld [smem:$0x3FFE];
	[sflag:s23] =	ssyncadd.s32 $0xFFFFFFFF  }
0xa5: {  	s26 =	simm.s32 $execute0_lowered;
	[smem:$0x3FD2] =	sst s25  }
0xa6: {  	s5 =	sshll.u32 s26, $0x1;
	_ =	strace $0x80000046;
	[dreg:$0x1] =	wrdreg $0xFFFFFFFF  }
0xa7: {  	s28 =	simm.s32 $_size_execute0_lowered;
	s3 =	sadd.s32 s3, s5;
	[dreg:$0x0] =	wrdreg $0x0  }
0xa8: {  	s5 =	sshll.u32 s28, $0x1;
	[dreg:$0x2] =	wrdreg s3  }
0xa9: {  	[dreg:$0x3] =	wrdreg s5  }
0xaa: {  	[dreg:$0x4] =	wrdreg $0xC0  }
0xab: {  	_ =	task [dreg:s7], $0x5FFFF  }
0xac: {  	[dreg:$0x1] =	wrdreg $0xFFFFFFFF  }
0xad: {  	[dreg:$0x0] =	wrdreg $0x60  }
0xae: {  	[dreg:$0x2] =	wrdreg s24  }
0xaf: {  	[dreg:$0x3] =	wrdreg s2  }
0xb0: {  	[dreg:$0x4] =	wrdreg $0x54000  }
0xb1: {  	[dreg:$0x5] =	wrdreg $0x1DB000  }
0xb2: {  	[dreg:$0x6] =	wrdreg $0x9  }
0xb3: {  	_ =	task.clear_ibuf [dreg:s7], $0x7FFFF;
	_ =	strace $0x90000046  }
0xb4: {  	s29 =	simm.s32 $0x9;
	_ =	strace $0x80000048  }
0xb5: {  	_ =	swait.ge [sflag:s29], $0x1  }
0xb6: {  	[sflag:s29] =	ssyncadd.s32 $0xFFFFFFFF  }
0xb7: {  	_ =	strace $0x90000048  }
0xb8: {  	_ =	sfence  }
0xb9: {  	s30 =	sld [smem:$0x0];
	_ =	sdelay $0x2  }
0xba: {  	s31 =	sshll.u32 s1, $0xD;
	s1 =	sshrl.u32 s1, $0x2  }
0xbb: {  	s3 =	sand.u32 $0x4000, s31;
	s1 =	sadd.s32 s1, s30  }
0xbc: {  	s0 =	sor.u32 s3, s0;
	s1 =	sshll.u32 s1, $0x11  }
0xbd: {  	s0 =	sor.u32 s1, s0  }
0xbe: {  	s0 =	sadd.s32 $0x8F2B, s0  }
0xbf: {  	[sflag:s0] =	ssyncadd.remote.s32 $0x1  }
0xc0: {  	_ =	sfence.sel $0xFFFF  }
0xc1: {  	[dreg:$0x0] =	wrdreg $0xFFFFFFFF;
	(pc) =	sbr.abs _section_cstart, $3  }
0xc2: {  	[dreg:$0x1] =	wrdreg $0xFFFFFFFF  }
0xc3: {  	_ =	task.clear_ibuf [dreg:s7], $0x2FFFF;
	_ =	strace $0x9FFFFFFF  }
0xc4: {  	(tm) =	ssettm $0x7FFFFFFF  }
0xc5: {  	_ =	shalt  }
tec
execute0_lowered:
.L_overlay_start_1:
0x0: {  	(tag) =	ssettag $0x1  }
0x1: {  	s0 =	rddreg [dreg:$0x0]  }
0x2: {  	s1 =	rddreg [dreg:$0x1]  }
0x3: {  	s2 =	rddreg [dreg:$0x2]  }
0x4: {  	s3 =	rddreg [dreg:$0x3]  }
0x5: {  	s5 =	srdreg.scid;
	s15 =	stileid.u32;
	s4 =	simm.s32 $0x0  }
0x6: {  	s31 =	simm.s32 $0x1000;
	s30 =	simm.s32 $0x4000;
	s28 =	simm.s32 $0x4  }
0x7: {  	s6 =	sand.u32 $0x1, s5;
	s7 =	smul.u32 $0x1870, s15;
	[smem:$0x7FF] =	sst s4  }
0x8: {  	s9 =	sadd.s32 $0x3800, s0;
	s5 =	sadd.s32 $0xC6E00, s0;
	s10 =	sadd.s32 $0xF7C00, s0  }
0x9: {  	s14 =	sadd.s32 $0xFAE00, s0;
	s13 =	smul.u32 $0x61C00, s15;
	s29 =	sshll.u32 s15, $0x7  }
0xa: {  	s8 =	smul.u32 $0x18700, s6;
	_ =	strace $0x80000047;
	[dreg:$0x5] =	wrdreg s10  }
0xb: {  	[dreg:$0x6] =	wrdreg s14;
	s11 =	ssub.s32 $0x2, s6;
	s12 =	sshll.u32 s6, $0x4  }
0xc: {  	s14 =	sshll.u32 s15, $0x6;
	s25 =	sshll.u32 s6, $0xB;
	s6 =	simm.s32 $0x4800  }
0xd: {  	s17 =	sshrl.u32 s11, $0x1;
	s12 =	sor.u32 s15, s12;
	s18 =	sshrl.u32 s13, $0x2  }
0xe: {  	s14 =	sor.u32 $0x1C13, s14;
	s15 =	simm.s32 $0xB;
	s8 =	sadd.s32 s7, s8  }
0xf: {  	s10 =	ssub.s32 s11, s17;
	s19 =	sshll.u32 s12, $0x7;
	s11 =	sadd.s32 s18, s2  }
0x10: {  	[dreg:$0x8] =	wrdreg s14;
	s7 =	sadd.s32 s7, s3;
	p0 =	sgt.u32 s12, $0x14  }
0x11: {  	s12 =	simm.s32 $0xA;
	s17 =	simm.s32 $0xD;
	s18 =	simm.s32 $0xE  }
0x12: {  	s14 =	simm.s32 $0x0;
	s16 =	sshll.u32 s8, $0x1;
	s13 =	sadd.s32 s9, s19  }
0x13: {  	[dreg:$0x9] =	wrdreg s7;
	s23 =	sshrl.u32 s8, $0x3;
	s26 =	smax.u32 s10, $0x1  }
0x14: {  	s2 =	sshrl.u32 s11, $0x3;
	s10 =	simm.s32 $0x12;
	[dreg:$0x7] =	wrdreg s13  }
0x15: {  	s7 =	simm.s32 $0x2000;
	s11 =	simm.s32 $0x2800;
	[dreg:$0xf] =	wrdreg s26  }
0x16: {  	s19 =	simm.s32 $0xF;
	s20 =	sadd.s32 $0x61A80, s13;
	[dreg:$0x11] =	wrdreg s2  }
0x17: {  	s0 =	sadd.s32 s16, s0;
	s21 =	sadd.s32 $0x61000, s13;
	[dreg:$0xa] =	wrdreg s20  }
0x18: {  	s22 =	sadd.s32 $0xC2A80, s13;
	s24 =	sadd.s32 s1, s23;
	[dreg:$0xb] =	wrdreg s21  }
.Ltmp0:
0x19: {  	s1 =	simm.s32 $0x1800;
	[dreg:$0xc] =	wrdreg s22;
	(pc) =	sbr.rel .LBB2_1-.Ltmp0, $4  }
0x1a: {  	s16 =	simm.s32 $0xC;
	s0 =	sadd.s32 $0xFB200, s0;
	[dreg:$0xe] =	wrdreg s24  }
0x1b: {  	s23 =	simm.s32 $0x11;
	[dreg:$0xd] =	wrdreg s0;
	s0 =	sadd.s32 s25, s9  }
0x1c: {  	s22 =	simm.s32 $0x80;
	s20 =	simm.s32 $0x10;
	s0 =	sadd.s32 s29, s0  }
0x1d: {  	v0 =	vimm.f32 $1.000000000e+00;
	s9 =	simm.s32 $0x3000;
	s25 =	simm.s32 $0x3800;
	[dreg:$0x10] =	wrdreg s0  }
.LBB2_10:
0x1e: {  	_ =	swait.ge [sflag:s13], $0x800  }
0x1f: {  	[sflag:s13] =	ssyncset.done $0x0  }
0x20: {  	[sflag:s13] =	ssyncadd.s32 $0xFFFFF800  }
0x21: {  	_ =	swait.ge [sflag:s23], $0x80  }
0x22: {  	[sflag:s23] =	ssyncset.done $0x0  }
0x23: {  	[sflag:s23] =	ssyncadd.s32 $0xFFFFFF80  }
0x24: {  	_ =	swait.ge [sflag:s12], $0x800  }
0x25: {  	[sflag:s12] =	ssyncset.done $0x0  }
0x26: {  	[sflag:s12] =	ssyncadd.s32 $0xFFFFF800  }
0x27: {  	_ =	swait.ge [sflag:s23], $0x80  }
0x28: {  	[sflag:s23] =	ssyncset.done $0x0  }
0x29: {  	[sflag:s23] =	ssyncadd.s32 $0xFFFFFF80  }
0x2a: {  	_ =	swait.ge [sflag:s15], $0x800  }
0x2b: {  	[sflag:s15] =	ssyncset.done $0x0  }
0x2c: {  	[sflag:s15] =	ssyncadd.s32 $0xFFFFF800  }
0x2d: {  	_ =	swait.ge [sflag:s23], $0x80  }
0x2e: {  	[sflag:s23] =	ssyncset.done $0x0  }
0x2f: {  	[sflag:s23] =	ssyncadd.s32 $0xFFFFFF80  }
0x30: {  	_ =	swait.ge [sflag:s16], $0x800  }
0x31: {  	[sflag:s16] =	ssyncset.done $0x0  }
0x32: {  	[sflag:s16] =	ssyncadd.s32 $0xFFFFF800  }
0x33: {  	_ =	swait.ge [sflag:s23], $0x80  }
0x34: {  	[sflag:s23] =	ssyncset.done $0x0  }
0x35: {  	[sflag:s23] =	ssyncadd.s32 $0xFFFFFF80  }
0x36: {  	_ =	swait.ge [sflag:s17], $0x800  }
0x37: {  	[sflag:s17] =	ssyncset.done $0x0  }
0x38: {  	[sflag:s17] =	ssyncadd.s32 $0xFFFFF800  }
0x39: {  	_ =	swait.ge [sflag:s23], $0x80  }
0x3a: {  	[sflag:s23] =	ssyncset.done $0x0  }
0x3b: {  	[sflag:s23] =	ssyncadd.s32 $0xFFFFFF80  }
0x3c: {  	_ =	swait.ge [sflag:s18], $0x800  }
0x3d: {  	[sflag:s18] =	ssyncset.done $0x0  }
0x3e: {  	[sflag:s18] =	ssyncadd.s32 $0xFFFFF800  }
0x3f: {  	_ =	swait.ge [sflag:s23], $0x80  }
0x40: {  	[sflag:s23] =	ssyncset.done $0x0  }
0x41: {  	[sflag:s23] =	ssyncadd.s32 $0xFFFFFF80  }
0x42: {  	_ =	swait.ge [sflag:s19], $0x800  }
0x43: {  	[sflag:s19] =	ssyncset.done $0x0  }
0x44: {  	[sflag:s19] =	ssyncadd.s32 $0xFFFFF800  }
0x45: {  	_ =	swait.ge [sflag:s23], $0x80  }
0x46: {  	[sflag:s23] =	ssyncset.done $0x0  }
0x47: {  	[sflag:s23] =	ssyncadd.s32 $0xFFFFFF80  }
0x48: {  	_ =	swait.ge [sflag:s20], $0x800  }
0x49: {  	[sflag:s20] =	ssyncset.done $0x0  }
0x4a: {  	[sflag:s20] =	ssyncadd.s32 $0xFFFFF800  }
0x4b: {  	_ =	swait.ge [sflag:s23], $0x80  }
0x4c: {  	[sflag:s23] =	ssyncset.done $0x0  }
0x4d: {  	[sflag:s23] =	ssyncadd.s32 $0xFFFFFF80  }
0x4e: {  	[bflag:$0x0] =	sbarrier.arrive $0xFFFF  }
0x4f: {  	s24 =	rddreg [dreg:$0x8]  }
0x50: {  	s26 =	rddreg [dreg:$0xd]  }
0x51: {  	s29 =	simm.s32 $0x13;
	s2 =	rddreg [dreg:$0x11]  }
0x52: {  	[hbm:s26], [sflag:s24] =	dma.local [spmem:s2], $0x30E0  }
0x53: {  	_ =	swait.ge [sflag:s29], $0x30E0  }
0x54: {  	[sflag:s29] =	ssyncset.done $0x0;
	s21 =	rddreg [dreg:$0xe]  }
0x55: {  	s0 =	rddreg [dreg:$0x13];
	[sflag:s29] =	ssyncadd.s32 $0xFFFFCF20  }
0x56: {  	[hbm:s21], [sflag:s24] =	dma.local [spmem:s0], $0x30E  }
0x57: {  	_ =	swait.ge [sflag:s29], $0x30E  }
0x58: {  	s14 =	sadd.s32 $0x1, s14;
	s26 =	rddreg [dreg:$0xf]  }
0x59: {  	p1 =	sne.s32 s14, s26  }
.Ltmp1:
0x5a: {  	_ = 	snop;
	(pc) =	sbr.rel @!p1 .LBB2_11-.Ltmp1, $3  }
0x5b: {  	_ =	sdelay $0x1  }
0x5c: {  	[sflag:s29] =	ssyncset.done $0x0  }
0x5d: {  	[sflag:s29] =	ssyncadd.s32 $0xFFFFFCF2  }
.LBB2_1:
0x5e: {  	s24 =	simm.s32 $0x40;
	s26 =	simm.s32 $0x0  }
.LBB2_2:
0x5f: {  	p1 =	sne.s32 s24, $0xFC0;
	[tilespmem:s26+$0x5000] =	vst v0;
	s26 =	smov.u32 s24;
	s24 =	sadd.s32 $0x40, s24  }
.Ltmp2:
0x60: {  	(pc) =	sbr.rel @p1 .LBB2_2-.Ltmp2, $2  }
0x61: {  	_ =	sdelay $0x2  }
0x62: {  	s26 =	sshra.s32 s26, $0x2  }
0x63: {  	[dreg:$0x12] =	wrdreg s14  }
0x64: {  	s24 =	rddreg [dreg:$0x5]  }
0x65: {  	[tilespmem:s26+$0x5000] =	vst v0;
	s3 =	rddreg [dreg:$0x8];
	s29 =	simm.s32 $0x13  }
0x66: {  	[spmem:s2], [sflag:s3] =	dma.local [hbm:s24], $0x30E0  }
0x67: {  	_ =	swait.ge [sflag:s29], $0x30E0  }
0x68: {  	s4 =	rddreg [dreg:$0x9]  }
0x69: {  	[sflag:s29] =	ssyncset.done $0x0;
	s8 =	rddreg [dreg:$0x6];
	s0 =	sshrl.u32 s4, $0x3  }
0x6a: {  	[sflag:s29] =	ssyncadd.s32 $0xFFFFCF20;
	[dreg:$0x13] =	wrdreg s0  }
0x6b: {  	[spmem:s0], [sflag:s3] =	dma.local [hbm:s8], $0x30E  }
0x6c: {  	_ =	swait.ge [sflag:s29], $0x30E  }
0x6d: {  	[sflag:s29] =	ssyncset.done $0x0  }
0x6e: {  	[sflag:s29] =	ssyncadd.s32 $0xFFFFFCF2  }
.Ltmp3:
0x6f: {  	[bflag:$0x0] =	sbarrier.arrive $0xFFFF;
	(pc) =	sbr.rel .LBB2_4-.Ltmp3, $4  }
0x70: {  	s24 =	simm.s32 $0x0;
	s13 =	rddreg [dreg:$0x7]  }
0x71: {  	[tilespmem:s24], [sflag:$0x12] =	stream.linear.gather [hbm4b:s13+s24], $0x400, $0x38;
	[tilespmem:$0x1F370] =	vst v63  }
0x72: {  	s21 =	simm.s32 $0x800;
	s4 =	simm.s32 $0x0;
	s14 =	rddreg [dreg:$0xa]  }
0x73: {  	[tilespmem:s21], [sflag:$0x12] =	stream.linear.gather [hbm4b:s14+s24], $0x400, $0x38;
	[tilespmem:$0x1F370] =	vst v63  }
.LBB2_6:
0x74: {  	s14 =	simm.s32 $0x9  }
0x75: {  	_ =	swait.ge [sflag:s14], $0x800  }
0x76: {  	[sflag:s14] =	ssyncset.done $0x0  }
0x77: {  	[sflag:s14] =	ssyncadd.s32 $0xFFFFF800  }
0x78: {  	[tilespmem:s31], [sflag:$0x1] =	stream.indirect.gather [hbm4b:s5+s22], $0x10, s4, s22, $0xb8;
	[tilespmem:$0x1F370] =	vst v63  }
0x79: {  	_ =	swait.ge [sflag:s12], $0x800  }
0x7a: {  	[sflag:s12] =	ssyncset.done $0x0  }
0x7b: {  	[sflag:s12] =	ssyncadd.s32 $0xFFFFF800  }
0x7c: {  	[tilespmem:s1], [sflag:$0x2] =	stream.indirect.gather [hbm4b:s5+s22], $0x10, s22, s22, $0xb8;
	[tilespmem:$0x1F370] =	vst v63  }
0x7d: {  	_ =	swait.ge [sflag:s15], $0x800  }
0x7e: {  	[sflag:s15] =	ssyncset.done $0x0  }
0x7f: {  	[sflag:s15] =	ssyncadd.s32 $0xFFFFF800;
	s15 =	simm.s32 $0x100  }
0x80: {  	[tilespmem:s7], [sflag:$0x3] =	stream.indirect.gather [hbm4b:s5+s22], $0x10, s15, s22, $0xb8;
	[tilespmem:$0x1F370] =	vst v63  }
0x81: {  	_ =	swait.ge [sflag:s16], $0x800  }
0x82: {  	[sflag:s16] =	ssyncset.done $0x0  }
0x83: {  	[sflag:s16] =	ssyncadd.s32 $0xFFFFF800;
	s16 =	simm.s32 $0x180  }
0x84: {  	[tilespmem:s11], [sflag:$0x4] =	stream.indirect.gather [hbm4b:s5+s22], $0x10, s16, s22, $0xb8;
	[tilespmem:$0x1F370] =	vst v63  }
0x85: {  	_ =	swait.ge [sflag:s17], $0x800  }
0x86: {  	[sflag:s17] =	ssyncset.done $0x0  }
0x87: {  	[sflag:s17] =	ssyncadd.s32 $0xFFFFF800;
	s17 =	simm.s32 $0x200  }
0x88: {  	[tilespmem:s9], [sflag:$0x5] =	stream.indirect.gather [hbm4b:s5+s22], $0x10, s17, s22, $0xb8;
	[tilespmem:$0x1F370] =	vst v63  }
0x89: {  	_ =	swait.ge [sflag:s18], $0x800  }
0x8a: {  	[sflag:s18] =	ssyncset.done $0x0  }
0x8b: {  	s21 =	simm.s32 $0x280;
	[sflag:s18] =	ssyncadd.s32 $0xFFFFF800  }
0x8c: {  	[tilespmem:s25], [sflag:$0x6] =	stream.indirect.gather [hbm4b:s5+s22], $0x10, s21, s22, $0xb8;
	[tilespmem:$0x1F370] =	vst v63  }
0x8d: {  	_ =	swait.ge [sflag:s19], $0x800  }
0x8e: {  	[sflag:s19] =	ssyncset.done $0x0  }
0x8f: {  	s26 =	simm.s32 $0x300;
	[sflag:s19] =	ssyncadd.s32 $0xFFFFF800  }
0x90: {  	[tilespmem:s30], [sflag:$0x7] =	stream.indirect.gather [hbm4b:s5+s22], $0x10, s26, s22, $0xb8;
	[tilespmem:$0x1F370] =	vst v63  }
0x91: {  	_ =	swait.ge [sflag:s20], $0x800  }
0x92: {  	[sflag:s20] =	ssyncset.done $0x0  }
0x93: {  	s29 =	simm.s32 $0x380;
	[sflag:s20] =	ssyncadd.s32 $0xFFFFF800  }
0x94: {  	[tilespmem:s6], [sflag:$0x8] =	stream.indirect.gather [hbm4b:s5+s22], $0x10, s29, s22, $0xb8;
	[tilespmem:$0x1F370] =	vst v63  }
0x95: {  	_ =	swait.ge [sflag:s23], $0x80  }
0x96: {  	[sflag:s23] =	ssyncset.done $0x0  }
0x97: {  	[sflag:s23] =	ssyncadd.s32 $0xFFFFFF80  }
0x98: {  	_ =	swait.ge [sflag:s23], $0x80  }
0x99: {  	[sflag:s23] =	ssyncset.done $0x0  }
0x9a: {  	[sflag:s23] =	ssyncadd.s32 $0xFFFFFF80  }
0x9b: {  	_ =	swait.ge [sflag:s23], $0x80  }
0x9c: {  	[sflag:s23] =	ssyncset.done $0x0  }
0x9d: {  	[sflag:s23] =	ssyncadd.s32 $0xFFFFFF80  }
0x9e: {  	_ =	swait.ge [sflag:s23], $0x80  }
0x9f: {  	[sflag:s23] =	ssyncset.done $0x0  }
0xa0: {  	[sflag:s23] =	ssyncadd.s32 $0xFFFFFF80  }
0xa1: {  	_ =	swait.ge [sflag:s23], $0x80  }
0xa2: {  	[sflag:s23] =	ssyncset.done $0x0  }
0xa3: {  	[sflag:s23] =	ssyncadd.s32 $0xFFFFFF80  }
0xa4: {  	_ =	swait.ge [sflag:s23], $0x80  }
0xa5: {  	s10 =	simm.s32 $0x3000;
	[sflag:s23] =	ssyncset.done $0x0  }
0xa6: {  	s2 =	simm.s32 $0xA;
	s13 =	simm.s32 $0xD;
	[sflag:s23] =	ssyncadd.s32 $0xFFFFFF80  }
0xa7: {  	s4 =	simm.s32 $0x2800;
	s31 =	simm.s32 $0xB;
	_ =	swait.ge [sflag:s23], $0x80  }
0xa8: {  	s12 =	simm.s32 $0x3800;
	s1 =	simm.s32 $0x1000;
	[sflag:s23] =	ssyncset.done $0x0  }
0xa9: {  	s7 =	simm.s32 $0x1800;
	s11 =	simm.s32 $0x2000;
	[sflag:s23] =	ssyncadd.s32 $0xFFFFFF80  }
0xaa: {  	s9 =	simm.s32 $0x0;
	s21 =	simm.s32 $0x4000;
	_ =	swait.ge [sflag:s23], $0x80  }
0xab: {  	s25 =	simm.s32 $0x10;
	s30 =	simm.s32 $0xF;
	[sflag:s23] =	ssyncset.done $0x0  }
0xac: {  	s20 =	simm.s32 $0xC;
	s6 =	simm.s32 $0xE;
	[sflag:s23] =	ssyncadd.s32 $0xFFFFFF80  }
.LBB2_7:
0xad: {  	s26 =	rddreg [dreg:$0x10]  }
0xae: {  	s26 =	sadd.s32 s24, s26  }
0xaf: {  	s0 =	simm.s32 $0x400;
	s29 =	sadd.s32 $0x1000, s26  }
0xb0: {  	[tilespmem:s0], [sflag:$0x12] =	stream.linear.gather [hbm4b:s29+s9], $0x400, $0x38;
	[tilespmem:$0x1F370] =	vst v63  }
0xb1: {  	s18 =	simm.s32 $0xC00;
	s16 =	simm.s32 $0x1;
	s17 =	sadd.s32 $0x62A80, s26  }
0xb2: {  	[tilespmem:s18], [sflag:$0x12] =	stream.linear.gather [hbm4b:s17+s9], $0x400, $0x38;
	[tilespmem:$0x1F370] =	vst v63  }
0xb3: {  	_ =	swait.ge [sflag:s16], $0x800  }
0xb4: {  	[sflag:s16] =	ssyncset.done $0x0  }
0xb5: {  	[sflag:s16] =	ssyncadd.s32 $0xFFFFF800  }
0xb6: {  	s19 =	simm.s32 $0x800;
	s3 =	rddreg [dreg:$0x2]  }
0xb7: {  	[spmem:s3] =	stream.indirect.scatter.add.f32 [tilespmem:s1], [sflag:$0x9], $0x10, s19, s22, $0xb8;
	[tilespmem:$0x1F370] =	vst v63  }
0xb8: {  	s17 =	simm.s32 $0x5000;
	s18 =	simm.s32 $0x2;
	s15 =	rddreg [dreg:$0x3]  }
0xb9: {  	[spmem:s15] =	stream.indirect.scatter.add.f32 [tilespmem:s17], [sflag:$0x11], $0x1, s19, s22, $0xb8;
	[tilespmem:$0x1F370] =	vst v63  }
0xba: {  	_ =	swait.ge [sflag:s18], $0x800  }
0xbb: {  	[sflag:s18] =	ssyncset.done $0x0  }
0xbc: {  	s8 =	simm.s32 $0x880;
	[sflag:s18] =	ssyncadd.s32 $0xFFFFF800  }
0xbd: {  	[spmem:s3] =	stream.indirect.scatter.add.f32 [tilespmem:s7], [sflag:$0xA], $0x10, s8, s22, $0xb8;
	[tilespmem:$0x1F370] =	vst v63  }
0xbe: {  	s19 =	simm.s32 $0x3  }
0xbf: {  	[spmem:s15] =	stream.indirect.scatter.add.f32 [tilespmem:s17], [sflag:$0x11], $0x1, s8, s22, $0xb8;
	[tilespmem:$0x1F370] =	vst v63  }
0xc0: {  	_ =	swait.ge [sflag:s19], $0x800  }
0xc1: {  	[sflag:s19] =	ssyncset.done $0x0  }
0xc2: {  	s29 =	simm.s32 $0x900;
	[sflag:s19] =	ssyncadd.s32 $0xFFFFF800  }
0xc3: {  	[spmem:s3] =	stream.indirect.scatter.add.f32 [tilespmem:s11], [sflag:$0xB], $0x10, s29, s22, $0xb8;
	[tilespmem:$0x1F370] =	vst v63  }
0xc4: {  	_ = 	snop  }
0xc5: {  	[spmem:s15] =	stream.indirect.scatter.add.f32 [tilespmem:s17], [sflag:$0x11], $0x1, s29, s22, $0xb8;
	[tilespmem:$0x1F370] =	vst v63  }
0xc6: {  	_ =	swait.ge [sflag:s28], $0x800  }
0xc7: {  	[sflag:s28] =	ssyncset.done $0x0  }
0xc8: {  	s0 =	simm.s32 $0x980;
	[sflag:s28] =	ssyncadd.s32 $0xFFFFF800  }
0xc9: {  	[spmem:s3] =	stream.indirect.scatter.add.f32 [tilespmem:s4], [sflag:$0xC], $0x10, s0, s22, $0xb8;
	[tilespmem:$0x1F370] =	vst v63  }
0xca: {  	_ = 	snop  }
0xcb: {  	[spmem:s15] =	stream.indirect.scatter.add.f32 [tilespmem:s17], [sflag:$0x11], $0x1, s0, s22, $0xb8;
	[tilespmem:$0x1F370] =	vst v63  }
0xcc: {  	s0 =	simm.s32 $0x5  }
0xcd: {  	_ =	swait.ge [sflag:s0], $0x800  }
0xce: {  	[sflag:s0] =	ssyncset.done $0x0  }
0xcf: {  	s29 =	simm.s32 $0xA00;
	[sflag:s0] =	ssyncadd.s32 $0xFFFFF800  }
0xd0: {  	[spmem:s3] =	stream.indirect.scatter.add.f32 [tilespmem:s10], [sflag:$0xD], $0x10, s29, s22, $0xb8;
	[tilespmem:$0x1F370] =	vst v63  }
0xd1: {  	s10 =	simm.s32 $0x6  }
0xd2: {  	[spmem:s15] =	stream.indirect.scatter.add.f32 [tilespmem:s17], [sflag:$0x11], $0x1, s29, s22, $0xb8;
	[tilespmem:$0x1F370] =	vst v63  }
0xd3: {  	_ =	swait.ge [sflag:s10], $0x800  }
0xd4: {  	[sflag:s10] =	ssyncset.done $0x0  }
0xd5: {  	s29 =	simm.s32 $0xA80;
	[sflag:s10] =	ssyncadd.s32 $0xFFFFF800  }
0xd6: {  	[spmem:s3] =	stream.indirect.scatter.add.f32 [tilespmem:s12], [sflag:$0xE], $0x10, s29, s22, $0xb8;
	[tilespmem:$0x1F370] =	vst v63  }
0xd7: {  	s12 =	simm.s32 $0x7  }
0xd8: {  	[spmem:s15] =	stream.indirect.scatter.add.f32 [tilespmem:s17], [sflag:$0x11], $0x1, s29, s22, $0xb8;
	[tilespmem:$0x1F370] =	vst v63  }
0xd9: {  	_ =	swait.ge [sflag:s12], $0x800  }
0xda: {  	[sflag:s12] =	ssyncset.done $0x0  }
0xdb: {  	s29 =	simm.s32 $0xB00;
	[sflag:s12] =	ssyncadd.s32 $0xFFFFF800  }
0xdc: {  	[spmem:s3] =	stream.indirect.scatter.add.f32 [tilespmem:s21], [sflag:$0xF], $0x10, s29, s22, $0xb8;
	[tilespmem:$0x1F370] =	vst v63  }
0xdd: {  	s21 =	simm.s32 $0x8  }
0xde: {  	[spmem:s15] =	stream.indirect.scatter.add.f32 [tilespmem:s17], [sflag:$0x11], $0x1, s29, s22, $0xb8;
	[tilespmem:$0x1F370] =	vst v63  }
0xdf: {  	_ =	swait.ge [sflag:s21], $0x800  }
0xe0: {  	[sflag:s21] =	ssyncset.done $0x0  }
0xe1: {  	s8 =	simm.s32 $0xB80;
	s29 =	simm.s32 $0x4800;
	[sflag:s21] =	ssyncadd.s32 $0xFFFFF800  }
0xe2: {  	[spmem:s3] =	stream.indirect.scatter.add.f32 [tilespmem:s29], [sflag:$0x10], $0x10, s8, s22, $0xb8;
	[tilespmem:$0x1F370] =	vst v63  }
0xe3: {  	_ = 	snop  }
0xe4: {  	[spmem:s15] =	stream.indirect.scatter.add.f32 [tilespmem:s17], [sflag:$0x11], $0x1, s8, s22, $0xb8;
	[tilespmem:$0x1F370] =	vst v63  }
0xe5: {  	s8 =	simm.s32 $0x12  }
0xe6: {  	_ =	swait.ge [sflag:s8], $0x400  }
0xe7: {  	[sflag:s8] =	ssyncset.done $0x0  }
0xe8: {  	[sflag:s8] =	ssyncadd.s32 $0xFFFFFC00  }
0xe9: {  	_ =	swait.ge [sflag:s8], $0x400  }
0xea: {  	[sflag:s8] =	ssyncset.done $0x0  }
0xeb: {  	[sflag:s8] =	ssyncadd.s32 $0xFFFFFC00  }
0xec: {  	_ =	swait.ge [sflag:s14], $0x800  }
0xed: {  	[sflag:s14] =	ssyncset.done $0x0  }
0xee: {  	[sflag:s14] =	ssyncadd.s32 $0xFFFFF800;
	s14 =	simm.s32 $0x400  }
0xef: {  	[tilespmem:s1], [sflag:$0x1] =	stream.indirect.gather [hbm4b:s5+s22], $0x10, s14, s22, $0xb8;
	[tilespmem:$0x1F370] =	vst v63  }
0xf0: {  	_ =	swait.ge [sflag:s2], $0x800  }
0xf1: {  	[sflag:s2] =	ssyncset.done $0x0  }
0xf2: {  	s14 =	simm.s32 $0x480;
	[sflag:s2] =	ssyncadd.s32 $0xFFFFF800  }
0xf3: {  	[tilespmem:s7], [sflag:$0x2] =	stream.indirect.gather [hbm4b:s5+s22], $0x10, s14, s22, $0xb8;
	[tilespmem:$0x1F370] =	vst v63  }
0xf4: {  	_ =	swait.ge [sflag:s31], $0x800  }
0xf5: {  	[sflag:s31] =	ssyncset.done $0x0  }
0xf6: {  	s14 =	simm.s32 $0x500;
	[sflag:s31] =	ssyncadd.s32 $0xFFFFF800  }
0xf7: {  	[tilespmem:s11], [sflag:$0x3] =	stream.indirect.gather [hbm4b:s5+s22], $0x10, s14, s22, $0xb8;
	[tilespmem:$0x1F370] =	vst v63  }
0xf8: {  	_ =	swait.ge [sflag:s20], $0x800  }
0xf9: {  	[sflag:s20] =	ssyncset.done $0x0  }
0xfa: {  	[sflag:s20] =	ssyncadd.s32 $0xFFFFF800;
	s20 =	simm.s32 $0x580  }
0xfb: {  	[tilespmem:s4], [sflag:$0x4] =	stream.indirect.gather [hbm4b:s5+s22], $0x10, s20, s22, $0xb8;
	[tilespmem:$0x1F370] =	vst v63  }
0xfc: {  	_ =	swait.ge [sflag:s13], $0x800  }
0xfd: {  	[sflag:s13] =	ssyncset.done $0x0  }
0xfe: {  	s14 =	simm.s32 $0x600;
	s20 =	simm.s32 $0x3000;
	[sflag:s13] =	ssyncadd.s32 $0xFFFFF800  }
0xff: {  	[tilespmem:s20], [sflag:$0x5] =	stream.indirect.gather [hbm4b:s5+s22], $0x10, s14, s22, $0xb8;
	[tilespmem:$0x1F370] =	vst v63  }
0x100: {  	_ =	swait.ge [sflag:s6], $0x800  }
0x101: {  	[sflag:s6] =	ssyncset.done $0x0  }
0x102: {  	s13 =	simm.s32 $0x680;
	s14 =	simm.s32 $0x3800;
	[sflag:s6] =	ssyncadd.s32 $0xFFFFF800  }
0x103: {  	[tilespmem:s14], [sflag:$0x6] =	stream.indirect.gather [hbm4b:s5+s22], $0x10, s13, s22, $0xb8;
	[tilespmem:$0x1F370] =	vst v63  }
0x104: {  	_ =	swait.ge [sflag:s30], $0x800  }
0x105: {  	[sflag:s30] =	ssyncset.done $0x0  }
0x106: {  	s6 =	simm.s32 $0x700;
	s13 =	simm.s32 $0x4000;
	[sflag:s30] =	ssyncadd.s32 $0xFFFFF800  }
0x107: {  	[tilespmem:s13], [sflag:$0x7] =	stream.indirect.gather [hbm4b:s5+s22], $0x10, s6, s22, $0xb8;
	[tilespmem:$0x1F370] =	vst v63  }
0x108: {  	_ =	swait.ge [sflag:s25], $0x800  }
0x109: {  	[sflag:s25] =	ssyncset.done $0x0  }
0x10a: {  	s29 =	simm.s32 $0x4800;
	[sflag:s25] =	ssyncadd.s32 $0xFFFFF800;
	s25 =	simm.s32 $0x780  }
0x10b: {  	[tilespmem:s29], [sflag:$0x8] =	stream.indirect.gather [hbm4b:s5+s22], $0x10, s25, s22, $0xb8;
	[tilespmem:$0x1F370] =	vst v63  }
0x10c: {  	_ =	swait.ge [sflag:s23], $0x80  }
0x10d: {  	[sflag:s23] =	ssyncset.done $0x0  }
0x10e: {  	[sflag:s23] =	ssyncadd.s32 $0xFFFFFF80  }
0x10f: {  	_ =	swait.ge [sflag:s23], $0x80  }
0x110: {  	[sflag:s23] =	ssyncset.done $0x0  }
0x111: {  	[sflag:s23] =	ssyncadd.s32 $0xFFFFFF80  }
0x112: {  	_ =	swait.ge [sflag:s23], $0x80  }
0x113: {  	[sflag:s23] =	ssyncset.done $0x0  }
0x114: {  	[sflag:s23] =	ssyncadd.s32 $0xFFFFFF80  }
0x115: {  	_ =	swait.ge [sflag:s23], $0x80  }
0x116: {  	[sflag:s23] =	ssyncset.done $0x0  }
0x117: {  	[sflag:s23] =	ssyncadd.s32 $0xFFFFFF80  }
0x118: {  	_ =	swait.ge [sflag:s23], $0x80  }
0x119: {  	[sflag:s23] =	ssyncset.done $0x0  }
0x11a: {  	[sflag:s23] =	ssyncadd.s32 $0xFFFFFF80  }
0x11b: {  	_ =	swait.ge [sflag:s23], $0x80  }
0x11c: {  	[sflag:s23] =	ssyncset.done $0x0  }
0x11d: {  	[sflag:s23] =	ssyncadd.s32 $0xFFFFFF80  }
0x11e: {  	_ =	swait.ge [sflag:s23], $0x80  }
0x11f: {  	[sflag:s23] =	ssyncset.done $0x0  }
0x120: {  	[sflag:s23] =	ssyncadd.s32 $0xFFFFFF80  }
0x121: {  	_ =	swait.ge [sflag:s23], $0x80  }
0x122: {  	[sflag:s23] =	ssyncset.done $0x0  }
0x123: {  	s2 =	sadd.s32 $0x2000, s26;
	[sflag:s23] =	ssyncadd.s32 $0xFFFFFF80  }
0x124: {  	[tilespmem:s9], [sflag:$0x12] =	stream.linear.gather [hbm4b:s2+s9], $0x400, $0x38;
	[tilespmem:$0x1F370] =	vst v63  }
0x125: {  	s26 =	sadd.s32 $0x63A80, s26;
	s25 =	simm.s32 $0x800  }
0x126: {  	[tilespmem:s25], [sflag:$0x12] =	stream.linear.gather [hbm4b:s26+s9], $0x400, $0x38;
	[tilespmem:$0x1F370] =	vst v63  }
0x127: {  	_ =	swait.ge [sflag:s16], $0x800  }
0x128: {  	[sflag:s16] =	ssyncset.done $0x0  }
0x129: {  	s29 =	simm.s32 $0xC00;
	[sflag:s16] =	ssyncadd.s32 $0xFFFFF800  }
0x12a: {  	[spmem:s3] =	stream.indirect.scatter.add.f32 [tilespmem:s1], [sflag:$0x9], $0x10, s29, s22, $0xb8;
	[tilespmem:$0x1F370] =	vst v63  }
0x12b: {  	_ = 	snop  }
0x12c: {  	[spmem:s15] =	stream.indirect.scatter.add.f32 [tilespmem:s17], [sflag:$0x11], $0x1, s29, s22, $0xb8;
	[tilespmem:$0x1F370] =	vst v63  }
0x12d: {  	_ =	swait.ge [sflag:s18], $0x800  }
0x12e: {  	[sflag:s18] =	ssyncset.done $0x0  }
0x12f: {  	s9 =	simm.s32 $0xC80;
	[sflag:s18] =	ssyncadd.s32 $0xFFFFF800  }
0x130: {  	[spmem:s3] =	stream.indirect.scatter.add.f32 [tilespmem:s7], [sflag:$0xA], $0x10, s9, s22, $0xb8;
	[tilespmem:$0x1F370] =	vst v63  }
0x131: {  	_ = 	snop  }
0x132: {  	[spmem:s15] =	stream.indirect.scatter.add.f32 [tilespmem:s17], [sflag:$0x11], $0x1, s9, s22, $0xb8;
	[tilespmem:$0x1F370] =	vst v63  }
0x133: {  	_ =	swait.ge [sflag:s19], $0x800  }
0x134: {  	[sflag:s19] =	ssyncset.done $0x0  }
0x135: {  	s16 =	simm.s32 $0xD00;
	[sflag:s19] =	ssyncadd.s32 $0xFFFFF800  }
0x136: {  	[spmem:s3] =	stream.indirect.scatter.add.f32 [tilespmem:s11], [sflag:$0xB], $0x10, s16, s22, $0xb8;
	[tilespmem:$0x1F370] =	vst v63  }
0x137: {  	_ = 	snop  }
0x138: {  	[spmem:s15] =	stream.indirect.scatter.add.f32 [tilespmem:s17], [sflag:$0x11], $0x1, s16, s22, $0xb8;
	[tilespmem:$0x1F370] =	vst v63  }
0x139: {  	_ =	swait.ge [sflag:s28], $0x800  }
0x13a: {  	[sflag:s28] =	ssyncset.done $0x0  }
0x13b: {  	s18 =	simm.s32 $0xD80;
	[sflag:s28] =	ssyncadd.s32 $0xFFFFF800  }
0x13c: {  	[spmem:s3] =	stream.indirect.scatter.add.f32 [tilespmem:s4], [sflag:$0xC], $0x10, s18, s22, $0xb8;
	[tilespmem:$0x1F370] =	vst v63  }
0x13d: {  	_ = 	snop  }
0x13e: {  	[spmem:s15] =	stream.indirect.scatter.add.f32 [tilespmem:s17], [sflag:$0x11], $0x1, s18, s22, $0xb8;
	[tilespmem:$0x1F370] =	vst v63  }
0x13f: {  	_ =	swait.ge [sflag:s0], $0x800  }
0x140: {  	[sflag:s0] =	ssyncset.done $0x0  }
0x141: {  	s19 =	simm.s32 $0xE00;
	[sflag:s0] =	ssyncadd.s32 $0xFFFFF800  }
0x142: {  	[spmem:s3] =	stream.indirect.scatter.add.f32 [tilespmem:s20], [sflag:$0xD], $0x10, s19, s22, $0xb8;
	[tilespmem:$0x1F370] =	vst v63  }
0x143: {  	_ = 	snop  }
0x144: {  	[spmem:s15] =	stream.indirect.scatter.add.f32 [tilespmem:s17], [sflag:$0x11], $0x1, s19, s22, $0xb8;
	[tilespmem:$0x1F370] =	vst v63  }
0x145: {  	_ =	swait.ge [sflag:s10], $0x800  }
0x146: {  	[sflag:s10] =	ssyncset.done $0x0  }
0x147: {  	s24 =	sadd.s32 $0x2000, s24;
	s25 =	simm.s32 $0xE80;
	[sflag:s10] =	ssyncadd.s32 $0xFFFFF800  }
0x148: {  	[spmem:s3] =	stream.indirect.scatter.add.f32 [tilespmem:s14], [sflag:$0xE], $0x10, s25, s22, $0xb8;
	[tilespmem:$0x1F370] =	vst v63  }
0x149: {  	p1 =	sne.s32 s24, $0x60000;
	s8 =	simm.s32 $0x400  }
0x14a: {  	[spmem:s15] =	stream.indirect.scatter.add.f32 [tilespmem:s17], [sflag:$0x11], $0x1, s25, s22, $0xb8;
	[tilespmem:$0x1F370] =	vst v63  }
0x14b: {  	s31 =	simm.s32 $0x1000;
	s30 =	simm.s32 $0x4000;
	_ =	swait.ge [sflag:s12], $0x800  }
0x14c: {  	s6 =	simm.s32 $0x4800;
	s26 =	simm.s32 $0xF00;
	[sflag:s12] =	ssyncset.done $0x0  }
0x14d: {  	s1 =	simm.s32 $0x1800;
	s29 =	simm.s32 $0xF80;
	[sflag:s12] =	ssyncadd.s32 $0xFFFFF800  }
0x14e: {  	[spmem:s3] =	stream.indirect.scatter.add.f32 [tilespmem:s13], [sflag:$0xF], $0x10, s26, s22, $0xb8;
	[tilespmem:$0x1F370] =	vst v63  }
0x14f: {  	s7 =	simm.s32 $0x2000;
	s9 =	simm.s32 $0x3000;
	s11 =	simm.s32 $0x2800  }
0x150: {  	[spmem:s15] =	stream.indirect.scatter.add.f32 [tilespmem:s17], [sflag:$0x11], $0x1, s26, s22, $0xb8;
	[tilespmem:$0x1F370] =	vst v63  }
0x151: {  	s16 =	simm.s32 $0xC;
	s4 =	simm.s32 $0x0;
	_ =	swait.ge [sflag:s21], $0x800  }
0x152: {  	s18 =	simm.s32 $0xE;
	s20 =	simm.s32 $0x10;
	[sflag:s21] =	ssyncset.done $0x0  }
.Ltmp4:
0x153: {  	s19 =	simm.s32 $0xF;
	[sflag:s21] =	ssyncadd.s32 $0xFFFFF800;
	(pc) =	sbr.rel @!p1 .LBB2_8-.Ltmp4, $4  }
0x154: {  	[spmem:s3] =	stream.indirect.scatter.add.f32 [tilespmem:s6], [sflag:$0x10], $0x10, s29, s22, $0xb8;
	[tilespmem:$0x1F370] =	vst v63  }
0x155: {  	s10 =	simm.s32 $0x12;
	s25 =	simm.s32 $0x3800;
	s12 =	simm.s32 $0xA  }
0x156: {  	[spmem:s15] =	stream.indirect.scatter.add.f32 [tilespmem:s17], [sflag:$0x11], $0x1, s29, s22, $0xb8;
	[tilespmem:$0x1F370] =	vst v63  }
0x157: {  	s6 =	simm.s32 $0x4800;
	s15 =	simm.s32 $0xB;
	s17 =	simm.s32 $0xD  }
.LBB2_4:
0x158: {  	_ =	swait.ge [sflag:s10], $0x400;
	p1 =	sne.s32 s24, $0x0  }
.Ltmp5:
0x159: {  	[sflag:s10] =	ssyncset.done $0x0;
	(pc) =	sbr.rel @p1 .LBB2_6-.Ltmp5, $4  }
0x15a: {  	[sflag:s10] =	ssyncadd.s32 $0xFFFFFC00  }
0x15b: {  	_ =	swait.ge [sflag:s10], $0x400  }
0x15c: {  	[sflag:s10] =	ssyncset.done $0x0  }
0x15d: {  	[sflag:s10] =	ssyncadd.s32 $0xFFFFFC00  }
0x15e: {  	[tilespmem:s31], [sflag:$0x1] =	stream.indirect.gather [hbm4b:s5+s22], $0x10, s4, s22, $0xb8;
	[tilespmem:$0x1F370] =	vst v63  }
0x15f: {  	s18 =	simm.s32 $0x100;
	s19 =	simm.s32 $0x180  }
0x160: {  	[tilespmem:s1], [sflag:$0x2] =	stream.indirect.gather [hbm4b:s5+s22], $0x10, s22, s22, $0xb8;
	[tilespmem:$0x1F370] =	vst v63  }
0x161: {  	s20 =	simm.s32 $0x200;
	s21 =	simm.s32 $0x280;
	s26 =	simm.s32 $0x300  }
0x162: {  	[tilespmem:s7], [sflag:$0x3] =	stream.indirect.gather [hbm4b:s5+s22], $0x10, s18, s22, $0xb8;
	[tilespmem:$0x1F370] =	vst v63  }
0x163: {  	s29 =	simm.s32 $0x380;
	s4 =	simm.s32 $0x2800;
	s12 =	simm.s32 $0x3800  }
0x164: {  	[tilespmem:s11], [sflag:$0x4] =	stream.indirect.gather [hbm4b:s5+s22], $0x10, s19, s22, $0xb8;
	[tilespmem:$0x1F370] =	vst v63  }
0x165: {  	s10 =	simm.s32 $0x3000;
	s14 =	simm.s32 $0x9;
	s2 =	simm.s32 $0xA  }
0x166: {  	[tilespmem:s9], [sflag:$0x5] =	stream.indirect.gather [hbm4b:s5+s22], $0x10, s20, s22, $0xb8;
	[tilespmem:$0x1F370] =	vst v63  }
0x167: {  	s31 =	simm.s32 $0xB;
	s13 =	simm.s32 $0xD;
	s1 =	simm.s32 $0x1000  }
0x168: {  	[tilespmem:s25], [sflag:$0x6] =	stream.indirect.gather [hbm4b:s5+s22], $0x10, s21, s22, $0xb8;
	[tilespmem:$0x1F370] =	vst v63  }
.Ltmp6:
0x169: {  	s7 =	simm.s32 $0x1800;
	s11 =	simm.s32 $0x2000;
	(pc) =	sbr.rel .LBB2_7-.Ltmp6, $4  }
0x16a: {  	[tilespmem:s30], [sflag:$0x7] =	stream.indirect.gather [hbm4b:s5+s22], $0x10, s26, s22, $0xb8;
	[tilespmem:$0x1F370] =	vst v63  }
0x16b: {  	s9 =	simm.s32 $0x0;
	s20 =	simm.s32 $0xC;
	s21 =	simm.s32 $0x4000  }
0x16c: {  	[tilespmem:s6], [sflag:$0x8] =	stream.indirect.gather [hbm4b:s5+s22], $0x10, s29, s22, $0xb8;
	[tilespmem:$0x1F370] =	vst v63  }
0x16d: {  	s25 =	simm.s32 $0x10;
	s30 =	simm.s32 $0xF;
	s6 =	simm.s32 $0xE  }
.LBB2_8:
0x16e: {  	_ =	swait.ge [sflag:s10], $0x400  }
0x16f: {  	[sflag:s10] =	ssyncset.done $0x0  }
0x170: {  	[sflag:s10] =	ssyncadd.s32 $0xFFFFFC00  }
0x171: {  	_ =	swait.ge [sflag:s10], $0x400  }
0x172: {  	[sflag:s10] =	ssyncset.done $0x0  }
0x173: {  	s7 =	simm.s32 $0x9;
	[sflag:s10] =	ssyncadd.s32 $0xFFFFFC00  }
0x174: {  	_ =	swait.ge [sflag:s7], $0x800  }
0x175: {  	[sflag:s7] =	ssyncset.done $0x0  }
0x176: {  	[sflag:s7] =	ssyncadd.s32 $0xFFFFF800  }
0x177: {  	[tilespmem:s31], [sflag:$0x1] =	stream.indirect.gather [hbm4b:s5+s22], $0x10, s4, s22, $0xb8;
	[tilespmem:$0x1F370] =	vst v63  }
0x178: {  	_ =	swait.ge [sflag:s12], $0x800  }
0x179: {  	[sflag:s12] =	ssyncset.done $0x0  }
0x17a: {  	[sflag:s12] =	ssyncadd.s32 $0xFFFFF800  }
0x17b: {  	[tilespmem:s1], [sflag:$0x2] =	stream.indirect.gather [hbm4b:s5+s22], $0x10, s22, s22, $0xb8;
	[tilespmem:$0x1F370] =	vst v63  }
0x17c: {  	_ =	swait.ge [sflag:s15], $0x800  }
0x17d: {  	[sflag:s15] =	ssyncset.done $0x0  }
0x17e: {  	s11 =	simm.s32 $0x2000;
	s26 =	simm.s32 $0x100;
	[sflag:s15] =	ssyncadd.s32 $0xFFFFF800  }
0x17f: {  	[tilespmem:s11], [sflag:$0x3] =	stream.indirect.gather [hbm4b:s5+s22], $0x10, s26, s22, $0xb8;
	[tilespmem:$0x1F370] =	vst v63  }
0x180: {  	_ =	swait.ge [sflag:s16], $0x800  }
0x181: {  	[sflag:s16] =	ssyncset.done $0x0  }
0x182: {  	s24 =	simm.s32 $0x2800;
	s29 =	simm.s32 $0x180;
	[sflag:s16] =	ssyncadd.s32 $0xFFFFF800  }
0x183: {  	[tilespmem:s24], [sflag:$0x4] =	stream.indirect.gather [hbm4b:s5+s22], $0x10, s29, s22, $0xb8;
	[tilespmem:$0x1F370] =	vst v63  }
0x184: {  	_ =	swait.ge [sflag:s17], $0x800  }
0x185: {  	[sflag:s17] =	ssyncset.done $0x0  }
0x186: {  	s0 =	simm.s32 $0x200;
	[sflag:s17] =	ssyncadd.s32 $0xFFFFF800  }
0x187: {  	[tilespmem:s9], [sflag:$0x5] =	stream.indirect.gather [hbm4b:s5+s22], $0x10, s0, s22, $0xb8;
	[tilespmem:$0x1F370] =	vst v63  }
0x188: {  	_ =	swait.ge [sflag:s18], $0x800  }
0x189: {  	[sflag:s18] =	ssyncset.done $0x0  }
0x18a: {  	s2 =	simm.s32 $0x280;
	[sflag:s18] =	ssyncadd.s32 $0xFFFFF800  }
0x18b: {  	[tilespmem:s25], [sflag:$0x6] =	stream.indirect.gather [hbm4b:s5+s22], $0x10, s2, s22, $0xb8;
	[tilespmem:$0x1F370] =	vst v63  }
0x18c: {  	_ =	swait.ge [sflag:s19], $0x800  }
0x18d: {  	[sflag:s19] =	ssyncset.done $0x0  }
0x18e: {  	s3 =	simm.s32 $0x300;
	[sflag:s19] =	ssyncadd.s32 $0xFFFFF800  }
0x18f: {  	[tilespmem:s30], [sflag:$0x7] =	stream.indirect.gather [hbm4b:s5+s22], $0x10, s3, s22, $0xb8;
	[tilespmem:$0x1F370] =	vst v63  }
0x190: {  	_ =	swait.ge [sflag:s20], $0x800  }
0x191: {  	[sflag:s20] =	ssyncset.done $0x0  }
0x192: {  	s13 =	simm.s32 $0x380;
	[sflag:s20] =	ssyncadd.s32 $0xFFFFF800  }
0x193: {  	[tilespmem:s6], [sflag:$0x8] =	stream.indirect.gather [hbm4b:s5+s22], $0x10, s13, s22, $0xb8;
	[tilespmem:$0x1F370] =	vst v63  }
0x194: {  	_ =	swait.ge [sflag:s23], $0x80  }
0x195: {  	[sflag:s23] =	ssyncset.done $0x0  }
0x196: {  	[sflag:s23] =	ssyncadd.s32 $0xFFFFFF80  }
0x197: {  	_ =	swait.ge [sflag:s23], $0x80  }
0x198: {  	[sflag:s23] =	ssyncset.done $0x0  }
0x199: {  	[sflag:s23] =	ssyncadd.s32 $0xFFFFFF80  }
0x19a: {  	_ =	swait.ge [sflag:s23], $0x80  }
0x19b: {  	[sflag:s23] =	ssyncset.done $0x0  }
0x19c: {  	[sflag:s23] =	ssyncadd.s32 $0xFFFFFF80  }
0x19d: {  	_ =	swait.ge [sflag:s23], $0x80  }
0x19e: {  	[sflag:s23] =	ssyncset.done $0x0  }
0x19f: {  	[sflag:s23] =	ssyncadd.s32 $0xFFFFFF80  }
0x1a0: {  	_ =	swait.ge [sflag:s23], $0x80  }
0x1a1: {  	[sflag:s23] =	ssyncset.done $0x0  }
0x1a2: {  	[sflag:s23] =	ssyncadd.s32 $0xFFFFFF80  }
0x1a3: {  	_ =	swait.ge [sflag:s23], $0x80  }
0x1a4: {  	[sflag:s23] =	ssyncset.done $0x0  }
0x1a5: {  	[sflag:s23] =	ssyncadd.s32 $0xFFFFFF80  }
0x1a6: {  	_ =	swait.ge [sflag:s23], $0x80  }
0x1a7: {  	[sflag:s23] =	ssyncset.done $0x0  }
0x1a8: {  	[sflag:s23] =	ssyncadd.s32 $0xFFFFFF80  }
0x1a9: {  	_ =	swait.ge [sflag:s23], $0x80  }
0x1aa: {  	s26 =	simm.s32 @!p0 $0x400;
	[sflag:s23] =	ssyncset.done $0x0  }
0x1ab: {  	s24 =	simm.s32 @!p0 $0x0;
	s29 =	rddreg [dreg:$0xb];
	[sflag:s23] =	ssyncadd.s32 $0xFFFFFF80  }
0x1ac: {  	[tilespmem:s26], [sflag:$0x12] =	stream.linear.gather @!p0 [hbm4b:s29+s24], $0x400, $0x38;
	[tilespmem:$0x1F370] =	vst v63  }
0x1ad: {  	s14 =	simm.s32 $0x1;
	s26 =	simm.s32 @!p0 $0xC00;
	s29 =	rddreg [dreg:$0xc]  }
0x1ae: {  	[tilespmem:s26], [sflag:$0x12] =	stream.linear.gather @!p0 [hbm4b:s29+s24], $0x400, $0x38;
	[tilespmem:$0x1F370] =	vst v63  }
0x1af: {  	_ =	swait.ge [sflag:s14], $0x800  }
0x1b0: {  	[sflag:s14] =	ssyncset.done $0x0  }
0x1b1: {  	[sflag:s14] =	ssyncadd.s32 $0xFFFFF800  }
0x1b2: {  	s21 =	simm.s32 $0x800;
	s2 =	rddreg [dreg:$0x2]  }
0x1b3: {  	[spmem:s2] =	stream.indirect.scatter.add.f32 [tilespmem:s31], [sflag:$0x9], $0x10, s21, s22, $0xb8;
	[tilespmem:$0x1F370] =	vst v63  }
0x1b4: {  	s24 =	simm.s32 $0x2;
	s14 =	simm.s32 $0x5000;
	s3 =	rddreg [dreg:$0x3]  }
0x1b5: {  	[spmem:s3] =	stream.indirect.scatter.add.f32 [tilespmem:s14], [sflag:$0x11], $0x1, s21, s22, $0xb8;
	[tilespmem:$0x1F370] =	vst v63  }
0x1b6: {  	_ =	swait.ge [sflag:s24], $0x800  }
0x1b7: {  	[sflag:s24] =	ssyncset.done $0x0  }
0x1b8: {  	s26 =	simm.s32 $0x880;
	[sflag:s24] =	ssyncadd.s32 $0xFFFFF800  }
0x1b9: {  	[spmem:s2] =	stream.indirect.scatter.add.f32 [tilespmem:s1], [sflag:$0xA], $0x10, s26, s22, $0xb8;
	[tilespmem:$0x1F370] =	vst v63  }
0x1ba: {  	s29 =	simm.s32 $0x3  }
0x1bb: {  	[spmem:s3] =	stream.indirect.scatter.add.f32 [tilespmem:s14], [sflag:$0x11], $0x1, s26, s22, $0xb8;
	[tilespmem:$0x1F370] =	vst v63  }
0x1bc: {  	_ =	swait.ge [sflag:s29], $0x800  }
0x1bd: {  	[sflag:s29] =	ssyncset.done $0x0  }
0x1be: {  	s7 =	simm.s32 $0x2000;
	s0 =	simm.s32 $0x900;
	[sflag:s29] =	ssyncadd.s32 $0xFFFFF800  }
0x1bf: {  	[spmem:s2] =	stream.indirect.scatter.add.f32 [tilespmem:s7], [sflag:$0xB], $0x10, s0, s22, $0xb8;
	[tilespmem:$0x1F370] =	vst v63  }
0x1c0: {  	s21 =	simm.s32 $0x4  }
0x1c1: {  	[spmem:s3] =	stream.indirect.scatter.add.f32 [tilespmem:s14], [sflag:$0x11], $0x1, s0, s22, $0xb8;
	[tilespmem:$0x1F370] =	vst v63  }
0x1c2: {  	_ =	swait.ge [sflag:s21], $0x800  }
0x1c3: {  	[sflag:s21] =	ssyncset.done $0x0  }
0x1c4: {  	s11 =	simm.s32 $0x2800;
	s24 =	simm.s32 $0x980;
	[sflag:s21] =	ssyncadd.s32 $0xFFFFF800  }
0x1c5: {  	[spmem:s2] =	stream.indirect.scatter.add.f32 [tilespmem:s11], [sflag:$0xC], $0x10, s24, s22, $0xb8;
	[tilespmem:$0x1F370] =	vst v63  }
0x1c6: {  	s0 =	simm.s32 $0x5  }
0x1c7: {  	[spmem:s3] =	stream.indirect.scatter.add.f32 [tilespmem:s14], [sflag:$0x11], $0x1, s24, s22, $0xb8;
	[tilespmem:$0x1F370] =	vst v63  }
0x1c8: {  	_ =	swait.ge [sflag:s0], $0x800  }
0x1c9: {  	[sflag:s0] =	ssyncset.done $0x0  }
0x1ca: {  	s26 =	simm.s32 $0xA00;
	[sflag:s0] =	ssyncadd.s32 $0xFFFFF800  }
0x1cb: {  	[spmem:s2] =	stream.indirect.scatter.add.f32 [tilespmem:s9], [sflag:$0xD], $0x10, s26, s22, $0xb8;
	[tilespmem:$0x1F370] =	vst v63  }
0x1cc: {  	s29 =	simm.s32 $0x6  }
0x1cd: {  	[spmem:s3] =	stream.indirect.scatter.add.f32 [tilespmem:s14], [sflag:$0x11], $0x1, s26, s22, $0xb8;
	[tilespmem:$0x1F370] =	vst v63  }
0x1ce: {  	_ =	swait.ge [sflag:s29], $0x800  }
0x1cf: {  	[sflag:s29] =	ssyncset.done $0x0  }
0x1d0: {  	s0 =	simm.s32 $0xA80;
	[sflag:s29] =	ssyncadd.s32 $0xFFFFF800  }
0x1d1: {  	[spmem:s2] =	stream.indirect.scatter.add.f32 [tilespmem:s25], [sflag:$0xE], $0x10, s0, s22, $0xb8;
	[tilespmem:$0x1F370] =	vst v63  }
0x1d2: {  	s21 =	simm.s32 $0x7  }
0x1d3: {  	[spmem:s3] =	stream.indirect.scatter.add.f32 [tilespmem:s14], [sflag:$0x11], $0x1, s0, s22, $0xb8;
	[tilespmem:$0x1F370] =	vst v63  }
0x1d4: {  	_ =	swait.ge [sflag:s21], $0x800  }
0x1d5: {  	[sflag:s21] =	ssyncset.done $0x0  }
0x1d6: {  	s24 =	simm.s32 $0xB00;
	[sflag:s21] =	ssyncadd.s32 $0xFFFFF800  }
0x1d7: {  	[spmem:s2] =	stream.indirect.scatter.add.f32 [tilespmem:s30], [sflag:$0xF], $0x10, s24, s22, $0xb8;
	[tilespmem:$0x1F370] =	vst v63  }
0x1d8: {  	s26 =	simm.s32 $0x8  }
0x1d9: {  	[spmem:s3] =	stream.indirect.scatter.add.f32 [tilespmem:s14], [sflag:$0x11], $0x1, s24, s22, $0xb8;
	[tilespmem:$0x1F370] =	vst v63  }
0x1da: {  	_ =	swait.ge [sflag:s26], $0x800  }
0x1db: {  	[sflag:s26] =	ssyncset.done $0x0  }
.Ltmp7:
0x1dc: {  	s29 =	simm.s32 $0xB80;
	[sflag:s26] =	ssyncadd.s32 $0xFFFFF800;
	(pc) =	sbr.rel @p0 .LBB2_10-.Ltmp7, $4  }
0x1dd: {  	[spmem:s2] =	stream.indirect.scatter.add.f32 [tilespmem:s6], [sflag:$0x10], $0x10, s29, s22, $0xb8;
	[tilespmem:$0x1F370] =	vst v63  }
0x1de: {  	_ = 	snop  }
0x1df: {  	[spmem:s3] =	stream.indirect.scatter.add.f32 [tilespmem:s14], [sflag:$0x11], $0x1, s29, s22, $0xb8;
	[tilespmem:$0x1F370] =	vst v63  }
0x1e0: {  	s13 =	simm.s32 $0x9;
	s14 =	rddreg [dreg:$0x12]  }
0x1e1: {  	_ =	swait.ge [sflag:s10], $0x400  }
0x1e2: {  	[sflag:s10] =	ssyncset.done $0x0  }
0x1e3: {  	[sflag:s10] =	ssyncadd.s32 $0xFFFFFC00  }
0x1e4: {  	_ =	swait.ge [sflag:s10], $0x400  }
0x1e5: {  	[sflag:s10] =	ssyncset.done $0x0  }
0x1e6: {  	[sflag:s10] =	ssyncadd.s32 $0xFFFFFC00  }
0x1e7: {  	_ =	swait.ge [sflag:s13], $0x800  }
0x1e8: {  	[sflag:s13] =	ssyncset.done $0x0  }
0x1e9: {  	[sflag:s13] =	ssyncadd.s32 $0xFFFFF800  }
0x1ea: {  	[tilespmem:s31], [sflag:$0x1] =	stream.indirect.gather [hbm4b:s5+s22], $0x10, s8, s22, $0xb8;
	[tilespmem:$0x1F370] =	vst v63  }
0x1eb: {  	_ =	swait.ge [sflag:s12], $0x800  }
0x1ec: {  	[sflag:s12] =	ssyncset.done $0x0  }
0x1ed: {  	s0 =	simm.s32 $0x480;
	[sflag:s12] =	ssyncadd.s32 $0xFFFFF800  }
0x1ee: {  	[tilespmem:s1], [sflag:$0x2] =	stream.indirect.gather [hbm4b:s5+s22], $0x10, s0, s22, $0xb8;
	[tilespmem:$0x1F370] =	vst v63  }
0x1ef: {  	_ =	swait.ge [sflag:s15], $0x800  }
0x1f0: {  	[sflag:s15] =	ssyncset.done $0x0  }
0x1f1: {  	s4 =	simm.s32 $0x500;
	[sflag:s15] =	ssyncadd.s32 $0xFFFFF800  }
0x1f2: {  	[tilespmem:s7], [sflag:$0x3] =	stream.indirect.gather [hbm4b:s5+s22], $0x10, s4, s22, $0xb8;
	[tilespmem:$0x1F370] =	vst v63  }
0x1f3: {  	_ =	swait.ge [sflag:s16], $0x800  }
0x1f4: {  	[sflag:s16] =	ssyncset.done $0x0  }
0x1f5: {  	s8 =	simm.s32 $0x580;
	[sflag:s16] =	ssyncadd.s32 $0xFFFFF800  }
0x1f6: {  	[tilespmem:s11], [sflag:$0x4] =	stream.indirect.gather [hbm4b:s5+s22], $0x10, s8, s22, $0xb8;
	[tilespmem:$0x1F370] =	vst v63  }
0x1f7: {  	_ =	swait.ge [sflag:s17], $0x800  }
0x1f8: {  	[sflag:s17] =	ssyncset.done $0x0  }
0x1f9: {  	s21 =	simm.s32 $0x600;
	[sflag:s17] =	ssyncadd.s32 $0xFFFFF800  }
0x1fa: {  	[tilespmem:s9], [sflag:$0x5] =	stream.indirect.gather [hbm4b:s5+s22], $0x10, s21, s22, $0xb8;
	[tilespmem:$0x1F370] =	vst v63  }
0x1fb: {  	_ =	swait.ge [sflag:s18], $0x800  }
0x1fc: {  	[sflag:s18] =	ssyncset.done $0x0  }
0x1fd: {  	s24 =	simm.s32 $0x680;
	[sflag:s18] =	ssyncadd.s32 $0xFFFFF800  }
0x1fe: {  	[tilespmem:s25], [sflag:$0x6] =	stream.indirect.gather [hbm4b:s5+s22], $0x10, s24, s22, $0xb8;
	[tilespmem:$0x1F370] =	vst v63  }
0x1ff: {  	_ =	swait.ge [sflag:s19], $0x800  }
0x200: {  	[sflag:s19] =	ssyncset.done $0x0  }
0x201: {  	s26 =	simm.s32 $0x700;
	[sflag:s19] =	ssyncadd.s32 $0xFFFFF800  }
0x202: {  	[tilespmem:s30], [sflag:$0x7] =	stream.indirect.gather [hbm4b:s5+s22], $0x10, s26, s22, $0xb8;
	[tilespmem:$0x1F370] =	vst v63  }
0x203: {  	_ =	swait.ge [sflag:s20], $0x800  }
0x204: {  	[sflag:s20] =	ssyncset.done $0x0  }
0x205: {  	s29 =	simm.s32 $0x780;
	[sflag:s20] =	ssyncadd.s32 $0xFFFFF800  }
0x206: {  	[tilespmem:s6], [sflag:$0x8] =	stream.indirect.gather [hbm4b:s5+s22], $0x10, s29, s22, $0xb8;
	[tilespmem:$0x1F370] =	vst v63  }
0x207: {  	_ =	swait.ge [sflag:s23], $0x80  }
0x208: {  	[sflag:s23] =	ssyncset.done $0x0  }
0x209: {  	[sflag:s23] =	ssyncadd.s32 $0xFFFFFF80  }
0x20a: {  	_ =	swait.ge [sflag:s23], $0x80  }
0x20b: {  	[sflag:s23] =	ssyncset.done $0x0  }
0x20c: {  	[sflag:s23] =	ssyncadd.s32 $0xFFFFFF80  }
0x20d: {  	_ =	swait.ge [sflag:s23], $0x80  }
0x20e: {  	[sflag:s23] =	ssyncset.done $0x0  }
0x20f: {  	[sflag:s23] =	ssyncadd.s32 $0xFFFFFF80  }
0x210: {  	_ =	swait.ge [sflag:s23], $0x80  }
0x211: {  	[sflag:s23] =	ssyncset.done $0x0  }
0x212: {  	[sflag:s23] =	ssyncadd.s32 $0xFFFFFF80  }
0x213: {  	_ =	swait.ge [sflag:s23], $0x80  }
0x214: {  	[sflag:s23] =	ssyncset.done $0x0  }
0x215: {  	[sflag:s23] =	ssyncadd.s32 $0xFFFFFF80  }
0x216: {  	_ =	swait.ge [sflag:s23], $0x80  }
0x217: {  	[sflag:s23] =	ssyncset.done $0x0  }
0x218: {  	[sflag:s23] =	ssyncadd.s32 $0xFFFFFF80  }
0x219: {  	_ =	swait.ge [sflag:s23], $0x80  }
0x21a: {  	[sflag:s23] =	ssyncset.done $0x0  }
0x21b: {  	[sflag:s23] =	ssyncadd.s32 $0xFFFFFF80  }
0x21c: {  	_ =	swait.ge [sflag:s23], $0x80  }
0x21d: {  	[sflag:s23] =	ssyncset.done $0x0  }
0x21e: {  	s4 =	simm.s32 $0x1;
	[sflag:s23] =	ssyncadd.s32 $0xFFFFFF80  }
0x21f: {  	_ =	swait.ge [sflag:s4], $0x800  }
0x220: {  	[sflag:s4] =	ssyncset.done $0x0  }
0x221: {  	[sflag:s4] =	ssyncadd.s32 $0xFFFFF800  }
0x222: {  	s0 =	simm.s32 $0xC00;
	s2 =	rddreg [dreg:$0x2]  }
0x223: {  	[spmem:s2] =	stream.indirect.scatter.add.f32 [tilespmem:s31], [sflag:$0x9], $0x10, s0, s22, $0xb8;
	[tilespmem:$0x1F370] =	vst v63  }
0x224: {  	s8 =	simm.s32 $0x5000;
	s21 =	simm.s32 $0x2;
	s3 =	rddreg [dreg:$0x3]  }
0x225: {  	[spmem:s3] =	stream.indirect.scatter.add.f32 [tilespmem:s8], [sflag:$0x11], $0x1, s0, s22, $0xb8;
	[tilespmem:$0x1F370] =	vst v63  }
0x226: {  	_ =	swait.ge [sflag:s21], $0x800  }
0x227: {  	[sflag:s21] =	ssyncset.done $0x0  }
0x228: {  	s24 =	simm.s32 $0xC80;
	[sflag:s21] =	ssyncadd.s32 $0xFFFFF800  }
0x229: {  	[spmem:s2] =	stream.indirect.scatter.add.f32 [tilespmem:s1], [sflag:$0xA], $0x10, s24, s22, $0xb8;
	[tilespmem:$0x1F370] =	vst v63  }
0x22a: {  	s26 =	simm.s32 $0x3  }
0x22b: {  	[spmem:s3] =	stream.indirect.scatter.add.f32 [tilespmem:s8], [sflag:$0x11], $0x1, s24, s22, $0xb8;
	[tilespmem:$0x1F370] =	vst v63  }
0x22c: {  	_ =	swait.ge [sflag:s26], $0x800  }
0x22d: {  	[sflag:s26] =	ssyncset.done $0x0  }
0x22e: {  	s29 =	simm.s32 $0xD00;
	[sflag:s26] =	ssyncadd.s32 $0xFFFFF800  }
0x22f: {  	[spmem:s2] =	stream.indirect.scatter.add.f32 [tilespmem:s7], [sflag:$0xB], $0x10, s29, s22, $0xb8;
	[tilespmem:$0x1F370] =	vst v63  }
0x230: {  	s0 =	simm.s32 $0x4  }
0x231: {  	[spmem:s3] =	stream.indirect.scatter.add.f32 [tilespmem:s8], [sflag:$0x11], $0x1, s29, s22, $0xb8;
	[tilespmem:$0x1F370] =	vst v63  }
0x232: {  	_ =	swait.ge [sflag:s0], $0x800  }
0x233: {  	[sflag:s0] =	ssyncset.done $0x0  }
0x234: {  	s21 =	simm.s32 $0xD80;
	[sflag:s0] =	ssyncadd.s32 $0xFFFFF800  }
0x235: {  	[spmem:s2] =	stream.indirect.scatter.add.f32 [tilespmem:s11], [sflag:$0xC], $0x10, s21, s22, $0xb8;
	[tilespmem:$0x1F370] =	vst v63  }
0x236: {  	s24 =	simm.s32 $0x5  }
0x237: {  	[spmem:s3] =	stream.indirect.scatter.add.f32 [tilespmem:s8], [sflag:$0x11], $0x1, s21, s22, $0xb8;
	[tilespmem:$0x1F370] =	vst v63  }
0x238: {  	_ =	swait.ge [sflag:s24], $0x800  }
0x239: {  	[sflag:s24] =	ssyncset.done $0x0  }
0x23a: {  	s26 =	simm.s32 $0xE00;
	[sflag:s24] =	ssyncadd.s32 $0xFFFFF800  }
0x23b: {  	[spmem:s2] =	stream.indirect.scatter.add.f32 [tilespmem:s9], [sflag:$0xD], $0x10, s26, s22, $0xb8;
	[tilespmem:$0x1F370] =	vst v63  }
0x23c: {  	s29 =	simm.s32 $0x6  }
0x23d: {  	[spmem:s3] =	stream.indirect.scatter.add.f32 [tilespmem:s8], [sflag:$0x11], $0x1, s26, s22, $0xb8;
	[tilespmem:$0x1F370] =	vst v63  }
0x23e: {  	_ =	swait.ge [sflag:s29], $0x800  }
0x23f: {  	[sflag:s29] =	ssyncset.done $0x0  }
0x240: {  	s4 =	simm.s32 $0xE80;
	[sflag:s29] =	ssyncadd.s32 $0xFFFFF800  }
0x241: {  	[spmem:s2] =	stream.indirect.scatter.add.f32 [tilespmem:s25], [sflag:$0xE], $0x10, s4, s22, $0xb8;
	[tilespmem:$0x1F370] =	vst v63  }
0x242: {  	s21 =	simm.s32 $0x7  }
0x243: {  	[spmem:s3] =	stream.indirect.scatter.add.f32 [tilespmem:s8], [sflag:$0x11], $0x1, s4, s22, $0xb8;
	[tilespmem:$0x1F370] =	vst v63  }
0x244: {  	_ =	swait.ge [sflag:s21], $0x800  }
0x245: {  	[sflag:s21] =	ssyncset.done $0x0  }
0x246: {  	s24 =	simm.s32 $0xF00;
	[sflag:s21] =	ssyncadd.s32 $0xFFFFF800  }
0x247: {  	[spmem:s2] =	stream.indirect.scatter.add.f32 [tilespmem:s30], [sflag:$0xF], $0x10, s24, s22, $0xb8;
	[tilespmem:$0x1F370] =	vst v63  }
0x248: {  	s26 =	simm.s32 $0x8  }
0x249: {  	[spmem:s3] =	stream.indirect.scatter.add.f32 [tilespmem:s8], [sflag:$0x11], $0x1, s24, s22, $0xb8;
	[tilespmem:$0x1F370] =	vst v63  }
0x24a: {  	_ =	swait.ge [sflag:s26], $0x800  }
.Ltmp8:
0x24b: {  	[sflag:s26] =	ssyncset.done $0x0;
	(pc) =	sbr.rel .LBB2_10-.Ltmp8, $4  }
0x24c: {  	s29 =	simm.s32 $0xF80;
	[sflag:s26] =	ssyncadd.s32 $0xFFFFF800  }
0x24d: {  	[spmem:s2] =	stream.indirect.scatter.add.f32 [tilespmem:s6], [sflag:$0x10], $0x10, s29, s22, $0xb8;
	[tilespmem:$0x1F370] =	vst v63  }
0x24e: {  	_ = 	snop  }
0x24f: {  	[spmem:s3] =	stream.indirect.scatter.add.f32 [tilespmem:s8], [sflag:$0x11], $0x1, s29, s22, $0xb8;
	[tilespmem:$0x1F370] =	vst v63  }
.LBB2_11:
0x250: {  	_ =	sfence.sel $0x180000  }
0x251: {  	[bflag:$0x0] =	sbarrier.arrive $0xFFFF  }
0x252: {  	_ =	strace $0x90000047  }
0x253: {  	s0 =	stileid.u32;
	[bflag:$0x2] =	sbarrier.arrive $0xFFFF  }
0x254: {  	p0 =	sne.s32 s0, $0x0;
	s0 =	rddreg [dreg:$0x4]  }
0x255: {  	s0 =	sadd.s32 @!p0 $0x100000, s0  }
0x256: {  	[sflag:s0] =	ssyncadd.tile.s32 @!p0 $0x1;
	_ =	shalt  }
.Lfunc_end2:
_tile_overlayer_lowered:
.L_overlay_start_2:
0x257: {  	(tag) =	ssettag $0x2  }
0x258: {  	s0 =	rddreg [dreg:$0x0];
	s2 =	stileid.u32  }
0x259: {  	s1 =	rddreg [dreg:$0x1];
	p0 =	sne.s32 s2, $0x0  }
0x25a: {  	s3 =	rddreg [dreg:$0x2];
	[bflag:$0x3] =	sbarrier.arrive $0xFFFF;
	s2 =	simm.s32 @!p0 $0x1C13  }
0x25b: {  	[timem:s3], [sflag:s2] =	dma.local @!p0 [hbm:s0], s1  }
0x25c: {  	s0 =	simm.s32 @!p0 $0x13  }
0x25d: {  	_ =	swait.ge @!p0 [sflag:s0], s1  }
0x25e: {  	s1 =	ssub.s32 @!p0 $0x0, s1;
	[sflag:s0] =	ssyncset.done @!p0 $0x0  }
0x25f: {  	[sflag:s0] =	ssyncadd.s32 @!p0 s1  }
0x260: {  	[bflag:$0x3] =	sbarrier.arrive $0xFFFF  }
0x261: {  	_ =	shalt  }

</sc_bundles>
